<compile_context>
chip_gen: v7x
topology: tpu7x:2x2x1
jax: 0.10.2.dev20260603
libtpu: 0.0.44.dev20260713+nightly
codegen_flags: <defaults>
</compile_context>

<pallas_src>
import functools

import jax
import jax.numpy as jnp
import numpy as np
from jax import lax
from jax.experimental import pallas as pl
from jax.experimental.pallas import tpu as pltpu
from jax.experimental.pallas import tpu_sc as plsc

B = 16384
E = 256
CC = 12
T_ROWS = 2056
ZROW = 2048

_EC = [0, 1, 2, 14, 15, 16, 17, 14, 15, 16, 17]
_OFFS = [0, 512, 768, 1024, 1024, 1024, 1024, 1536, 1536, 1536, 1536, ZROW]

_P = np.zeros((31, CC), np.float32)
for _c, _e in enumerate(_EC):
    _P[_e, _c] = 1.0
_Q = np.zeros((31, 4), np.float32)
for _j in range(4):
    _Q[18 + _j, _j] = 1.0
_OB = np.zeros((8, CC), np.float32)
_OB[0, :] = np.asarray(_OFFS, np.float32) + 0.5

_KIND_BIT, _KIND_OH, _KIND_CONT = 0, 1, 2
_cols = []
_cols += [(3, _KIND_BIT, b, 0, 0.0) for b in range(7)]
_cols += [(4, _KIND_BIT, b, 0, 0.0) for b in range(10)]
_cols += [(22 + j, _KIND_BIT, b, 0, 0.0) for j in range(9) for b in range(4)]
_cols += [(3, _KIND_CONT, 0, 0, 1.0 / 100.0), (4, _KIND_CONT, 0, 0, 1.0 / 1023.0)]
_cols += [(7 + k, _KIND_CONT, 0, 0, 0.5) for k in range(7)]
_cols += [(5, _KIND_OH, 0, g, 0.0) for g in range(4)]
_cols += [(6, _KIND_OH, 0, st, 0.0) for st in range(8)]
_cols += [(7 + k, _KIND_OH, 0, j - 6, 0.0) for k in range(7) for j in range(13)]
assert len(_cols) == 165
_NF = 256
_G = np.zeros((31, _NF), np.float32)
_CMETA = np.zeros((8, _NF), np.float32)
for _c, (_src, _k, _sh, _tg, _scl) in enumerate(_cols):
    _G[_src, _c] = 1.0
    _CMETA[0, _c] = _k
    _CMETA[1, _c] = _sh
    _CMETA[2, _c] = _tg
    _CMETA[3, _c] = _scl
for _c in range(165, _NF):
    _CMETA[0, _c] = _KIND_OH
    _CMETA[2, _c] = -100.0

_LG = 16
_LW = 16
_NQ = 2
_QROWS = B // _NQ


def _tables_body(TS, TA, TI, w0, w1, w2, w3, w4, w5, w6, T_ref):
    hi = jax.lax.Precision.HIGHEST
    dotT = lambda a, b: lax.dot_general(a, b, (((0,), (1,)), ((), ())),
                                        precision=hi,
                                        preferred_element_type=jnp.float32)
    T_ref[:, 0:512] = w0[...].T + dotT(w3[...], TS[...])
    T_ref[:, 512:768] = w1[...].T + dotT(w4[...], TA[...])
    T_ref[:, 768:1024] = w2[...].T + dotT(w5[...], TI[...])
    T_ref[:, 1024:2048] = w6[...].T
    T_ref[:, 2048:T_ROWS] = jnp.zeros((E, T_ROWS - 2048), jnp.float32)


def _dense_body(ent_ref, p_ref, q_ref, ob_ref, g_ref, cm_ref, wsm_ref,
                bst_ref, tcp_ref, idx_ref, scl_ref):
    hi = jax.lax.Precision.HIGHEST
    ent = ent_ref[...]
    ent_f = ent.astype(jnp.float32)
    blk = ent.shape[0]

    dotT = lambda a, b: lax.dot_general(a, b, (((0,), (1,)), ((), ())),
                                        precision=hi,
                                        preferred_element_type=jnp.float32)
    pidx = dotT(p_ref[...], ent_f) + ob_ref[0:1, :].T
    maskr = ent_f[:, 0:1].T >= 2.0
    idxT = jnp.where(maskr, pidx, float(ZROW)).astype(jnp.int32)
    idx_ref[...] = jnp.concatenate(
        [idxT, jnp.full((16 - CC, blk), ZROW, jnp.int32)], axis=0)
    sclT = dotT(q_ref[...], ent_f) * (1.0 / 1023.0)
    scl_ref[...] = jnp.concatenate(
        [sclT, jnp.zeros((4, blk), jnp.float32)], axis=0)

    ent_g = jnp.dot(ent_f, g_ref[...], precision=hi,
                    preferred_element_type=jnp.float32)
    ent_i = (ent_g + 16.5).astype(jnp.int32) - 16
    kind = cm_ref[0:1, :].astype(jnp.int32)
    shift = cm_ref[1:2, :].astype(jnp.int32)
    tgt = cm_ref[2:3, :].astype(jnp.int32)
    scale = cm_ref[3:4, :]
    bitval = ((ent_i >> shift) & 1).astype(jnp.float32)
    ohval = (ent_i == tgt).astype(jnp.float32)
    contval = ent_g * scale
    feats = jnp.where(kind == _KIND_BIT, bitval,
                      jnp.where(kind == _KIND_OH, ohval, contval))
    bias = jnp.sum(bst_ref[...], axis=0, keepdims=True)
    dense = dotT(wsm_ref[...], feats) + bias.T
    tcp_ref[...] = jnp.where(maskr, dense, 0.0)


_NC, _NS, _L = 2, 16, 16
_CH = 256
_NCH = _QROWS // _CH
_NGR = _CH // _L


def _sc_body(T3_hbm, idxf_hbm, sclf_hbm, tcp_hbm, out_hbm,
             T_tile, idx0, idx1, scl0, scl1, tcp0, tcp1, outc0, outc1,
             semi0, semi1, semo0, semo1):
    cid = lax.axis_index("c")
    sid = lax.axis_index("s")
    wid = sid * _NC + cid
    lg = wid % _LG
    q = wid // _LG
    lane0 = lg * _LW
    row0 = q * _QROWS
    idx_c = (idx0, idx1)
    scl_c = (scl0, scl1)
    tcp_c = (tcp0, tcp1)
    out_c = (outc0, outc1)
    semi = (semi0, semi1)
    semo = (semo0, semo1)

    pltpu.sync_copy(T3_hbm.at[pl.ds(lg * _LW, _LW), :], T_tile)

    def issue(ch, s):
        r0 = row0 + ch * _CH
        pltpu.async_copy(idxf_hbm.at[:, pl.ds(r0, _CH)], idx_c[s], semi[s])
        pltpu.async_copy(sclf_hbm.at[:, pl.ds(r0, _CH)], scl_c[s], semi[s])
        pltpu.async_copy(tcp_hbm.at[pl.ds(lg * _LW, _LW), pl.ds(r0, _CH)],
                         tcp_c[s], semi[s])

    def wait_in(s):
        pltpu.make_async_copy(idxf_hbm.at[:, pl.ds(0, _CH)], idx_c[s],
                              semi[s]).wait()
        pltpu.make_async_copy(sclf_hbm.at[:, pl.ds(0, _CH)], scl_c[s],
                              semi[s]).wait()
        pltpu.make_async_copy(tcp_hbm.at[pl.ds(0, _LW), pl.ds(0, _CH)],
                              tcp_c[s], semi[s]).wait()

    def wait_out(s):
        pltpu.make_async_copy(out_c[s],
                              out_hbm.at[pl.ds(0, _LW), pl.ds(0, _CH)],
                              semo[s]).wait()

    def compute(ch, s):
        wait_out(s)

        @plsc.parallel_loop(0, _NGR, unroll=4)
        def group(g):
            sl = pl.ds(g * _L, _L)
            ridx = [idx_c[s][c, sl] for c in range(11)]
            sclv = [scl_c[s][j, sl] for j in range(4)]
            for l in range(_LW):
                lane = jnp.full((_L,), l, jnp.int32)
                terms = [tcp_c[s][l, sl]]
                terms += [plsc.load_gather(T_tile, [lane, ridx[c]])
                          for c in range(7)]
                terms += [sclv[j] * plsc.load_gather(T_tile,
                                                     [lane, ridx[7 + j]])
                          for j in range(4)]
                while len(terms) > 1:
                    nxt = [terms[i] + terms[i + 1]
                           for i in range(0, len(terms) - 1, 2)]
                    if len(terms) % 2:
                        nxt.append(terms[-1])
                    terms = nxt
                out_c[s][l, sl] = terms[0]
        pltpu.async_copy(out_c[s],
                         out_hbm.at[pl.ds(lg * _LW, _LW),
                                    pl.ds(row0 + ch * _CH, _CH)],
                         semo[s])

    pltpu.async_copy(tcp_hbm.at[pl.ds(lg * _LW, _LW), pl.ds(row0, _CH)],
                     outc0, semo0)
    pltpu.async_copy(tcp_hbm.at[pl.ds(lg * _LW, _LW), pl.ds(row0, _CH)],
                     outc1, semo1)
    issue(0, 0)
    issue(1, 1)

    def body(i, carry):
        ch = 2 * i
        wait_in(0)
        compute(ch, 0)
        issue(jnp.minimum(ch + 2, _NCH - 1), 0)
        wait_in(1)
        compute(ch + 1, 1)
        issue(jnp.minimum(ch + 3, _NCH - 1), 1)
        return carry

    lax.fori_loop(0, _NCH // 2, body, 0)

    wait_in(0)
    wait_in(1)
    wait_out(0)
    wait_out(1)


@functools.cache
def _get_sc_embed():
    return functools.partial(
        pl.kernel,
        mesh=plsc.VectorSubcoreMesh(core_axis_name="c", subcore_axis_name="s"),
        compiler_params=pltpu.CompilerParams(needs_layout_passes=False,
                                             use_tc_tiling_on_sc=False),
        out_type=jax.ShapeDtypeStruct((E, B), jnp.float32),
        scratch_types=[
            pltpu.VMEM((_LW, T_ROWS), jnp.float32),
            pltpu.VMEM((16, _CH), jnp.int32),
            pltpu.VMEM((16, _CH), jnp.int32),
            pltpu.VMEM((8, _CH), jnp.float32),
            pltpu.VMEM((8, _CH), jnp.float32),
            pltpu.VMEM((_LW, _CH), jnp.float32),
            pltpu.VMEM((_LW, _CH), jnp.float32),
            pltpu.VMEM((_LW, _CH), jnp.float32),
            pltpu.VMEM((_LW, _CH), jnp.float32),
            pltpu.SemaphoreType.DMA,
            pltpu.SemaphoreType.DMA,
            pltpu.SemaphoreType.DMA,
            pltpu.SemaphoreType.DMA,
        ],
    )(_sc_body)


def kernel(entity, TS, TA, TI, Ws, bs):
    bst = jnp.stack(bs)
    wsm = jnp.concatenate(
        [Ws[7], Ws[8], Ws[9], Ws[10], Ws[11],
         jnp.zeros((_NF - 165, E), jnp.float32)], axis=0)
    T3 = pl.pallas_call(
        _tables_body,
        out_shape=jax.ShapeDtypeStruct((E, T_ROWS), jnp.float32),
    )(TS, TA, TI, *Ws[:7])
    blk = 1024
    tcp, idx, scl = pl.pallas_call(
        _dense_body,
        grid=(B // blk,),
        in_specs=[pl.BlockSpec((blk, 31), lambda i: (i, 0)),
                  pl.BlockSpec((31, CC), lambda i: (0, 0)),
                  pl.BlockSpec((31, 4), lambda i: (0, 0)),
                  pl.BlockSpec((8, CC), lambda i: (0, 0)),
                  pl.BlockSpec((31, _NF), lambda i: (0, 0)),
                  pl.BlockSpec((8, _NF), lambda i: (0, 0)),
                  pl.BlockSpec((_NF, E), lambda i: (0, 0)),
                  pl.BlockSpec((12, E), lambda i: (0, 0))],
        out_specs=[pl.BlockSpec((E, blk), lambda i: (0, i)),
                   pl.BlockSpec((16, blk), lambda i: (0, i)),
                   pl.BlockSpec((8, blk), lambda i: (0, i))],
        out_shape=[jax.ShapeDtypeStruct((E, B), jnp.float32),
                   jax.ShapeDtypeStruct((16, B), jnp.int32),
                   jax.ShapeDtypeStruct((8, B), jnp.float32)],
    )(entity, jnp.asarray(_P), jnp.asarray(_Q), jnp.asarray(_OB),
      jnp.asarray(_G), jnp.asarray(_CMETA), wsm, bst)
    outT = _get_sc_embed()(T3, idx, scl, tcp)
    return outT.T

# --- scband reference (transcript-rebuilt; emitter-appended) ---
"""Pipeline reference for scband-encoder-84628035601167 (READ-ONLY COPY).

The authoritative reference and input builder live on the scoring server;
editing this copy changes nothing except your own understanding.
"""

import jax, jax.numpy as jnp
import numpy as np

B = 16384
NUM_SPECIES = 512
NUM_ABILITIES = 256
NUM_ITEMS = 256
NUM_MOVES = 512
PRE_DIM = 128
ENTITY_SIZE = 256
DIMS = [NUM_SPECIES, NUM_ABILITIES, NUM_ITEMS, PRE_DIM, PRE_DIM, PRE_DIM, 2 * NUM_MOVES, 7, 10, 36, 9, 103]


def _bits(x, world_dim):
    nb = (world_dim - 1).bit_length()
    bit_mask = (1 << np.arange(nb)).astype(np.int32)
    return (jnp.bitwise_and(x[..., None].astype(jnp.int32), bit_mask) != 0).astype(jnp.float32)


def setup_inputs():
    ks = jax.random.split(jax.random.key(0), 32)
    ranges = [(0, NUM_SPECIES), (0, NUM_ABILITIES), (0, NUM_ITEMS), (1, 101), (0, 1024), (0, 4), (0, 8)] + [(-6, 7)] * 7 + [(0, NUM_MOVES)] * 4 + [(0, 1024)] * 4 + [(0, 16)] * 9
    cols = [jax.random.randint(ks[i], (B, 1), lo, hi, dtype=jnp.int32) for i, (lo, hi) in enumerate(ranges)]
    entity = jnp.concatenate(cols, axis=1)
    wk = jax.random.split(jax.random.key(1), len(DIMS) + 3)
    TS = jax.random.normal(wk[0], (NUM_SPECIES, PRE_DIM), jnp.float32) * 0.02
    TA = jax.random.normal(wk[1], (NUM_ABILITIES, PRE_DIM), jnp.float32) * 0.02
    TI = jax.random.normal(wk[2], (NUM_ITEMS, PRE_DIM), jnp.float32) * 0.02
    Ws = tuple(jax.random.normal(wk[3 + i], (d, ENTITY_SIZE), jnp.float32) / np.sqrt(d) for i, d in enumerate(DIMS))
    bs = tuple(jnp.zeros((ENTITY_SIZE,), jnp.float32) for _ in DIMS)
    return {"entity": entity, "TS": TS, "TA": TA, "TI": TI, "Ws": Ws, "bs": bs}


def reference(entity, TS, TA, TI, Ws, bs):
    n = entity.shape[0]
    species = entity[:, 0]
    ability = entity[:, 1]
    item = entity[:, 2]
    level = entity[:, 3]
    hp = entity[:, 4]
    gender = entity[:, 5]
    status = entity[:, 6]
    boosts = entity[:, 7:14]
    move_ids = entity[:, 14:18]
    pp = entity[:, 18:22]
    volatiles = entity[:, 22:31]
    feats = []
    feats.append(jax.nn.one_hot(species, NUM_SPECIES))
    feats.append(jax.nn.one_hot(ability, NUM_ABILITIES))
    feats.append(jax.nn.one_hot(item, NUM_ITEMS))
    feats.append(jnp.take(TS, species, axis=0))
    feats.append(jnp.take(TA, ability, axis=0))
    feats.append(jnp.take(TI, item, axis=0))
    mo = jax.nn.one_hot(move_ids, NUM_MOVES)
    ppb = (pp.astype(jnp.float32) / 1023.0)[:, :, None] * mo
    feats.append(jnp.concatenate([mo, ppb], axis=-1).sum(axis=1))
    feats.append(_bits(level, 100))
    feats.append(_bits(hp, 1023))
    feats.append(_bits(volatiles, 16).reshape(n, -1))
    fe = jnp.concatenate([level.astype(jnp.float32)[:, None] / 100.0, hp.astype(jnp.float32)[:, None] / 1023.0, boosts.astype(jnp.float32) / 2.0], axis=-1)
    feats.append(fe)
    oh = jnp.concatenate([jax.nn.one_hot(gender, 4), jax.nn.one_hot(status, 8), jax.nn.one_hot(boosts + 6, 13).reshape(n, -1)], axis=-1)
    feats.append(oh)
    emb = feats[0] @ Ws[0] + bs[0]
    for f, W, b in list(zip(feats, Ws, bs))[1:]:
        emb = emb + f @ W + b
    mask = jnp.logical_not(jnp.logical_or(species == 0, species == 1))
    return jnp.where(mask[:, None], emb, 0.0)

if __name__ == "__main__":
    import jax
    _d = setup_inputs()
    print(jax.jit(kernel)(*tuple(_d.values())))

</pallas_src>

<mosaic_0001>
#map = affine_map<(d0, d1) -> (0, 0)>
module attributes {stable_mosaic.version = 14 : i64} {
  func.func @_sc_body(%arg0: i32, %arg1: i32, %arg2: memref<256x2056xf32, #tpu.memory_space<hbm>>, %arg3: memref<16x16384xi32, #tpu.memory_space<hbm>>, %arg4: memref<8x16384xf32, #tpu.memory_space<hbm>>, %arg5: memref<256x16384xf32, #tpu.memory_space<hbm>>, %arg6: memref<256x16384xf32, #tpu.memory_space<hbm>>, %arg7: memref<16x2056xf32, #tpu.memory_space<vmem>>, %arg8: memref<16x256xi32, #tpu.memory_space<vmem>>, %arg9: memref<16x256xi32, #tpu.memory_space<vmem>>, %arg10: memref<8x256xf32, #tpu.memory_space<vmem>>, %arg11: memref<8x256xf32, #tpu.memory_space<vmem>>, %arg12: memref<16x256xf32, #tpu.memory_space<vmem>>, %arg13: memref<16x256xf32, #tpu.memory_space<vmem>>, %arg14: memref<16x256xf32, #tpu.memory_space<vmem>>, %arg15: memref<16x256xf32, #tpu.memory_space<vmem>>, %arg16: memref<!tpu.dma_semaphore, #tpu.memory_space<semaphore_mem>>, %arg17: memref<!tpu.dma_semaphore, #tpu.memory_space<semaphore_mem>>, %arg18: memref<!tpu.dma_semaphore, #tpu.memory_space<semaphore_mem>>, %arg19: memref<!tpu.dma_semaphore, #tpu.memory_space<semaphore_mem>>) attributes {dimension_semantics = [#tpu.dimension_semantics<core_parallel>, #tpu.dimension_semantics<subcore_parallel>], iteration_bounds = array<i64: 2, 16>, scalar_prefetch = 0 : i64, scratch_operands = 13 : i64, tpu.core_type = #tpu.core_type<sc_vector_subcore>, window_params = [{transform_indices = #map}, {transform_indices = #map}, {transform_indices = #map}, {transform_indices = #map}, {transform_indices = #map}]} {
    %mul3A = arith.constant 2 : i32
    %mul3A_0 = arith.muli %arg1, %mul3A : i32
    %add3A = arith.addi %mul3A_0, %arg0 : i32
    %jit3A = arith.constant 16 : i32
    %eq3A = arith.constant 0 : i32
    %eq3A_1 = arith.cmpi eq, %jit3A, %eq3A : i32
    %jit3A_2 = arith.constant 1 : i32
    %select_n3A = arith.select %eq3A_1, %jit3A_2, %jit3A : i32
    %rem3A = arith.remsi %add3A, %select_n3A : i32
    %ne3A = arith.constant 0 : i32
    %ne3A_3 = arith.cmpi ne, %rem3A, %ne3A : i32
    %lt3A = arith.constant 0 : i32
    %lt3A_4 = arith.cmpi slt, %rem3A, %lt3A : i32
    %lt3A_5 = arith.constant 0 : i32
    %lt3A_6 = arith.cmpi slt, %select_n3A, %lt3A_5 : i32
    %ne3A_7 = arith.xori %lt3A_4, %lt3A_6 : i1
    %and3A = arith.andi %ne3A_7, %ne3A_3 : i1
    %add3A_8 = arith.addi %rem3A, %select_n3A : i32
    %select_n3A_9 = arith.select %and3A, %add3A_8, %rem3A : i32
    %jit3A_10 = arith.constant 16 : i32
    %div3A = arith.divsi %add3A, %jit3A_10 : i32
    %sign3A = arith.constant 0 : i32
    %sign3A_11 = arith.cmpi sgt, %add3A, %sign3A : i32
    %sign3A_12 = arith.extui %sign3A_11 : i1 to i32
    %sign3A_13 = arith.constant 0 : i32
    %sign3A_14 = arith.cmpi slt, %add3A, %sign3A_13 : i32
    %sign3A_15 = arith.extui %sign3A_14 : i1 to i32
    %sign3A_16 = arith.subi %sign3A_12, %sign3A_15 : i32
    %sign3A_17 = arith.constant 0 : i32
    %sign3A_18 = arith.cmpi sgt, %jit3A_10, %sign3A_17 : i32
    %sign3A_19 = arith.extui %sign3A_18 : i1 to i32
    %sign3A_20 = arith.constant 0 : i32
    %sign3A_21 = arith.cmpi slt, %jit3A_10, %sign3A_20 : i32
    %sign3A_22 = arith.extui %sign3A_21 : i1 to i32
    %sign3A_23 = arith.subi %sign3A_19, %sign3A_22 : i32
    %ne3A_24 = arith.cmpi ne, %sign3A_16, %sign3A_23 : i32
    %rem3A_25 = arith.remsi %add3A, %jit3A_10 : i32
    %ne3A_26 = arith.constant 0 : i32
    %ne3A_27 = arith.cmpi ne, %rem3A_25, %ne3A_26 : i32
    %and3A_28 = arith.andi %ne3A_24, %ne3A_27 : i1
    %sub3A = arith.constant 1 : i32
    %sub3A_29 = arith.subi %div3A, %sub3A : i32
    %select_n3A_30 = arith.select %and3A_28, %sub3A_29, %div3A : i32
    %mul3A_31 = arith.constant 16 : i32
    %mul3A_32 = arith.muli %select_n3A_9, %mul3A_31 : i32
    %mul3A_33 = arith.constant 8192 : i32
    %mul3A_34 = arith.muli %select_n3A_30, %mul3A_33 : i32
    %mul3A_35 = arith.constant 16 : i32
    %mul3A_36 = arith.muli %select_n3A_9, %mul3A_35 : i32
    "tpu.region"() ({
      %run_scoped3A = tpu.sem_alloc : memref<!tpu.dma_semaphore, #tpu.memory_space<semaphore_mem>>
      %dma_start3A_124 = arith.constant 0 : i32
      %dma_start3A_125 = tpu.memref_slice %arg2[%mul3A_36, %dma_start3A_124] : memref<256x2056xf32, #tpu.memory_space<hbm>> -> memref<16x2056xf32, #tpu.memory_space<hbm>>
      %dma_start3A_126 = arith.constant 0 : i32
      %dma_start3A_127 = tpu.memref_slice %arg2[%mul3A_36, %dma_start3A_126] : memref<256x2056xf32, #tpu.memory_space<hbm>> -> memref<16x2056xf32, #tpu.memory_space<hbm>>
      tpu.enqueue_dma source(%dma_start3A_127 : memref<16x2056xf32, #tpu.memory_space<hbm>>) target(%arg7 : memref<16x2056xf32, #tpu.memory_space<vmem>>) target_semaphore(%run_scoped3A : memref<!tpu.dma_semaphore, #tpu.memory_space<semaphore_mem>>)
      %dma_wait3A_128 = arith.constant 0 : i32
      %dma_wait3A_129 = tpu.memref_slice %arg2[%mul3A_36, %dma_wait3A_128] : memref<256x2056xf32, #tpu.memory_space<hbm>> -> memref<16x2056xf32, #tpu.memory_space<hbm>>
      %dma_wait3A_130 = arith.constant 0 : i32
      %dma_wait3A_131 = tpu.memref_slice %arg2[%mul3A_36, %dma_wait3A_130] : memref<256x2056xf32, #tpu.memory_space<hbm>> -> memref<16x2056xf32, #tpu.memory_space<hbm>>
      tpu.wait_dma2 semaphore(%run_scoped3A : memref<!tpu.dma_semaphore, #tpu.memory_space<semaphore_mem>>) src(%dma_wait3A_131 : memref<16x2056xf32, #tpu.memory_space<hbm>>) dst(%arg7 : memref<16x2056xf32, #tpu.memory_space<vmem>>)
      tpu.yield
    }) : () -> ()
    %mul3A_37 = arith.constant 16 : i32
    %mul3A_38 = arith.muli %select_n3A_9, %mul3A_37 : i32
    %dma_start3A = tpu.memref_slice %arg5[%mul3A_38, %mul3A_34] : memref<256x16384xf32, #tpu.memory_space<hbm>> -> memref<16x256xf32, #tpu.memory_space<hbm>>
    %dma_start3A_39 = tpu.memref_slice %arg5[%mul3A_38, %mul3A_34] : memref<256x16384xf32, #tpu.memory_space<hbm>> -> memref<16x256xf32, #tpu.memory_space<hbm>>
    tpu.enqueue_dma source(%dma_start3A_39 : memref<16x256xf32, #tpu.memory_space<hbm>>) target(%arg14 : memref<16x256xf32, #tpu.memory_space<vmem>>) target_semaphore(%arg18 : memref<!tpu.dma_semaphore, #tpu.memory_space<semaphore_mem>>)
    %mul3A_40 = arith.constant 16 : i32
    %mul3A_41 = arith.muli %select_n3A_9, %mul3A_40 : i32
    %dma_start3A_42 = tpu.memref_slice %arg5[%mul3A_41, %mul3A_34] : memref<256x16384xf32, #tpu.memory_space<hbm>> -> memref<16x256xf32, #tpu.memory_space<hbm>>
    %dma_start3A_43 = tpu.memref_slice %arg5[%mul3A_41, %mul3A_34] : memref<256x16384xf32, #tpu.memory_space<hbm>> -> memref<16x256xf32, #tpu.memory_space<hbm>>
    tpu.enqueue_dma source(%dma_start3A_43 : memref<16x256xf32, #tpu.memory_space<hbm>>) target(%arg15 : memref<16x256xf32, #tpu.memory_space<vmem>>) target_semaphore(%arg19 : memref<!tpu.dma_semaphore, #tpu.memory_space<semaphore_mem>>)
    %add3A_44 = arith.constant 0 : i32
    %add3A_45 = arith.addi %mul3A_34, %add3A_44 : i32
    %dma_start3A_46 = arith.constant 0 : i32
    %dma_start3A_47 = tpu.memref_slice %arg3[%dma_start3A_46, %add3A_45] : memref<16x16384xi32, #tpu.memory_space<hbm>> -> memref<16x256xi32, #tpu.memory_space<hbm>>
    %dma_start3A_48 = arith.constant 0 : i32
    %dma_start3A_49 = tpu.memref_slice %arg3[%dma_start3A_48, %add3A_45] : memref<16x16384xi32, #tpu.memory_space<hbm>> -> memref<16x256xi32, #tpu.memory_space<hbm>>
    tpu.enqueue_dma source(%dma_start3A_49 : memref<16x256xi32, #tpu.memory_space<hbm>>) target(%arg8 : memref<16x256xi32, #tpu.memory_space<vmem>>) target_semaphore(%arg16 : memref<!tpu.dma_semaphore, #tpu.memory_space<semaphore_mem>>)
    %dma_start3A_50 = arith.constant 0 : i32
    %dma_start3A_51 = tpu.memref_slice %arg4[%dma_start3A_50, %add3A_45] : memref<8x16384xf32, #tpu.memory_space<hbm>> -> memref<8x256xf32, #tpu.memory_space<hbm>>
    %dma_start3A_52 = arith.constant 0 : i32
    %dma_start3A_53 = tpu.memref_slice %arg4[%dma_start3A_52, %add3A_45] : memref<8x16384xf32, #tpu.memory_space<hbm>> -> memref<8x256xf32, #tpu.memory_space<hbm>>
    tpu.enqueue_dma source(%dma_start3A_53 : memref<8x256xf32, #tpu.memory_space<hbm>>) target(%arg10 : memref<8x256xf32, #tpu.memory_space<vmem>>) target_semaphore(%arg16 : memref<!tpu.dma_semaphore, #tpu.memory_space<semaphore_mem>>)
    %mul3A_54 = arith.constant 16 : i32
    %mul3A_55 = arith.muli %select_n3A_9, %mul3A_54 : i32
    %dma_start3A_56 = tpu.memref_slice %arg5[%mul3A_55, %add3A_45] : memref<256x16384xf32, #tpu.memory_space<hbm>> -> memref<16x256xf32, #tpu.memory_space<hbm>>
    %dma_start3A_57 = tpu.memref_slice %arg5[%mul3A_55, %add3A_45] : memref<256x16384xf32, #tpu.memory_space<hbm>> -> memref<16x256xf32, #tpu.memory_space<hbm>>
    tpu.enqueue_dma source(%dma_start3A_57 : memref<16x256xf32, #tpu.memory_space<hbm>>) target(%arg12 : memref<16x256xf32, #tpu.memory_space<vmem>>) target_semaphore(%arg16 : memref<!tpu.dma_semaphore, #tpu.memory_space<semaphore_mem>>)
    %add3A_58 = arith.constant 256 : i32
    %add3A_59 = arith.addi %mul3A_34, %add3A_58 : i32
    %dma_start3A_60 = arith.constant 0 : i32
    %dma_start3A_61 = tpu.memref_slice %arg3[%dma_start3A_60, %add3A_59] : memref<16x16384xi32, #tpu.memory_space<hbm>> -> memref<16x256xi32, #tpu.memory_space<hbm>>
    %dma_start3A_62 = arith.constant 0 : i32
    %dma_start3A_63 = tpu.memref_slice %arg3[%dma_start3A_62, %add3A_59] : memref<16x16384xi32, #tpu.memory_space<hbm>> -> memref<16x256xi32, #tpu.memory_space<hbm>>
    tpu.enqueue_dma source(%dma_start3A_63 : memref<16x256xi32, #tpu.memory_space<hbm>>) target(%arg9 : memref<16x256xi32, #tpu.memory_space<vmem>>) target_semaphore(%arg17 : memref<!tpu.dma_semaphore, #tpu.memory_space<semaphore_mem>>)
    %dma_start3A_64 = arith.constant 0 : i32
    %dma_start3A_65 = tpu.memref_slice %arg4[%dma_start3A_64, %add3A_59] : memref<8x16384xf32, #tpu.memory_space<hbm>> -> memref<8x256xf32, #tpu.memory_space<hbm>>
    %dma_start3A_66 = arith.constant 0 : i32
    %dma_start3A_67 = tpu.memref_slice %arg4[%dma_start3A_66, %add3A_59] : memref<8x16384xf32, #tpu.memory_space<hbm>> -> memref<8x256xf32, #tpu.memory_space<hbm>>
    tpu.enqueue_dma source(%dma_start3A_67 : memref<8x256xf32, #tpu.memory_space<hbm>>) target(%arg11 : memref<8x256xf32, #tpu.memory_space<vmem>>) target_semaphore(%arg17 : memref<!tpu.dma_semaphore, #tpu.memory_space<semaphore_mem>>)
    %mul3A_68 = arith.constant 16 : i32
    %mul3A_69 = arith.muli %select_n3A_9, %mul3A_68 : i32
    %dma_start3A_70 = tpu.memref_slice %arg5[%mul3A_69, %add3A_59] : memref<256x16384xf32, #tpu.memory_space<hbm>> -> memref<16x256xf32, #tpu.memory_space<hbm>>
    %dma_start3A_71 = tpu.memref_slice %arg5[%mul3A_69, %add3A_59] : memref<256x16384xf32, #tpu.memory_space<hbm>> -> memref<16x256xf32, #tpu.memory_space<hbm>>
    tpu.enqueue_dma source(%dma_start3A_71 : memref<16x256xf32, #tpu.memory_space<hbm>>) target(%arg13 : memref<16x256xf32, #tpu.memory_space<vmem>>) target_semaphore(%arg17 : memref<!tpu.dma_semaphore, #tpu.memory_space<semaphore_mem>>)
    %scan3A = arith.constant 0 : i32
    %scan3A_72 = arith.constant 0 : i32
    %scan3A_73 = arith.constant 16 : i32
    %scan3A_74 = arith.addi %scan3A_72, %scan3A_73 : i32
    %scan3A_75 = arith.constant 1 : i32
    scf.for %scan3A_124 = %scan3A_72 to %scan3A_74 step %scan3A_75  : i32 {
      %mul3A_125 = arith.constant 2 : i32
      %mul3A_126 = arith.muli %mul3A_125, %scan3A_124 : i32
      %dma_wait3A_127 = arith.constant 0 : i32
      %dma_wait3A_128 = arith.constant 0 : i32
      %dma_wait3A_129 = tpu.memref_slice %arg3[%dma_wait3A_127, %dma_wait3A_128] : memref<16x16384xi32, #tpu.memory_space<hbm>> -> memref<16x256xi32, #tpu.memory_space<hbm>>
      %dma_wait3A_130 = arith.constant 0 : i32
      %dma_wait3A_131 = arith.constant 0 : i32
      %dma_wait3A_132 = tpu.memref_slice %arg3[%dma_wait3A_130, %dma_wait3A_131] : memref<16x16384xi32, #tpu.memory_space<hbm>> -> memref<16x256xi32, #tpu.memory_space<hbm>>
      tpu.wait_dma2 semaphore(%arg16 : memref<!tpu.dma_semaphore, #tpu.memory_space<semaphore_mem>>) src(%dma_wait3A_132 : memref<16x256xi32, #tpu.memory_space<hbm>>) dst(%arg8 : memref<16x256xi32, #tpu.memory_space<vmem>>)
      %dma_wait3A_133 = arith.constant 0 : i32
      %dma_wait3A_134 = arith.constant 0 : i32
      %dma_wait3A_135 = tpu.memref_slice %arg4[%dma_wait3A_133, %dma_wait3A_134] : memref<8x16384xf32, #tpu.memory_space<hbm>> -> memref<8x256xf32, #tpu.memory_space<hbm>>
      %dma_wait3A_136 = arith.constant 0 : i32
      %dma_wait3A_137 = arith.constant 0 : i32
      %dma_wait3A_138 = tpu.memref_slice %arg4[%dma_wait3A_136, %dma_wait3A_137] : memref<8x16384xf32, #tpu.memory_space<hbm>> -> memref<8x256xf32, #tpu.memory_space<hbm>>
      tpu.wait_dma2 semaphore(%arg16 : memref<!tpu.dma_semaphore, #tpu.memory_space<semaphore_mem>>) src(%dma_wait3A_138 : memref<8x256xf32, #tpu.memory_space<hbm>>) dst(%arg10 : memref<8x256xf32, #tpu.memory_space<vmem>>)
      %dma_wait3A_139 = arith.constant 0 : i32
      %dma_wait3A_140 = arith.constant 0 : i32
      %dma_wait3A_141 = tpu.memref_slice %arg5[%dma_wait3A_139, %dma_wait3A_140] : memref<256x16384xf32, #tpu.memory_space<hbm>> -> memref<16x256xf32, #tpu.memory_space<hbm>>
      %dma_wait3A_142 = arith.constant 0 : i32
      %dma_wait3A_143 = arith.constant 0 : i32
      %dma_wait3A_144 = tpu.memref_slice %arg5[%dma_wait3A_142, %dma_wait3A_143] : memref<256x16384xf32, #tpu.memory_space<hbm>> -> memref<16x256xf32, #tpu.memory_space<hbm>>
      tpu.wait_dma2 semaphore(%arg16 : memref<!tpu.dma_semaphore, #tpu.memory_space<semaphore_mem>>) src(%dma_wait3A_144 : memref<16x256xf32, #tpu.memory_space<hbm>>) dst(%arg12 : memref<16x256xf32, #tpu.memory_space<vmem>>)
      %dma_wait3A_145 = arith.constant 0 : i32
      %dma_wait3A_146 = arith.constant 0 : i32
      %dma_wait3A_147 = tpu.memref_slice %arg6[%dma_wait3A_145, %dma_wait3A_146] : memref<256x16384xf32, #tpu.memory_space<hbm>> -> memref<16x256xf32, #tpu.memory_space<hbm>>
      %dma_wait3A_148 = arith.constant 0 : i32
      %dma_wait3A_149 = arith.constant 0 : i32
      %dma_wait3A_150 = tpu.memref_slice %arg6[%dma_wait3A_148, %dma_wait3A_149] : memref<256x16384xf32, #tpu.memory_space<hbm>> -> memref<16x256xf32, #tpu.memory_space<hbm>>
      tpu.wait_dma2 semaphore(%arg18 : memref<!tpu.dma_semaphore, #tpu.memory_space<semaphore_mem>>) src(%arg14 : memref<16x256xf32, #tpu.memory_space<vmem>>) dst(%dma_wait3A_150 : memref<16x256xf32, #tpu.memory_space<hbm>>)
      %parallel_loop3A = arith.constant 0 : i32
      %parallel_loop3A_151 = arith.constant 16 : i32
      %parallel_loop3A_152 = arith.constant 1 : i32
      scf.for %parallel_loop3A_233 = %parallel_loop3A to %parallel_loop3A_151 step %parallel_loop3A_152  : i32 {
        %parallel_loop3A_234 = arith.constant 16 : i32
        %parallel_loop3A_235 = arith.muli %parallel_loop3A_233, %parallel_loop3A_234 : i32
        %parallel_loop3A_236 = arith.constant 0 : i32
        %parallel_loop3A_237 = arith.index_cast %parallel_loop3A_236 : i32 to index
        %parallel_loop3A_238 = arith.index_cast %parallel_loop3A_235 : i32 to index
        %parallel_loop3A_239 = tpu.vector_load %arg8[%parallel_loop3A_237, %parallel_loop3A_238] {strides = array<i32>} : memref<16x256xi32, #tpu.memory_space<vmem>>, vector<16xi32>,
        %parallel_loop3A_240 = arith.constant 1 : i32
        %parallel_loop3A_241 = arith.index_cast %parallel_loop3A_240 : i32 to index
        %parallel_loop3A_242 = arith.index_cast %parallel_loop3A_235 : i32 to index
        %parallel_loop3A_243 = tpu.vector_load %arg8[%parallel_loop3A_241, %parallel_loop3A_242] {strides = array<i32>} : memref<16x256xi32, #tpu.memory_space<vmem>>, vector<16xi32>,
        %parallel_loop3A_244 = arith.constant 2 : i32
        %parallel_loop3A_245 = arith.index_cast %parallel_loop3A_244 : i32 to index
        %parallel_loop3A_246 = arith.index_cast %parallel_loop3A_235 : i32 to index
        %parallel_loop3A_247 = tpu.vector_load %arg8[%parallel_loop3A_245, %parallel_loop3A_246] {strides = array<i32>} : memref<16x256xi32, #tpu.memory_space<vmem>>, vector<16xi32>,
        %parallel_loop3A_248 = arith.constant 3 : i32
        %parallel_loop3A_249 = arith.index_cast %parallel_loop3A_248 : i32 to index
        %parallel_loop3A_250 = arith.index_cast %parallel_loop3A_235 : i32 to index
        %parallel_loop3A_251 = tpu.vector_load %arg8[%parallel_loop3A_249, %parallel_loop3A_250] {strides = array<i32>} : memref<16x256xi32, #tpu.memory_space<vmem>>, vector<16xi32>,
        %parallel_loop3A_252 = arith.constant 4 : i32
        %parallel_loop3A_253 = arith.index_cast %parallel_loop3A_252 : i32 to index
        %parallel_loop3A_254 = arith.index_cast %parallel_loop3A_235 : i32 to index
        %parallel_loop3A_255 = tpu.vector_load %arg8[%parallel_loop3A_253, %parallel_loop3A_254] {strides = array<i32>} : memref<16x256xi32, #tpu.memory_space<vmem>>, vector<16xi32>,
        %parallel_loop3A_256 = arith.constant 5 : i32
        %parallel_loop3A_257 = arith.index_cast %parallel_loop3A_256 : i32 to index
        %parallel_loop3A_258 = arith.index_cast %parallel_loop3A_235 : i32 to index
        %parallel_loop3A_259 = tpu.vector_load %arg8[%parallel_loop3A_257, %parallel_loop3A_258] {strides = array<i32>} : memref<16x256xi32, #tpu.memory_space<vmem>>, vector<16xi32>,
        %parallel_loop3A_260 = arith.constant 6 : i32
        %parallel_loop3A_261 = arith.index_cast %parallel_loop3A_260 : i32 to index
        %parallel_loop3A_262 = arith.index_cast %parallel_loop3A_235 : i32 to index
        %parallel_loop3A_263 = tpu.vector_load %arg8[%parallel_loop3A_261, %parallel_loop3A_262] {strides = array<i32>} : memref<16x256xi32, #tpu.memory_space<vmem>>, vector<16xi32>,
        %parallel_loop3A_264 = arith.constant 7 : i32
        %parallel_loop3A_265 = arith.index_cast %parallel_loop3A_264 : i32 to index
        %parallel_loop3A_266 = arith.index_cast %parallel_loop3A_235 : i32 to index
        %parallel_loop3A_267 = tpu.vector_load %arg8[%parallel_loop3A_265, %parallel_loop3A_266] {strides = array<i32>} : memref<16x256xi32, #tpu.memory_space<vmem>>, vector<16xi32>,
        %parallel_loop3A_268 = arith.constant 8 : i32
        %parallel_loop3A_269 = arith.index_cast %parallel_loop3A_268 : i32 to index
        %parallel_loop3A_270 = arith.index_cast %parallel_loop3A_235 : i32 to index
        %parallel_loop3A_271 = tpu.vector_load %arg8[%parallel_loop3A_269, %parallel_loop3A_270] {strides = array<i32>} : memref<16x256xi32, #tpu.memory_space<vmem>>, vector<16xi32>,
        %parallel_loop3A_272 = arith.constant 9 : i32
        %parallel_loop3A_273 = arith.index_cast %parallel_loop3A_272 : i32 to index
        %parallel_loop3A_274 = arith.index_cast %parallel_loop3A_235 : i32 to index
        %parallel_loop3A_275 = tpu.vector_load %arg8[%parallel_loop3A_273, %parallel_loop3A_274] {strides = array<i32>} : memref<16x256xi32, #tpu.memory_space<vmem>>, vector<16xi32>,
        %parallel_loop3A_276 = arith.constant 10 : i32
        %parallel_loop3A_277 = arith.index_cast %parallel_loop3A_276 : i32 to index
        %parallel_loop3A_278 = arith.index_cast %parallel_loop3A_235 : i32 to index
        %parallel_loop3A_279 = tpu.vector_load %arg8[%parallel_loop3A_277, %parallel_loop3A_278] {strides = array<i32>} : memref<16x256xi32, #tpu.memory_space<vmem>>, vector<16xi32>,
        %parallel_loop3A_280 = arith.constant 0 : i32
        %parallel_loop3A_281 = arith.index_cast %parallel_loop3A_280 : i32 to index
        %parallel_loop3A_282 = arith.index_cast %parallel_loop3A_235 : i32 to index
        %parallel_loop3A_283 = tpu.vector_load %arg10[%parallel_loop3A_281, %parallel_loop3A_282] {strides = array<i32>} : memref<8x256xf32, #tpu.memory_space<vmem>>, vector<16xf32>,
        %parallel_loop3A_284 = arith.constant 1 : i32
        %parallel_loop3A_285 = arith.index_cast %parallel_loop3A_284 : i32 to index
        %parallel_loop3A_286 = arith.index_cast %parallel_loop3A_235 : i32 to index
        %parallel_loop3A_287 = tpu.vector_load %arg10[%parallel_loop3A_285, %parallel_loop3A_286] {strides = array<i32>} : memref<8x256xf32, #tpu.memory_space<vmem>>, vector<16xf32>,
        %parallel_loop3A_288 = arith.constant 2 : i32
        %parallel_loop3A_289 = arith.index_cast %parallel_loop3A_288 : i32 to index
        %parallel_loop3A_290 = arith.index_cast %parallel_loop3A_235 : i32 to index
        %parallel_loop3A_291 = tpu.vector_load %arg10[%parallel_loop3A_289, %parallel_loop3A_290] {strides = array<i32>} : memref<8x256xf32, #tpu.memory_space<vmem>>, vector<16xf32>,
        %parallel_loop3A_292 = arith.constant 3 : i32
        %parallel_loop3A_293 = arith.index_cast %parallel_loop3A_292 : i32 to index
        %parallel_loop3A_294 = arith.index_cast %parallel_loop3A_235 : i32 to index
        %parallel_loop3A_295 = tpu.vector_load %arg10[%parallel_loop3A_293, %parallel_loop3A_294] {strides = array<i32>} : memref<8x256xf32, #tpu.memory_space<vmem>>, vector<16xf32>,
        %parallel_loop3A_296 = arith.constant 0 : i32
        %parallel_loop3A_297 = vector.broadcast %parallel_loop3A_296 : i32 to vector<16xi32>
        %parallel_loop3A_298 = arith.constant 0 : i32
        %parallel_loop3A_299 = arith.index_cast %parallel_loop3A_298 : i32 to index
        %parallel_loop3A_300 = arith.index_cast %parallel_loop3A_235 : i32 to index
        %parallel_loop3A_301 = tpu.vector_load %arg12[%parallel_loop3A_299, %parallel_loop3A_300] {strides = array<i32>} : memref<16x256xf32, #tpu.memory_space<vmem>>, vector<16xf32>,
        %parallel_loop3A_302 = tpu.vector_load_idx %arg7[%parallel_loop3A_297, %parallel_loop3A_239] : memref<16x2056xf32, #tpu.memory_space<vmem>>[vector<16xi32>, vector<16xi32>], vector<16xf32>,
        %parallel_loop3A_303 = tpu.vector_load_idx %arg7[%parallel_loop3A_297, %parallel_loop3A_243] : memref<16x2056xf32, #tpu.memory_space<vmem>>[vector<16xi32>, vector<16xi32>], vector<16xf32>,
        %parallel_loop3A_304 = tpu.vector_load_idx %arg7[%parallel_loop3A_297, %parallel_loop3A_247] : memref<16x2056xf32, #tpu.memory_space<vmem>>[vector<16xi32>, vector<16xi32>], vector<16xf32>,
        %parallel_loop3A_305 = tpu.vector_load_idx %arg7[%parallel_loop3A_297, %parallel_loop3A_251] : memref<16x2056xf32, #tpu.memory_space<vmem>>[vector<16xi32>, vector<16xi32>], vector<16xf32>,
        %parallel_loop3A_306 = tpu.vector_load_idx %arg7[%parallel_loop3A_297, %parallel_loop3A_255] : memref<16x2056xf32, #tpu.memory_space<vmem>>[vector<16xi32>, vector<16xi32>], vector<16xf32>,
        %parallel_loop3A_307 = tpu.vector_load_idx %arg7[%parallel_loop3A_297, %parallel_loop3A_259] : memref<16x2056xf32, #tpu.memory_space<vmem>>[vector<16xi32>, vector<16xi32>], vector<16xf32>,
        %parallel_loop3A_308 = tpu.vector_load_idx %arg7[%parallel_loop3A_297, %parallel_loop3A_263] : memref<16x2056xf32, #tpu.memory_space<vmem>>[vector<16xi32>, vector<16xi32>], vector<16xf32>,
        %parallel_loop3A_309 = tpu.vector_load_idx %arg7[%parallel_loop3A_297, %parallel_loop3A_267] : memref<16x2056xf32, #tpu.memory_space<vmem>>[vector<16xi32>, vector<16xi32>], vector<16xf32>,
        %parallel_loop3A_310 = arith.mulf %parallel_loop3A_283, %parallel_loop3A_309 : vector<16xf32>
        %parallel_loop3A_311 = tpu.vector_load_idx %arg7[%parallel_loop3A_297, %parallel_loop3A_271] : memref<16x2056xf32, #tpu.memory_space<vmem>>[vector<16xi32>, vector<16xi32>], vector<16xf32>,
        %parallel_loop3A_312 = arith.mulf %parallel_loop3A_287, %parallel_loop3A_311 : vector<16xf32>
        %parallel_loop3A_313 = tpu.vector_load_idx %arg7[%parallel_loop3A_297, %parallel_loop3A_275] : memref<16x2056xf32, #tpu.memory_space<vmem>>[vector<16xi32>, vector<16xi32>], vector<16xf32>,
        %parallel_loop3A_314 = arith.mulf %parallel_loop3A_291, %parallel_loop3A_313 : vector<16xf32>
        %parallel_loop3A_315 = tpu.vector_load_idx %arg7[%parallel_loop3A_297, %parallel_loop3A_279] : memref<16x2056xf32, #tpu.memory_space<vmem>>[vector<16xi32>, vector<16xi32>], vector<16xf32>,
        %parallel_loop3A_316 = arith.mulf %parallel_loop3A_295, %parallel_loop3A_315 : vector<16xf32>
        %parallel_loop3A_317 = arith.addf %parallel_loop3A_301, %parallel_loop3A_302 : vector<16xf32>
        %parallel_loop3A_318 = arith.addf %parallel_loop3A_303, %parallel_loop3A_304 : vector<16xf32>
        %parallel_loop3A_319 = arith.addf %parallel_loop3A_305, %parallel_loop3A_306 : vector<16xf32>
        %parallel_loop3A_320 = arith.addf %parallel_loop3A_307, %parallel_loop3A_308 : vector<16xf32>
        %parallel_loop3A_321 = arith.addf %parallel_loop3A_310, %parallel_loop3A_312 : vector<16xf32>
        %parallel_loop3A_322 = arith.addf %parallel_loop3A_314, %parallel_loop3A_316 : vector<16xf32>
        %parallel_loop3A_323 = arith.addf %parallel_loop3A_317, %parallel_loop3A_318 : vector<16xf32>
        %parallel_loop3A_324 = arith.addf %parallel_loop3A_319, %parallel_loop3A_320 : vector<16xf32>
        %parallel_loop3A_325 = arith.addf %parallel_loop3A_321, %parallel_loop3A_322 : vector<16xf32>
        %parallel_loop3A_326 = arith.addf %parallel_loop3A_323, %parallel_loop3A_324 : vector<16xf32>
        %parallel_loop3A_327 = arith.addf %parallel_loop3A_326, %parallel_loop3A_325 : vector<16xf32>
        %parallel_loop3A_328 = arith.constant 0 : i32
        %parallel_loop3A_329 = arith.index_cast %parallel_loop3A_328 : i32 to index
        %parallel_loop3A_330 = arith.index_cast %parallel_loop3A_235 : i32 to index
        %parallel_loop3A_331 = tpu.vector_load %arg14[%parallel_loop3A_329, %parallel_loop3A_330] {strides = array<i32>} : memref<16x256xf32, #tpu.memory_space<vmem>>, vector<16xf32>,
        tpu.vector_store %arg14[%parallel_loop3A_329, %parallel_loop3A_330], %parallel_loop3A_327 {strides = array<i32>} : memref<16x256xf32, #tpu.memory_space<vmem>>, vector<16xf32>,
        %parallel_loop3A_332 = arith.constant 1 : i32
        %parallel_loop3A_333 = vector.broadcast %parallel_loop3A_332 : i32 to vector<16xi32>
        %parallel_loop3A_334 = arith.constant 1 : i32
        %parallel_loop3A_335 = arith.index_cast %parallel_loop3A_334 : i32 to index
        %parallel_loop3A_336 = arith.index_cast %parallel_loop3A_235 : i32 to index
        %parallel_loop3A_337 = tpu.vector_load %arg12[%parallel_loop3A_335, %parallel_loop3A_336] {strides = array<i32>} : memref<16x256xf32, #tpu.memory_space<vmem>>, vector<16xf32>,
        %parallel_loop3A_338 = tpu.vector_load_idx %arg7[%parallel_loop3A_333, %parallel_loop3A_239] : memref<16x2056xf32, #tpu.memory_space<vmem>>[vector<16xi32>, vector<16xi32>], vector<16xf32>,
        %parallel_loop3A_339 = tpu.vector_load_idx %arg7[%parallel_loop3A_333, %parallel_loop3A_243] : memref<16x2056xf32, #tpu.memory_space<vmem>>[vector<16xi32>, vector<16xi32>], vector<16xf32>,
        %parallel_loop3A_340 = tpu.vector_load_idx %arg7[%parallel_loop3A_333, %parallel_loop3A_247] : memref<16x2056xf32, #tpu.memory_space<vmem>>[vector<16xi32>, vector<16xi32>], vector<16xf32>,
        %parallel_loop3A_341 = tpu.vector_load_idx %arg7[%parallel_loop3A_333, %parallel_loop3A_251] : memref<16x2056xf32, #tpu.memory_space<vmem>>[vector<16xi32>, vector<16xi32>], vector<16xf32>,
        %parallel_loop3A_342 = tpu.vector_load_idx %arg7[%parallel_loop3A_333, %parallel_loop3A_255] : memref<16x2056xf32, #tpu.memory_space<vmem>>[vector<16xi32>, vector<16xi32>], vector<16xf32>,
        %parallel_loop3A_343 = tpu.vector_load_idx %arg7[%parallel_loop3A_333, %parallel_loop3A_259] : memref<16x2056xf32, #tpu.memory_space<vmem>>[vector<16xi32>, vector<16xi32>], vector<16xf32>,
        %parallel_loop3A_344 = tpu.vector_load_idx %arg7[%parallel_loop3A_333, %parallel_loop3A_263] : memref<16x2056xf32, #tpu.memory_space<vmem>>[vector<16xi32>, vector<16xi32>], vector<16xf32>,
        %parallel_loop3A_345 = tpu.vector_load_idx %arg7[%parallel_loop3A_333, %parallel_loop3A_267] : memref<16x2056xf32, #tpu.memory_space<vmem>>[vector<16xi32>, vector<16xi32>], vector<16xf32>,
        %parallel_loop3A_346 = arith.mulf %parallel_loop3A_283, %parallel_loop3A_345 : vector<16xf32>
        %parallel_loop3A_347 = tpu.vector_load_idx %arg7[%parallel_loop3A_333, %parallel_loop3A_271] : memref<16x2056xf32, #tpu.memory_space<vmem>>[vector<16xi32>, vector<16xi32>], vector<16xf32>,
        %parallel_loop3A_348 = arith.mulf %parallel_loop3A_287, %parallel_loop3A_347 : vector<16xf32>
        %parallel_loop3A_349 = tpu.vector_load_idx %arg7[%parallel_loop3A_333, %parallel_loop3A_275] : memref<16x2056xf32, #tpu.memory_space<vmem>>[vector<16xi32>, vector<16xi32>], vector<16xf32>,
        %parallel_loop3A_350 = arith.mulf %parallel_loop3A_291, %parallel_loop3A_349 : vector<16xf32>
        %parallel_loop3A_351 = tpu.vector_load_idx %arg7[%parallel_loop3A_333, %parallel_loop3A_279] : memref<16x2056xf32, #tpu.memory_space<vmem>>[vector<16xi32>, vector<16xi32>], vector<16xf32>,
        %parallel_loop3A_352 = arith.mulf %parallel_loop3A_295, %parallel_loop3A_351 : vector<16xf32>
        %parallel_loop3A_353 = arith.addf %parallel_loop3A_337, %parallel_loop3A_338 : vector<16xf32>
        %parallel_loop3A_354 = arith.addf %parallel_loop3A_339, %parallel_loop3A_340 : vector<16xf32>
        %parallel_loop3A_355 = arith.addf %parallel_loop3A_341, %parallel_loop3A_342 : vector<16xf32>
        %parallel_loop3A_356 = arith.addf %parallel_loop3A_343, %parallel_loop3A_344 : vector<16xf32>
        %parallel_loop3A_357 = arith.addf %parallel_loop3A_346, %parallel_loop3A_348 : vector<16xf32>
        %parallel_loop3A_358 = arith.addf %parallel_loop3A_350, %parallel_loop3A_352 : vector<16xf32>
        %parallel_loop3A_359 = arith.addf %parallel_loop3A_353, %parallel_loop3A_354 : vector<16xf32>
        %parallel_loop3A_360 = arith.addf %parallel_loop3A_355, %parallel_loop3A_356 : vector<16xf32>
        %parallel_loop3A_361 = arith.addf %parallel_loop3A_357, %parallel_loop3A_358 : vector<16xf32>
        %parallel_loop3A_362 = arith.addf %parallel_loop3A_359, %parallel_loop3A_360 : vector<16xf32>
        %parallel_loop3A_363 = arith.addf %parallel_loop3A_362, %parallel_loop3A_361 : vector<16xf32>
        %parallel_loop3A_364 = arith.constant 1 : i32
        %parallel_loop3A_365 = arith.index_cast %parallel_loop3A_364 : i32 to index
        %parallel_loop3A_366 = arith.index_cast %parallel_loop3A_235 : i32 to index
        %parallel_loop3A_367 = tpu.vector_load %arg14[%parallel_loop3A_365, %parallel_loop3A_366] {strides = array<i32>} : memref<16x256xf32, #tpu.memory_space<vmem>>, vector<16xf32>,
        tpu.vector_store %arg14[%parallel_loop3A_365, %parallel_loop3A_366], %parallel_loop3A_363 {strides = array<i32>} : memref<16x256xf32, #tpu.memory_space<vmem>>, vector<16xf32>,
        %parallel_loop3A_368 = arith.constant 2 : i32
        %parallel_loop3A_369 = vector.broadcast %parallel_loop3A_368 : i32 to vector<16xi32>
        %parallel_loop3A_370 = arith.constant 2 : i32
        %parallel_loop3A_371 = arith.index_cast %parallel_loop3A_370 : i32 to index
        %parallel_loop3A_372 = arith.index_cast %parallel_loop3A_235 : i32 to index
        %parallel_loop3A_373 = tpu.vector_load %arg12[%parallel_loop3A_371, %parallel_loop3A_372] {strides = array<i32>} : memref<16x256xf32, #tpu.memory_space<vmem>>, vector<16xf32>,
        %parallel_loop3A_374 = tpu.vector_load_idx %arg7[%parallel_loop3A_369, %parallel_loop3A_239] : memref<16x2056xf32, #tpu.memory_space<vmem>>[vector<16xi32>, vector<16xi32>], vector<16xf32>,
        %parallel_loop3A_375 = tpu.vector_load_idx %arg7[%parallel_loop3A_369, %parallel_loop3A_243] : memref<16x2056xf32, #tpu.memory_space<vmem>>[vector<16xi32>, vector<16xi32>], vector<16xf32>,
        %parallel_loop3A_376 = tpu.vector_load_idx %arg7[%parallel_loop3A_369, %parallel_loop3A_247] : memref<16x2056xf32, #tpu.memory_space<vmem>>[vector<16xi32>, vector<16xi32>], vector<16xf32>,
        %parallel_loop3A_377 = tpu.vector_load_idx %arg7[%parallel_loop3A_369, %parallel_loop3A_251] : memref<16x2056xf32, #tpu.memory_space<vmem>>[vector<16xi32>, vector<16xi32>], vector<16xf32>,
        %parallel_loop3A_378 = tpu.vector_load_idx %arg7[%parallel_loop3A_369, %parallel_loop3A_255] : memref<16x2056xf32, #tpu.memory_space<vmem>>[vector<16xi32>, vector<16xi32>], vector<16xf32>,
        %parallel_loop3A_379 = tpu.vector_load_idx %arg7[%parallel_loop3A_369, %parallel_loop3A_259] : memref<16x2056xf32, #tpu.memory_space<vmem>>[vector<16xi32>, vector<16xi32>], vector<16xf32>,
        %parallel_loop3A_380 = tpu.vector_load_idx %arg7[%parallel_loop3A_369, %parallel_loop3A_263] : memref<16x2056xf32, #tpu.memory_space<vmem>>[vector<16xi32>, vector<16xi32>], vector<16xf32>,
        %parallel_loop3A_381 = tpu.vector_load_idx %arg7[%parallel_loop3A_369, %parallel_loop3A_267] : memref<16x2056xf32, #tpu.memory_space<vmem>>[vector<16xi32>, vector<16xi32>], vector<16xf32>,
        %parallel_loop3A_382 = arith.mulf %parallel_loop3A_283, %parallel_loop3A_381 : vector<16xf32>
        %parallel_loop3A_383 = tpu.vector_load_idx %arg7[%parallel_loop3A_369, %parallel_loop3A_271] : memref<16x2056xf32, #tpu.memory_space<vmem>>[vector<16xi32>, vector<16xi32>], vector<16xf32>,
        %parallel_loop3A_384 = arith.mulf %parallel_loop3A_287, %parallel_loop3A_383 : vector<16xf32>
        %parallel_loop3A_385 = tpu.vector_load_idx %arg7[%parallel_loop3A_369, %parallel_loop3A_275] : memref<16x2056xf32, #tpu.memory_space<vmem>>[vector<16xi32>, vector<16xi32>], vector<16xf32>,
        %parallel_loop3A_386 = arith.mulf %parallel_loop3A_291, %parallel_loop3A_385 : vector<16xf32>
        %parallel_loop3A_387 = tpu.vector_load_idx %arg7[%parallel_loop3A_369, %parallel_loop3A_279] : memref<16x2056xf32, #tpu.memory_space<vmem>>[vector<16xi32>, vector<16xi32>], vector<16xf32>,
        %parallel_loop3A_388 = arith.mulf %parallel_loop3A_295, %parallel_loop3A_387 : vector<16xf32>
        %parallel_loop3A_389 = arith.addf %parallel_loop3A_373, %parallel_loop3A_374 : vector<16xf32>
        %parallel_loop3A_390 = arith.addf %parallel_loop3A_375, %parallel_loop3A_376 : vector<16xf32>
        %parallel_loop3A_391 = arith.addf %parallel_loop3A_377, %parallel_loop3A_378 : vector<16xf32>
        %parallel_loop3A_392 = arith.addf %parallel_loop3A_379, %parallel_loop3A_380 : vector<16xf32>
        %parallel_loop3A_393 = arith.addf %parallel_loop3A_382, %parallel_loop3A_384 : vector<16xf32>
        %parallel_loop3A_394 = arith.addf %parallel_loop3A_386, %parallel_loop3A_388 : vector<16xf32>
        %parallel_loop3A_395 = arith.addf %parallel_loop3A_389, %parallel_loop3A_390 : vector<16xf32>
        %parallel_loop3A_396 = arith.addf %parallel_loop3A_391, %parallel_loop3A_392 : vector<16xf32>
        %parallel_loop3A_397 = arith.addf %parallel_loop3A_393, %parallel_loop3A_394 : vector<16xf32>
        %parallel_loop3A_398 = arith.addf %parallel_loop3A_395, %parallel_loop3A_396 : vector<16xf32>
        %parallel_loop3A_399 = arith.addf %parallel_loop3A_398, %parallel_loop3A_397 : vector<16xf32>
        %parallel_loop3A_400 = arith.constant 2 : i32
        %parallel_loop3A_401 = arith.index_cast %parallel_loop3A_400 : i32 to index
        %parallel_loop3A_402 = arith.index_cast %parallel_loop3A_235 : i32 to index
        %parallel_loop3A_403 = tpu.vector_load %arg14[%parallel_loop3A_401, %parallel_loop3A_402] {strides = array<i32>} : memref<16x256xf32, #tpu.memory_space<vmem>>, vector<16xf32>,
        tpu.vector_store %arg14[%parallel_loop3A_401, %parallel_loop3A_402], %parallel_loop3A_399 {strides = array<i32>} : memref<16x256xf32, #tpu.memory_space<vmem>>, vector<16xf32>,
        %parallel_loop3A_404 = arith.constant 3 : i32
        %parallel_loop3A_405 = vector.broadcast %parallel_loop3A_404 : i32 to vector<16xi32>
        %parallel_loop3A_406 = arith.constant 3 : i32
        %parallel_loop3A_407 = arith.index_cast %parallel_loop3A_406 : i32 to index
        %parallel_loop3A_408 = arith.index_cast %parallel_loop3A_235 : i32 to index
        %parallel_loop3A_409 = tpu.vector_load %arg12[%parallel_loop3A_407, %parallel_loop3A_408] {strides = array<i32>} : memref<16x256xf32, #tpu.memory_space<vmem>>, vector<16xf32>,
        %parallel_loop3A_410 = tpu.vector_load_idx %arg7[%parallel_loop3A_405, %parallel_loop3A_239] : memref<16x2056xf32, #tpu.memory_space<vmem>>[vector<16xi32>, vector<16xi32>], vector<16xf32>,
        %parallel_loop3A_411 = tpu.vector_load_idx %arg7[%parallel_loop3A_405, %parallel_loop3A_243] : memref<16x2056xf32, #tpu.memory_space<vmem>>[vector<16xi32>, vector<16xi32>], vector<16xf32>,
        %parallel_loop3A_412 = tpu.vector_load_idx %arg7[%parallel_loop3A_405, %parallel_loop3A_247] : memref<16x2056xf32, #tpu.memory_space<vmem>>[vector<16xi32>, vector<16xi32>], vector<16xf32>,
        %parallel_loop3A_413 = tpu.vector_load_idx %arg7[%parallel_loop3A_405, %parallel_loop3A_251] : memref<16x2056xf32, #tpu.memory_space<vmem>>[vector<16xi32>, vector<16xi32>], vector<16xf32>,
        %parallel_loop3A_414 = tpu.vector_load_idx %arg7[%parallel_loop3A_405, %parallel_loop3A_255] : memref<16x2056xf32, #tpu.memory_space<vmem>>[vector<16xi32>, vector<16xi32>], vector<16xf32>,
        %parallel_loop3A_415 = tpu.vector_load_idx %arg7[%parallel_loop3A_405, %parallel_loop3A_259] : memref<16x2056xf32, #tpu.memory_space<vmem>>[vector<16xi32>, vector<16xi32>], vector<16xf32>,
        %parallel_loop3A_416 = tpu.vector_load_idx %arg7[%parallel_loop3A_405, %parallel_loop3A_263] : memref<16x2056xf32, #tpu.memory_space<vmem>>[vector<16xi32>, vector<16xi32>], vector<16xf32>,
        %parallel_loop3A_417 = tpu.vector_load_idx %arg7[%parallel_loop3A_405, %parallel_loop3A_267] : memref<16x2056xf32, #tpu.memory_space<vmem>>[vector<16xi32>, vector<16xi32>], vector<16xf32>,
        %parallel_loop3A_418 = arith.mulf %parallel_loop3A_283, %parallel_loop3A_417 : vector<16xf32>
        %parallel_loop3A_419 = tpu.vector_load_idx %arg7[%parallel_loop3A_405, %parallel_loop3A_271] : memref<16x2056xf32, #tpu.memory_space<vmem>>[vector<16xi32>, vector<16xi32>], vector<16xf32>,
        %parallel_loop3A_420 = arith.mulf %parallel_loop3A_287, %parallel_loop3A_419 : vector<16xf32>
        %parallel_loop3A_421 = tpu.vector_load_idx %arg7[%parallel_loop3A_405, %parallel_loop3A_275] : memref<16x2056xf32, #tpu.memory_space<vmem>>[vector<16xi32>, vector<16xi32>], vector<16xf32>,
        %parallel_loop3A_422 = arith.mulf %parallel_loop3A_291, %parallel_loop3A_421 : vector<16xf32>
        %parallel_loop3A_423 = tpu.vector_load_idx %arg7[%parallel_loop3A_405, %parallel_loop3A_279] : memref<16x2056xf32, #tpu.memory_space<vmem>>[vector<16xi32>, vector<16xi32>], vector<16xf32>,
        %parallel_loop3A_424 = arith.mulf %parallel_loop3A_295, %parallel_loop3A_423 : vector<16xf32>
        %parallel_loop3A_425 = arith.addf %parallel_loop3A_409, %parallel_loop3A_410 : vector<16xf32>
        %parallel_loop3A_426 = arith.addf %parallel_loop3A_411, %parallel_loop3A_412 : vector<16xf32>
        %parallel_loop3A_427 = arith.addf %parallel_loop3A_413, %parallel_loop3A_414 : vector<16xf32>
        %parallel_loop3A_428 = arith.addf %parallel_loop3A_415, %parallel_loop3A_416 : vector<16xf32>
        %parallel_loop3A_429 = arith.addf %parallel_loop3A_418, %parallel_loop3A_420 : vector<16xf32>
        %parallel_loop3A_430 = arith.addf %parallel_loop3A_422, %parallel_loop3A_424 : vector<16xf32>
        %parallel_loop3A_431 = arith.addf %parallel_loop3A_425, %parallel_loop3A_426 : vector<16xf32>
        %parallel_loop3A_432 = arith.addf %parallel_loop3A_427, %parallel_loop3A_428 : vector<16xf32>
        %parallel_loop3A_433 = arith.addf %parallel_loop3A_429, %parallel_loop3A_430 : vector<16xf32>
        %parallel_loop3A_434 = arith.addf %parallel_loop3A_431, %parallel_loop3A_432 : vector<16xf32>
        %parallel_loop3A_435 = arith.addf %parallel_loop3A_434, %parallel_loop3A_433 : vector<16xf32>
        %parallel_loop3A_436 = arith.constant 3 : i32
        %parallel_loop3A_437 = arith.index_cast %parallel_loop3A_436 : i32 to index
        %parallel_loop3A_438 = arith.index_cast %parallel_loop3A_235 : i32 to index
        %parallel_loop3A_439 = tpu.vector_load %arg14[%parallel_loop3A_437, %parallel_loop3A_438] {strides = array<i32>} : memref<16x256xf32, #tpu.memory_space<vmem>>, vector<16xf32>,
        tpu.vector_store %arg14[%parallel_loop3A_437, %parallel_loop3A_438], %parallel_loop3A_435 {strides = array<i32>} : memref<16x256xf32, #tpu.memory_space<vmem>>, vector<16xf32>,
        %parallel_loop3A_440 = arith.constant 4 : i32
        %parallel_loop3A_441 = vector.broadcast %parallel_loop3A_440 : i32 to vector<16xi32>
        %parallel_loop3A_442 = arith.constant 4 : i32
        %parallel_loop3A_443 = arith.index_cast %parallel_loop3A_442 : i32 to index
        %parallel_loop3A_444 = arith.index_cast %parallel_loop3A_235 : i32 to index
        %parallel_loop3A_445 = tpu.vector_load %arg12[%parallel_loop3A_443, %parallel_loop3A_444] {strides = array<i32>} : memref<16x256xf32, #tpu.memory_space<vmem>>, vector<16xf32>,
        %parallel_loop3A_446 = tpu.vector_load_idx %arg7[%parallel_loop3A_441, %parallel_loop3A_239] : memref<16x2056xf32, #tpu.memory_space<vmem>>[vector<16xi32>, vector<16xi32>], vector<16xf32>,
        %parallel_loop3A_447 = tpu.vector_load_idx %arg7[%parallel_loop3A_441, %parallel_loop3A_243] : memref<16x2056xf32, #tpu.memory_space<vmem>>[vector<16xi32>, vector<16xi32>], vector<16xf32>,
        %parallel_loop3A_448 = tpu.vector_load_idx %arg7[%parallel_loop3A_441, %parallel_loop3A_247] : memref<16x2056xf32, #tpu.memory_space<vmem>>[vector<16xi32>, vector<16xi32>], vector<16xf32>,
        %parallel_loop3A_449 = tpu.vector_load_idx %arg7[%parallel_loop3A_441, %parallel_loop3A_251] : memref<16x2056xf32, #tpu.memory_space<vmem>>[vector<16xi32>, vector<16xi32>], vector<16xf32>,
        %parallel_loop3A_450 = tpu.vector_load_idx %arg7[%parallel_loop3A_441, %parallel_loop3A_255] : memref<16x2056xf32, #tpu.memory_space<vmem>>[vector<16xi32>, vector<16xi32>], vector<16xf32>,
        %parallel_loop3A_451 = tpu.vector_load_idx %arg7[%parallel_loop3A_441, %parallel_loop3A_259] : memref<16x2056xf32, #tpu.memory_space<vmem>>[vector<16xi32>, vector<16xi32>], vector<16xf32>,
        %parallel_loop3A_452 = tpu.vector_load_idx %arg7[%parallel_loop3A_441, %parallel_loop3A_263] : memref<16x2056xf32, #tpu.memory_space<vmem>>[vector<16xi32>, vector<16xi32>], vector<16xf32>,
        %parallel_loop3A_453 = tpu.vector_load_idx %arg7[%parallel_loop3A_441, %parallel_loop3A_267] : memref<16x2056xf32, #tpu.memory_space<vmem>>[vector<16xi32>, vector<16xi32>], vector<16xf32>,
        %parallel_loop3A_454 = arith.mulf %parallel_loop3A_283, %parallel_loop3A_453 : vector<16xf32>
        %parallel_loop3A_455 = tpu.vector_load_idx %arg7[%parallel_loop3A_441, %parallel_loop3A_271] : memref<16x2056xf32, #tpu.memory_space<vmem>>[vector<16xi32>, vector<16xi32>], vector<16xf32>,
        %parallel_loop3A_456 = arith.mulf %parallel_loop3A_287, %parallel_loop3A_455 : vector<16xf32>
        %parallel_loop3A_457 = tpu.vector_load_idx %arg7[%parallel_loop3A_441, %parallel_loop3A_275] : memref<16x2056xf32, #tpu.memory_space<vmem>>[vector<16xi32>, vector<16xi32>], vector<16xf32>,
        %parallel_loop3A_458 = arith.mulf %parallel_loop3A_291, %parallel_loop3A_457 : vector<16xf32>
        %parallel_loop3A_459 = tpu.vector_load_idx %arg7[%parallel_loop3A_441, %parallel_loop3A_279] : memref<16x2056xf32, #tpu.memory_space<vmem>>[vector<16xi32>, vector<16xi32>], vector<16xf32>,
        %parallel_loop3A_460 = arith.mulf %parallel_loop3A_295, %parallel_loop3A_459 : vector<16xf32>
        %parallel_loop3A_461 = arith.addf %parallel_loop3A_445, %parallel_loop3A_446 : vector<16xf32>
        %parallel_loop3A_462 = arith.addf %parallel_loop3A_447, %parallel_loop3A_448 : vector<16xf32>
        %parallel_loop3A_463 = arith.addf %parallel_loop3A_449, %parallel_loop3A_450 : vector<16xf32>
        %parallel_loop3A_464 = arith.addf %parallel_loop3A_451, %parallel_loop3A_452 : vector<16xf32>
        %parallel_loop3A_465 = arith.addf %parallel_loop3A_454, %parallel_loop3A_456 : vector<16xf32>
        %parallel_loop3A_466 = arith.addf %parallel_loop3A_458, %parallel_loop3A_460 : vector<16xf32>
        %parallel_loop3A_467 = arith.addf %parallel_loop3A_461, %parallel_loop3A_462 : vector<16xf32>
        %parallel_loop3A_468 = arith.addf %parallel_loop3A_463, %parallel_loop3A_464 : vector<16xf32>
        %parallel_loop3A_469 = arith.addf %parallel_loop3A_465, %parallel_loop3A_466 : vector<16xf32>
        %parallel_loop3A_470 = arith.addf %parallel_loop3A_467, %parallel_loop3A_468 : vector<16xf32>
        %parallel_loop3A_471 = arith.addf %parallel_loop3A_470, %parallel_loop3A_469 : vector<16xf32>
        %parallel_loop3A_472 = arith.constant 4 : i32
        %parallel_loop3A_473 = arith.index_cast %parallel_loop3A_472 : i32 to index
        %parallel_loop3A_474 = arith.index_cast %parallel_loop3A_235 : i32 to index
        %parallel_loop3A_475 = tpu.vector_load %arg14[%parallel_loop3A_473, %parallel_loop3A_474] {strides = array<i32>} : memref<16x256xf32, #tpu.memory_space<vmem>>, vector<16xf32>,
        tpu.vector_store %arg14[%parallel_loop3A_473, %parallel_loop3A_474], %parallel_loop3A_471 {strides = array<i32>} : memref<16x256xf32, #tpu.memory_space<vmem>>, vector<16xf32>,
        %parallel_loop3A_476 = arith.constant 5 : i32
        %parallel_loop3A_477 = vector.broadcast %parallel_loop3A_476 : i32 to vector<16xi32>
        %parallel_loop3A_478 = arith.constant 5 : i32
        %parallel_loop3A_479 = arith.index_cast %parallel_loop3A_478 : i32 to index
        %parallel_loop3A_480 = arith.index_cast %parallel_loop3A_235 : i32 to index
        %parallel_loop3A_481 = tpu.vector_load %arg12[%parallel_loop3A_479, %parallel_loop3A_480] {strides = array<i32>} : memref<16x256xf32, #tpu.memory_space<vmem>>, vector<16xf32>,
        %parallel_loop3A_482 = tpu.vector_load_idx %arg7[%parallel_loop3A_477, %parallel_loop3A_239] : memref<16x2056xf32, #tpu.memory_space<vmem>>[vector<16xi32>, vector<16xi32>], vector<16xf32>,
        %parallel_loop3A_483 = tpu.vector_load_idx %arg7[%parallel_loop3A_477, %parallel_loop3A_243] : memref<16x2056xf32, #tpu.memory_space<vmem>>[vector<16xi32>, vector<16xi32>], vector<16xf32>,
        %parallel_loop3A_484 = tpu.vector_load_idx %arg7[%parallel_loop3A_477, %parallel_loop3A_247] : memref<16x2056xf32, #tpu.memory_space<vmem>>[vector<16xi32>, vector<16xi32>], vector<16xf32>,
        %parallel_loop3A_485 = tpu.vector_load_idx %arg7[%parallel_loop3A_477, %parallel_loop3A_251] : memref<16x2056xf32, #tpu.memory_space<vmem>>[vector<16xi32>, vector<16xi32>], vector<16xf32>,
        %parallel_loop3A_486 = tpu.vector_load_idx %arg7[%parallel_loop3A_477, %parallel_loop3A_255] : memref<16x2056xf32, #tpu.memory_space<vmem>>[vector<16xi32>, vector<16xi32>], vector<16xf32>,
        %parallel_loop3A_487 = tpu.vector_load_idx %arg7[%parallel_loop3A_477, %parallel_loop3A_259] : memref<16x2056xf32, #tpu.memory_space<vmem>>[vector<16xi32>, vector<16xi32>], vector<16xf32>,
        %parallel_loop3A_488 = tpu.vector_load_idx %arg7[%parallel_loop3A_477, %parallel_loop3A_263] : memref<16x2056xf32, #tpu.memory_space<vmem>>[vector<16xi32>, vector<16xi32>], vector<16xf32>,
        %parallel_loop3A_489 = tpu.vector_load_idx %arg7[%parallel_loop3A_477, %parallel_loop3A_267] : memref<16x2056xf32, #tpu.memory_space<vmem>>[vector<16xi32>, vector<16xi32>], vector<16xf32>,
        %parallel_loop3A_490 = arith.mulf %parallel_loop3A_283, %parallel_loop3A_489 : vector<16xf32>
        %parallel_loop3A_491 = tpu.vector_load_idx %arg7[%parallel_loop3A_477, %parallel_loop3A_271] : memref<16x2056xf32, #tpu.memory_space<vmem>>[vector<16xi32>, vector<16xi32>], vector<16xf32>,
        %parallel_loop3A_492 = arith.mulf %parallel_loop3A_287, %parallel_loop3A_491 : vector<16xf32>
        %parallel_loop3A_493 = tpu.vector_load_idx %arg7[%parallel_loop3A_477, %parallel_loop3A_275] : memref<16x2056xf32, #tpu.memory_space<vmem>>[vector<16xi32>, vector<16xi32>], vector<16xf32>,
        %parallel_loop3A_494 = arith.mulf %parallel_loop3A_291, %parallel_loop3A_493 : vector<16xf32>
        %parallel_loop3A_495 = tpu.vector_load_idx %arg7[%parallel_loop3A_477, %parallel_loop3A_279] : memref<16x2056xf32, #tpu.memory_space<vmem>>[vector<16xi32>, vector<16xi32>], vector<16xf32>,
        %parallel_loop3A_496 = arith.mulf %parallel_loop3A_295, %parallel_loop3A_495 : vector<16xf32>
        %parallel_loop3A_497 = arith.addf %parallel_loop3A_481, %parallel_loop3A_482 : vector<16xf32>
        %parallel_loop3A_498 = arith.addf %parallel_loop3A_483, %parallel_loop3A_484 : vector<16xf32>
        %parallel_loop3A_499 = arith.addf %parallel_loop3A_485, %parallel_loop3A_486 : vector<16xf32>
        %parallel_loop3A_500 = arith.addf %parallel_loop3A_487, %parallel_loop3A_488 : vector<16xf32>
        %parallel_loop3A_501 = arith.addf %parallel_loop3A_490, %parallel_loop3A_492 : vector<16xf32>
        %parallel_loop3A_502 = arith.addf %parallel_loop3A_494, %parallel_loop3A_496 : vector<16xf32>
        %parallel_loop3A_503 = arith.addf %parallel_loop3A_497, %parallel_loop3A_498 : vector<16xf32>
        %parallel_loop3A_504 = arith.addf %parallel_loop3A_499, %parallel_loop3A_500 : vector<16xf32>
        %parallel_loop3A_505 = arith.addf %parallel_loop3A_501, %parallel_loop3A_502 : vector<16xf32>
        %parallel_loop3A_506 = arith.addf %parallel_loop3A_503, %parallel_loop3A_504 : vector<16xf32>
        %parallel_loop3A_507 = arith.addf %parallel_loop3A_506, %parallel_loop3A_505 : vector<16xf32>
        %parallel_loop3A_508 = arith.constant 5 : i32
        %parallel_loop3A_509 = arith.index_cast %parallel_loop3A_508 : i32 to index
        %parallel_loop3A_510 = arith.index_cast %parallel_loop3A_235 : i32 to index
        %parallel_loop3A_511 = tpu.vector_load %arg14[%parallel_loop3A_509, %parallel_loop3A_510] {strides = array<i32>} : memref<16x256xf32, #tpu.memory_space<vmem>>, vector<16xf32>,
        tpu.vector_store %arg14[%parallel_loop3A_509, %parallel_loop3A_510], %parallel_loop3A_507 {strides = array<i32>} : memref<16x256xf32, #tpu.memory_space<vmem>>, vector<16xf32>,
        %parallel_loop3A_512 = arith.constant 6 : i32
        %parallel_loop3A_513 = vector.broadcast %parallel_loop3A_512 : i32 to vector<16xi32>
        %parallel_loop3A_514 = arith.constant 6 : i32
        %parallel_loop3A_515 = arith.index_cast %parallel_loop3A_514 : i32 to index
        %parallel_loop3A_516 = arith.index_cast %parallel_loop3A_235 : i32 to index
        %parallel_loop3A_517 = tpu.vector_load %arg12[%parallel_loop3A_515, %parallel_loop3A_516] {strides = array<i32>} : memref<16x256xf32, #tpu.memory_space<vmem>>, vector<16xf32>,
        %parallel_loop3A_518 = tpu.vector_load_idx %arg7[%parallel_loop3A_513, %parallel_loop3A_239] : memref<16x2056xf32, #tpu.memory_space<vmem>>[vector<16xi32>, vector<16xi32>], vector<16xf32>,
        %parallel_loop3A_519 = tpu.vector_load_idx %arg7[%parallel_loop3A_513, %parallel_loop3A_243] : memref<16x2056xf32, #tpu.memory_space<vmem>>[vector<16xi32>, vector<16xi32>], vector<16xf32>,
        %parallel_loop3A_520 = tpu.vector_load_idx %arg7[%parallel_loop3A_513, %parallel_loop3A_247] : memref<16x2056xf32, #tpu.memory_space<vmem>>[vector<16xi32>, vector<16xi32>], vector<16xf32>,
        %parallel_loop3A_521 = tpu.vector_load_idx %arg7[%parallel_loop3A_513, %parallel_loop3A_251] : memref<16x2056xf32, #tpu.memory_space<vmem>>[vector<16xi32>, vector<16xi32>], vector<16xf32>,
        %parallel_loop3A_522 = tpu.vector_load_idx %arg7[%parallel_loop3A_513, %parallel_loop3A_255] : memref<16x2056xf32, #tpu.memory_space<vmem>>[vector<16xi32>, vector<16xi32>], vector<16xf32>,
        %parallel_loop3A_523 = tpu.vector_load_idx %arg7[%parallel_loop3A_513, %parallel_loop3A_259] : memref<16x2056xf32, #tpu.memory_space<vmem>>[vector<16xi32>, vector<16xi32>], vector<16xf32>,
        %parallel_loop3A_524 = tpu.vector_load_idx %arg7[%parallel_loop3A_513, %parallel_loop3A_263] : memref<16x2056xf32, #tpu.memory_space<vmem>>[vector<16xi32>, vector<16xi32>], vector<16xf32>,
        %parallel_loop3A_525 = tpu.vector_load_idx %arg7[%parallel_loop3A_513, %parallel_loop3A_267] : memref<16x2056xf32, #tpu.memory_space<vmem>>[vector<16xi32>, vector<16xi32>], vector<16xf32>,
        %parallel_loop3A_526 = arith.mulf %parallel_loop3A_283, %parallel_loop3A_525 : vector<16xf32>
        %parallel_loop3A_527 = tpu.vector_load_idx %arg7[%parallel_loop3A_513, %parallel_loop3A_271] : memref<16x2056xf32, #tpu.memory_space<vmem>>[vector<16xi32>, vector<16xi32>], vector<16xf32>,
        %parallel_loop3A_528 = arith.mulf %parallel_loop3A_287, %parallel_loop3A_527 : vector<16xf32>
        %parallel_loop3A_529 = tpu.vector_load_idx %arg7[%parallel_loop3A_513, %parallel_loop3A_275] : memref<16x2056xf32, #tpu.memory_space<vmem>>[vector<16xi32>, vector<16xi32>], vector<16xf32>,
        %parallel_loop3A_530 = arith.mulf %parallel_loop3A_291, %parallel_loop3A_529 : vector<16xf32>
        %parallel_loop3A_531 = tpu.vector_load_idx %arg7[%parallel_loop3A_513, %parallel_loop3A_279] : memref<16x2056xf32, #tpu.memory_space<vmem>>[vector<16xi32>, vector<16xi32>], vector<16xf32>,
        %parallel_loop3A_532 = arith.mulf %parallel_loop3A_295, %parallel_loop3A_531 : vector<16xf32>
        %parallel_loop3A_533 = arith.addf %parallel_loop3A_517, %parallel_loop3A_518 : vector<16xf32>
        %parallel_loop3A_534 = arith.addf %parallel_loop3A_519, %parallel_loop3A_520 : vector<16xf32>
        %parallel_loop3A_535 = arith.addf %parallel_loop3A_521, %parallel_loop3A_522 : vector<16xf32>
        %parallel_loop3A_536 = arith.addf %parallel_loop3A_523, %parallel_loop3A_524 : vector<16xf32>
        %parallel_loop3A_537 = arith.addf %parallel_loop3A_526, %parallel_loop3A_528 : vector<16xf32>
        %parallel_loop3A_538 = arith.addf %parallel_loop3A_530, %parallel_loop3A_532 : vector<16xf32>
        %parallel_loop3A_539 = arith.addf %parallel_loop3A_533, %parallel_loop3A_534 : vector<16xf32>
        %parallel_loop3A_540 = arith.addf %parallel_loop3A_535, %parallel_loop3A_536 : vector<16xf32>
        %parallel_loop3A_541 = arith.addf %parallel_loop3A_537, %parallel_loop3A_538 : vector<16xf32>
        %parallel_loop3A_542 = arith.addf %parallel_loop3A_539, %parallel_loop3A_540 : vector<16xf32>
        %parallel_loop3A_543 = arith.addf %parallel_loop3A_542, %parallel_loop3A_541 : vector<16xf32>
        %parallel_loop3A_544 = arith.constant 6 : i32
        %parallel_loop3A_545 = arith.index_cast %parallel_loop3A_544 : i32 to index
        %parallel_loop3A_546 = arith.index_cast %parallel_loop3A_235 : i32 to index
        %parallel_loop3A_547 = tpu.vector_load %arg14[%parallel_loop3A_545, %parallel_loop3A_546] {strides = array<i32>} : memref<16x256xf32, #tpu.memory_space<vmem>>, vector<16xf32>,
        tpu.vector_store %arg14[%parallel_loop3A_545, %parallel_loop3A_546], %parallel_loop3A_543 {strides = array<i32>} : memref<16x256xf32, #tpu.memory_space<vmem>>, vector<16xf32>,
        %parallel_loop3A_548 = arith.constant 7 : i32
        %parallel_loop3A_549 = vector.broadcast %parallel_loop3A_548 : i32 to vector<16xi32>
        %parallel_loop3A_550 = arith.constant 7 : i32
        %parallel_loop3A_551 = arith.index_cast %parallel_loop3A_550 : i32 to index
        %parallel_loop3A_552 = arith.index_cast %parallel_loop3A_235 : i32 to index
        %parallel_loop3A_553 = tpu.vector_load %arg12[%parallel_loop3A_551, %parallel_loop3A_552] {strides = array<i32>} : memref<16x256xf32, #tpu.memory_space<vmem>>, vector<16xf32>,
        %parallel_loop3A_554 = tpu.vector_load_idx %arg7[%parallel_loop3A_549, %parallel_loop3A_239] : memref<16x2056xf32, #tpu.memory_space<vmem>>[vector<16xi32>, vector<16xi32>], vector<16xf32>,
        %parallel_loop3A_555 = tpu.vector_load_idx %arg7[%parallel_loop3A_549, %parallel_loop3A_243] : memref<16x2056xf32, #tpu.memory_space<vmem>>[vector<16xi32>, vector<16xi32>], vector<16xf32>,
        %parallel_loop3A_556 = tpu.vector_load_idx %arg7[%parallel_loop3A_549, %parallel_loop3A_247] : memref<16x2056xf32, #tpu.memory_space<vmem>>[vector<16xi32>, vector<16xi32>], vector<16xf32>,
        %parallel_loop3A_557 = tpu.vector_load_idx %arg7[%parallel_loop3A_549, %parallel_loop3A_251] : memref<16x2056xf32, #tpu.memory_space<vmem>>[vector<16xi32>, vector<16xi32>], vector<16xf32>,
        %parallel_loop3A_558 = tpu.vector_load_idx %arg7[%parallel_loop3A_549, %parallel_loop3A_255] : memref<16x2056xf32, #tpu.memory_space<vmem>>[vector<16xi32>, vector<16xi32>], vector<16xf32>,
        %parallel_loop3A_559 = tpu.vector_load_idx %arg7[%parallel_loop3A_549, %parallel_loop3A_259] : memref<16x2056xf32, #tpu.memory_space<vmem>>[vector<16xi32>, vector<16xi32>], vector<16xf32>,
        %parallel_loop3A_560 = tpu.vector_load_idx %arg7[%parallel_loop3A_549, %parallel_loop3A_263] : memref<16x2056xf32, #tpu.memory_space<vmem>>[vector<16xi32>, vector<16xi32>], vector<16xf32>,
        %parallel_loop3A_561 = tpu.vector_load_idx %arg7[%parallel_loop3A_549, %parallel_loop3A_267] : memref<16x2056xf32, #tpu.memory_space<vmem>>[vector<16xi32>, vector<16xi32>], vector<16xf32>,
        %parallel_loop3A_562 = arith.mulf %parallel_loop3A_283, %parallel_loop3A_561 : vector<16xf32>
        %parallel_loop3A_563 = tpu.vector_load_idx %arg7[%parallel_loop3A_549, %parallel_loop3A_271] : memref<16x2056xf32, #tpu.memory_space<vmem>>[vector<16xi32>, vector<16xi32>], vector<16xf32>,
        %parallel_loop3A_564 = arith.mulf %parallel_loop3A_287, %parallel_loop3A_563 : vector<16xf32>
        %parallel_loop3A_565 = tpu.vector_load_idx %arg7[%parallel_loop3A_549, %parallel_loop3A_275] : memref<16x2056xf32, #tpu.memory_space<vmem>>[vector<16xi32>, vector<16xi32>], vector<16xf32>,
        %parallel_loop3A_566 = arith.mulf %parallel_loop3A_291, %parallel_loop3A_565 : vector<16xf32>
        %parallel_loop3A_567 = tpu.vector_load_idx %arg7[%parallel_loop3A_549, %parallel_loop3A_279] : memref<16x2056xf32, #tpu.memory_space<vmem>>[vector<16xi32>, vector<16xi32>], vector<16xf32>,
        %parallel_loop3A_568 = arith.mulf %parallel_loop3A_295, %parallel_loop3A_567 : vector<16xf32>
        %parallel_loop3A_569 = arith.addf %parallel_loop3A_553, %parallel_loop3A_554 : vector<16xf32>
        %parallel_loop3A_570 = arith.addf %parallel_loop3A_555, %parallel_loop3A_556 : vector<16xf32>
        %parallel_loop3A_571 = arith.addf %parallel_loop3A_557, %parallel_loop3A_558 : vector<16xf32>
        %parallel_loop3A_572 = arith.addf %parallel_loop3A_559, %parallel_loop3A_560 : vector<16xf32>
        %parallel_loop3A_573 = arith.addf %parallel_loop3A_562, %parallel_loop3A_564 : vector<16xf32>
        %parallel_loop3A_574 = arith.addf %parallel_loop3A_566, %parallel_loop3A_568 : vector<16xf32>
        %parallel_loop3A_575 = arith.addf %parallel_loop3A_569, %parallel_loop3A_570 : vector<16xf32>
        %parallel_loop3A_576 = arith.addf %parallel_loop3A_571, %parallel_loop3A_572 : vector<16xf32>
        %parallel_loop3A_577 = arith.addf %parallel_loop3A_573, %parallel_loop3A_574 : vector<16xf32>
        %parallel_loop3A_578 = arith.addf %parallel_loop3A_575, %parallel_loop3A_576 : vector<16xf32>
        %parallel_loop3A_579 = arith.addf %parallel_loop3A_578, %parallel_loop3A_577 : vector<16xf32>
        %parallel_loop3A_580 = arith.constant 7 : i32
        %parallel_loop3A_581 = arith.index_cast %parallel_loop3A_580 : i32 to index
        %parallel_loop3A_582 = arith.index_cast %parallel_loop3A_235 : i32 to index
        %parallel_loop3A_583 = tpu.vector_load %arg14[%parallel_loop3A_581, %parallel_loop3A_582] {strides = array<i32>} : memref<16x256xf32, #tpu.memory_space<vmem>>, vector<16xf32>,
        tpu.vector_store %arg14[%parallel_loop3A_581, %parallel_loop3A_582], %parallel_loop3A_579 {strides = array<i32>} : memref<16x256xf32, #tpu.memory_space<vmem>>, vector<16xf32>,
        %parallel_loop3A_584 = arith.constant 8 : i32
        %parallel_loop3A_585 = vector.broadcast %parallel_loop3A_584 : i32 to vector<16xi32>
        %parallel_loop3A_586 = arith.constant 8 : i32
        %parallel_loop3A_587 = arith.index_cast %parallel_loop3A_586 : i32 to index
        %parallel_loop3A_588 = arith.index_cast %parallel_loop3A_235 : i32 to index
        %parallel_loop3A_589 = tpu.vector_load %arg12[%parallel_loop3A_587, %parallel_loop3A_588] {strides = array<i32>} : memref<16x256xf32, #tpu.memory_space<vmem>>, vector<16xf32>,
        %parallel_loop3A_590 = tpu.vector_load_idx %arg7[%parallel_loop3A_585, %parallel_loop3A_239] : memref<16x2056xf32, #tpu.memory_space<vmem>>[vector<16xi32>, vector<16xi32>], vector<16xf32>,
        %parallel_loop3A_591 = tpu.vector_load_idx %arg7[%parallel_loop3A_585, %parallel_loop3A_243] : memref<16x2056xf32, #tpu.memory_space<vmem>>[vector<16xi32>, vector<16xi32>], vector<16xf32>,
        %parallel_loop3A_592 = tpu.vector_load_idx %arg7[%parallel_loop3A_585, %parallel_loop3A_247] : memref<16x2056xf32, #tpu.memory_space<vmem>>[vector<16xi32>, vector<16xi32>], vector<16xf32>,
        %parallel_loop3A_593 = tpu.vector_load_idx %arg7[%parallel_loop3A_585, %parallel_loop3A_251] : memref<16x2056xf32, #tpu.memory_space<vmem>>[vector<16xi32>, vector<16xi32>], vector<16xf32>,
        %parallel_loop3A_594 = tpu.vector_load_idx %arg7[%parallel_loop3A_585, %parallel_loop3A_255] : memref<16x2056xf32, #tpu.memory_space<vmem>>[vector<16xi32>, vector<16xi32>], vector<16xf32>,
        %parallel_loop3A_595 = tpu.vector_load_idx %arg7[%parallel_loop3A_585, %parallel_loop3A_259] : memref<16x2056xf32, #tpu.memory_space<vmem>>[vector<16xi32>, vector<16xi32>], vector<16xf32>,
        %parallel_loop3A_596 = tpu.vector_load_idx %arg7[%parallel_loop3A_585, %parallel_loop3A_263] : memref<16x2056xf32, #tpu.memory_space<vmem>>[vector<16xi32>, vector<16xi32>], vector<16xf32>,
        %parallel_loop3A_597 = tpu.vector_load_idx %arg7[%parallel_loop3A_585, %parallel_loop3A_267] : memref<16x2056xf32, #tpu.memory_space<vmem>>[vector<16xi32>, vector<16xi32>], vector<16xf32>,
        %parallel_loop3A_598 = arith.mulf %parallel_loop3A_283, %parallel_loop3A_597 : vector<16xf32>
        %parallel_loop3A_599 = tpu.vector_load_idx %arg7[%parallel_loop3A_585, %parallel_loop3A_271] : memref<16x2056xf32, #tpu.memory_space<vmem>>[vector<16xi32>, vector<16xi32>], vector<16xf32>,
        %parallel_loop3A_600 = arith.mulf %parallel_loop3A_287, %parallel_loop3A_599 : vector<16xf32>
        %parallel_loop3A_601 = tpu.vector_load_idx %arg7[%parallel_loop3A_585, %parallel_loop3A_275] : memref<16x2056xf32, #tpu.memory_space<vmem>>[vector<16xi32>, vector<16xi32>], vector<16xf32>,
        %parallel_loop3A_602 = arith.mulf %parallel_loop3A_291, %parallel_loop3A_601 : vector<16xf32>
        %parallel_loop3A_603 = tpu.vector_load_idx %arg7[%parallel_loop3A_585, %parallel_loop3A_279] : memref<16x2056xf32, #tpu.memory_space<vmem>>[vector<16xi32>, vector<16xi32>], vector<16xf32>,
        %parallel_loop3A_604 = arith.mulf %parallel_loop3A_295, %parallel_loop3A_603 : vector<16xf32>
        %parallel_loop3A_605 = arith.addf %parallel_loop3A_589, %parallel_loop3A_590 : vector<16xf32>
        %parallel_loop3A_606 = arith.addf %parallel_loop3A_591, %parallel_loop3A_592 : vector<16xf32>
        %parallel_loop3A_607 = arith.addf %parallel_loop3A_593, %parallel_loop3A_594 : vector<16xf32>
        %parallel_loop3A_608 = arith.addf %parallel_loop3A_595, %parallel_loop3A_596 : vector<16xf32>
        %parallel_loop3A_609 = arith.addf %parallel_loop3A_598, %parallel_loop3A_600 : vector<16xf32>
        %parallel_loop3A_610 = arith.addf %parallel_loop3A_602, %parallel_loop3A_604 : vector<16xf32>
        %parallel_loop3A_611 = arith.addf %parallel_loop3A_605, %parallel_loop3A_606 : vector<16xf32>
        %parallel_loop3A_612 = arith.addf %parallel_loop3A_607, %parallel_loop3A_608 : vector<16xf32>
        %parallel_loop3A_613 = arith.addf %parallel_loop3A_609, %parallel_loop3A_610 : vector<16xf32>
        %parallel_loop3A_614 = arith.addf %parallel_loop3A_611, %parallel_loop3A_612 : vector<16xf32>
        %parallel_loop3A_615 = arith.addf %parallel_loop3A_614, %parallel_loop3A_613 : vector<16xf32>
        %parallel_loop3A_616 = arith.constant 8 : i32
        %parallel_loop3A_617 = arith.index_cast %parallel_loop3A_616 : i32 to index
        %parallel_loop3A_618 = arith.index_cast %parallel_loop3A_235 : i32 to index
        %parallel_loop3A_619 = tpu.vector_load %arg14[%parallel_loop3A_617, %parallel_loop3A_618] {strides = array<i32>} : memref<16x256xf32, #tpu.memory_space<vmem>>, vector<16xf32>,
        tpu.vector_store %arg14[%parallel_loop3A_617, %parallel_loop3A_618], %parallel_loop3A_615 {strides = array<i32>} : memref<16x256xf32, #tpu.memory_space<vmem>>, vector<16xf32>,
        %parallel_loop3A_620 = arith.constant 9 : i32
        %parallel_loop3A_621 = vector.broadcast %parallel_loop3A_620 : i32 to vector<16xi32>
        %parallel_loop3A_622 = arith.constant 9 : i32
        %parallel_loop3A_623 = arith.index_cast %parallel_loop3A_622 : i32 to index
        %parallel_loop3A_624 = arith.index_cast %parallel_loop3A_235 : i32 to index
        %parallel_loop3A_625 = tpu.vector_load %arg12[%parallel_loop3A_623, %parallel_loop3A_624] {strides = array<i32>} : memref<16x256xf32, #tpu.memory_space<vmem>>, vector<16xf32>,
        %parallel_loop3A_626 = tpu.vector_load_idx %arg7[%parallel_loop3A_621, %parallel_loop3A_239] : memref<16x2056xf32, #tpu.memory_space<vmem>>[vector<16xi32>, vector<16xi32>], vector<16xf32>,
        %parallel_loop3A_627 = tpu.vector_load_idx %arg7[%parallel_loop3A_621, %parallel_loop3A_243] : memref<16x2056xf32, #tpu.memory_space<vmem>>[vector<16xi32>, vector<16xi32>], vector<16xf32>,
        %parallel_loop3A_628 = tpu.vector_load_idx %arg7[%parallel_loop3A_621, %parallel_loop3A_247] : memref<16x2056xf32, #tpu.memory_space<vmem>>[vector<16xi32>, vector<16xi32>], vector<16xf32>,
        %parallel_loop3A_629 = tpu.vector_load_idx %arg7[%parallel_loop3A_621, %parallel_loop3A_251] : memref<16x2056xf32, #tpu.memory_space<vmem>>[vector<16xi32>, vector<16xi32>], vector<16xf32>,
        %parallel_loop3A_630 = tpu.vector_load_idx %arg7[%parallel_loop3A_621, %parallel_loop3A_255] : memref<16x2056xf32, #tpu.memory_space<vmem>>[vector<16xi32>, vector<16xi32>], vector<16xf32>,
        %parallel_loop3A_631 = tpu.vector_load_idx %arg7[%parallel_loop3A_621, %parallel_loop3A_259] : memref<16x2056xf32, #tpu.memory_space<vmem>>[vector<16xi32>, vector<16xi32>], vector<16xf32>,
        %parallel_loop3A_632 = tpu.vector_load_idx %arg7[%parallel_loop3A_621, %parallel_loop3A_263] : memref<16x2056xf32, #tpu.memory_space<vmem>>[vector<16xi32>, vector<16xi32>], vector<16xf32>,
        %parallel_loop3A_633 = tpu.vector_load_idx %arg7[%parallel_loop3A_621, %parallel_loop3A_267] : memref<16x2056xf32, #tpu.memory_space<vmem>>[vector<16xi32>, vector<16xi32>], vector<16xf32>,
        %parallel_loop3A_634 = arith.mulf %parallel_loop3A_283, %parallel_loop3A_633 : vector<16xf32>
        %parallel_loop3A_635 = tpu.vector_load_idx %arg7[%parallel_loop3A_621, %parallel_loop3A_271] : memref<16x2056xf32, #tpu.memory_space<vmem>>[vector<16xi32>, vector<16xi32>], vector<16xf32>,
        %parallel_loop3A_636 = arith.mulf %parallel_loop3A_287, %parallel_loop3A_635 : vector<16xf32>
        %parallel_loop3A_637 = tpu.vector_load_idx %arg7[%parallel_loop3A_621, %parallel_loop3A_275] : memref<16x2056xf32, #tpu.memory_space<vmem>>[vector<16xi32>, vector<16xi32>], vector<16xf32>,
        %parallel_loop3A_638 = arith.mulf %parallel_loop3A_291, %parallel_loop3A_637 : vector<16xf32>
        %parallel_loop3A_639 = tpu.vector_load_idx %arg7[%parallel_loop3A_621, %parallel_loop3A_279] : memref<16x2056xf32, #tpu.memory_space<vmem>>[vector<16xi32>, vector<16xi32>], vector<16xf32>,
        %parallel_loop3A_640 = arith.mulf %parallel_loop3A_295, %parallel_loop3A_639 : vector<16xf32>
        %parallel_loop3A_641 = arith.addf %parallel_loop3A_625, %parallel_loop3A_626 : vector<16xf32>
        %parallel_loop3A_642 = arith.addf %parallel_loop3A_627, %parallel_loop3A_628 : vector<16xf32>
        %parallel_loop3A_643 = arith.addf %parallel_loop3A_629, %parallel_loop3A_630 : vector<16xf32>
        %parallel_loop3A_644 = arith.addf %parallel_loop3A_631, %parallel_loop3A_632 : vector<16xf32>
        %parallel_loop3A_645 = arith.addf %parallel_loop3A_634, %parallel_loop3A_636 : vector<16xf32>
        %parallel_loop3A_646 = arith.addf %parallel_loop3A_638, %parallel_loop3A_640 : vector<16xf32>
        %parallel_loop3A_647 = arith.addf %parallel_loop3A_641, %parallel_loop3A_642 : vector<16xf32>
        %parallel_loop3A_648 = arith.addf %parallel_loop3A_643, %parallel_loop3A_644 : vector<16xf32>
        %parallel_loop3A_649 = arith.addf %parallel_loop3A_645, %parallel_loop3A_646 : vector<16xf32>
        %parallel_loop3A_650 = arith.addf %parallel_loop3A_647, %parallel_loop3A_648 : vector<16xf32>
        %parallel_loop3A_651 = arith.addf %parallel_loop3A_650, %parallel_loop3A_649 : vector<16xf32>
        %parallel_loop3A_652 = arith.constant 9 : i32
        %parallel_loop3A_653 = arith.index_cast %parallel_loop3A_652 : i32 to index
        %parallel_loop3A_654 = arith.index_cast %parallel_loop3A_235 : i32 to index
        %parallel_loop3A_655 = tpu.vector_load %arg14[%parallel_loop3A_653, %parallel_loop3A_654] {strides = array<i32>} : memref<16x256xf32, #tpu.memory_space<vmem>>, vector<16xf32>,
        tpu.vector_store %arg14[%parallel_loop3A_653, %parallel_loop3A_654], %parallel_loop3A_651 {strides = array<i32>} : memref<16x256xf32, #tpu.memory_space<vmem>>, vector<16xf32>,
        %parallel_loop3A_656 = arith.constant 10 : i32
        %parallel_loop3A_657 = vector.broadcast %parallel_loop3A_656 : i32 to vector<16xi32>
        %parallel_loop3A_658 = arith.constant 10 : i32
        %parallel_loop3A_659 = arith.index_cast %parallel_loop3A_658 : i32 to index
        %parallel_loop3A_660 = arith.index_cast %parallel_loop3A_235 : i32 to index
        %parallel_loop3A_661 = tpu.vector_load %arg12[%parallel_loop3A_659, %parallel_loop3A_660] {strides = array<i32>} : memref<16x256xf32, #tpu.memory_space<vmem>>, vector<16xf32>,
        %parallel_loop3A_662 = tpu.vector_load_idx %arg7[%parallel_loop3A_657, %parallel_loop3A_239] : memref<16x2056xf32, #tpu.memory_space<vmem>>[vector<16xi32>, vector<16xi32>], vector<16xf32>,
        %parallel_loop3A_663 = tpu.vector_load_idx %arg7[%parallel_loop3A_657, %parallel_loop3A_243] : memref<16x2056xf32, #tpu.memory_space<vmem>>[vector<16xi32>, vector<16xi32>], vector<16xf32>,
        %parallel_loop3A_664 = tpu.vector_load_idx %arg7[%parallel_loop3A_657, %parallel_loop3A_247] : memref<16x2056xf32, #tpu.memory_space<vmem>>[vector<16xi32>, vector<16xi32>], vector<16xf32>,
        %parallel_loop3A_665 = tpu.vector_load_idx %arg7[%parallel_loop3A_657, %parallel_loop3A_251] : memref<16x2056xf32, #tpu.memory_space<vmem>>[vector<16xi32>, vector<16xi32>], vector<16xf32>,
        %parallel_loop3A_666 = tpu.vector_load_idx %arg7[%parallel_loop3A_657, %parallel_loop3A_255] : memref<16x2056xf32, #tpu.memory_space<vmem>>[vector<16xi32>, vector<16xi32>], vector<16xf32>,
        %parallel_loop3A_667 = tpu.vector_load_idx %arg7[%parallel_loop3A_657, %parallel_loop3A_259] : memref<16x2056xf32, #tpu.memory_space<vmem>>[vector<16xi32>, vector<16xi32>], vector<16xf32>,
        %parallel_loop3A_668 = tpu.vector_load_idx %arg7[%parallel_loop3A_657, %parallel_loop3A_263] : memref<16x2056xf32, #tpu.memory_space<vmem>>[vector<16xi32>, vector<16xi32>], vector<16xf32>,
        %parallel_loop3A_669 = tpu.vector_load_idx %arg7[%parallel_loop3A_657, %parallel_loop3A_267] : memref<16x2056xf32, #tpu.memory_space<vmem>>[vector<16xi32>, vector<16xi32>], vector<16xf32>,
        %parallel_loop3A_670 = arith.mulf %parallel_loop3A_283, %parallel_loop3A_669 : vector<16xf32>
        %parallel_loop3A_671 = tpu.vector_load_idx %arg7[%parallel_loop3A_657, %parallel_loop3A_271] : memref<16x2056xf32, #tpu.memory_space<vmem>>[vector<16xi32>, vector<16xi32>], vector<16xf32>,
        %parallel_loop3A_672 = arith.mulf %parallel_loop3A_287, %parallel_loop3A_671 : vector<16xf32>
        %parallel_loop3A_673 = tpu.vector_load_idx %arg7[%parallel_loop3A_657, %parallel_loop3A_275] : memref<16x2056xf32, #tpu.memory_space<vmem>>[vector<16xi32>, vector<16xi32>], vector<16xf32>,
        %parallel_loop3A_674 = arith.mulf %parallel_loop3A_291, %parallel_loop3A_673 : vector<16xf32>
        %parallel_loop3A_675 = tpu.vector_load_idx %arg7[%parallel_loop3A_657, %parallel_loop3A_279] : memref<16x2056xf32, #tpu.memory_space<vmem>>[vector<16xi32>, vector<16xi32>], vector<16xf32>,
        %parallel_loop3A_676 = arith.mulf %parallel_loop3A_295, %parallel_loop3A_675 : vector<16xf32>
        %parallel_loop3A_677 = arith.addf %parallel_loop3A_661, %parallel_loop3A_662 : vector<16xf32>
        %parallel_loop3A_678 = arith.addf %parallel_loop3A_663, %parallel_loop3A_664 : vector<16xf32>
        %parallel_loop3A_679 = arith.addf %parallel_loop3A_665, %parallel_loop3A_666 : vector<16xf32>
        %parallel_loop3A_680 = arith.addf %parallel_loop3A_667, %parallel_loop3A_668 : vector<16xf32>
        %parallel_loop3A_681 = arith.addf %parallel_loop3A_670, %parallel_loop3A_672 : vector<16xf32>
        %parallel_loop3A_682 = arith.addf %parallel_loop3A_674, %parallel_loop3A_676 : vector<16xf32>
        %parallel_loop3A_683 = arith.addf %parallel_loop3A_677, %parallel_loop3A_678 : vector<16xf32>
        %parallel_loop3A_684 = arith.addf %parallel_loop3A_679, %parallel_loop3A_680 : vector<16xf32>
        %parallel_loop3A_685 = arith.addf %parallel_loop3A_681, %parallel_loop3A_682 : vector<16xf32>
        %parallel_loop3A_686 = arith.addf %parallel_loop3A_683, %parallel_loop3A_684 : vector<16xf32>
        %parallel_loop3A_687 = arith.addf %parallel_loop3A_686, %parallel_loop3A_685 : vector<16xf32>
        %parallel_loop3A_688 = arith.constant 10 : i32
        %parallel_loop3A_689 = arith.index_cast %parallel_loop3A_688 : i32 to index
        %parallel_loop3A_690 = arith.index_cast %parallel_loop3A_235 : i32 to index
        %parallel_loop3A_691 = tpu.vector_load %arg14[%parallel_loop3A_689, %parallel_loop3A_690] {strides = array<i32>} : memref<16x256xf32, #tpu.memory_space<vmem>>, vector<16xf32>,
        tpu.vector_store %arg14[%parallel_loop3A_689, %parallel_loop3A_690], %parallel_loop3A_687 {strides = array<i32>} : memref<16x256xf32, #tpu.memory_space<vmem>>, vector<16xf32>,
        %parallel_loop3A_692 = arith.constant 11 : i32
        %parallel_loop3A_693 = vector.broadcast %parallel_loop3A_692 : i32 to vector<16xi32>
        %parallel_loop3A_694 = arith.constant 11 : i32
        %parallel_loop3A_695 = arith.index_cast %parallel_loop3A_694 : i32 to index
        %parallel_loop3A_696 = arith.index_cast %parallel_loop3A_235 : i32 to index
        %parallel_loop3A_697 = tpu.vector_load %arg12[%parallel_loop3A_695, %parallel_loop3A_696] {strides = array<i32>} : memref<16x256xf32, #tpu.memory_space<vmem>>, vector<16xf32>,
        %parallel_loop3A_698 = tpu.vector_load_idx %arg7[%parallel_loop3A_693, %parallel_loop3A_239] : memref<16x2056xf32, #tpu.memory_space<vmem>>[vector<16xi32>, vector<16xi32>], vector<16xf32>,
        %parallel_loop3A_699 = tpu.vector_load_idx %arg7[%parallel_loop3A_693, %parallel_loop3A_243] : memref<16x2056xf32, #tpu.memory_space<vmem>>[vector<16xi32>, vector<16xi32>], vector<16xf32>,
        %parallel_loop3A_700 = tpu.vector_load_idx %arg7[%parallel_loop3A_693, %parallel_loop3A_247] : memref<16x2056xf32, #tpu.memory_space<vmem>>[vector<16xi32>, vector<16xi32>], vector<16xf32>,
        %parallel_loop3A_701 = tpu.vector_load_idx %arg7[%parallel_loop3A_693, %parallel_loop3A_251] : memref<16x2056xf32, #tpu.memory_space<vmem>>[vector<16xi32>, vector<16xi32>], vector<16xf32>,
        %parallel_loop3A_702 = tpu.vector_load_idx %arg7[%parallel_loop3A_693, %parallel_loop3A_255] : memref<16x2056xf32, #tpu.memory_space<vmem>>[vector<16xi32>, vector<16xi32>], vector<16xf32>,
        %parallel_loop3A_703 = tpu.vector_load_idx %arg7[%parallel_loop3A_693, %parallel_loop3A_259] : memref<16x2056xf32, #tpu.memory_space<vmem>>[vector<16xi32>, vector<16xi32>], vector<16xf32>,
        %parallel_loop3A_704 = tpu.vector_load_idx %arg7[%parallel_loop3A_693, %parallel_loop3A_263] : memref<16x2056xf32, #tpu.memory_space<vmem>>[vector<16xi32>, vector<16xi32>], vector<16xf32>,
        %parallel_loop3A_705 = tpu.vector_load_idx %arg7[%parallel_loop3A_693, %parallel_loop3A_267] : memref<16x2056xf32, #tpu.memory_space<vmem>>[vector<16xi32>, vector<16xi32>], vector<16xf32>,
        %parallel_loop3A_706 = arith.mulf %parallel_loop3A_283, %parallel_loop3A_705 : vector<16xf32>
        %parallel_loop3A_707 = tpu.vector_load_idx %arg7[%parallel_loop3A_693, %parallel_loop3A_271] : memref<16x2056xf32, #tpu.memory_space<vmem>>[vector<16xi32>, vector<16xi32>], vector<16xf32>,
        %parallel_loop3A_708 = arith.mulf %parallel_loop3A_287, %parallel_loop3A_707 : vector<16xf32>
        %parallel_loop3A_709 = tpu.vector_load_idx %arg7[%parallel_loop3A_693, %parallel_loop3A_275] : memref<16x2056xf32, #tpu.memory_space<vmem>>[vector<16xi32>, vector<16xi32>], vector<16xf32>,
        %parallel_loop3A_710 = arith.mulf %parallel_loop3A_291, %parallel_loop3A_709 : vector<16xf32>
        %parallel_loop3A_711 = tpu.vector_load_idx %arg7[%parallel_loop3A_693, %parallel_loop3A_279] : memref<16x2056xf32, #tpu.memory_space<vmem>>[vector<16xi32>, vector<16xi32>], vector<16xf32>,
        %parallel_loop3A_712 = arith.mulf %parallel_loop3A_295, %parallel_loop3A_711 : vector<16xf32>
        %parallel_loop3A_713 = arith.addf %parallel_loop3A_697, %parallel_loop3A_698 : vector<16xf32>
        %parallel_loop3A_714 = arith.addf %parallel_loop3A_699, %parallel_loop3A_700 : vector<16xf32>
        %parallel_loop3A_715 = arith.addf %parallel_loop3A_701, %parallel_loop3A_702 : vector<16xf32>
        %parallel_loop3A_716 = arith.addf %parallel_loop3A_703, %parallel_loop3A_704 : vector<16xf32>
        %parallel_loop3A_717 = arith.addf %parallel_loop3A_706, %parallel_loop3A_708 : vector<16xf32>
        %parallel_loop3A_718 = arith.addf %parallel_loop3A_710, %parallel_loop3A_712 : vector<16xf32>
        %parallel_loop3A_719 = arith.addf %parallel_loop3A_713, %parallel_loop3A_714 : vector<16xf32>
        %parallel_loop3A_720 = arith.addf %parallel_loop3A_715, %parallel_loop3A_716 : vector<16xf32>
        %parallel_loop3A_721 = arith.addf %parallel_loop3A_717, %parallel_loop3A_718 : vector<16xf32>
        %parallel_loop3A_722 = arith.addf %parallel_loop3A_719, %parallel_loop3A_720 : vector<16xf32>
        %parallel_loop3A_723 = arith.addf %parallel_loop3A_722, %parallel_loop3A_721 : vector<16xf32>
        %parallel_loop3A_724 = arith.constant 11 : i32
        %parallel_loop3A_725 = arith.index_cast %parallel_loop3A_724 : i32 to index
        %parallel_loop3A_726 = arith.index_cast %parallel_loop3A_235 : i32 to index
        %parallel_loop3A_727 = tpu.vector_load %arg14[%parallel_loop3A_725, %parallel_loop3A_726] {strides = array<i32>} : memref<16x256xf32, #tpu.memory_space<vmem>>, vector<16xf32>,
        tpu.vector_store %arg14[%parallel_loop3A_725, %parallel_loop3A_726], %parallel_loop3A_723 {strides = array<i32>} : memref<16x256xf32, #tpu.memory_space<vmem>>, vector<16xf32>,
        %parallel_loop3A_728 = arith.constant 12 : i32
        %parallel_loop3A_729 = vector.broadcast %parallel_loop3A_728 : i32 to vector<16xi32>
        %parallel_loop3A_730 = arith.constant 12 : i32
        %parallel_loop3A_731 = arith.index_cast %parallel_loop3A_730 : i32 to index
        %parallel_loop3A_732 = arith.index_cast %parallel_loop3A_235 : i32 to index
        %parallel_loop3A_733 = tpu.vector_load %arg12[%parallel_loop3A_731, %parallel_loop3A_732] {strides = array<i32>} : memref<16x256xf32, #tpu.memory_space<vmem>>, vector<16xf32>,
        %parallel_loop3A_734 = tpu.vector_load_idx %arg7[%parallel_loop3A_729, %parallel_loop3A_239] : memref<16x2056xf32, #tpu.memory_space<vmem>>[vector<16xi32>, vector<16xi32>], vector<16xf32>,
        %parallel_loop3A_735 = tpu.vector_load_idx %arg7[%parallel_loop3A_729, %parallel_loop3A_243] : memref<16x2056xf32, #tpu.memory_space<vmem>>[vector<16xi32>, vector<16xi32>], vector<16xf32>,
        %parallel_loop3A_736 = tpu.vector_load_idx %arg7[%parallel_loop3A_729, %parallel_loop3A_247] : memref<16x2056xf32, #tpu.memory_space<vmem>>[vector<16xi32>, vector<16xi32>], vector<16xf32>,
        %parallel_loop3A_737 = tpu.vector_load_idx %arg7[%parallel_loop3A_729, %parallel_loop3A_251] : memref<16x2056xf32, #tpu.memory_space<vmem>>[vector<16xi32>, vector<16xi32>], vector<16xf32>,
        %parallel_loop3A_738 = tpu.vector_load_idx %arg7[%parallel_loop3A_729, %parallel_loop3A_255] : memref<16x2056xf32, #tpu.memory_space<vmem>>[vector<16xi32>, vector<16xi32>], vector<16xf32>,
        %parallel_loop3A_739 = tpu.vector_load_idx %arg7[%parallel_loop3A_729, %parallel_loop3A_259] : memref<16x2056xf32, #tpu.memory_space<vmem>>[vector<16xi32>, vector<16xi32>], vector<16xf32>,
        %parallel_loop3A_740 = tpu.vector_load_idx %arg7[%parallel_loop3A_729, %parallel_loop3A_263] : memref<16x2056xf32, #tpu.memory_space<vmem>>[vector<16xi32>, vector<16xi32>], vector<16xf32>,
        %parallel_loop3A_741 = tpu.vector_load_idx %arg7[%parallel_loop3A_729, %parallel_loop3A_267] : memref<16x2056xf32, #tpu.memory_space<vmem>>[vector<16xi32>, vector<16xi32>], vector<16xf32>,
        %parallel_loop3A_742 = arith.mulf %parallel_loop3A_283, %parallel_loop3A_741 : vector<16xf32>
        %parallel_loop3A_743 = tpu.vector_load_idx %arg7[%parallel_loop3A_729, %parallel_loop3A_271] : memref<16x2056xf32, #tpu.memory_space<vmem>>[vector<16xi32>, vector<16xi32>], vector<16xf32>,
        %parallel_loop3A_744 = arith.mulf %parallel_loop3A_287, %parallel_loop3A_743 : vector<16xf32>
        %parallel_loop3A_745 = tpu.vector_load_idx %arg7[%parallel_loop3A_729, %parallel_loop3A_275] : memref<16x2056xf32, #tpu.memory_space<vmem>>[vector<16xi32>, vector<16xi32>], vector<16xf32>,
        %parallel_loop3A_746 = arith.mulf %parallel_loop3A_291, %parallel_loop3A_745 : vector<16xf32>
        %parallel_loop3A_747 = tpu.vector_load_idx %arg7[%parallel_loop3A_729, %parallel_loop3A_279] : memref<16x2056xf32, #tpu.memory_space<vmem>>[vector<16xi32>, vector<16xi32>], vector<16xf32>,
        %parallel_loop3A_748 = arith.mulf %parallel_loop3A_295, %parallel_loop3A_747 : vector<16xf32>
        %parallel_loop3A_749 = arith.addf %parallel_loop3A_733, %parallel_loop3A_734 : vector<16xf32>
        %parallel_loop3A_750 = arith.addf %parallel_loop3A_735, %parallel_loop3A_736 : vector<16xf32>
        %parallel_loop3A_751 = arith.addf %parallel_loop3A_737, %parallel_loop3A_738 : vector<16xf32>
        %parallel_loop3A_752 = arith.addf %parallel_loop3A_739, %parallel_loop3A_740 : vector<16xf32>
        %parallel_loop3A_753 = arith.addf %parallel_loop3A_742, %parallel_loop3A_744 : vector<16xf32>
        %parallel_loop3A_754 = arith.addf %parallel_loop3A_746, %parallel_loop3A_748 : vector<16xf32>
        %parallel_loop3A_755 = arith.addf %parallel_loop3A_749, %parallel_loop3A_750 : vector<16xf32>
        %parallel_loop3A_756 = arith.addf %parallel_loop3A_751, %parallel_loop3A_752 : vector<16xf32>
        %parallel_loop3A_757 = arith.addf %parallel_loop3A_753, %parallel_loop3A_754 : vector<16xf32>
        %parallel_loop3A_758 = arith.addf %parallel_loop3A_755, %parallel_loop3A_756 : vector<16xf32>
        %parallel_loop3A_759 = arith.addf %parallel_loop3A_758, %parallel_loop3A_757 : vector<16xf32>
        %parallel_loop3A_760 = arith.constant 12 : i32
        %parallel_loop3A_761 = arith.index_cast %parallel_loop3A_760 : i32 to index
        %parallel_loop3A_762 = arith.index_cast %parallel_loop3A_235 : i32 to index
        %parallel_loop3A_763 = tpu.vector_load %arg14[%parallel_loop3A_761, %parallel_loop3A_762] {strides = array<i32>} : memref<16x256xf32, #tpu.memory_space<vmem>>, vector<16xf32>,
        tpu.vector_store %arg14[%parallel_loop3A_761, %parallel_loop3A_762], %parallel_loop3A_759 {strides = array<i32>} : memref<16x256xf32, #tpu.memory_space<vmem>>, vector<16xf32>,
        %parallel_loop3A_764 = arith.constant 13 : i32
        %parallel_loop3A_765 = vector.broadcast %parallel_loop3A_764 : i32 to vector<16xi32>
        %parallel_loop3A_766 = arith.constant 13 : i32
        %parallel_loop3A_767 = arith.index_cast %parallel_loop3A_766 : i32 to index
        %parallel_loop3A_768 = arith.index_cast %parallel_loop3A_235 : i32 to index
        %parallel_loop3A_769 = tpu.vector_load %arg12[%parallel_loop3A_767, %parallel_loop3A_768] {strides = array<i32>} : memref<16x256xf32, #tpu.memory_space<vmem>>, vector<16xf32>,
        %parallel_loop3A_770 = tpu.vector_load_idx %arg7[%parallel_loop3A_765, %parallel_loop3A_239] : memref<16x2056xf32, #tpu.memory_space<vmem>>[vector<16xi32>, vector<16xi32>], vector<16xf32>,
        %parallel_loop3A_771 = tpu.vector_load_idx %arg7[%parallel_loop3A_765, %parallel_loop3A_243] : memref<16x2056xf32, #tpu.memory_space<vmem>>[vector<16xi32>, vector<16xi32>], vector<16xf32>,
        %parallel_loop3A_772 = tpu.vector_load_idx %arg7[%parallel_loop3A_765, %parallel_loop3A_247] : memref<16x2056xf32, #tpu.memory_space<vmem>>[vector<16xi32>, vector<16xi32>], vector<16xf32>,
        %parallel_loop3A_773 = tpu.vector_load_idx %arg7[%parallel_loop3A_765, %parallel_loop3A_251] : memref<16x2056xf32, #tpu.memory_space<vmem>>[vector<16xi32>, vector<16xi32>], vector<16xf32>,
        %parallel_loop3A_774 = tpu.vector_load_idx %arg7[%parallel_loop3A_765, %parallel_loop3A_255] : memref<16x2056xf32, #tpu.memory_space<vmem>>[vector<16xi32>, vector<16xi32>], vector<16xf32>,
        %parallel_loop3A_775 = tpu.vector_load_idx %arg7[%parallel_loop3A_765, %parallel_loop3A_259] : memref<16x2056xf32, #tpu.memory_space<vmem>>[vector<16xi32>, vector<16xi32>], vector<16xf32>,
        %parallel_loop3A_776 = tpu.vector_load_idx %arg7[%parallel_loop3A_765, %parallel_loop3A_263] : memref<16x2056xf32, #tpu.memory_space<vmem>>[vector<16xi32>, vector<16xi32>], vector<16xf32>,
        %parallel_loop3A_777 = tpu.vector_load_idx %arg7[%parallel_loop3A_765, %parallel_loop3A_267] : memref<16x2056xf32, #tpu.memory_space<vmem>>[vector<16xi32>, vector<16xi32>], vector<16xf32>,
        %parallel_loop3A_778 = arith.mulf %parallel_loop3A_283, %parallel_loop3A_777 : vector<16xf32>
        %parallel_loop3A_779 = tpu.vector_load_idx %arg7[%parallel_loop3A_765, %parallel_loop3A_271] : memref<16x2056xf32, #tpu.memory_space<vmem>>[vector<16xi32>, vector<16xi32>], vector<16xf32>,
        %parallel_loop3A_780 = arith.mulf %parallel_loop3A_287, %parallel_loop3A_779 : vector<16xf32>
        %parallel_loop3A_781 = tpu.vector_load_idx %arg7[%parallel_loop3A_765, %parallel_loop3A_275] : memref<16x2056xf32, #tpu.memory_space<vmem>>[vector<16xi32>, vector<16xi32>], vector<16xf32>,
        %parallel_loop3A_782 = arith.mulf %parallel_loop3A_291, %parallel_loop3A_781 : vector<16xf32>
        %parallel_loop3A_783 = tpu.vector_load_idx %arg7[%parallel_loop3A_765, %parallel_loop3A_279] : memref<16x2056xf32, #tpu.memory_space<vmem>>[vector<16xi32>, vector<16xi32>], vector<16xf32>,
        %parallel_loop3A_784 = arith.mulf %parallel_loop3A_295, %parallel_loop3A_783 : vector<16xf32>
        %parallel_loop3A_785 = arith.addf %parallel_loop3A_769, %parallel_loop3A_770 : vector<16xf32>
        %parallel_loop3A_786 = arith.addf %parallel_loop3A_771, %parallel_loop3A_772 : vector<16xf32>
        %parallel_loop3A_787 = arith.addf %parallel_loop3A_773, %parallel_loop3A_774 : vector<16xf32>
        %parallel_loop3A_788 = arith.addf %parallel_loop3A_775, %parallel_loop3A_776 : vector<16xf32>
        %parallel_loop3A_789 = arith.addf %parallel_loop3A_778, %parallel_loop3A_780 : vector<16xf32>
        %parallel_loop3A_790 = arith.addf %parallel_loop3A_782, %parallel_loop3A_784 : vector<16xf32>
        %parallel_loop3A_791 = arith.addf %parallel_loop3A_785, %parallel_loop3A_786 : vector<16xf32>
        %parallel_loop3A_792 = arith.addf %parallel_loop3A_787, %parallel_loop3A_788 : vector<16xf32>
        %parallel_loop3A_793 = arith.addf %parallel_loop3A_789, %parallel_loop3A_790 : vector<16xf32>
        %parallel_loop3A_794 = arith.addf %parallel_loop3A_791, %parallel_loop3A_792 : vector<16xf32>
        %parallel_loop3A_795 = arith.addf %parallel_loop3A_794, %parallel_loop3A_793 : vector<16xf32>
        %parallel_loop3A_796 = arith.constant 13 : i32
        %parallel_loop3A_797 = arith.index_cast %parallel_loop3A_796 : i32 to index
        %parallel_loop3A_798 = arith.index_cast %parallel_loop3A_235 : i32 to index
        %parallel_loop3A_799 = tpu.vector_load %arg14[%parallel_loop3A_797, %parallel_loop3A_798] {strides = array<i32>} : memref<16x256xf32, #tpu.memory_space<vmem>>, vector<16xf32>,
        tpu.vector_store %arg14[%parallel_loop3A_797, %parallel_loop3A_798], %parallel_loop3A_795 {strides = array<i32>} : memref<16x256xf32, #tpu.memory_space<vmem>>, vector<16xf32>,
        %parallel_loop3A_800 = arith.constant 14 : i32
        %parallel_loop3A_801 = vector.broadcast %parallel_loop3A_800 : i32 to vector<16xi32>
        %parallel_loop3A_802 = arith.constant 14 : i32
        %parallel_loop3A_803 = arith.index_cast %parallel_loop3A_802 : i32 to index
        %parallel_loop3A_804 = arith.index_cast %parallel_loop3A_235 : i32 to index
        %parallel_loop3A_805 = tpu.vector_load %arg12[%parallel_loop3A_803, %parallel_loop3A_804] {strides = array<i32>} : memref<16x256xf32, #tpu.memory_space<vmem>>, vector<16xf32>,
        %parallel_loop3A_806 = tpu.vector_load_idx %arg7[%parallel_loop3A_801, %parallel_loop3A_239] : memref<16x2056xf32, #tpu.memory_space<vmem>>[vector<16xi32>, vector<16xi32>], vector<16xf32>,
        %parallel_loop3A_807 = tpu.vector_load_idx %arg7[%parallel_loop3A_801, %parallel_loop3A_243] : memref<16x2056xf32, #tpu.memory_space<vmem>>[vector<16xi32>, vector<16xi32>], vector<16xf32>,
        %parallel_loop3A_808 = tpu.vector_load_idx %arg7[%parallel_loop3A_801, %parallel_loop3A_247] : memref<16x2056xf32, #tpu.memory_space<vmem>>[vector<16xi32>, vector<16xi32>], vector<16xf32>,
        %parallel_loop3A_809 = tpu.vector_load_idx %arg7[%parallel_loop3A_801, %parallel_loop3A_251] : memref<16x2056xf32, #tpu.memory_space<vmem>>[vector<16xi32>, vector<16xi32>], vector<16xf32>,
        %parallel_loop3A_810 = tpu.vector_load_idx %arg7[%parallel_loop3A_801, %parallel_loop3A_255] : memref<16x2056xf32, #tpu.memory_space<vmem>>[vector<16xi32>, vector<16xi32>], vector<16xf32>,
        %parallel_loop3A_811 = tpu.vector_load_idx %arg7[%parallel_loop3A_801, %parallel_loop3A_259] : memref<16x2056xf32, #tpu.memory_space<vmem>>[vector<16xi32>, vector<16xi32>], vector<16xf32>,
        %parallel_loop3A_812 = tpu.vector_load_idx %arg7[%parallel_loop3A_801, %parallel_loop3A_263] : memref<16x2056xf32, #tpu.memory_space<vmem>>[vector<16xi32>, vector<16xi32>], vector<16xf32>,
        %parallel_loop3A_813 = tpu.vector_load_idx %arg7[%parallel_loop3A_801, %parallel_loop3A_267] : memref<16x2056xf32, #tpu.memory_space<vmem>>[vector<16xi32>, vector<16xi32>], vector<16xf32>,
        %parallel_loop3A_814 = arith.mulf %parallel_loop3A_283, %parallel_loop3A_813 : vector<16xf32>
        %parallel_loop3A_815 = tpu.vector_load_idx %arg7[%parallel_loop3A_801, %parallel_loop3A_271] : memref<16x2056xf32, #tpu.memory_space<vmem>>[vector<16xi32>, vector<16xi32>], vector<16xf32>,
        %parallel_loop3A_816 = arith.mulf %parallel_loop3A_287, %parallel_loop3A_815 : vector<16xf32>
        %parallel_loop3A_817 = tpu.vector_load_idx %arg7[%parallel_loop3A_801, %parallel_loop3A_275] : memref<16x2056xf32, #tpu.memory_space<vmem>>[vector<16xi32>, vector<16xi32>], vector<16xf32>,
        %parallel_loop3A_818 = arith.mulf %parallel_loop3A_291, %parallel_loop3A_817 : vector<16xf32>
        %parallel_loop3A_819 = tpu.vector_load_idx %arg7[%parallel_loop3A_801, %parallel_loop3A_279] : memref<16x2056xf32, #tpu.memory_space<vmem>>[vector<16xi32>, vector<16xi32>], vector<16xf32>,
        %parallel_loop3A_820 = arith.mulf %parallel_loop3A_295, %parallel_loop3A_819 : vector<16xf32>
        %parallel_loop3A_821 = arith.addf %parallel_loop3A_805, %parallel_loop3A_806 : vector<16xf32>
        %parallel_loop3A_822 = arith.addf %parallel_loop3A_807, %parallel_loop3A_808 : vector<16xf32>
        %parallel_loop3A_823 = arith.addf %parallel_loop3A_809, %parallel_loop3A_810 : vector<16xf32>
        %parallel_loop3A_824 = arith.addf %parallel_loop3A_811, %parallel_loop3A_812 : vector<16xf32>
        %parallel_loop3A_825 = arith.addf %parallel_loop3A_814, %parallel_loop3A_816 : vector<16xf32>
        %parallel_loop3A_826 = arith.addf %parallel_loop3A_818, %parallel_loop3A_820 : vector<16xf32>
        %parallel_loop3A_827 = arith.addf %parallel_loop3A_821, %parallel_loop3A_822 : vector<16xf32>
        %parallel_loop3A_828 = arith.addf %parallel_loop3A_823, %parallel_loop3A_824 : vector<16xf32>
        %parallel_loop3A_829 = arith.addf %parallel_loop3A_825, %parallel_loop3A_826 : vector<16xf32>
        %parallel_loop3A_830 = arith.addf %parallel_loop3A_827, %parallel_loop3A_828 : vector<16xf32>
        %parallel_loop3A_831 = arith.addf %parallel_loop3A_830, %parallel_loop3A_829 : vector<16xf32>
        %parallel_loop3A_832 = arith.constant 14 : i32
        %parallel_loop3A_833 = arith.index_cast %parallel_loop3A_832 : i32 to index
        %parallel_loop3A_834 = arith.index_cast %parallel_loop3A_235 : i32 to index
        %parallel_loop3A_835 = tpu.vector_load %arg14[%parallel_loop3A_833, %parallel_loop3A_834] {strides = array<i32>} : memref<16x256xf32, #tpu.memory_space<vmem>>, vector<16xf32>,
        tpu.vector_store %arg14[%parallel_loop3A_833, %parallel_loop3A_834], %parallel_loop3A_831 {strides = array<i32>} : memref<16x256xf32, #tpu.memory_space<vmem>>, vector<16xf32>,
        %parallel_loop3A_836 = arith.constant 15 : i32
        %parallel_loop3A_837 = vector.broadcast %parallel_loop3A_836 : i32 to vector<16xi32>
        %parallel_loop3A_838 = arith.constant 15 : i32
        %parallel_loop3A_839 = arith.index_cast %parallel_loop3A_838 : i32 to index
        %parallel_loop3A_840 = arith.index_cast %parallel_loop3A_235 : i32 to index
        %parallel_loop3A_841 = tpu.vector_load %arg12[%parallel_loop3A_839, %parallel_loop3A_840] {strides = array<i32>} : memref<16x256xf32, #tpu.memory_space<vmem>>, vector<16xf32>,
        %parallel_loop3A_842 = tpu.vector_load_idx %arg7[%parallel_loop3A_837, %parallel_loop3A_239] : memref<16x2056xf32, #tpu.memory_space<vmem>>[vector<16xi32>, vector<16xi32>], vector<16xf32>,
        %parallel_loop3A_843 = tpu.vector_load_idx %arg7[%parallel_loop3A_837, %parallel_loop3A_243] : memref<16x2056xf32, #tpu.memory_space<vmem>>[vector<16xi32>, vector<16xi32>], vector<16xf32>,
        %parallel_loop3A_844 = tpu.vector_load_idx %arg7[%parallel_loop3A_837, %parallel_loop3A_247] : memref<16x2056xf32, #tpu.memory_space<vmem>>[vector<16xi32>, vector<16xi32>], vector<16xf32>,
        %parallel_loop3A_845 = tpu.vector_load_idx %arg7[%parallel_loop3A_837, %parallel_loop3A_251] : memref<16x2056xf32, #tpu.memory_space<vmem>>[vector<16xi32>, vector<16xi32>], vector<16xf32>,
        %parallel_loop3A_846 = tpu.vector_load_idx %arg7[%parallel_loop3A_837, %parallel_loop3A_255] : memref<16x2056xf32, #tpu.memory_space<vmem>>[vector<16xi32>, vector<16xi32>], vector<16xf32>,
        %parallel_loop3A_847 = tpu.vector_load_idx %arg7[%parallel_loop3A_837, %parallel_loop3A_259] : memref<16x2056xf32, #tpu.memory_space<vmem>>[vector<16xi32>, vector<16xi32>], vector<16xf32>,
        %parallel_loop3A_848 = tpu.vector_load_idx %arg7[%parallel_loop3A_837, %parallel_loop3A_263] : memref<16x2056xf32, #tpu.memory_space<vmem>>[vector<16xi32>, vector<16xi32>], vector<16xf32>,
        %parallel_loop3A_849 = tpu.vector_load_idx %arg7[%parallel_loop3A_837, %parallel_loop3A_267] : memref<16x2056xf32, #tpu.memory_space<vmem>>[vector<16xi32>, vector<16xi32>], vector<16xf32>,
        %parallel_loop3A_850 = arith.mulf %parallel_loop3A_283, %parallel_loop3A_849 : vector<16xf32>
        %parallel_loop3A_851 = tpu.vector_load_idx %arg7[%parallel_loop3A_837, %parallel_loop3A_271] : memref<16x2056xf32, #tpu.memory_space<vmem>>[vector<16xi32>, vector<16xi32>], vector<16xf32>,
        %parallel_loop3A_852 = arith.mulf %parallel_loop3A_287, %parallel_loop3A_851 : vector<16xf32>
        %parallel_loop3A_853 = tpu.vector_load_idx %arg7[%parallel_loop3A_837, %parallel_loop3A_275] : memref<16x2056xf32, #tpu.memory_space<vmem>>[vector<16xi32>, vector<16xi32>], vector<16xf32>,
        %parallel_loop3A_854 = arith.mulf %parallel_loop3A_291, %parallel_loop3A_853 : vector<16xf32>
        %parallel_loop3A_855 = tpu.vector_load_idx %arg7[%parallel_loop3A_837, %parallel_loop3A_279] : memref<16x2056xf32, #tpu.memory_space<vmem>>[vector<16xi32>, vector<16xi32>], vector<16xf32>,
        %parallel_loop3A_856 = arith.mulf %parallel_loop3A_295, %parallel_loop3A_855 : vector<16xf32>
        %parallel_loop3A_857 = arith.addf %parallel_loop3A_841, %parallel_loop3A_842 : vector<16xf32>
        %parallel_loop3A_858 = arith.addf %parallel_loop3A_843, %parallel_loop3A_844 : vector<16xf32>
        %parallel_loop3A_859 = arith.addf %parallel_loop3A_845, %parallel_loop3A_846 : vector<16xf32>
        %parallel_loop3A_860 = arith.addf %parallel_loop3A_847, %parallel_loop3A_848 : vector<16xf32>
        %parallel_loop3A_861 = arith.addf %parallel_loop3A_850, %parallel_loop3A_852 : vector<16xf32>
        %parallel_loop3A_862 = arith.addf %parallel_loop3A_854, %parallel_loop3A_856 : vector<16xf32>
        %parallel_loop3A_863 = arith.addf %parallel_loop3A_857, %parallel_loop3A_858 : vector<16xf32>
        %parallel_loop3A_864 = arith.addf %parallel_loop3A_859, %parallel_loop3A_860 : vector<16xf32>
        %parallel_loop3A_865 = arith.addf %parallel_loop3A_861, %parallel_loop3A_862 : vector<16xf32>
        %parallel_loop3A_866 = arith.addf %parallel_loop3A_863, %parallel_loop3A_864 : vector<16xf32>
        %parallel_loop3A_867 = arith.addf %parallel_loop3A_866, %parallel_loop3A_865 : vector<16xf32>
        %parallel_loop3A_868 = arith.constant 15 : i32
        %parallel_loop3A_869 = arith.index_cast %parallel_loop3A_868 : i32 to index
        %parallel_loop3A_870 = arith.index_cast %parallel_loop3A_235 : i32 to index
        %parallel_loop3A_871 = tpu.vector_load %arg14[%parallel_loop3A_869, %parallel_loop3A_870] {strides = array<i32>} : memref<16x256xf32, #tpu.memory_space<vmem>>, vector<16xf32>,
        tpu.vector_store %arg14[%parallel_loop3A_869, %parallel_loop3A_870], %parallel_loop3A_867 {strides = array<i32>} : memref<16x256xf32, #tpu.memory_space<vmem>>, vector<16xf32>,
      } {sc.loop_unroll_factor = 4 : i64, sc.parallel_access}
      %mul3A_153 = arith.constant 16 : i32
      %mul3A_154 = arith.muli %select_n3A_9, %mul3A_153 : i32
      %mul3A_155 = arith.constant 256 : i32
      %mul3A_156 = arith.muli %mul3A_126, %mul3A_155 : i32
      %add3A_157 = arith.addi %mul3A_34, %mul3A_156 : i32
      %dma_start3A_158 = tpu.memref_slice %arg6[%mul3A_154, %add3A_157] : memref<256x16384xf32, #tpu.memory_space<hbm>> -> memref<16x256xf32, #tpu.memory_space<hbm>>
      %dma_start3A_159 = tpu.memref_slice %arg6[%mul3A_154, %add3A_157] : memref<256x16384xf32, #tpu.memory_space<hbm>> -> memref<16x256xf32, #tpu.memory_space<hbm>>
      tpu.enqueue_dma source(%arg14 : memref<16x256xf32, #tpu.memory_space<vmem>>) target(%dma_start3A_159 : memref<16x256xf32, #tpu.memory_space<hbm>>) target_semaphore(%arg18 : memref<!tpu.dma_semaphore, #tpu.memory_space<semaphore_mem>>)
      %add3A_160 = arith.constant 2 : i32
      %add3A_161 = arith.addi %mul3A_126, %add3A_160 : i32
      %min3A = arith.constant 31 : i32
      %min3A_162 = arith.minsi %add3A_161, %min3A : i32
      %mul3A_163 = arith.constant 256 : i32
      %mul3A_164 = arith.muli %min3A_162, %mul3A_163 : i32
      %add3A_165 = arith.addi %mul3A_34, %mul3A_164 : i32
      %dma_start3A_166 = arith.constant 0 : i32
      %dma_start3A_167 = tpu.memref_slice %arg3[%dma_start3A_166, %add3A_165] : memref<16x16384xi32, #tpu.memory_space<hbm>> -> memref<16x256xi32, #tpu.memory_space<hbm>>
      %dma_start3A_168 = arith.constant 0 : i32
      %dma_start3A_169 = tpu.memref_slice %arg3[%dma_start3A_168, %add3A_165] : memref<16x16384xi32, #tpu.memory_space<hbm>> -> memref<16x256xi32, #tpu.memory_space<hbm>>
      tpu.enqueue_dma source(%dma_start3A_169 : memref<16x256xi32, #tpu.memory_space<hbm>>) target(%arg8 : memref<16x256xi32, #tpu.memory_space<vmem>>) target_semaphore(%arg16 : memref<!tpu.dma_semaphore, #tpu.memory_space<semaphore_mem>>)
      %dma_start3A_170 = arith.constant 0 : i32
      %dma_start3A_171 = tpu.memref_slice %arg4[%dma_start3A_170, %add3A_165] : memref<8x16384xf32, #tpu.memory_space<hbm>> -> memref<8x256xf32, #tpu.memory_space<hbm>>
      %dma_start3A_172 = arith.constant 0 : i32
      %dma_start3A_173 = tpu.memref_slice %arg4[%dma_start3A_172, %add3A_165] : memref<8x16384xf32, #tpu.memory_space<hbm>> -> memref<8x256xf32, #tpu.memory_space<hbm>>
      tpu.enqueue_dma source(%dma_start3A_173 : memref<8x256xf32, #tpu.memory_space<hbm>>) target(%arg10 : memref<8x256xf32, #tpu.memory_space<vmem>>) target_semaphore(%arg16 : memref<!tpu.dma_semaphore, #tpu.memory_space<semaphore_mem>>)
      %mul3A_174 = arith.constant 16 : i32
      %mul3A_175 = arith.muli %select_n3A_9, %mul3A_174 : i32
      %dma_start3A_176 = tpu.memref_slice %arg5[%mul3A_175, %add3A_165] : memref<256x16384xf32, #tpu.memory_space<hbm>> -> memref<16x256xf32, #tpu.memory_space<hbm>>
      %dma_start3A_177 = tpu.memref_slice %arg5[%mul3A_175, %add3A_165] : memref<256x16384xf32, #tpu.memory_space<hbm>> -> memref<16x256xf32, #tpu.memory_space<hbm>>
      tpu.enqueue_dma source(%dma_start3A_177 : memref<16x256xf32, #tpu.memory_space<hbm>>) target(%arg12 : memref<16x256xf32, #tpu.memory_space<vmem>>) target_semaphore(%arg16 : memref<!tpu.dma_semaphore, #tpu.memory_space<semaphore_mem>>)
      %dma_wait3A_178 = arith.constant 0 : i32
      %dma_wait3A_179 = arith.constant 0 : i32
      %dma_wait3A_180 = tpu.memref_slice %arg3[%dma_wait3A_178, %dma_wait3A_179] : memref<16x16384xi32, #tpu.memory_space<hbm>> -> memref<16x256xi32, #tpu.memory_space<hbm>>
      %dma_wait3A_181 = arith.constant 0 : i32
      %dma_wait3A_182 = arith.constant 0 : i32
      %dma_wait3A_183 = tpu.memref_slice %arg3[%dma_wait3A_181, %dma_wait3A_182] : memref<16x16384xi32, #tpu.memory_space<hbm>> -> memref<16x256xi32, #tpu.memory_space<hbm>>
      tpu.wait_dma2 semaphore(%arg17 : memref<!tpu.dma_semaphore, #tpu.memory_space<semaphore_mem>>) src(%dma_wait3A_183 : memref<16x256xi32, #tpu.memory_space<hbm>>) dst(%arg9 : memref<16x256xi32, #tpu.memory_space<vmem>>)
      %dma_wait3A_184 = arith.constant 0 : i32
      %dma_wait3A_185 = arith.constant 0 : i32
      %dma_wait3A_186 = tpu.memref_slice %arg4[%dma_wait3A_184, %dma_wait3A_185] : memref<8x16384xf32, #tpu.memory_space<hbm>> -> memref<8x256xf32, #tpu.memory_space<hbm>>
      %dma_wait3A_187 = arith.constant 0 : i32
      %dma_wait3A_188 = arith.constant 0 : i32
      %dma_wait3A_189 = tpu.memref_slice %arg4[%dma_wait3A_187, %dma_wait3A_188] : memref<8x16384xf32, #tpu.memory_space<hbm>> -> memref<8x256xf32, #tpu.memory_space<hbm>>
      tpu.wait_dma2 semaphore(%arg17 : memref<!tpu.dma_semaphore, #tpu.memory_space<semaphore_mem>>) src(%dma_wait3A_189 : memref<8x256xf32, #tpu.memory_space<hbm>>) dst(%arg11 : memref<8x256xf32, #tpu.memory_space<vmem>>)
      %dma_wait3A_190 = arith.constant 0 : i32
      %dma_wait3A_191 = arith.constant 0 : i32
      %dma_wait3A_192 = tpu.memref_slice %arg5[%dma_wait3A_190, %dma_wait3A_191] : memref<256x16384xf32, #tpu.memory_space<hbm>> -> memref<16x256xf32, #tpu.memory_space<hbm>>
      %dma_wait3A_193 = arith.constant 0 : i32
      %dma_wait3A_194 = arith.constant 0 : i32
      %dma_wait3A_195 = tpu.memref_slice %arg5[%dma_wait3A_193, %dma_wait3A_194] : memref<256x16384xf32, #tpu.memory_space<hbm>> -> memref<16x256xf32, #tpu.memory_space<hbm>>
      tpu.wait_dma2 semaphore(%arg17 : memref<!tpu.dma_semaphore, #tpu.memory_space<semaphore_mem>>) src(%dma_wait3A_195 : memref<16x256xf32, #tpu.memory_space<hbm>>) dst(%arg13 : memref<16x256xf32, #tpu.memory_space<vmem>>)
      %add3A_196 = arith.constant 1 : i32
      %add3A_197 = arith.addi %mul3A_126, %add3A_196 : i32
      %dma_wait3A_198 = arith.constant 0 : i32
      %dma_wait3A_199 = arith.constant 0 : i32
      %dma_wait3A_200 = tpu.memref_slice %arg6[%dma_wait3A_198, %dma_wait3A_199] : memref<256x16384xf32, #tpu.memory_space<hbm>> -> memref<16x256xf32, #tpu.memory_space<hbm>>
      %dma_wait3A_201 = arith.constant 0 : i32
      %dma_wait3A_202 = arith.constant 0 : i32
      %dma_wait3A_203 = tpu.memref_slice %arg6[%dma_wait3A_201, %dma_wait3A_202] : memref<256x16384xf32, #tpu.memory_space<hbm>> -> memref<16x256xf32, #tpu.memory_space<hbm>>
      tpu.wait_dma2 semaphore(%arg19 : memref<!tpu.dma_semaphore, #tpu.memory_space<semaphore_mem>>) src(%arg15 : memref<16x256xf32, #tpu.memory_space<vmem>>) dst(%dma_wait3A_203 : memref<16x256xf32, #tpu.memory_space<hbm>>)
      %parallel_loop3A_204 = arith.constant 0 : i32
      %parallel_loop3A_205 = arith.constant 16 : i32
      %parallel_loop3A_206 = arith.constant 1 : i32
      scf.for %parallel_loop3A_233 = %parallel_loop3A_204 to %parallel_loop3A_205 step %parallel_loop3A_206  : i32 {
        %parallel_loop3A_234 = arith.constant 16 : i32
        %parallel_loop3A_235 = arith.muli %parallel_loop3A_233, %parallel_loop3A_234 : i32
        %parallel_loop3A_236 = arith.constant 0 : i32
        %parallel_loop3A_237 = arith.index_cast %parallel_loop3A_236 : i32 to index
        %parallel_loop3A_238 = arith.index_cast %parallel_loop3A_235 : i32 to index
        %parallel_loop3A_239 = tpu.vector_load %arg9[%parallel_loop3A_237, %parallel_loop3A_238] {strides = array<i32>} : memref<16x256xi32, #tpu.memory_space<vmem>>, vector<16xi32>,
        %parallel_loop3A_240 = arith.constant 1 : i32
        %parallel_loop3A_241 = arith.index_cast %parallel_loop3A_240 : i32 to index
        %parallel_loop3A_242 = arith.index_cast %parallel_loop3A_235 : i32 to index
        %parallel_loop3A_243 = tpu.vector_load %arg9[%parallel_loop3A_241, %parallel_loop3A_242] {strides = array<i32>} : memref<16x256xi32, #tpu.memory_space<vmem>>, vector<16xi32>,
        %parallel_loop3A_244 = arith.constant 2 : i32
        %parallel_loop3A_245 = arith.index_cast %parallel_loop3A_244 : i32 to index
        %parallel_loop3A_246 = arith.index_cast %parallel_loop3A_235 : i32 to index
        %parallel_loop3A_247 = tpu.vector_load %arg9[%parallel_loop3A_245, %parallel_loop3A_246] {strides = array<i32>} : memref<16x256xi32, #tpu.memory_space<vmem>>, vector<16xi32>,
        %parallel_loop3A_248 = arith.constant 3 : i32
        %parallel_loop3A_249 = arith.index_cast %parallel_loop3A_248 : i32 to index
        %parallel_loop3A_250 = arith.index_cast %parallel_loop3A_235 : i32 to index
        %parallel_loop3A_251 = tpu.vector_load %arg9[%parallel_loop3A_249, %parallel_loop3A_250] {strides = array<i32>} : memref<16x256xi32, #tpu.memory_space<vmem>>, vector<16xi32>,
        %parallel_loop3A_252 = arith.constant 4 : i32
        %parallel_loop3A_253 = arith.index_cast %parallel_loop3A_252 : i32 to index
        %parallel_loop3A_254 = arith.index_cast %parallel_loop3A_235 : i32 to index
        %parallel_loop3A_255 = tpu.vector_load %arg9[%parallel_loop3A_253, %parallel_loop3A_254] {strides = array<i32>} : memref<16x256xi32, #tpu.memory_space<vmem>>, vector<16xi32>,
        %parallel_loop3A_256 = arith.constant 5 : i32
        %parallel_loop3A_257 = arith.index_cast %parallel_loop3A_256 : i32 to index
        %parallel_loop3A_258 = arith.index_cast %parallel_loop3A_235 : i32 to index
        %parallel_loop3A_259 = tpu.vector_load %arg9[%parallel_loop3A_257, %parallel_loop3A_258] {strides = array<i32>} : memref<16x256xi32, #tpu.memory_space<vmem>>, vector<16xi32>,
        %parallel_loop3A_260 = arith.constant 6 : i32
        %parallel_loop3A_261 = arith.index_cast %parallel_loop3A_260 : i32 to index
        %parallel_loop3A_262 = arith.index_cast %parallel_loop3A_235 : i32 to index
        %parallel_loop3A_263 = tpu.vector_load %arg9[%parallel_loop3A_261, %parallel_loop3A_262] {strides = array<i32>} : memref<16x256xi32, #tpu.memory_space<vmem>>, vector<16xi32>,
        %parallel_loop3A_264 = arith.constant 7 : i32
        %parallel_loop3A_265 = arith.index_cast %parallel_loop3A_264 : i32 to index
        %parallel_loop3A_266 = arith.index_cast %parallel_loop3A_235 : i32 to index
        %parallel_loop3A_267 = tpu.vector_load %arg9[%parallel_loop3A_265, %parallel_loop3A_266] {strides = array<i32>} : memref<16x256xi32, #tpu.memory_space<vmem>>, vector<16xi32>,
        %parallel_loop3A_268 = arith.constant 8 : i32
        %parallel_loop3A_269 = arith.index_cast %parallel_loop3A_268 : i32 to index
        %parallel_loop3A_270 = arith.index_cast %parallel_loop3A_235 : i32 to index
        %parallel_loop3A_271 = tpu.vector_load %arg9[%parallel_loop3A_269, %parallel_loop3A_270] {strides = array<i32>} : memref<16x256xi32, #tpu.memory_space<vmem>>, vector<16xi32>,
        %parallel_loop3A_272 = arith.constant 9 : i32
        %parallel_loop3A_273 = arith.index_cast %parallel_loop3A_272 : i32 to index
        %parallel_loop3A_274 = arith.index_cast %parallel_loop3A_235 : i32 to index
        %parallel_loop3A_275 = tpu.vector_load %arg9[%parallel_loop3A_273, %parallel_loop3A_274] {strides = array<i32>} : memref<16x256xi32, #tpu.memory_space<vmem>>, vector<16xi32>,
        %parallel_loop3A_276 = arith.constant 10 : i32
        %parallel_loop3A_277 = arith.index_cast %parallel_loop3A_276 : i32 to index
        %parallel_loop3A_278 = arith.index_cast %parallel_loop3A_235 : i32 to index
        %parallel_loop3A_279 = tpu.vector_load %arg9[%parallel_loop3A_277, %parallel_loop3A_278] {strides = array<i32>} : memref<16x256xi32, #tpu.memory_space<vmem>>, vector<16xi32>,
        %parallel_loop3A_280 = arith.constant 0 : i32
        %parallel_loop3A_281 = arith.index_cast %parallel_loop3A_280 : i32 to index
        %parallel_loop3A_282 = arith.index_cast %parallel_loop3A_235 : i32 to index
        %parallel_loop3A_283 = tpu.vector_load %arg11[%parallel_loop3A_281, %parallel_loop3A_282] {strides = array<i32>} : memref<8x256xf32, #tpu.memory_space<vmem>>, vector<16xf32>,
        %parallel_loop3A_284 = arith.constant 1 : i32
        %parallel_loop3A_285 = arith.index_cast %parallel_loop3A_284 : i32 to index
        %parallel_loop3A_286 = arith.index_cast %parallel_loop3A_235 : i32 to index
        %parallel_loop3A_287 = tpu.vector_load %arg11[%parallel_loop3A_285, %parallel_loop3A_286] {strides = array<i32>} : memref<8x256xf32, #tpu.memory_space<vmem>>, vector<16xf32>,
        %parallel_loop3A_288 = arith.constant 2 : i32
        %parallel_loop3A_289 = arith.index_cast %parallel_loop3A_288 : i32 to index
        %parallel_loop3A_290 = arith.index_cast %parallel_loop3A_235 : i32 to index
        %parallel_loop3A_291 = tpu.vector_load %arg11[%parallel_loop3A_289, %parallel_loop3A_290] {strides = array<i32>} : memref<8x256xf32, #tpu.memory_space<vmem>>, vector<16xf32>,
        %parallel_loop3A_292 = arith.constant 3 : i32
        %parallel_loop3A_293 = arith.index_cast %parallel_loop3A_292 : i32 to index
        %parallel_loop3A_294 = arith.index_cast %parallel_loop3A_235 : i32 to index
        %parallel_loop3A_295 = tpu.vector_load %arg11[%parallel_loop3A_293, %parallel_loop3A_294] {strides = array<i32>} : memref<8x256xf32, #tpu.memory_space<vmem>>, vector<16xf32>,
        %parallel_loop3A_296 = arith.constant 0 : i32
        %parallel_loop3A_297 = vector.broadcast %parallel_loop3A_296 : i32 to vector<16xi32>
        %parallel_loop3A_298 = arith.constant 0 : i32
        %parallel_loop3A_299 = arith.index_cast %parallel_loop3A_298 : i32 to index
        %parallel_loop3A_300 = arith.index_cast %parallel_loop3A_235 : i32 to index
        %parallel_loop3A_301 = tpu.vector_load %arg13[%parallel_loop3A_299, %parallel_loop3A_300] {strides = array<i32>} : memref<16x256xf32, #tpu.memory_space<vmem>>, vector<16xf32>,
        %parallel_loop3A_302 = tpu.vector_load_idx %arg7[%parallel_loop3A_297, %parallel_loop3A_239] : memref<16x2056xf32, #tpu.memory_space<vmem>>[vector<16xi32>, vector<16xi32>], vector<16xf32>,
        %parallel_loop3A_303 = tpu.vector_load_idx %arg7[%parallel_loop3A_297, %parallel_loop3A_243] : memref<16x2056xf32, #tpu.memory_space<vmem>>[vector<16xi32>, vector<16xi32>], vector<16xf32>,
        %parallel_loop3A_304 = tpu.vector_load_idx %arg7[%parallel_loop3A_297, %parallel_loop3A_247] : memref<16x2056xf32, #tpu.memory_space<vmem>>[vector<16xi32>, vector<16xi32>], vector<16xf32>,
        %parallel_loop3A_305 = tpu.vector_load_idx %arg7[%parallel_loop3A_297, %parallel_loop3A_251] : memref<16x2056xf32, #tpu.memory_space<vmem>>[vector<16xi32>, vector<16xi32>], vector<16xf32>,
        %parallel_loop3A_306 = tpu.vector_load_idx %arg7[%parallel_loop3A_297, %parallel_loop3A_255] : memref<16x2056xf32, #tpu.memory_space<vmem>>[vector<16xi32>, vector<16xi32>], vector<16xf32>,
        %parallel_loop3A_307 = tpu.vector_load_idx %arg7[%parallel_loop3A_297, %parallel_loop3A_259] : memref<16x2056xf32, #tpu.memory_space<vmem>>[vector<16xi32>, vector<16xi32>], vector<16xf32>,
        %parallel_loop3A_308 = tpu.vector_load_idx %arg7[%parallel_loop3A_297, %parallel_loop3A_263] : memref<16x2056xf32, #tpu.memory_space<vmem>>[vector<16xi32>, vector<16xi32>], vector<16xf32>,
        %parallel_loop3A_309 = tpu.vector_load_idx %arg7[%parallel_loop3A_297, %parallel_loop3A_267] : memref<16x2056xf32, #tpu.memory_space<vmem>>[vector<16xi32>, vector<16xi32>], vector<16xf32>,
        %parallel_loop3A_310 = arith.mulf %parallel_loop3A_283, %parallel_loop3A_309 : vector<16xf32>
        %parallel_loop3A_311 = tpu.vector_load_idx %arg7[%parallel_loop3A_297, %parallel_loop3A_271] : memref<16x2056xf32, #tpu.memory_space<vmem>>[vector<16xi32>, vector<16xi32>], vector<16xf32>,
        %parallel_loop3A_312 = arith.mulf %parallel_loop3A_287, %parallel_loop3A_311 : vector<16xf32>
        %parallel_loop3A_313 = tpu.vector_load_idx %arg7[%parallel_loop3A_297, %parallel_loop3A_275] : memref<16x2056xf32, #tpu.memory_space<vmem>>[vector<16xi32>, vector<16xi32>], vector<16xf32>,
        %parallel_loop3A_314 = arith.mulf %parallel_loop3A_291, %parallel_loop3A_313 : vector<16xf32>
        %parallel_loop3A_315 = tpu.vector_load_idx %arg7[%parallel_loop3A_297, %parallel_loop3A_279] : memref<16x2056xf32, #tpu.memory_space<vmem>>[vector<16xi32>, vector<16xi32>], vector<16xf32>,
        %parallel_loop3A_316 = arith.mulf %parallel_loop3A_295, %parallel_loop3A_315 : vector<16xf32>
        %parallel_loop3A_317 = arith.addf %parallel_loop3A_301, %parallel_loop3A_302 : vector<16xf32>
        %parallel_loop3A_318 = arith.addf %parallel_loop3A_303, %parallel_loop3A_304 : vector<16xf32>
        %parallel_loop3A_319 = arith.addf %parallel_loop3A_305, %parallel_loop3A_306 : vector<16xf32>
        %parallel_loop3A_320 = arith.addf %parallel_loop3A_307, %parallel_loop3A_308 : vector<16xf32>
        %parallel_loop3A_321 = arith.addf %parallel_loop3A_310, %parallel_loop3A_312 : vector<16xf32>
        %parallel_loop3A_322 = arith.addf %parallel_loop3A_314, %parallel_loop3A_316 : vector<16xf32>
        %parallel_loop3A_323 = arith.addf %parallel_loop3A_317, %parallel_loop3A_318 : vector<16xf32>
        %parallel_loop3A_324 = arith.addf %parallel_loop3A_319, %parallel_loop3A_320 : vector<16xf32>
        %parallel_loop3A_325 = arith.addf %parallel_loop3A_321, %parallel_loop3A_322 : vector<16xf32>
        %parallel_loop3A_326 = arith.addf %parallel_loop3A_323, %parallel_loop3A_324 : vector<16xf32>
        %parallel_loop3A_327 = arith.addf %parallel_loop3A_326, %parallel_loop3A_325 : vector<16xf32>
        %parallel_loop3A_328 = arith.constant 0 : i32
        %parallel_loop3A_329 = arith.index_cast %parallel_loop3A_328 : i32 to index
        %parallel_loop3A_330 = arith.index_cast %parallel_loop3A_235 : i32 to index
        %parallel_loop3A_331 = tpu.vector_load %arg15[%parallel_loop3A_329, %parallel_loop3A_330] {strides = array<i32>} : memref<16x256xf32, #tpu.memory_space<vmem>>, vector<16xf32>,
        tpu.vector_store %arg15[%parallel_loop3A_329, %parallel_loop3A_330], %parallel_loop3A_327 {strides = array<i32>} : memref<16x256xf32, #tpu.memory_space<vmem>>, vector<16xf32>,
        %parallel_loop3A_332 = arith.constant 1 : i32
        %parallel_loop3A_333 = vector.broadcast %parallel_loop3A_332 : i32 to vector<16xi32>
        %parallel_loop3A_334 = arith.constant 1 : i32
        %parallel_loop3A_335 = arith.index_cast %parallel_loop3A_334 : i32 to index
        %parallel_loop3A_336 = arith.index_cast %parallel_loop3A_235 : i32 to index
        %parallel_loop3A_337 = tpu.vector_load %arg13[%parallel_loop3A_335, %parallel_loop3A_336] {strides = array<i32>} : memref<16x256xf32, #tpu.memory_space<vmem>>, vector<16xf32>,
        %parallel_loop3A_338 = tpu.vector_load_idx %arg7[%parallel_loop3A_333, %parallel_loop3A_239] : memref<16x2056xf32, #tpu.memory_space<vmem>>[vector<16xi32>, vector<16xi32>], vector<16xf32>,
        %parallel_loop3A_339 = tpu.vector_load_idx %arg7[%parallel_loop3A_333, %parallel_loop3A_243] : memref<16x2056xf32, #tpu.memory_space<vmem>>[vector<16xi32>, vector<16xi32>], vector<16xf32>,
        %parallel_loop3A_340 = tpu.vector_load_idx %arg7[%parallel_loop3A_333, %parallel_loop3A_247] : memref<16x2056xf32, #tpu.memory_space<vmem>>[vector<16xi32>, vector<16xi32>], vector<16xf32>,
        %parallel_loop3A_341 = tpu.vector_load_idx %arg7[%parallel_loop3A_333, %parallel_loop3A_251] : memref<16x2056xf32, #tpu.memory_space<vmem>>[vector<16xi32>, vector<16xi32>], vector<16xf32>,
        %parallel_loop3A_342 = tpu.vector_load_idx %arg7[%parallel_loop3A_333, %parallel_loop3A_255] : memref<16x2056xf32, #tpu.memory_space<vmem>>[vector<16xi32>, vector<16xi32>], vector<16xf32>,
        %parallel_loop3A_343 = tpu.vector_load_idx %arg7[%parallel_loop3A_333, %parallel_loop3A_259] : memref<16x2056xf32, #tpu.memory_space<vmem>>[vector<16xi32>, vector<16xi32>], vector<16xf32>,
        %parallel_loop3A_344 = tpu.vector_load_idx %arg7[%parallel_loop3A_333, %parallel_loop3A_263] : memref<16x2056xf32, #tpu.memory_space<vmem>>[vector<16xi32>, vector<16xi32>], vector<16xf32>,
        %parallel_loop3A_345 = tpu.vector_load_idx %arg7[%parallel_loop3A_333, %parallel_loop3A_267] : memref<16x2056xf32, #tpu.memory_space<vmem>>[vector<16xi32>, vector<16xi32>], vector<16xf32>,
        %parallel_loop3A_346 = arith.mulf %parallel_loop3A_283, %parallel_loop3A_345 : vector<16xf32>
        %parallel_loop3A_347 = tpu.vector_load_idx %arg7[%parallel_loop3A_333, %parallel_loop3A_271] : memref<16x2056xf32, #tpu.memory_space<vmem>>[vector<16xi32>, vector<16xi32>], vector<16xf32>,
        %parallel_loop3A_348 = arith.mulf %parallel_loop3A_287, %parallel_loop3A_347 : vector<16xf32>
        %parallel_loop3A_349 = tpu.vector_load_idx %arg7[%parallel_loop3A_333, %parallel_loop3A_275] : memref<16x2056xf32, #tpu.memory_space<vmem>>[vector<16xi32>, vector<16xi32>], vector<16xf32>,
        %parallel_loop3A_350 = arith.mulf %parallel_loop3A_291, %parallel_loop3A_349 : vector<16xf32>
        %parallel_loop3A_351 = tpu.vector_load_idx %arg7[%parallel_loop3A_333, %parallel_loop3A_279] : memref<16x2056xf32, #tpu.memory_space<vmem>>[vector<16xi32>, vector<16xi32>], vector<16xf32>,
        %parallel_loop3A_352 = arith.mulf %parallel_loop3A_295, %parallel_loop3A_351 : vector<16xf32>
        %parallel_loop3A_353 = arith.addf %parallel_loop3A_337, %parallel_loop3A_338 : vector<16xf32>
        %parallel_loop3A_354 = arith.addf %parallel_loop3A_339, %parallel_loop3A_340 : vector<16xf32>
        %parallel_loop3A_355 = arith.addf %parallel_loop3A_341, %parallel_loop3A_342 : vector<16xf32>
        %parallel_loop3A_356 = arith.addf %parallel_loop3A_343, %parallel_loop3A_344 : vector<16xf32>
        %parallel_loop3A_357 = arith.addf %parallel_loop3A_346, %parallel_loop3A_348 : vector<16xf32>
        %parallel_loop3A_358 = arith.addf %parallel_loop3A_350, %parallel_loop3A_352 : vector<16xf32>
        %parallel_loop3A_359 = arith.addf %parallel_loop3A_353, %parallel_loop3A_354 : vector<16xf32>
        %parallel_loop3A_360 = arith.addf %parallel_loop3A_355, %parallel_loop3A_356 : vector<16xf32>
        %parallel_loop3A_361 = arith.addf %parallel_loop3A_357, %parallel_loop3A_358 : vector<16xf32>
        %parallel_loop3A_362 = arith.addf %parallel_loop3A_359, %parallel_loop3A_360 : vector<16xf32>
        %parallel_loop3A_363 = arith.addf %parallel_loop3A_362, %parallel_loop3A_361 : vector<16xf32>
        %parallel_loop3A_364 = arith.constant 1 : i32
        %parallel_loop3A_365 = arith.index_cast %parallel_loop3A_364 : i32 to index
        %parallel_loop3A_366 = arith.index_cast %parallel_loop3A_235 : i32 to index
        %parallel_loop3A_367 = tpu.vector_load %arg15[%parallel_loop3A_365, %parallel_loop3A_366] {strides = array<i32>} : memref<16x256xf32, #tpu.memory_space<vmem>>, vector<16xf32>,
        tpu.vector_store %arg15[%parallel_loop3A_365, %parallel_loop3A_366], %parallel_loop3A_363 {strides = array<i32>} : memref<16x256xf32, #tpu.memory_space<vmem>>, vector<16xf32>,
        %parallel_loop3A_368 = arith.constant 2 : i32
        %parallel_loop3A_369 = vector.broadcast %parallel_loop3A_368 : i32 to vector<16xi32>
        %parallel_loop3A_370 = arith.constant 2 : i32
        %parallel_loop3A_371 = arith.index_cast %parallel_loop3A_370 : i32 to index
        %parallel_loop3A_372 = arith.index_cast %parallel_loop3A_235 : i32 to index
        %parallel_loop3A_373 = tpu.vector_load %arg13[%parallel_loop3A_371, %parallel_loop3A_372] {strides = array<i32>} : memref<16x256xf32, #tpu.memory_space<vmem>>, vector<16xf32>,
        %parallel_loop3A_374 = tpu.vector_load_idx %arg7[%parallel_loop3A_369, %parallel_loop3A_239] : memref<16x2056xf32, #tpu.memory_space<vmem>>[vector<16xi32>, vector<16xi32>], vector<16xf32>,
        %parallel_loop3A_375 = tpu.vector_load_idx %arg7[%parallel_loop3A_369, %parallel_loop3A_243] : memref<16x2056xf32, #tpu.memory_space<vmem>>[vector<16xi32>, vector<16xi32>], vector<16xf32>,
        %parallel_loop3A_376 = tpu.vector_load_idx %arg7[%parallel_loop3A_369, %parallel_loop3A_247] : memref<16x2056xf32, #tpu.memory_space<vmem>>[vector<16xi32>, vector<16xi32>], vector<16xf32>,
        %parallel_loop3A_377 = tpu.vector_load_idx %arg7[%parallel_loop3A_369, %parallel_loop3A_251] : memref<16x2056xf32, #tpu.memory_space<vmem>>[vector<16xi32>, vector<16xi32>], vector<16xf32>,
        %parallel_loop3A_378 = tpu.vector_load_idx %arg7[%parallel_loop3A_369, %parallel_loop3A_255] : memref<16x2056xf32, #tpu.memory_space<vmem>>[vector<16xi32>, vector<16xi32>], vector<16xf32>,
        %parallel_loop3A_379 = tpu.vector_load_idx %arg7[%parallel_loop3A_369, %parallel_loop3A_259] : memref<16x2056xf32, #tpu.memory_space<vmem>>[vector<16xi32>, vector<16xi32>], vector<16xf32>,
        %parallel_loop3A_380 = tpu.vector_load_idx %arg7[%parallel_loop3A_369, %parallel_loop3A_263] : memref<16x2056xf32, #tpu.memory_space<vmem>>[vector<16xi32>, vector<16xi32>], vector<16xf32>,
        %parallel_loop3A_381 = tpu.vector_load_idx %arg7[%parallel_loop3A_369, %parallel_loop3A_267] : memref<16x2056xf32, #tpu.memory_space<vmem>>[vector<16xi32>, vector<16xi32>], vector<16xf32>,
        %parallel_loop3A_382 = arith.mulf %parallel_loop3A_283, %parallel_loop3A_381 : vector<16xf32>
        %parallel_loop3A_383 = tpu.vector_load_idx %arg7[%parallel_loop3A_369, %parallel_loop3A_271] : memref<16x2056xf32, #tpu.memory_space<vmem>>[vector<16xi32>, vector<16xi32>], vector<16xf32>,
        %parallel_loop3A_384 = arith.mulf %parallel_loop3A_287, %parallel_loop3A_383 : vector<16xf32>
        %parallel_loop3A_385 = tpu.vector_load_idx %arg7[%parallel_loop3A_369, %parallel_loop3A_275] : memref<16x2056xf32, #tpu.memory_space<vmem>>[vector<16xi32>, vector<16xi32>], vector<16xf32>,
        %parallel_loop3A_386 = arith.mulf %parallel_loop3A_291, %parallel_loop3A_385 : vector<16xf32>
        %parallel_loop3A_387 = tpu.vector_load_idx %arg7[%parallel_loop3A_369, %parallel_loop3A_279] : memref<16x2056xf32, #tpu.memory_space<vmem>>[vector<16xi32>, vector<16xi32>], vector<16xf32>,
        %parallel_loop3A_388 = arith.mulf %parallel_loop3A_295, %parallel_loop3A_387 : vector<16xf32>
        %parallel_loop3A_389 = arith.addf %parallel_loop3A_373, %parallel_loop3A_374 : vector<16xf32>
        %parallel_loop3A_390 = arith.addf %parallel_loop3A_375, %parallel_loop3A_376 : vector<16xf32>
        %parallel_loop3A_391 = arith.addf %parallel_loop3A_377, %parallel_loop3A_378 : vector<16xf32>
        %parallel_loop3A_392 = arith.addf %parallel_loop3A_379, %parallel_loop3A_380 : vector<16xf32>
        %parallel_loop3A_393 = arith.addf %parallel_loop3A_382, %parallel_loop3A_384 : vector<16xf32>
        %parallel_loop3A_394 = arith.addf %parallel_loop3A_386, %parallel_loop3A_388 : vector<16xf32>
        %parallel_loop3A_395 = arith.addf %parallel_loop3A_389, %parallel_loop3A_390 : vector<16xf32>
        %parallel_loop3A_396 = arith.addf %parallel_loop3A_391, %parallel_loop3A_392 : vector<16xf32>
        %parallel_loop3A_397 = arith.addf %parallel_loop3A_393, %parallel_loop3A_394 : vector<16xf32>
        %parallel_loop3A_398 = arith.addf %parallel_loop3A_395, %parallel_loop3A_396 : vector<16xf32>
        %parallel_loop3A_399 = arith.addf %parallel_loop3A_398, %parallel_loop3A_397 : vector<16xf32>
        %parallel_loop3A_400 = arith.constant 2 : i32
        %parallel_loop3A_401 = arith.index_cast %parallel_loop3A_400 : i32 to index
        %parallel_loop3A_402 = arith.index_cast %parallel_loop3A_235 : i32 to index
        %parallel_loop3A_403 = tpu.vector_load %arg15[%parallel_loop3A_401, %parallel_loop3A_402] {strides = array<i32>} : memref<16x256xf32, #tpu.memory_space<vmem>>, vector<16xf32>,
        tpu.vector_store %arg15[%parallel_loop3A_401, %parallel_loop3A_402], %parallel_loop3A_399 {strides = array<i32>} : memref<16x256xf32, #tpu.memory_space<vmem>>, vector<16xf32>,
        %parallel_loop3A_404 = arith.constant 3 : i32
        %parallel_loop3A_405 = vector.broadcast %parallel_loop3A_404 : i32 to vector<16xi32>
        %parallel_loop3A_406 = arith.constant 3 : i32
        %parallel_loop3A_407 = arith.index_cast %parallel_loop3A_406 : i32 to index
        %parallel_loop3A_408 = arith.index_cast %parallel_loop3A_235 : i32 to index
        %parallel_loop3A_409 = tpu.vector_load %arg13[%parallel_loop3A_407, %parallel_loop3A_408] {strides = array<i32>} : memref<16x256xf32, #tpu.memory_space<vmem>>, vector<16xf32>,
        %parallel_loop3A_410 = tpu.vector_load_idx %arg7[%parallel_loop3A_405, %parallel_loop3A_239] : memref<16x2056xf32, #tpu.memory_space<vmem>>[vector<16xi32>, vector<16xi32>], vector<16xf32>,
        %parallel_loop3A_411 = tpu.vector_load_idx %arg7[%parallel_loop3A_405, %parallel_loop3A_243] : memref<16x2056xf32, #tpu.memory_space<vmem>>[vector<16xi32>, vector<16xi32>], vector<16xf32>,
        %parallel_loop3A_412 = tpu.vector_load_idx %arg7[%parallel_loop3A_405, %parallel_loop3A_247] : memref<16x2056xf32, #tpu.memory_space<vmem>>[vector<16xi32>, vector<16xi32>], vector<16xf32>,
        %parallel_loop3A_413 = tpu.vector_load_idx %arg7[%parallel_loop3A_405, %parallel_loop3A_251] : memref<16x2056xf32, #tpu.memory_space<vmem>>[vector<16xi32>, vector<16xi32>], vector<16xf32>,
        %parallel_loop3A_414 = tpu.vector_load_idx %arg7[%parallel_loop3A_405, %parallel_loop3A_255] : memref<16x2056xf32, #tpu.memory_space<vmem>>[vector<16xi32>, vector<16xi32>], vector<16xf32>,
        %parallel_loop3A_415 = tpu.vector_load_idx %arg7[%parallel_loop3A_405, %parallel_loop3A_259] : memref<16x2056xf32, #tpu.memory_space<vmem>>[vector<16xi32>, vector<16xi32>], vector<16xf32>,
        %parallel_loop3A_416 = tpu.vector_load_idx %arg7[%parallel_loop3A_405, %parallel_loop3A_263] : memref<16x2056xf32, #tpu.memory_space<vmem>>[vector<16xi32>, vector<16xi32>], vector<16xf32>,
        %parallel_loop3A_417 = tpu.vector_load_idx %arg7[%parallel_loop3A_405, %parallel_loop3A_267] : memref<16x2056xf32, #tpu.memory_space<vmem>>[vector<16xi32>, vector<16xi32>], vector<16xf32>,
        %parallel_loop3A_418 = arith.mulf %parallel_loop3A_283, %parallel_loop3A_417 : vector<16xf32>
        %parallel_loop3A_419 = tpu.vector_load_idx %arg7[%parallel_loop3A_405, %parallel_loop3A_271] : memref<16x2056xf32, #tpu.memory_space<vmem>>[vector<16xi32>, vector<16xi32>], vector<16xf32>,
        %parallel_loop3A_420 = arith.mulf %parallel_loop3A_287, %parallel_loop3A_419 : vector<16xf32>
        %parallel_loop3A_421 = tpu.vector_load_idx %arg7[%parallel_loop3A_405, %parallel_loop3A_275] : memref<16x2056xf32, #tpu.memory_space<vmem>>[vector<16xi32>, vector<16xi32>], vector<16xf32>,
        %parallel_loop3A_422 = arith.mulf %parallel_loop3A_291, %parallel_loop3A_421 : vector<16xf32>
        %parallel_loop3A_423 = tpu.vector_load_idx %arg7[%parallel_loop3A_405, %parallel_loop3A_279] : memref<16x2056xf32, #tpu.memory_space<vmem>>[vector<16xi32>, vector<16xi32>], vector<16xf32>,
        %parallel_loop3A_424 = arith.mulf %parallel_loop3A_295, %parallel_loop3A_423 : vector<16xf32>
        %parallel_loop3A_425 = arith.addf %parallel_loop3A_409, %parallel_loop3A_410 : vector<16xf32>
        %parallel_loop3A_426 = arith.addf %parallel_loop3A_411, %parallel_loop3A_412 : vector<16xf32>
        %parallel_loop3A_427 = arith.addf %parallel_loop3A_413, %parallel_loop3A_414 : vector<16xf32>
        %parallel_loop3A_428 = arith.addf %parallel_loop3A_415, %parallel_loop3A_416 : vector<16xf32>
        %parallel_loop3A_429 = arith.addf %parallel_loop3A_418, %parallel_loop3A_420 : vector<16xf32>
        %parallel_loop3A_430 = arith.addf %parallel_loop3A_422, %parallel_loop3A_424 : vector<16xf32>
        %parallel_loop3A_431 = arith.addf %parallel_loop3A_425, %parallel_loop3A_426 : vector<16xf32>
        %parallel_loop3A_432 = arith.addf %parallel_loop3A_427, %parallel_loop3A_428 : vector<16xf32>
        %parallel_loop3A_433 = arith.addf %parallel_loop3A_429, %parallel_loop3A_430 : vector<16xf32>
        %parallel_loop3A_434 = arith.addf %parallel_loop3A_431, %parallel_loop3A_432 : vector<16xf32>
        %parallel_loop3A_435 = arith.addf %parallel_loop3A_434, %parallel_loop3A_433 : vector<16xf32>
        %parallel_loop3A_436 = arith.constant 3 : i32
        %parallel_loop3A_437 = arith.index_cast %parallel_loop3A_436 : i32 to index
        %parallel_loop3A_438 = arith.index_cast %parallel_loop3A_235 : i32 to index
        %parallel_loop3A_439 = tpu.vector_load %arg15[%parallel_loop3A_437, %parallel_loop3A_438] {strides = array<i32>} : memref<16x256xf32, #tpu.memory_space<vmem>>, vector<16xf32>,
        tpu.vector_store %arg15[%parallel_loop3A_437, %parallel_loop3A_438], %parallel_loop3A_435 {strides = array<i32>} : memref<16x256xf32, #tpu.memory_space<vmem>>, vector<16xf32>,
        %parallel_loop3A_440 = arith.constant 4 : i32
        %parallel_loop3A_441 = vector.broadcast %parallel_loop3A_440 : i32 to vector<16xi32>
        %parallel_loop3A_442 = arith.constant 4 : i32
        %parallel_loop3A_443 = arith.index_cast %parallel_loop3A_442 : i32 to index
        %parallel_loop3A_444 = arith.index_cast %parallel_loop3A_235 : i32 to index
        %parallel_loop3A_445 = tpu.vector_load %arg13[%parallel_loop3A_443, %parallel_loop3A_444] {strides = array<i32>} : memref<16x256xf32, #tpu.memory_space<vmem>>, vector<16xf32>,
        %parallel_loop3A_446 = tpu.vector_load_idx %arg7[%parallel_loop3A_441, %parallel_loop3A_239] : memref<16x2056xf32, #tpu.memory_space<vmem>>[vector<16xi32>, vector<16xi32>], vector<16xf32>,
        %parallel_loop3A_447 = tpu.vector_load_idx %arg7[%parallel_loop3A_441, %parallel_loop3A_243] : memref<16x2056xf32, #tpu.memory_space<vmem>>[vector<16xi32>, vector<16xi32>], vector<16xf32>,
        %parallel_loop3A_448 = tpu.vector_load_idx %arg7[%parallel_loop3A_441, %parallel_loop3A_247] : memref<16x2056xf32, #tpu.memory_space<vmem>>[vector<16xi32>, vector<16xi32>], vector<16xf32>,
        %parallel_loop3A_449 = tpu.vector_load_idx %arg7[%parallel_loop3A_441, %parallel_loop3A_251] : memref<16x2056xf32, #tpu.memory_space<vmem>>[vector<16xi32>, vector<16xi32>], vector<16xf32>,
        %parallel_loop3A_450 = tpu.vector_load_idx %arg7[%parallel_loop3A_441, %parallel_loop3A_255] : memref<16x2056xf32, #tpu.memory_space<vmem>>[vector<16xi32>, vector<16xi32>], vector<16xf32>,
        %parallel_loop3A_451 = tpu.vector_load_idx %arg7[%parallel_loop3A_441, %parallel_loop3A_259] : memref<16x2056xf32, #tpu.memory_space<vmem>>[vector<16xi32>, vector<16xi32>], vector<16xf32>,
        %parallel_loop3A_452 = tpu.vector_load_idx %arg7[%parallel_loop3A_441, %parallel_loop3A_263] : memref<16x2056xf32, #tpu.memory_space<vmem>>[vector<16xi32>, vector<16xi32>], vector<16xf32>,
        %parallel_loop3A_453 = tpu.vector_load_idx %arg7[%parallel_loop3A_441, %parallel_loop3A_267] : memref<16x2056xf32, #tpu.memory_space<vmem>>[vector<16xi32>, vector<16xi32>], vector<16xf32>,
        %parallel_loop3A_454 = arith.mulf %parallel_loop3A_283, %parallel_loop3A_453 : vector<16xf32>
        %parallel_loop3A_455 = tpu.vector_load_idx %arg7[%parallel_loop3A_441, %parallel_loop3A_271] : memref<16x2056xf32, #tpu.memory_space<vmem>>[vector<16xi32>, vector<16xi32>], vector<16xf32>,
        %parallel_loop3A_456 = arith.mulf %parallel_loop3A_287, %parallel_loop3A_455 : vector<16xf32>
        %parallel_loop3A_457 = tpu.vector_load_idx %arg7[%parallel_loop3A_441, %parallel_loop3A_275] : memref<16x2056xf32, #tpu.memory_space<vmem>>[vector<16xi32>, vector<16xi32>], vector<16xf32>,
        %parallel_loop3A_458 = arith.mulf %parallel_loop3A_291, %parallel_loop3A_457 : vector<16xf32>
        %parallel_loop3A_459 = tpu.vector_load_idx %arg7[%parallel_loop3A_441, %parallel_loop3A_279] : memref<16x2056xf32, #tpu.memory_space<vmem>>[vector<16xi32>, vector<16xi32>], vector<16xf32>,
        %parallel_loop3A_460 = arith.mulf %parallel_loop3A_295, %parallel_loop3A_459 : vector<16xf32>
        %parallel_loop3A_461 = arith.addf %parallel_loop3A_445, %parallel_loop3A_446 : vector<16xf32>
        %parallel_loop3A_462 = arith.addf %parallel_loop3A_447, %parallel_loop3A_448 : vector<16xf32>
        %parallel_loop3A_463 = arith.addf %parallel_loop3A_449, %parallel_loop3A_450 : vector<16xf32>
        %parallel_loop3A_464 = arith.addf %parallel_loop3A_451, %parallel_loop3A_452 : vector<16xf32>
        %parallel_loop3A_465 = arith.addf %parallel_loop3A_454, %parallel_loop3A_456 : vector<16xf32>
        %parallel_loop3A_466 = arith.addf %parallel_loop3A_458, %parallel_loop3A_460 : vector<16xf32>
        %parallel_loop3A_467 = arith.addf %parallel_loop3A_461, %parallel_loop3A_462 : vector<16xf32>
        %parallel_loop3A_468 = arith.addf %parallel_loop3A_463, %parallel_loop3A_464 : vector<16xf32>
        %parallel_loop3A_469 = arith.addf %parallel_loop3A_465, %parallel_loop3A_466 : vector<16xf32>
        %parallel_loop3A_470 = arith.addf %parallel_loop3A_467, %parallel_loop3A_468 : vector<16xf32>
        %parallel_loop3A_471 = arith.addf %parallel_loop3A_470, %parallel_loop3A_469 : vector<16xf32>
        %parallel_loop3A_472 = arith.constant 4 : i32
        %parallel_loop3A_473 = arith.index_cast %parallel_loop3A_472 : i32 to index
        %parallel_loop3A_474 = arith.index_cast %parallel_loop3A_235 : i32 to index
        %parallel_loop3A_475 = tpu.vector_load %arg15[%parallel_loop3A_473, %parallel_loop3A_474] {strides = array<i32>} : memref<16x256xf32, #tpu.memory_space<vmem>>, vector<16xf32>,
        tpu.vector_store %arg15[%parallel_loop3A_473, %parallel_loop3A_474], %parallel_loop3A_471 {strides = array<i32>} : memref<16x256xf32, #tpu.memory_space<vmem>>, vector<16xf32>,
        %parallel_loop3A_476 = arith.constant 5 : i32
        %parallel_loop3A_477 = vector.broadcast %parallel_loop3A_476 : i32 to vector<16xi32>
        %parallel_loop3A_478 = arith.constant 5 : i32
        %parallel_loop3A_479 = arith.index_cast %parallel_loop3A_478 : i32 to index
        %parallel_loop3A_480 = arith.index_cast %parallel_loop3A_235 : i32 to index
        %parallel_loop3A_481 = tpu.vector_load %arg13[%parallel_loop3A_479, %parallel_loop3A_480] {strides = array<i32>} : memref<16x256xf32, #tpu.memory_space<vmem>>, vector<16xf32>,
        %parallel_loop3A_482 = tpu.vector_load_idx %arg7[%parallel_loop3A_477, %parallel_loop3A_239] : memref<16x2056xf32, #tpu.memory_space<vmem>>[vector<16xi32>, vector<16xi32>], vector<16xf32>,
        %parallel_loop3A_483 = tpu.vector_load_idx %arg7[%parallel_loop3A_477, %parallel_loop3A_243] : memref<16x2056xf32, #tpu.memory_space<vmem>>[vector<16xi32>, vector<16xi32>], vector<16xf32>,
        %parallel_loop3A_484 = tpu.vector_load_idx %arg7[%parallel_loop3A_477, %parallel_loop3A_247] : memref<16x2056xf32, #tpu.memory_space<vmem>>[vector<16xi32>, vector<16xi32>], vector<16xf32>,
        %parallel_loop3A_485 = tpu.vector_load_idx %arg7[%parallel_loop3A_477, %parallel_loop3A_251] : memref<16x2056xf32, #tpu.memory_space<vmem>>[vector<16xi32>, vector<16xi32>], vector<16xf32>,
        %parallel_loop3A_486 = tpu.vector_load_idx %arg7[%parallel_loop3A_477, %parallel_loop3A_255] : memref<16x2056xf32, #tpu.memory_space<vmem>>[vector<16xi32>, vector<16xi32>], vector<16xf32>,
        %parallel_loop3A_487 = tpu.vector_load_idx %arg7[%parallel_loop3A_477, %parallel_loop3A_259] : memref<16x2056xf32, #tpu.memory_space<vmem>>[vector<16xi32>, vector<16xi32>], vector<16xf32>,
        %parallel_loop3A_488 = tpu.vector_load_idx %arg7[%parallel_loop3A_477, %parallel_loop3A_263] : memref<16x2056xf32, #tpu.memory_space<vmem>>[vector<16xi32>, vector<16xi32>], vector<16xf32>,
        %parallel_loop3A_489 = tpu.vector_load_idx %arg7[%parallel_loop3A_477, %parallel_loop3A_267] : memref<16x2056xf32, #tpu.memory_space<vmem>>[vector<16xi32>, vector<16xi32>], vector<16xf32>,
        %parallel_loop3A_490 = arith.mulf %parallel_loop3A_283, %parallel_loop3A_489 : vector<16xf32>
        %parallel_loop3A_491 = tpu.vector_load_idx %arg7[%parallel_loop3A_477, %parallel_loop3A_271] : memref<16x2056xf32, #tpu.memory_space<vmem>>[vector<16xi32>, vector<16xi32>], vector<16xf32>,
        %parallel_loop3A_492 = arith.mulf %parallel_loop3A_287, %parallel_loop3A_491 : vector<16xf32>
        %parallel_loop3A_493 = tpu.vector_load_idx %arg7[%parallel_loop3A_477, %parallel_loop3A_275] : memref<16x2056xf32, #tpu.memory_space<vmem>>[vector<16xi32>, vector<16xi32>], vector<16xf32>,
        %parallel_loop3A_494 = arith.mulf %parallel_loop3A_291, %parallel_loop3A_493 : vector<16xf32>
        %parallel_loop3A_495 = tpu.vector_load_idx %arg7[%parallel_loop3A_477, %parallel_loop3A_279] : memref<16x2056xf32, #tpu.memory_space<vmem>>[vector<16xi32>, vector<16xi32>], vector<16xf32>,
        %parallel_loop3A_496 = arith.mulf %parallel_loop3A_295, %parallel_loop3A_495 : vector<16xf32>
        %parallel_loop3A_497 = arith.addf %parallel_loop3A_481, %parallel_loop3A_482 : vector<16xf32>
        %parallel_loop3A_498 = arith.addf %parallel_loop3A_483, %parallel_loop3A_484 : vector<16xf32>
        %parallel_loop3A_499 = arith.addf %parallel_loop3A_485, %parallel_loop3A_486 : vector<16xf32>
        %parallel_loop3A_500 = arith.addf %parallel_loop3A_487, %parallel_loop3A_488 : vector<16xf32>
        %parallel_loop3A_501 = arith.addf %parallel_loop3A_490, %parallel_loop3A_492 : vector<16xf32>
        %parallel_loop3A_502 = arith.addf %parallel_loop3A_494, %parallel_loop3A_496 : vector<16xf32>
        %parallel_loop3A_503 = arith.addf %parallel_loop3A_497, %parallel_loop3A_498 : vector<16xf32>
        %parallel_loop3A_504 = arith.addf %parallel_loop3A_499, %parallel_loop3A_500 : vector<16xf32>
        %parallel_loop3A_505 = arith.addf %parallel_loop3A_501, %parallel_loop3A_502 : vector<16xf32>
        %parallel_loop3A_506 = arith.addf %parallel_loop3A_503, %parallel_loop3A_504 : vector<16xf32>
        %parallel_loop3A_507 = arith.addf %parallel_loop3A_506, %parallel_loop3A_505 : vector<16xf32>
        %parallel_loop3A_508 = arith.constant 5 : i32
        %parallel_loop3A_509 = arith.index_cast %parallel_loop3A_508 : i32 to index
        %parallel_loop3A_510 = arith.index_cast %parallel_loop3A_235 : i32 to index
        %parallel_loop3A_511 = tpu.vector_load %arg15[%parallel_loop3A_509, %parallel_loop3A_510] {strides = array<i32>} : memref<16x256xf32, #tpu.memory_space<vmem>>, vector<16xf32>,
        tpu.vector_store %arg15[%parallel_loop3A_509, %parallel_loop3A_510], %parallel_loop3A_507 {strides = array<i32>} : memref<16x256xf32, #tpu.memory_space<vmem>>, vector<16xf32>,
        %parallel_loop3A_512 = arith.constant 6 : i32
        %parallel_loop3A_513 = vector.broadcast %parallel_loop3A_512 : i32 to vector<16xi32>
        %parallel_loop3A_514 = arith.constant 6 : i32
        %parallel_loop3A_515 = arith.index_cast %parallel_loop3A_514 : i32 to index
        %parallel_loop3A_516 = arith.index_cast %parallel_loop3A_235 : i32 to index
        %parallel_loop3A_517 = tpu.vector_load %arg13[%parallel_loop3A_515, %parallel_loop3A_516] {strides = array<i32>} : memref<16x256xf32, #tpu.memory_space<vmem>>, vector<16xf32>,
        %parallel_loop3A_518 = tpu.vector_load_idx %arg7[%parallel_loop3A_513, %parallel_loop3A_239] : memref<16x2056xf32, #tpu.memory_space<vmem>>[vector<16xi32>, vector<16xi32>], vector<16xf32>,
        %parallel_loop3A_519 = tpu.vector_load_idx %arg7[%parallel_loop3A_513, %parallel_loop3A_243] : memref<16x2056xf32, #tpu.memory_space<vmem>>[vector<16xi32>, vector<16xi32>], vector<16xf32>,
        %parallel_loop3A_520 = tpu.vector_load_idx %arg7[%parallel_loop3A_513, %parallel_loop3A_247] : memref<16x2056xf32, #tpu.memory_space<vmem>>[vector<16xi32>, vector<16xi32>], vector<16xf32>,
        %parallel_loop3A_521 = tpu.vector_load_idx %arg7[%parallel_loop3A_513, %parallel_loop3A_251] : memref<16x2056xf32, #tpu.memory_space<vmem>>[vector<16xi32>, vector<16xi32>], vector<16xf32>,
        %parallel_loop3A_522 = tpu.vector_load_idx %arg7[%parallel_loop3A_513, %parallel_loop3A_255] : memref<16x2056xf32, #tpu.memory_space<vmem>>[vector<16xi32>, vector<16xi32>], vector<16xf32>,
        %parallel_loop3A_523 = tpu.vector_load_idx %arg7[%parallel_loop3A_513, %parallel_loop3A_259] : memref<16x2056xf32, #tpu.memory_space<vmem>>[vector<16xi32>, vector<16xi32>], vector<16xf32>,
        %parallel_loop3A_524 = tpu.vector_load_idx %arg7[%parallel_loop3A_513, %parallel_loop3A_263] : memref<16x2056xf32, #tpu.memory_space<vmem>>[vector<16xi32>, vector<16xi32>], vector<16xf32>,
        %parallel_loop3A_525 = tpu.vector_load_idx %arg7[%parallel_loop3A_513, %parallel_loop3A_267] : memref<16x2056xf32, #tpu.memory_space<vmem>>[vector<16xi32>, vector<16xi32>], vector<16xf32>,
        %parallel_loop3A_526 = arith.mulf %parallel_loop3A_283, %parallel_loop3A_525 : vector<16xf32>
        %parallel_loop3A_527 = tpu.vector_load_idx %arg7[%parallel_loop3A_513, %parallel_loop3A_271] : memref<16x2056xf32, #tpu.memory_space<vmem>>[vector<16xi32>, vector<16xi32>], vector<16xf32>,
        %parallel_loop3A_528 = arith.mulf %parallel_loop3A_287, %parallel_loop3A_527 : vector<16xf32>
        %parallel_loop3A_529 = tpu.vector_load_idx %arg7[%parallel_loop3A_513, %parallel_loop3A_275] : memref<16x2056xf32, #tpu.memory_space<vmem>>[vector<16xi32>, vector<16xi32>], vector<16xf32>,
        %parallel_loop3A_530 = arith.mulf %parallel_loop3A_291, %parallel_loop3A_529 : vector<16xf32>
        %parallel_loop3A_531 = tpu.vector_load_idx %arg7[%parallel_loop3A_513, %parallel_loop3A_279] : memref<16x2056xf32, #tpu.memory_space<vmem>>[vector<16xi32>, vector<16xi32>], vector<16xf32>,
        %parallel_loop3A_532 = arith.mulf %parallel_loop3A_295, %parallel_loop3A_531 : vector<16xf32>
        %parallel_loop3A_533 = arith.addf %parallel_loop3A_517, %parallel_loop3A_518 : vector<16xf32>
        %parallel_loop3A_534 = arith.addf %parallel_loop3A_519, %parallel_loop3A_520 : vector<16xf32>
        %parallel_loop3A_535 = arith.addf %parallel_loop3A_521, %parallel_loop3A_522 : vector<16xf32>
        %parallel_loop3A_536 = arith.addf %parallel_loop3A_523, %parallel_loop3A_524 : vector<16xf32>
        %parallel_loop3A_537 = arith.addf %parallel_loop3A_526, %parallel_loop3A_528 : vector<16xf32>
        %parallel_loop3A_538 = arith.addf %parallel_loop3A_530, %parallel_loop3A_532 : vector<16xf32>
        %parallel_loop3A_539 = arith.addf %parallel_loop3A_533, %parallel_loop3A_534 : vector<16xf32>
        %parallel_loop3A_540 = arith.addf %parallel_loop3A_535, %parallel_loop3A_536 : vector<16xf32>
        %parallel_loop3A_541 = arith.addf %parallel_loop3A_537, %parallel_loop3A_538 : vector<16xf32>
        %parallel_loop3A_542 = arith.addf %parallel_loop3A_539, %parallel_loop3A_540 : vector<16xf32>
        %parallel_loop3A_543 = arith.addf %parallel_loop3A_542, %parallel_loop3A_541 : vector<16xf32>
        %parallel_loop3A_544 = arith.constant 6 : i32
        %parallel_loop3A_545 = arith.index_cast %parallel_loop3A_544 : i32 to index
        %parallel_loop3A_546 = arith.index_cast %parallel_loop3A_235 : i32 to index
        %parallel_loop3A_547 = tpu.vector_load %arg15[%parallel_loop3A_545, %parallel_loop3A_546] {strides = array<i32>} : memref<16x256xf32, #tpu.memory_space<vmem>>, vector<16xf32>,
        tpu.vector_store %arg15[%parallel_loop3A_545, %parallel_loop3A_546], %parallel_loop3A_543 {strides = array<i32>} : memref<16x256xf32, #tpu.memory_space<vmem>>, vector<16xf32>,
        %parallel_loop3A_548 = arith.constant 7 : i32
        %parallel_loop3A_549 = vector.broadcast %parallel_loop3A_548 : i32 to vector<16xi32>
        %parallel_loop3A_550 = arith.constant 7 : i32
        %parallel_loop3A_551 = arith.index_cast %parallel_loop3A_550 : i32 to index
        %parallel_loop3A_552 = arith.index_cast %parallel_loop3A_235 : i32 to index
        %parallel_loop3A_553 = tpu.vector_load %arg13[%parallel_loop3A_551, %parallel_loop3A_552] {strides = array<i32>} : memref<16x256xf32, #tpu.memory_space<vmem>>, vector<16xf32>,
        %parallel_loop3A_554 = tpu.vector_load_idx %arg7[%parallel_loop3A_549, %parallel_loop3A_239] : memref<16x2056xf32, #tpu.memory_space<vmem>>[vector<16xi32>, vector<16xi32>], vector<16xf32>,
        %parallel_loop3A_555 = tpu.vector_load_idx %arg7[%parallel_loop3A_549, %parallel_loop3A_243] : memref<16x2056xf32, #tpu.memory_space<vmem>>[vector<16xi32>, vector<16xi32>], vector<16xf32>,
        %parallel_loop3A_556 = tpu.vector_load_idx %arg7[%parallel_loop3A_549, %parallel_loop3A_247] : memref<16x2056xf32, #tpu.memory_space<vmem>>[vector<16xi32>, vector<16xi32>], vector<16xf32>,
        %parallel_loop3A_557 = tpu.vector_load_idx %arg7[%parallel_loop3A_549, %parallel_loop3A_251] : memref<16x2056xf32, #tpu.memory_space<vmem>>[vector<16xi32>, vector<16xi32>], vector<16xf32>,
        %parallel_loop3A_558 = tpu.vector_load_idx %arg7[%parallel_loop3A_549, %parallel_loop3A_255] : memref<16x2056xf32, #tpu.memory_space<vmem>>[vector<16xi32>, vector<16xi32>], vector<16xf32>,
        %parallel_loop3A_559 = tpu.vector_load_idx %arg7[%parallel_loop3A_549, %parallel_loop3A_259] : memref<16x2056xf32, #tpu.memory_space<vmem>>[vector<16xi32>, vector<16xi32>], vector<16xf32>,
        %parallel_loop3A_560 = tpu.vector_load_idx %arg7[%parallel_loop3A_549, %parallel_loop3A_263] : memref<16x2056xf32, #tpu.memory_space<vmem>>[vector<16xi32>, vector<16xi32>], vector<16xf32>,
        %parallel_loop3A_561 = tpu.vector_load_idx %arg7[%parallel_loop3A_549, %parallel_loop3A_267] : memref<16x2056xf32, #tpu.memory_space<vmem>>[vector<16xi32>, vector<16xi32>], vector<16xf32>,
        %parallel_loop3A_562 = arith.mulf %parallel_loop3A_283, %parallel_loop3A_561 : vector<16xf32>
        %parallel_loop3A_563 = tpu.vector_load_idx %arg7[%parallel_loop3A_549, %parallel_loop3A_271] : memref<16x2056xf32, #tpu.memory_space<vmem>>[vector<16xi32>, vector<16xi32>], vector<16xf32>,
        %parallel_loop3A_564 = arith.mulf %parallel_loop3A_287, %parallel_loop3A_563 : vector<16xf32>
        %parallel_loop3A_565 = tpu.vector_load_idx %arg7[%parallel_loop3A_549, %parallel_loop3A_275] : memref<16x2056xf32, #tpu.memory_space<vmem>>[vector<16xi32>, vector<16xi32>], vector<16xf32>,
        %parallel_loop3A_566 = arith.mulf %parallel_loop3A_291, %parallel_loop3A_565 : vector<16xf32>
        %parallel_loop3A_567 = tpu.vector_load_idx %arg7[%parallel_loop3A_549, %parallel_loop3A_279] : memref<16x2056xf32, #tpu.memory_space<vmem>>[vector<16xi32>, vector<16xi32>], vector<16xf32>,
        %parallel_loop3A_568 = arith.mulf %parallel_loop3A_295, %parallel_loop3A_567 : vector<16xf32>
        %parallel_loop3A_569 = arith.addf %parallel_loop3A_553, %parallel_loop3A_554 : vector<16xf32>
        %parallel_loop3A_570 = arith.addf %parallel_loop3A_555, %parallel_loop3A_556 : vector<16xf32>
        %parallel_loop3A_571 = arith.addf %parallel_loop3A_557, %parallel_loop3A_558 : vector<16xf32>
        %parallel_loop3A_572 = arith.addf %parallel_loop3A_559, %parallel_loop3A_560 : vector<16xf32>
        %parallel_loop3A_573 = arith.addf %parallel_loop3A_562, %parallel_loop3A_564 : vector<16xf32>
        %parallel_loop3A_574 = arith.addf %parallel_loop3A_566, %parallel_loop3A_568 : vector<16xf32>
        %parallel_loop3A_575 = arith.addf %parallel_loop3A_569, %parallel_loop3A_570 : vector<16xf32>
        %parallel_loop3A_576 = arith.addf %parallel_loop3A_571, %parallel_loop3A_572 : vector<16xf32>
        %parallel_loop3A_577 = arith.addf %parallel_loop3A_573, %parallel_loop3A_574 : vector<16xf32>
        %parallel_loop3A_578 = arith.addf %parallel_loop3A_575, %parallel_loop3A_576 : vector<16xf32>
        %parallel_loop3A_579 = arith.addf %parallel_loop3A_578, %parallel_loop3A_577 : vector<16xf32>
        %parallel_loop3A_580 = arith.constant 7 : i32
        %parallel_loop3A_581 = arith.index_cast %parallel_loop3A_580 : i32 to index
        %parallel_loop3A_582 = arith.index_cast %parallel_loop3A_235 : i32 to index
        %parallel_loop3A_583 = tpu.vector_load %arg15[%parallel_loop3A_581, %parallel_loop3A_582] {strides = array<i32>} : memref<16x256xf32, #tpu.memory_space<vmem>>, vector<16xf32>,
        tpu.vector_store %arg15[%parallel_loop3A_581, %parallel_loop3A_582], %parallel_loop3A_579 {strides = array<i32>} : memref<16x256xf32, #tpu.memory_space<vmem>>, vector<16xf32>,
        %parallel_loop3A_584 = arith.constant 8 : i32
        %parallel_loop3A_585 = vector.broadcast %parallel_loop3A_584 : i32 to vector<16xi32>
        %parallel_loop3A_586 = arith.constant 8 : i32
        %parallel_loop3A_587 = arith.index_cast %parallel_loop3A_586 : i32 to index
        %parallel_loop3A_588 = arith.index_cast %parallel_loop3A_235 : i32 to index
        %parallel_loop3A_589 = tpu.vector_load %arg13[%parallel_loop3A_587, %parallel_loop3A_588] {strides = array<i32>} : memref<16x256xf32, #tpu.memory_space<vmem>>, vector<16xf32>,
        %parallel_loop3A_590 = tpu.vector_load_idx %arg7[%parallel_loop3A_585, %parallel_loop3A_239] : memref<16x2056xf32, #tpu.memory_space<vmem>>[vector<16xi32>, vector<16xi32>], vector<16xf32>,
        %parallel_loop3A_591 = tpu.vector_load_idx %arg7[%parallel_loop3A_585, %parallel_loop3A_243] : memref<16x2056xf32, #tpu.memory_space<vmem>>[vector<16xi32>, vector<16xi32>], vector<16xf32>,
        %parallel_loop3A_592 = tpu.vector_load_idx %arg7[%parallel_loop3A_585, %parallel_loop3A_247] : memref<16x2056xf32, #tpu.memory_space<vmem>>[vector<16xi32>, vector<16xi32>], vector<16xf32>,
        %parallel_loop3A_593 = tpu.vector_load_idx %arg7[%parallel_loop3A_585, %parallel_loop3A_251] : memref<16x2056xf32, #tpu.memory_space<vmem>>[vector<16xi32>, vector<16xi32>], vector<16xf32>,
        %parallel_loop3A_594 = tpu.vector_load_idx %arg7[%parallel_loop3A_585, %parallel_loop3A_255] : memref<16x2056xf32, #tpu.memory_space<vmem>>[vector<16xi32>, vector<16xi32>], vector<16xf32>,
        %parallel_loop3A_595 = tpu.vector_load_idx %arg7[%parallel_loop3A_585, %parallel_loop3A_259] : memref<16x2056xf32, #tpu.memory_space<vmem>>[vector<16xi32>, vector<16xi32>], vector<16xf32>,
        %parallel_loop3A_596 = tpu.vector_load_idx %arg7[%parallel_loop3A_585, %parallel_loop3A_263] : memref<16x2056xf32, #tpu.memory_space<vmem>>[vector<16xi32>, vector<16xi32>], vector<16xf32>,
        %parallel_loop3A_597 = tpu.vector_load_idx %arg7[%parallel_loop3A_585, %parallel_loop3A_267] : memref<16x2056xf32, #tpu.memory_space<vmem>>[vector<16xi32>, vector<16xi32>], vector<16xf32>,
        %parallel_loop3A_598 = arith.mulf %parallel_loop3A_283, %parallel_loop3A_597 : vector<16xf32>
        %parallel_loop3A_599 = tpu.vector_load_idx %arg7[%parallel_loop3A_585, %parallel_loop3A_271] : memref<16x2056xf32, #tpu.memory_space<vmem>>[vector<16xi32>, vector<16xi32>], vector<16xf32>,
        %parallel_loop3A_600 = arith.mulf %parallel_loop3A_287, %parallel_loop3A_599 : vector<16xf32>
        %parallel_loop3A_601 = tpu.vector_load_idx %arg7[%parallel_loop3A_585, %parallel_loop3A_275] : memref<16x2056xf32, #tpu.memory_space<vmem>>[vector<16xi32>, vector<16xi32>], vector<16xf32>,
        %parallel_loop3A_602 = arith.mulf %parallel_loop3A_291, %parallel_loop3A_601 : vector<16xf32>
        %parallel_loop3A_603 = tpu.vector_load_idx %arg7[%parallel_loop3A_585, %parallel_loop3A_279] : memref<16x2056xf32, #tpu.memory_space<vmem>>[vector<16xi32>, vector<16xi32>], vector<16xf32>,
        %parallel_loop3A_604 = arith.mulf %parallel_loop3A_295, %parallel_loop3A_603 : vector<16xf32>
        %parallel_loop3A_605 = arith.addf %parallel_loop3A_589, %parallel_loop3A_590 : vector<16xf32>
        %parallel_loop3A_606 = arith.addf %parallel_loop3A_591, %parallel_loop3A_592 : vector<16xf32>
        %parallel_loop3A_607 = arith.addf %parallel_loop3A_593, %parallel_loop3A_594 : vector<16xf32>
        %parallel_loop3A_608 = arith.addf %parallel_loop3A_595, %parallel_loop3A_596 : vector<16xf32>
        %parallel_loop3A_609 = arith.addf %parallel_loop3A_598, %parallel_loop3A_600 : vector<16xf32>
        %parallel_loop3A_610 = arith.addf %parallel_loop3A_602, %parallel_loop3A_604 : vector<16xf32>
        %parallel_loop3A_611 = arith.addf %parallel_loop3A_605, %parallel_loop3A_606 : vector<16xf32>
        %parallel_loop3A_612 = arith.addf %parallel_loop3A_607, %parallel_loop3A_608 : vector<16xf32>
        %parallel_loop3A_613 = arith.addf %parallel_loop3A_609, %parallel_loop3A_610 : vector<16xf32>
        %parallel_loop3A_614 = arith.addf %parallel_loop3A_611, %parallel_loop3A_612 : vector<16xf32>
        %parallel_loop3A_615 = arith.addf %parallel_loop3A_614, %parallel_loop3A_613 : vector<16xf32>
        %parallel_loop3A_616 = arith.constant 8 : i32
        %parallel_loop3A_617 = arith.index_cast %parallel_loop3A_616 : i32 to index
        %parallel_loop3A_618 = arith.index_cast %parallel_loop3A_235 : i32 to index
        %parallel_loop3A_619 = tpu.vector_load %arg15[%parallel_loop3A_617, %parallel_loop3A_618] {strides = array<i32>} : memref<16x256xf32, #tpu.memory_space<vmem>>, vector<16xf32>,
        tpu.vector_store %arg15[%parallel_loop3A_617, %parallel_loop3A_618], %parallel_loop3A_615 {strides = array<i32>} : memref<16x256xf32, #tpu.memory_space<vmem>>, vector<16xf32>,
        %parallel_loop3A_620 = arith.constant 9 : i32
        %parallel_loop3A_621 = vector.broadcast %parallel_loop3A_620 : i32 to vector<16xi32>
        %parallel_loop3A_622 = arith.constant 9 : i32
        %parallel_loop3A_623 = arith.index_cast %parallel_loop3A_622 : i32 to index
        %parallel_loop3A_624 = arith.index_cast %parallel_loop3A_235 : i32 to index
        %parallel_loop3A_625 = tpu.vector_load %arg13[%parallel_loop3A_623, %parallel_loop3A_624] {strides = array<i32>} : memref<16x256xf32, #tpu.memory_space<vmem>>, vector<16xf32>,
        %parallel_loop3A_626 = tpu.vector_load_idx %arg7[%parallel_loop3A_621, %parallel_loop3A_239] : memref<16x2056xf32, #tpu.memory_space<vmem>>[vector<16xi32>, vector<16xi32>], vector<16xf32>,
        %parallel_loop3A_627 = tpu.vector_load_idx %arg7[%parallel_loop3A_621, %parallel_loop3A_243] : memref<16x2056xf32, #tpu.memory_space<vmem>>[vector<16xi32>, vector<16xi32>], vector<16xf32>,
        %parallel_loop3A_628 = tpu.vector_load_idx %arg7[%parallel_loop3A_621, %parallel_loop3A_247] : memref<16x2056xf32, #tpu.memory_space<vmem>>[vector<16xi32>, vector<16xi32>], vector<16xf32>,
        %parallel_loop3A_629 = tpu.vector_load_idx %arg7[%parallel_loop3A_621, %parallel_loop3A_251] : memref<16x2056xf32, #tpu.memory_space<vmem>>[vector<16xi32>, vector<16xi32>], vector<16xf32>,
        %parallel_loop3A_630 = tpu.vector_load_idx %arg7[%parallel_loop3A_621, %parallel_loop3A_255] : memref<16x2056xf32, #tpu.memory_space<vmem>>[vector<16xi32>, vector<16xi32>], vector<16xf32>,
        %parallel_loop3A_631 = tpu.vector_load_idx %arg7[%parallel_loop3A_621, %parallel_loop3A_259] : memref<16x2056xf32, #tpu.memory_space<vmem>>[vector<16xi32>, vector<16xi32>], vector<16xf32>,
        %parallel_loop3A_632 = tpu.vector_load_idx %arg7[%parallel_loop3A_621, %parallel_loop3A_263] : memref<16x2056xf32, #tpu.memory_space<vmem>>[vector<16xi32>, vector<16xi32>], vector<16xf32>,
        %parallel_loop3A_633 = tpu.vector_load_idx %arg7[%parallel_loop3A_621, %parallel_loop3A_267] : memref<16x2056xf32, #tpu.memory_space<vmem>>[vector<16xi32>, vector<16xi32>], vector<16xf32>,
        %parallel_loop3A_634 = arith.mulf %parallel_loop3A_283, %parallel_loop3A_633 : vector<16xf32>
        %parallel_loop3A_635 = tpu.vector_load_idx %arg7[%parallel_loop3A_621, %parallel_loop3A_271] : memref<16x2056xf32, #tpu.memory_space<vmem>>[vector<16xi32>, vector<16xi32>], vector<16xf32>,
        %parallel_loop3A_636 = arith.mulf %parallel_loop3A_287, %parallel_loop3A_635 : vector<16xf32>
        %parallel_loop3A_637 = tpu.vector_load_idx %arg7[%parallel_loop3A_621, %parallel_loop3A_275] : memref<16x2056xf32, #tpu.memory_space<vmem>>[vector<16xi32>, vector<16xi32>], vector<16xf32>,
        %parallel_loop3A_638 = arith.mulf %parallel_loop3A_291, %parallel_loop3A_637 : vector<16xf32>
        %parallel_loop3A_639 = tpu.vector_load_idx %arg7[%parallel_loop3A_621, %parallel_loop3A_279] : memref<16x2056xf32, #tpu.memory_space<vmem>>[vector<16xi32>, vector<16xi32>], vector<16xf32>,
        %parallel_loop3A_640 = arith.mulf %parallel_loop3A_295, %parallel_loop3A_639 : vector<16xf32>
        %parallel_loop3A_641 = arith.addf %parallel_loop3A_625, %parallel_loop3A_626 : vector<16xf32>
        %parallel_loop3A_642 = arith.addf %parallel_loop3A_627, %parallel_loop3A_628 : vector<16xf32>
        %parallel_loop3A_643 = arith.addf %parallel_loop3A_629, %parallel_loop3A_630 : vector<16xf32>
        %parallel_loop3A_644 = arith.addf %parallel_loop3A_631, %parallel_loop3A_632 : vector<16xf32>
        %parallel_loop3A_645 = arith.addf %parallel_loop3A_634, %parallel_loop3A_636 : vector<16xf32>
        %parallel_loop3A_646 = arith.addf %parallel_loop3A_638, %parallel_loop3A_640 : vector<16xf32>
        %parallel_loop3A_647 = arith.addf %parallel_loop3A_641, %parallel_loop3A_642 : vector<16xf32>
        %parallel_loop3A_648 = arith.addf %parallel_loop3A_643, %parallel_loop3A_644 : vector<16xf32>
        %parallel_loop3A_649 = arith.addf %parallel_loop3A_645, %parallel_loop3A_646 : vector<16xf32>
        %parallel_loop3A_650 = arith.addf %parallel_loop3A_647, %parallel_loop3A_648 : vector<16xf32>
        %parallel_loop3A_651 = arith.addf %parallel_loop3A_650, %parallel_loop3A_649 : vector<16xf32>
        %parallel_loop3A_652 = arith.constant 9 : i32
        %parallel_loop3A_653 = arith.index_cast %parallel_loop3A_652 : i32 to index
        %parallel_loop3A_654 = arith.index_cast %parallel_loop3A_235 : i32 to index
        %parallel_loop3A_655 = tpu.vector_load %arg15[%parallel_loop3A_653, %parallel_loop3A_654] {strides = array<i32>} : memref<16x256xf32, #tpu.memory_space<vmem>>, vector<16xf32>,
        tpu.vector_store %arg15[%parallel_loop3A_653, %parallel_loop3A_654], %parallel_loop3A_651 {strides = array<i32>} : memref<16x256xf32, #tpu.memory_space<vmem>>, vector<16xf32>,
        %parallel_loop3A_656 = arith.constant 10 : i32
        %parallel_loop3A_657 = vector.broadcast %parallel_loop3A_656 : i32 to vector<16xi32>
        %parallel_loop3A_658 = arith.constant 10 : i32
        %parallel_loop3A_659 = arith.index_cast %parallel_loop3A_658 : i32 to index
        %parallel_loop3A_660 = arith.index_cast %parallel_loop3A_235 : i32 to index
        %parallel_loop3A_661 = tpu.vector_load %arg13[%parallel_loop3A_659, %parallel_loop3A_660] {strides = array<i32>} : memref<16x256xf32, #tpu.memory_space<vmem>>, vector<16xf32>,
        %parallel_loop3A_662 = tpu.vector_load_idx %arg7[%parallel_loop3A_657, %parallel_loop3A_239] : memref<16x2056xf32, #tpu.memory_space<vmem>>[vector<16xi32>, vector<16xi32>], vector<16xf32>,
        %parallel_loop3A_663 = tpu.vector_load_idx %arg7[%parallel_loop3A_657, %parallel_loop3A_243] : memref<16x2056xf32, #tpu.memory_space<vmem>>[vector<16xi32>, vector<16xi32>], vector<16xf32>,
        %parallel_loop3A_664 = tpu.vector_load_idx %arg7[%parallel_loop3A_657, %parallel_loop3A_247] : memref<16x2056xf32, #tpu.memory_space<vmem>>[vector<16xi32>, vector<16xi32>], vector<16xf32>,
        %parallel_loop3A_665 = tpu.vector_load_idx %arg7[%parallel_loop3A_657, %parallel_loop3A_251] : memref<16x2056xf32, #tpu.memory_space<vmem>>[vector<16xi32>, vector<16xi32>], vector<16xf32>,
        %parallel_loop3A_666 = tpu.vector_load_idx %arg7[%parallel_loop3A_657, %parallel_loop3A_255] : memref<16x2056xf32, #tpu.memory_space<vmem>>[vector<16xi32>, vector<16xi32>], vector<16xf32>,
        %parallel_loop3A_667 = tpu.vector_load_idx %arg7[%parallel_loop3A_657, %parallel_loop3A_259] : memref<16x2056xf32, #tpu.memory_space<vmem>>[vector<16xi32>, vector<16xi32>], vector<16xf32>,
        %parallel_loop3A_668 = tpu.vector_load_idx %arg7[%parallel_loop3A_657, %parallel_loop3A_263] : memref<16x2056xf32, #tpu.memory_space<vmem>>[vector<16xi32>, vector<16xi32>], vector<16xf32>,
        %parallel_loop3A_669 = tpu.vector_load_idx %arg7[%parallel_loop3A_657, %parallel_loop3A_267] : memref<16x2056xf32, #tpu.memory_space<vmem>>[vector<16xi32>, vector<16xi32>], vector<16xf32>,
        %parallel_loop3A_670 = arith.mulf %parallel_loop3A_283, %parallel_loop3A_669 : vector<16xf32>
        %parallel_loop3A_671 = tpu.vector_load_idx %arg7[%parallel_loop3A_657, %parallel_loop3A_271] : memref<16x2056xf32, #tpu.memory_space<vmem>>[vector<16xi32>, vector<16xi32>], vector<16xf32>,
        %parallel_loop3A_672 = arith.mulf %parallel_loop3A_287, %parallel_loop3A_671 : vector<16xf32>
        %parallel_loop3A_673 = tpu.vector_load_idx %arg7[%parallel_loop3A_657, %parallel_loop3A_275] : memref<16x2056xf32, #tpu.memory_space<vmem>>[vector<16xi32>, vector<16xi32>], vector<16xf32>,
        %parallel_loop3A_674 = arith.mulf %parallel_loop3A_291, %parallel_loop3A_673 : vector<16xf32>
        %parallel_loop3A_675 = tpu.vector_load_idx %arg7[%parallel_loop3A_657, %parallel_loop3A_279] : memref<16x2056xf32, #tpu.memory_space<vmem>>[vector<16xi32>, vector<16xi32>], vector<16xf32>,
        %parallel_loop3A_676 = arith.mulf %parallel_loop3A_295, %parallel_loop3A_675 : vector<16xf32>
        %parallel_loop3A_677 = arith.addf %parallel_loop3A_661, %parallel_loop3A_662 : vector<16xf32>
        %parallel_loop3A_678 = arith.addf %parallel_loop3A_663, %parallel_loop3A_664 : vector<16xf32>
        %parallel_loop3A_679 = arith.addf %parallel_loop3A_665, %parallel_loop3A_666 : vector<16xf32>
        %parallel_loop3A_680 = arith.addf %parallel_loop3A_667, %parallel_loop3A_668 : vector<16xf32>
        %parallel_loop3A_681 = arith.addf %parallel_loop3A_670, %parallel_loop3A_672 : vector<16xf32>
        %parallel_loop3A_682 = arith.addf %parallel_loop3A_674, %parallel_loop3A_676 : vector<16xf32>
        %parallel_loop3A_683 = arith.addf %parallel_loop3A_677, %parallel_loop3A_678 : vector<16xf32>
        %parallel_loop3A_684 = arith.addf %parallel_loop3A_679, %parallel_loop3A_680 : vector<16xf32>
        %parallel_loop3A_685 = arith.addf %parallel_loop3A_681, %parallel_loop3A_682 : vector<16xf32>
        %parallel_loop3A_686 = arith.addf %parallel_loop3A_683, %parallel_loop3A_684 : vector<16xf32>
        %parallel_loop3A_687 = arith.addf %parallel_loop3A_686, %parallel_loop3A_685 : vector<16xf32>
        %parallel_loop3A_688 = arith.constant 10 : i32
        %parallel_loop3A_689 = arith.index_cast %parallel_loop3A_688 : i32 to index
        %parallel_loop3A_690 = arith.index_cast %parallel_loop3A_235 : i32 to index
        %parallel_loop3A_691 = tpu.vector_load %arg15[%parallel_loop3A_689, %parallel_loop3A_690] {strides = array<i32>} : memref<16x256xf32, #tpu.memory_space<vmem>>, vector<16xf32>,
        tpu.vector_store %arg15[%parallel_loop3A_689, %parallel_loop3A_690], %parallel_loop3A_687 {strides = array<i32>} : memref<16x256xf32, #tpu.memory_space<vmem>>, vector<16xf32>,
        %parallel_loop3A_692 = arith.constant 11 : i32
        %parallel_loop3A_693 = vector.broadcast %parallel_loop3A_692 : i32 to vector<16xi32>
        %parallel_loop3A_694 = arith.constant 11 : i32
        %parallel_loop3A_695 = arith.index_cast %parallel_loop3A_694 : i32 to index
        %parallel_loop3A_696 = arith.index_cast %parallel_loop3A_235 : i32 to index
        %parallel_loop3A_697 = tpu.vector_load %arg13[%parallel_loop3A_695, %parallel_loop3A_696] {strides = array<i32>} : memref<16x256xf32, #tpu.memory_space<vmem>>, vector<16xf32>,
        %parallel_loop3A_698 = tpu.vector_load_idx %arg7[%parallel_loop3A_693, %parallel_loop3A_239] : memref<16x2056xf32, #tpu.memory_space<vmem>>[vector<16xi32>, vector<16xi32>], vector<16xf32>,
        %parallel_loop3A_699 = tpu.vector_load_idx %arg7[%parallel_loop3A_693, %parallel_loop3A_243] : memref<16x2056xf32, #tpu.memory_space<vmem>>[vector<16xi32>, vector<16xi32>], vector<16xf32>,
        %parallel_loop3A_700 = tpu.vector_load_idx %arg7[%parallel_loop3A_693, %parallel_loop3A_247] : memref<16x2056xf32, #tpu.memory_space<vmem>>[vector<16xi32>, vector<16xi32>], vector<16xf32>,
        %parallel_loop3A_701 = tpu.vector_load_idx %arg7[%parallel_loop3A_693, %parallel_loop3A_251] : memref<16x2056xf32, #tpu.memory_space<vmem>>[vector<16xi32>, vector<16xi32>], vector<16xf32>,
        %parallel_loop3A_702 = tpu.vector_load_idx %arg7[%parallel_loop3A_693, %parallel_loop3A_255] : memref<16x2056xf32, #tpu.memory_space<vmem>>[vector<16xi32>, vector<16xi32>], vector<16xf32>,
        %parallel_loop3A_703 = tpu.vector_load_idx %arg7[%parallel_loop3A_693, %parallel_loop3A_259] : memref<16x2056xf32, #tpu.memory_space<vmem>>[vector<16xi32>, vector<16xi32>], vector<16xf32>,
        %parallel_loop3A_704 = tpu.vector_load_idx %arg7[%parallel_loop3A_693, %parallel_loop3A_263] : memref<16x2056xf32, #tpu.memory_space<vmem>>[vector<16xi32>, vector<16xi32>], vector<16xf32>,
        %parallel_loop3A_705 = tpu.vector_load_idx %arg7[%parallel_loop3A_693, %parallel_loop3A_267] : memref<16x2056xf32, #tpu.memory_space<vmem>>[vector<16xi32>, vector<16xi32>], vector<16xf32>,
        %parallel_loop3A_706 = arith.mulf %parallel_loop3A_283, %parallel_loop3A_705 : vector<16xf32>
        %parallel_loop3A_707 = tpu.vector_load_idx %arg7[%parallel_loop3A_693, %parallel_loop3A_271] : memref<16x2056xf32, #tpu.memory_space<vmem>>[vector<16xi32>, vector<16xi32>], vector<16xf32>,
        %parallel_loop3A_708 = arith.mulf %parallel_loop3A_287, %parallel_loop3A_707 : vector<16xf32>
        %parallel_loop3A_709 = tpu.vector_load_idx %arg7[%parallel_loop3A_693, %parallel_loop3A_275] : memref<16x2056xf32, #tpu.memory_space<vmem>>[vector<16xi32>, vector<16xi32>], vector<16xf32>,
        %parallel_loop3A_710 = arith.mulf %parallel_loop3A_291, %parallel_loop3A_709 : vector<16xf32>
        %parallel_loop3A_711 = tpu.vector_load_idx %arg7[%parallel_loop3A_693, %parallel_loop3A_279] : memref<16x2056xf32, #tpu.memory_space<vmem>>[vector<16xi32>, vector<16xi32>], vector<16xf32>,
        %parallel_loop3A_712 = arith.mulf %parallel_loop3A_295, %parallel_loop3A_711 : vector<16xf32>
        %parallel_loop3A_713 = arith.addf %parallel_loop3A_697, %parallel_loop3A_698 : vector<16xf32>
        %parallel_loop3A_714 = arith.addf %parallel_loop3A_699, %parallel_loop3A_700 : vector<16xf32>
        %parallel_loop3A_715 = arith.addf %parallel_loop3A_701, %parallel_loop3A_702 : vector<16xf32>
        %parallel_loop3A_716 = arith.addf %parallel_loop3A_703, %parallel_loop3A_704 : vector<16xf32>
        %parallel_loop3A_717 = arith.addf %parallel_loop3A_706, %parallel_loop3A_708 : vector<16xf32>
        %parallel_loop3A_718 = arith.addf %parallel_loop3A_710, %parallel_loop3A_712 : vector<16xf32>
        %parallel_loop3A_719 = arith.addf %parallel_loop3A_713, %parallel_loop3A_714 : vector<16xf32>
        %parallel_loop3A_720 = arith.addf %parallel_loop3A_715, %parallel_loop3A_716 : vector<16xf32>
        %parallel_loop3A_721 = arith.addf %parallel_loop3A_717, %parallel_loop3A_718 : vector<16xf32>
        %parallel_loop3A_722 = arith.addf %parallel_loop3A_719, %parallel_loop3A_720 : vector<16xf32>
        %parallel_loop3A_723 = arith.addf %parallel_loop3A_722, %parallel_loop3A_721 : vector<16xf32>
        %parallel_loop3A_724 = arith.constant 11 : i32
        %parallel_loop3A_725 = arith.index_cast %parallel_loop3A_724 : i32 to index
        %parallel_loop3A_726 = arith.index_cast %parallel_loop3A_235 : i32 to index
        %parallel_loop3A_727 = tpu.vector_load %arg15[%parallel_loop3A_725, %parallel_loop3A_726] {strides = array<i32>} : memref<16x256xf32, #tpu.memory_space<vmem>>, vector<16xf32>,
        tpu.vector_store %arg15[%parallel_loop3A_725, %parallel_loop3A_726], %parallel_loop3A_723 {strides = array<i32>} : memref<16x256xf32, #tpu.memory_space<vmem>>, vector<16xf32>,
        %parallel_loop3A_728 = arith.constant 12 : i32
        %parallel_loop3A_729 = vector.broadcast %parallel_loop3A_728 : i32 to vector<16xi32>
        %parallel_loop3A_730 = arith.constant 12 : i32
        %parallel_loop3A_731 = arith.index_cast %parallel_loop3A_730 : i32 to index
        %parallel_loop3A_732 = arith.index_cast %parallel_loop3A_235 : i32 to index
        %parallel_loop3A_733 = tpu.vector_load %arg13[%parallel_loop3A_731, %parallel_loop3A_732] {strides = array<i32>} : memref<16x256xf32, #tpu.memory_space<vmem>>, vector<16xf32>,
        %parallel_loop3A_734 = tpu.vector_load_idx %arg7[%parallel_loop3A_729, %parallel_loop3A_239] : memref<16x2056xf32, #tpu.memory_space<vmem>>[vector<16xi32>, vector<16xi32>], vector<16xf32>,
        %parallel_loop3A_735 = tpu.vector_load_idx %arg7[%parallel_loop3A_729, %parallel_loop3A_243] : memref<16x2056xf32, #tpu.memory_space<vmem>>[vector<16xi32>, vector<16xi32>], vector<16xf32>,
        %parallel_loop3A_736 = tpu.vector_load_idx %arg7[%parallel_loop3A_729, %parallel_loop3A_247] : memref<16x2056xf32, #tpu.memory_space<vmem>>[vector<16xi32>, vector<16xi32>], vector<16xf32>,
        %parallel_loop3A_737 = tpu.vector_load_idx %arg7[%parallel_loop3A_729, %parallel_loop3A_251] : memref<16x2056xf32, #tpu.memory_space<vmem>>[vector<16xi32>, vector<16xi32>], vector<16xf32>,
        %parallel_loop3A_738 = tpu.vector_load_idx %arg7[%parallel_loop3A_729, %parallel_loop3A_255] : memref<16x2056xf32, #tpu.memory_space<vmem>>[vector<16xi32>, vector<16xi32>], vector<16xf32>,
        %parallel_loop3A_739 = tpu.vector_load_idx %arg7[%parallel_loop3A_729, %parallel_loop3A_259] : memref<16x2056xf32, #tpu.memory_space<vmem>>[vector<16xi32>, vector<16xi32>], vector<16xf32>,
        %parallel_loop3A_740 = tpu.vector_load_idx %arg7[%parallel_loop3A_729, %parallel_loop3A_263] : memref<16x2056xf32, #tpu.memory_space<vmem>>[vector<16xi32>, vector<16xi32>], vector<16xf32>,
        %parallel_loop3A_741 = tpu.vector_load_idx %arg7[%parallel_loop3A_729, %parallel_loop3A_267] : memref<16x2056xf32, #tpu.memory_space<vmem>>[vector<16xi32>, vector<16xi32>], vector<16xf32>,
        %parallel_loop3A_742 = arith.mulf %parallel_loop3A_283, %parallel_loop3A_741 : vector<16xf32>
        %parallel_loop3A_743 = tpu.vector_load_idx %arg7[%parallel_loop3A_729, %parallel_loop3A_271] : memref<16x2056xf32, #tpu.memory_space<vmem>>[vector<16xi32>, vector<16xi32>], vector<16xf32>,
        %parallel_loop3A_744 = arith.mulf %parallel_loop3A_287, %parallel_loop3A_743 : vector<16xf32>
        %parallel_loop3A_745 = tpu.vector_load_idx %arg7[%parallel_loop3A_729, %parallel_loop3A_275] : memref<16x2056xf32, #tpu.memory_space<vmem>>[vector<16xi32>, vector<16xi32>], vector<16xf32>,
        %parallel_loop3A_746 = arith.mulf %parallel_loop3A_291, %parallel_loop3A_745 : vector<16xf32>
        %parallel_loop3A_747 = tpu.vector_load_idx %arg7[%parallel_loop3A_729, %parallel_loop3A_279] : memref<16x2056xf32, #tpu.memory_space<vmem>>[vector<16xi32>, vector<16xi32>], vector<16xf32>,
        %parallel_loop3A_748 = arith.mulf %parallel_loop3A_295, %parallel_loop3A_747 : vector<16xf32>
        %parallel_loop3A_749 = arith.addf %parallel_loop3A_733, %parallel_loop3A_734 : vector<16xf32>
        %parallel_loop3A_750 = arith.addf %parallel_loop3A_735, %parallel_loop3A_736 : vector<16xf32>
        %parallel_loop3A_751 = arith.addf %parallel_loop3A_737, %parallel_loop3A_738 : vector<16xf32>
        %parallel_loop3A_752 = arith.addf %parallel_loop3A_739, %parallel_loop3A_740 : vector<16xf32>
        %parallel_loop3A_753 = arith.addf %parallel_loop3A_742, %parallel_loop3A_744 : vector<16xf32>
        %parallel_loop3A_754 = arith.addf %parallel_loop3A_746, %parallel_loop3A_748 : vector<16xf32>
        %parallel_loop3A_755 = arith.addf %parallel_loop3A_749, %parallel_loop3A_750 : vector<16xf32>
        %parallel_loop3A_756 = arith.addf %parallel_loop3A_751, %parallel_loop3A_752 : vector<16xf32>
        %parallel_loop3A_757 = arith.addf %parallel_loop3A_753, %parallel_loop3A_754 : vector<16xf32>
        %parallel_loop3A_758 = arith.addf %parallel_loop3A_755, %parallel_loop3A_756 : vector<16xf32>
        %parallel_loop3A_759 = arith.addf %parallel_loop3A_758, %parallel_loop3A_757 : vector<16xf32>
        %parallel_loop3A_760 = arith.constant 12 : i32
        %parallel_loop3A_761 = arith.index_cast %parallel_loop3A_760 : i32 to index
        %parallel_loop3A_762 = arith.index_cast %parallel_loop3A_235 : i32 to index
        %parallel_loop3A_763 = tpu.vector_load %arg15[%parallel_loop3A_761, %parallel_loop3A_762] {strides = array<i32>} : memref<16x256xf32, #tpu.memory_space<vmem>>, vector<16xf32>,
        tpu.vector_store %arg15[%parallel_loop3A_761, %parallel_loop3A_762], %parallel_loop3A_759 {strides = array<i32>} : memref<16x256xf32, #tpu.memory_space<vmem>>, vector<16xf32>,
        %parallel_loop3A_764 = arith.constant 13 : i32
        %parallel_loop3A_765 = vector.broadcast %parallel_loop3A_764 : i32 to vector<16xi32>
        %parallel_loop3A_766 = arith.constant 13 : i32
        %parallel_loop3A_767 = arith.index_cast %parallel_loop3A_766 : i32 to index
        %parallel_loop3A_768 = arith.index_cast %parallel_loop3A_235 : i32 to index
        %parallel_loop3A_769 = tpu.vector_load %arg13[%parallel_loop3A_767, %parallel_loop3A_768] {strides = array<i32>} : memref<16x256xf32, #tpu.memory_space<vmem>>, vector<16xf32>,
        %parallel_loop3A_770 = tpu.vector_load_idx %arg7[%parallel_loop3A_765, %parallel_loop3A_239] : memref<16x2056xf32, #tpu.memory_space<vmem>>[vector<16xi32>, vector<16xi32>], vector<16xf32>,
        %parallel_loop3A_771 = tpu.vector_load_idx %arg7[%parallel_loop3A_765, %parallel_loop3A_243] : memref<16x2056xf32, #tpu.memory_space<vmem>>[vector<16xi32>, vector<16xi32>], vector<16xf32>,
        %parallel_loop3A_772 = tpu.vector_load_idx %arg7[%parallel_loop3A_765, %parallel_loop3A_247] : memref<16x2056xf32, #tpu.memory_space<vmem>>[vector<16xi32>, vector<16xi32>], vector<16xf32>,
        %parallel_loop3A_773 = tpu.vector_load_idx %arg7[%parallel_loop3A_765, %parallel_loop3A_251] : memref<16x2056xf32, #tpu.memory_space<vmem>>[vector<16xi32>, vector<16xi32>], vector<16xf32>,
        %parallel_loop3A_774 = tpu.vector_load_idx %arg7[%parallel_loop3A_765, %parallel_loop3A_255] : memref<16x2056xf32, #tpu.memory_space<vmem>>[vector<16xi32>, vector<16xi32>], vector<16xf32>,
        %parallel_loop3A_775 = tpu.vector_load_idx %arg7[%parallel_loop3A_765, %parallel_loop3A_259] : memref<16x2056xf32, #tpu.memory_space<vmem>>[vector<16xi32>, vector<16xi32>], vector<16xf32>,
        %parallel_loop3A_776 = tpu.vector_load_idx %arg7[%parallel_loop3A_765, %parallel_loop3A_263] : memref<16x2056xf32, #tpu.memory_space<vmem>>[vector<16xi32>, vector<16xi32>], vector<16xf32>,
        %parallel_loop3A_777 = tpu.vector_load_idx %arg7[%parallel_loop3A_765, %parallel_loop3A_267] : memref<16x2056xf32, #tpu.memory_space<vmem>>[vector<16xi32>, vector<16xi32>], vector<16xf32>,
        %parallel_loop3A_778 = arith.mulf %parallel_loop3A_283, %parallel_loop3A_777 : vector<16xf32>
        %parallel_loop3A_779 = tpu.vector_load_idx %arg7[%parallel_loop3A_765, %parallel_loop3A_271] : memref<16x2056xf32, #tpu.memory_space<vmem>>[vector<16xi32>, vector<16xi32>], vector<16xf32>,
        %parallel_loop3A_780 = arith.mulf %parallel_loop3A_287, %parallel_loop3A_779 : vector<16xf32>
        %parallel_loop3A_781 = tpu.vector_load_idx %arg7[%parallel_loop3A_765, %parallel_loop3A_275] : memref<16x2056xf32, #tpu.memory_space<vmem>>[vector<16xi32>, vector<16xi32>], vector<16xf32>,
        %parallel_loop3A_782 = arith.mulf %parallel_loop3A_291, %parallel_loop3A_781 : vector<16xf32>
        %parallel_loop3A_783 = tpu.vector_load_idx %arg7[%parallel_loop3A_765, %parallel_loop3A_279] : memref<16x2056xf32, #tpu.memory_space<vmem>>[vector<16xi32>, vector<16xi32>], vector<16xf32>,
        %parallel_loop3A_784 = arith.mulf %parallel_loop3A_295, %parallel_loop3A_783 : vector<16xf32>
        %parallel_loop3A_785 = arith.addf %parallel_loop3A_769, %parallel_loop3A_770 : vector<16xf32>
        %parallel_loop3A_786 = arith.addf %parallel_loop3A_771, %parallel_loop3A_772 : vector<16xf32>
        %parallel_loop3A_787 = arith.addf %parallel_loop3A_773, %parallel_loop3A_774 : vector<16xf32>
        %parallel_loop3A_788 = arith.addf %parallel_loop3A_775, %parallel_loop3A_776 : vector<16xf32>
        %parallel_loop3A_789 = arith.addf %parallel_loop3A_778, %parallel_loop3A_780 : vector<16xf32>
        %parallel_loop3A_790 = arith.addf %parallel_loop3A_782, %parallel_loop3A_784 : vector<16xf32>
        %parallel_loop3A_791 = arith.addf %parallel_loop3A_785, %parallel_loop3A_786 : vector<16xf32>
        %parallel_loop3A_792 = arith.addf %parallel_loop3A_787, %parallel_loop3A_788 : vector<16xf32>
        %parallel_loop3A_793 = arith.addf %parallel_loop3A_789, %parallel_loop3A_790 : vector<16xf32>
        %parallel_loop3A_794 = arith.addf %parallel_loop3A_791, %parallel_loop3A_792 : vector<16xf32>
        %parallel_loop3A_795 = arith.addf %parallel_loop3A_794, %parallel_loop3A_793 : vector<16xf32>
        %parallel_loop3A_796 = arith.constant 13 : i32
        %parallel_loop3A_797 = arith.index_cast %parallel_loop3A_796 : i32 to index
        %parallel_loop3A_798 = arith.index_cast %parallel_loop3A_235 : i32 to index
        %parallel_loop3A_799 = tpu.vector_load %arg15[%parallel_loop3A_797, %parallel_loop3A_798] {strides = array<i32>} : memref<16x256xf32, #tpu.memory_space<vmem>>, vector<16xf32>,
        tpu.vector_store %arg15[%parallel_loop3A_797, %parallel_loop3A_798], %parallel_loop3A_795 {strides = array<i32>} : memref<16x256xf32, #tpu.memory_space<vmem>>, vector<16xf32>,
        %parallel_loop3A_800 = arith.constant 14 : i32
        %parallel_loop3A_801 = vector.broadcast %parallel_loop3A_800 : i32 to vector<16xi32>
        %parallel_loop3A_802 = arith.constant 14 : i32
        %parallel_loop3A_803 = arith.index_cast %parallel_loop3A_802 : i32 to index
        %parallel_loop3A_804 = arith.index_cast %parallel_loop3A_235 : i32 to index
        %parallel_loop3A_805 = tpu.vector_load %arg13[%parallel_loop3A_803, %parallel_loop3A_804] {strides = array<i32>} : memref<16x256xf32, #tpu.memory_space<vmem>>, vector<16xf32>,
        %parallel_loop3A_806 = tpu.vector_load_idx %arg7[%parallel_loop3A_801, %parallel_loop3A_239] : memref<16x2056xf32, #tpu.memory_space<vmem>>[vector<16xi32>, vector<16xi32>], vector<16xf32>,
        %parallel_loop3A_807 = tpu.vector_load_idx %arg7[%parallel_loop3A_801, %parallel_loop3A_243] : memref<16x2056xf32, #tpu.memory_space<vmem>>[vector<16xi32>, vector<16xi32>], vector<16xf32>,
        %parallel_loop3A_808 = tpu.vector_load_idx %arg7[%parallel_loop3A_801, %parallel_loop3A_247] : memref<16x2056xf32, #tpu.memory_space<vmem>>[vector<16xi32>, vector<16xi32>], vector<16xf32>,
        %parallel_loop3A_809 = tpu.vector_load_idx %arg7[%parallel_loop3A_801, %parallel_loop3A_251] : memref<16x2056xf32, #tpu.memory_space<vmem>>[vector<16xi32>, vector<16xi32>], vector<16xf32>,
        %parallel_loop3A_810 = tpu.vector_load_idx %arg7[%parallel_loop3A_801, %parallel_loop3A_255] : memref<16x2056xf32, #tpu.memory_space<vmem>>[vector<16xi32>, vector<16xi32>], vector<16xf32>,
        %parallel_loop3A_811 = tpu.vector_load_idx %arg7[%parallel_loop3A_801, %parallel_loop3A_259] : memref<16x2056xf32, #tpu.memory_space<vmem>>[vector<16xi32>, vector<16xi32>], vector<16xf32>,
        %parallel_loop3A_812 = tpu.vector_load_idx %arg7[%parallel_loop3A_801, %parallel_loop3A_263] : memref<16x2056xf32, #tpu.memory_space<vmem>>[vector<16xi32>, vector<16xi32>], vector<16xf32>,
        %parallel_loop3A_813 = tpu.vector_load_idx %arg7[%parallel_loop3A_801, %parallel_loop3A_267] : memref<16x2056xf32, #tpu.memory_space<vmem>>[vector<16xi32>, vector<16xi32>], vector<16xf32>,
        %parallel_loop3A_814 = arith.mulf %parallel_loop3A_283, %parallel_loop3A_813 : vector<16xf32>
        %parallel_loop3A_815 = tpu.vector_load_idx %arg7[%parallel_loop3A_801, %parallel_loop3A_271] : memref<16x2056xf32, #tpu.memory_space<vmem>>[vector<16xi32>, vector<16xi32>], vector<16xf32>,
        %parallel_loop3A_816 = arith.mulf %parallel_loop3A_287, %parallel_loop3A_815 : vector<16xf32>
        %parallel_loop3A_817 = tpu.vector_load_idx %arg7[%parallel_loop3A_801, %parallel_loop3A_275] : memref<16x2056xf32, #tpu.memory_space<vmem>>[vector<16xi32>, vector<16xi32>], vector<16xf32>,
        %parallel_loop3A_818 = arith.mulf %parallel_loop3A_291, %parallel_loop3A_817 : vector<16xf32>
        %parallel_loop3A_819 = tpu.vector_load_idx %arg7[%parallel_loop3A_801, %parallel_loop3A_279] : memref<16x2056xf32, #tpu.memory_space<vmem>>[vector<16xi32>, vector<16xi32>], vector<16xf32>,
        %parallel_loop3A_820 = arith.mulf %parallel_loop3A_295, %parallel_loop3A_819 : vector<16xf32>
        %parallel_loop3A_821 = arith.addf %parallel_loop3A_805, %parallel_loop3A_806 : vector<16xf32>
        %parallel_loop3A_822 = arith.addf %parallel_loop3A_807, %parallel_loop3A_808 : vector<16xf32>
        %parallel_loop3A_823 = arith.addf %parallel_loop3A_809, %parallel_loop3A_810 : vector<16xf32>
        %parallel_loop3A_824 = arith.addf %parallel_loop3A_811, %parallel_loop3A_812 : vector<16xf32>
        %parallel_loop3A_825 = arith.addf %parallel_loop3A_814, %parallel_loop3A_816 : vector<16xf32>
        %parallel_loop3A_826 = arith.addf %parallel_loop3A_818, %parallel_loop3A_820 : vector<16xf32>
        %parallel_loop3A_827 = arith.addf %parallel_loop3A_821, %parallel_loop3A_822 : vector<16xf32>
        %parallel_loop3A_828 = arith.addf %parallel_loop3A_823, %parallel_loop3A_824 : vector<16xf32>
        %parallel_loop3A_829 = arith.addf %parallel_loop3A_825, %parallel_loop3A_826 : vector<16xf32>
        %parallel_loop3A_830 = arith.addf %parallel_loop3A_827, %parallel_loop3A_828 : vector<16xf32>
        %parallel_loop3A_831 = arith.addf %parallel_loop3A_830, %parallel_loop3A_829 : vector<16xf32>
        %parallel_loop3A_832 = arith.constant 14 : i32
        %parallel_loop3A_833 = arith.index_cast %parallel_loop3A_832 : i32 to index
        %parallel_loop3A_834 = arith.index_cast %parallel_loop3A_235 : i32 to index
        %parallel_loop3A_835 = tpu.vector_load %arg15[%parallel_loop3A_833, %parallel_loop3A_834] {strides = array<i32>} : memref<16x256xf32, #tpu.memory_space<vmem>>, vector<16xf32>,
        tpu.vector_store %arg15[%parallel_loop3A_833, %parallel_loop3A_834], %parallel_loop3A_831 {strides = array<i32>} : memref<16x256xf32, #tpu.memory_space<vmem>>, vector<16xf32>,
        %parallel_loop3A_836 = arith.constant 15 : i32
        %parallel_loop3A_837 = vector.broadcast %parallel_loop3A_836 : i32 to vector<16xi32>
        %parallel_loop3A_838 = arith.constant 15 : i32
        %parallel_loop3A_839 = arith.index_cast %parallel_loop3A_838 : i32 to index
        %parallel_loop3A_840 = arith.index_cast %parallel_loop3A_235 : i32 to index
        %parallel_loop3A_841 = tpu.vector_load %arg13[%parallel_loop3A_839, %parallel_loop3A_840] {strides = array<i32>} : memref<16x256xf32, #tpu.memory_space<vmem>>, vector<16xf32>,
        %parallel_loop3A_842 = tpu.vector_load_idx %arg7[%parallel_loop3A_837, %parallel_loop3A_239] : memref<16x2056xf32, #tpu.memory_space<vmem>>[vector<16xi32>, vector<16xi32>], vector<16xf32>,
        %parallel_loop3A_843 = tpu.vector_load_idx %arg7[%parallel_loop3A_837, %parallel_loop3A_243] : memref<16x2056xf32, #tpu.memory_space<vmem>>[vector<16xi32>, vector<16xi32>], vector<16xf32>,
        %parallel_loop3A_844 = tpu.vector_load_idx %arg7[%parallel_loop3A_837, %parallel_loop3A_247] : memref<16x2056xf32, #tpu.memory_space<vmem>>[vector<16xi32>, vector<16xi32>], vector<16xf32>,
        %parallel_loop3A_845 = tpu.vector_load_idx %arg7[%parallel_loop3A_837, %parallel_loop3A_251] : memref<16x2056xf32, #tpu.memory_space<vmem>>[vector<16xi32>, vector<16xi32>], vector<16xf32>,
        %parallel_loop3A_846 = tpu.vector_load_idx %arg7[%parallel_loop3A_837, %parallel_loop3A_255] : memref<16x2056xf32, #tpu.memory_space<vmem>>[vector<16xi32>, vector<16xi32>], vector<16xf32>,
        %parallel_loop3A_847 = tpu.vector_load_idx %arg7[%parallel_loop3A_837, %parallel_loop3A_259] : memref<16x2056xf32, #tpu.memory_space<vmem>>[vector<16xi32>, vector<16xi32>], vector<16xf32>,
        %parallel_loop3A_848 = tpu.vector_load_idx %arg7[%parallel_loop3A_837, %parallel_loop3A_263] : memref<16x2056xf32, #tpu.memory_space<vmem>>[vector<16xi32>, vector<16xi32>], vector<16xf32>,
        %parallel_loop3A_849 = tpu.vector_load_idx %arg7[%parallel_loop3A_837, %parallel_loop3A_267] : memref<16x2056xf32, #tpu.memory_space<vmem>>[vector<16xi32>, vector<16xi32>], vector<16xf32>,
        %parallel_loop3A_850 = arith.mulf %parallel_loop3A_283, %parallel_loop3A_849 : vector<16xf32>
        %parallel_loop3A_851 = tpu.vector_load_idx %arg7[%parallel_loop3A_837, %parallel_loop3A_271] : memref<16x2056xf32, #tpu.memory_space<vmem>>[vector<16xi32>, vector<16xi32>], vector<16xf32>,
        %parallel_loop3A_852 = arith.mulf %parallel_loop3A_287, %parallel_loop3A_851 : vector<16xf32>
        %parallel_loop3A_853 = tpu.vector_load_idx %arg7[%parallel_loop3A_837, %parallel_loop3A_275] : memref<16x2056xf32, #tpu.memory_space<vmem>>[vector<16xi32>, vector<16xi32>], vector<16xf32>,
        %parallel_loop3A_854 = arith.mulf %parallel_loop3A_291, %parallel_loop3A_853 : vector<16xf32>
        %parallel_loop3A_855 = tpu.vector_load_idx %arg7[%parallel_loop3A_837, %parallel_loop3A_279] : memref<16x2056xf32, #tpu.memory_space<vmem>>[vector<16xi32>, vector<16xi32>], vector<16xf32>,
        %parallel_loop3A_856 = arith.mulf %parallel_loop3A_295, %parallel_loop3A_855 : vector<16xf32>
        %parallel_loop3A_857 = arith.addf %parallel_loop3A_841, %parallel_loop3A_842 : vector<16xf32>
        %parallel_loop3A_858 = arith.addf %parallel_loop3A_843, %parallel_loop3A_844 : vector<16xf32>
        %parallel_loop3A_859 = arith.addf %parallel_loop3A_845, %parallel_loop3A_846 : vector<16xf32>
        %parallel_loop3A_860 = arith.addf %parallel_loop3A_847, %parallel_loop3A_848 : vector<16xf32>
        %parallel_loop3A_861 = arith.addf %parallel_loop3A_850, %parallel_loop3A_852 : vector<16xf32>
        %parallel_loop3A_862 = arith.addf %parallel_loop3A_854, %parallel_loop3A_856 : vector<16xf32>
        %parallel_loop3A_863 = arith.addf %parallel_loop3A_857, %parallel_loop3A_858 : vector<16xf32>
        %parallel_loop3A_864 = arith.addf %parallel_loop3A_859, %parallel_loop3A_860 : vector<16xf32>
        %parallel_loop3A_865 = arith.addf %parallel_loop3A_861, %parallel_loop3A_862 : vector<16xf32>
        %parallel_loop3A_866 = arith.addf %parallel_loop3A_863, %parallel_loop3A_864 : vector<16xf32>
        %parallel_loop3A_867 = arith.addf %parallel_loop3A_866, %parallel_loop3A_865 : vector<16xf32>
        %parallel_loop3A_868 = arith.constant 15 : i32
        %parallel_loop3A_869 = arith.index_cast %parallel_loop3A_868 : i32 to index
        %parallel_loop3A_870 = arith.index_cast %parallel_loop3A_235 : i32 to index
        %parallel_loop3A_871 = tpu.vector_load %arg15[%parallel_loop3A_869, %parallel_loop3A_870] {strides = array<i32>} : memref<16x256xf32, #tpu.memory_space<vmem>>, vector<16xf32>,
        tpu.vector_store %arg15[%parallel_loop3A_869, %parallel_loop3A_870], %parallel_loop3A_867 {strides = array<i32>} : memref<16x256xf32, #tpu.memory_space<vmem>>, vector<16xf32>,
      } {sc.loop_unroll_factor = 4 : i64, sc.parallel_access}
      %mul3A_207 = arith.constant 16 : i32
      %mul3A_208 = arith.muli %select_n3A_9, %mul3A_207 : i32
      %mul3A_209 = arith.constant 256 : i32
      %mul3A_210 = arith.muli %add3A_197, %mul3A_209 : i32
      %add3A_211 = arith.addi %mul3A_34, %mul3A_210 : i32
      %dma_start3A_212 = tpu.memref_slice %arg6[%mul3A_208, %add3A_211] : memref<256x16384xf32, #tpu.memory_space<hbm>> -> memref<16x256xf32, #tpu.memory_space<hbm>>
      %dma_start3A_213 = tpu.memref_slice %arg6[%mul3A_208, %add3A_211] : memref<256x16384xf32, #tpu.memory_space<hbm>> -> memref<16x256xf32, #tpu.memory_space<hbm>>
      tpu.enqueue_dma source(%arg15 : memref<16x256xf32, #tpu.memory_space<vmem>>) target(%dma_start3A_213 : memref<16x256xf32, #tpu.memory_space<hbm>>) target_semaphore(%arg19 : memref<!tpu.dma_semaphore, #tpu.memory_space<semaphore_mem>>)
      %add3A_214 = arith.constant 3 : i32
      %add3A_215 = arith.addi %mul3A_126, %add3A_214 : i32
      %min3A_216 = arith.constant 31 : i32
      %min3A_217 = arith.minsi %add3A_215, %min3A_216 : i32
      %mul3A_218 = arith.constant 256 : i32
      %mul3A_219 = arith.muli %min3A_217, %mul3A_218 : i32
      %add3A_220 = arith.addi %mul3A_34, %mul3A_219 : i32
      %dma_start3A_221 = arith.constant 0 : i32
      %dma_start3A_222 = tpu.memref_slice %arg3[%dma_start3A_221, %add3A_220] : memref<16x16384xi32, #tpu.memory_space<hbm>> -> memref<16x256xi32, #tpu.memory_space<hbm>>
      %dma_start3A_223 = arith.constant 0 : i32
      %dma_start3A_224 = tpu.memref_slice %arg3[%dma_start3A_223, %add3A_220] : memref<16x16384xi32, #tpu.memory_space<hbm>> -> memref<16x256xi32, #tpu.memory_space<hbm>>
      tpu.enqueue_dma source(%dma_start3A_224 : memref<16x256xi32, #tpu.memory_space<hbm>>) target(%arg9 : memref<16x256xi32, #tpu.memory_space<vmem>>) target_semaphore(%arg17 : memref<!tpu.dma_semaphore, #tpu.memory_space<semaphore_mem>>)
      %dma_start3A_225 = arith.constant 0 : i32
      %dma_start3A_226 = tpu.memref_slice %arg4[%dma_start3A_225, %add3A_220] : memref<8x16384xf32, #tpu.memory_space<hbm>> -> memref<8x256xf32, #tpu.memory_space<hbm>>
      %dma_start3A_227 = arith.constant 0 : i32
      %dma_start3A_228 = tpu.memref_slice %arg4[%dma_start3A_227, %add3A_220] : memref<8x16384xf32, #tpu.memory_space<hbm>> -> memref<8x256xf32, #tpu.memory_space<hbm>>
      tpu.enqueue_dma source(%dma_start3A_228 : memref<8x256xf32, #tpu.memory_space<hbm>>) target(%arg11 : memref<8x256xf32, #tpu.memory_space<vmem>>) target_semaphore(%arg17 : memref<!tpu.dma_semaphore, #tpu.memory_space<semaphore_mem>>)
      %mul3A_229 = arith.constant 16 : i32
      %mul3A_230 = arith.muli %select_n3A_9, %mul3A_229 : i32
      %dma_start3A_231 = tpu.memref_slice %arg5[%mul3A_230, %add3A_220] : memref<256x16384xf32, #tpu.memory_space<hbm>> -> memref<16x256xf32, #tpu.memory_space<hbm>>
      %dma_start3A_232 = tpu.memref_slice %arg5[%mul3A_230, %add3A_220] : memref<256x16384xf32, #tpu.memory_space<hbm>> -> memref<16x256xf32, #tpu.memory_space<hbm>>
      tpu.enqueue_dma source(%dma_start3A_232 : memref<16x256xf32, #tpu.memory_space<hbm>>) target(%arg13 : memref<16x256xf32, #tpu.memory_space<vmem>>) target_semaphore(%arg17 : memref<!tpu.dma_semaphore, #tpu.memory_space<semaphore_mem>>)
    }
    %scan3A_76 = arith.constant 16 : i32
    %dma_wait3A = arith.constant 0 : i32
    %dma_wait3A_77 = arith.constant 0 : i32
    %dma_wait3A_78 = tpu.memref_slice %arg3[%dma_wait3A, %dma_wait3A_77] : memref<16x16384xi32, #tpu.memory_space<hbm>> -> memref<16x256xi32, #tpu.memory_space<hbm>>
    %dma_wait3A_79 = arith.constant 0 : i32
    %dma_wait3A_80 = arith.constant 0 : i32
    %dma_wait3A_81 = tpu.memref_slice %arg3[%dma_wait3A_79, %dma_wait3A_80] : memref<16x16384xi32, #tpu.memory_space<hbm>> -> memref<16x256xi32, #tpu.memory_space<hbm>>
    tpu.wait_dma2 semaphore(%arg16 : memref<!tpu.dma_semaphore, #tpu.memory_space<semaphore_mem>>) src(%dma_wait3A_81 : memref<16x256xi32, #tpu.memory_space<hbm>>) dst(%arg8 : memref<16x256xi32, #tpu.memory_space<vmem>>)
    %dma_wait3A_82 = arith.constant 0 : i32
    %dma_wait3A_83 = arith.constant 0 : i32
    %dma_wait3A_84 = tpu.memref_slice %arg4[%dma_wait3A_82, %dma_wait3A_83] : memref<8x16384xf32, #tpu.memory_space<hbm>> -> memref<8x256xf32, #tpu.memory_space<hbm>>
    %dma_wait3A_85 = arith.constant 0 : i32
    %dma_wait3A_86 = arith.constant 0 : i32
    %dma_wait3A_87 = tpu.memref_slice %arg4[%dma_wait3A_85, %dma_wait3A_86] : memref<8x16384xf32, #tpu.memory_space<hbm>> -> memref<8x256xf32, #tpu.memory_space<hbm>>
    tpu.wait_dma2 semaphore(%arg16 : memref<!tpu.dma_semaphore, #tpu.memory_space<semaphore_mem>>) src(%dma_wait3A_87 : memref<8x256xf32, #tpu.memory_space<hbm>>) dst(%arg10 : memref<8x256xf32, #tpu.memory_space<vmem>>)
    %dma_wait3A_88 = arith.constant 0 : i32
    %dma_wait3A_89 = arith.constant 0 : i32
    %dma_wait3A_90 = tpu.memref_slice %arg5[%dma_wait3A_88, %dma_wait3A_89] : memref<256x16384xf32, #tpu.memory_space<hbm>> -> memref<16x256xf32, #tpu.memory_space<hbm>>
    %dma_wait3A_91 = arith.constant 0 : i32
    %dma_wait3A_92 = arith.constant 0 : i32
    %dma_wait3A_93 = tpu.memref_slice %arg5[%dma_wait3A_91, %dma_wait3A_92] : memref<256x16384xf32, #tpu.memory_space<hbm>> -> memref<16x256xf32, #tpu.memory_space<hbm>>
    tpu.wait_dma2 semaphore(%arg16 : memref<!tpu.dma_semaphore, #tpu.memory_space<semaphore_mem>>) src(%dma_wait3A_93 : memref<16x256xf32, #tpu.memory_space<hbm>>) dst(%arg12 : memref<16x256xf32, #tpu.memory_space<vmem>>)
    %dma_wait3A_94 = arith.constant 0 : i32
    %dma_wait3A_95 = arith.constant 0 : i32
    %dma_wait3A_96 = tpu.memref_slice %arg3[%dma_wait3A_94, %dma_wait3A_95] : memref<16x16384xi32, #tpu.memory_space<hbm>> -> memref<16x256xi32, #tpu.memory_space<hbm>>
    %dma_wait3A_97 = arith.constant 0 : i32
    %dma_wait3A_98 = arith.constant 0 : i32
    %dma_wait3A_99 = tpu.memref_slice %arg3[%dma_wait3A_97, %dma_wait3A_98] : memref<16x16384xi32, #tpu.memory_space<hbm>> -> memref<16x256xi32, #tpu.memory_space<hbm>>
    tpu.wait_dma2 semaphore(%arg17 : memref<!tpu.dma_semaphore, #tpu.memory_space<semaphore_mem>>) src(%dma_wait3A_99 : memref<16x256xi32, #tpu.memory_space<hbm>>) dst(%arg9 : memref<16x256xi32, #tpu.memory_space<vmem>>)
    %dma_wait3A_100 = arith.constant 0 : i32
    %dma_wait3A_101 = arith.constant 0 : i32
    %dma_wait3A_102 = tpu.memref_slice %arg4[%dma_wait3A_100, %dma_wait3A_101] : memref<8x16384xf32, #tpu.memory_space<hbm>> -> memref<8x256xf32, #tpu.memory_space<hbm>>
    %dma_wait3A_103 = arith.constant 0 : i32
    %dma_wait3A_104 = arith.constant 0 : i32
    %dma_wait3A_105 = tpu.memref_slice %arg4[%dma_wait3A_103, %dma_wait3A_104] : memref<8x16384xf32, #tpu.memory_space<hbm>> -> memref<8x256xf32, #tpu.memory_space<hbm>>
    tpu.wait_dma2 semaphore(%arg17 : memref<!tpu.dma_semaphore, #tpu.memory_space<semaphore_mem>>) src(%dma_wait3A_105 : memref<8x256xf32, #tpu.memory_space<hbm>>) dst(%arg11 : memref<8x256xf32, #tpu.memory_space<vmem>>)
    %dma_wait3A_106 = arith.constant 0 : i32
    %dma_wait3A_107 = arith.constant 0 : i32
    %dma_wait3A_108 = tpu.memref_slice %arg5[%dma_wait3A_106, %dma_wait3A_107] : memref<256x16384xf32, #tpu.memory_space<hbm>> -> memref<16x256xf32, #tpu.memory_space<hbm>>
    %dma_wait3A_109 = arith.constant 0 : i32
    %dma_wait3A_110 = arith.constant 0 : i32
    %dma_wait3A_111 = tpu.memref_slice %arg5[%dma_wait3A_109, %dma_wait3A_110] : memref<256x16384xf32, #tpu.memory_space<hbm>> -> memref<16x256xf32, #tpu.memory_space<hbm>>
    tpu.wait_dma2 semaphore(%arg17 : memref<!tpu.dma_semaphore, #tpu.memory_space<semaphore_mem>>) src(%dma_wait3A_111 : memref<16x256xf32, #tpu.memory_space<hbm>>) dst(%arg13 : memref<16x256xf32, #tpu.memory_space<vmem>>)
    %dma_wait3A_112 = arith.constant 0 : i32
    %dma_wait3A_113 = arith.constant 0 : i32
    %dma_wait3A_114 = tpu.memref_slice %arg6[%dma_wait3A_112, %dma_wait3A_113] : memref<256x16384xf32, #tpu.memory_space<hbm>> -> memref<16x256xf32, #tpu.memory_space<hbm>>
    %dma_wait3A_115 = arith.constant 0 : i32
    %dma_wait3A_116 = arith.constant 0 : i32
    %dma_wait3A_117 = tpu.memref_slice %arg6[%dma_wait3A_115, %dma_wait3A_116] : memref<256x16384xf32, #tpu.memory_space<hbm>> -> memref<16x256xf32, #tpu.memory_space<hbm>>
    tpu.wait_dma2 semaphore(%arg18 : memref<!tpu.dma_semaphore, #tpu.memory_space<semaphore_mem>>) src(%arg14 : memref<16x256xf32, #tpu.memory_space<vmem>>) dst(%dma_wait3A_117 : memref<16x256xf32, #tpu.memory_space<hbm>>)
    %dma_wait3A_118 = arith.constant 0 : i32
    %dma_wait3A_119 = arith.constant 0 : i32
    %dma_wait3A_120 = tpu.memref_slice %arg6[%dma_wait3A_118, %dma_wait3A_119] : memref<256x16384xf32, #tpu.memory_space<hbm>> -> memref<16x256xf32, #tpu.memory_space<hbm>>
    %dma_wait3A_121 = arith.constant 0 : i32
    %dma_wait3A_122 = arith.constant 0 : i32
    %dma_wait3A_123 = tpu.memref_slice %arg6[%dma_wait3A_121, %dma_wait3A_122] : memref<256x16384xf32, #tpu.memory_space<hbm>> -> memref<16x256xf32, #tpu.memory_space<hbm>>
    tpu.wait_dma2 semaphore(%arg19 : memref<!tpu.dma_semaphore, #tpu.memory_space<semaphore_mem>>) src(%arg15 : memref<16x256xf32, #tpu.memory_space<vmem>>) dst(%dma_wait3A_123 : memref<16x256xf32, #tpu.memory_space<hbm>>)
    return
  }
}

module attributes {stable_mosaic.version = 14 : i64} {
  func.func @_tables_body(%arg0: memref<512x128xf32, #tpu.memory_space<vmem>>, %arg1: memref<256x128xf32, #tpu.memory_space<vmem>>, %arg2: memref<256x128xf32, #tpu.memory_space<vmem>>, %arg3: memref<512x256xf32, #tpu.memory_space<vmem>>, %arg4: memref<256x256xf32, #tpu.memory_space<vmem>>, %arg5: memref<256x256xf32, #tpu.memory_space<vmem>>, %arg6: memref<128x256xf32, #tpu.memory_space<vmem>>, %arg7: memref<128x256xf32, #tpu.memory_space<vmem>>, %arg8: memref<128x256xf32, #tpu.memory_space<vmem>>, %arg9: memref<1024x256xf32, #tpu.memory_space<vmem>>, %arg10: memref<256x2056xf32, #tpu.memory_space<vmem>>) attributes {dimension_semantics = [], scalar_prefetch = 0 : i64, scratch_operands = 0 : i64, tpu.core_type = #tpu.core_type<tc>} {
    %get3A = arith.constant 0 : index
    %get3A_0 = arith.constant 0 : index
    %get3A_1 = vector.load %arg3[%get3A, %get3A_0] : memref<512x256xf32, #tpu.memory_space<vmem>>, vector<512x256xf32>
    %transpose3A = tpu.transpose %get3A_1, [1, 0] : vector<512x256xf32> -> vector<256x512xf32>
    %get3A_2 = arith.constant 0 : index
    %get3A_3 = arith.constant 0 : index
    %get3A_4 = vector.load %arg6[%get3A_2, %get3A_3] : memref<128x256xf32, #tpu.memory_space<vmem>>, vector<128x256xf32>
    %get3A_5 = arith.constant 0 : index
    %get3A_6 = arith.constant 0 : index
    %get3A_7 = vector.load %arg0[%get3A_5, %get3A_6] : memref<512x128xf32, #tpu.memory_space<vmem>>, vector<512x128xf32>
    %dot_general3A = arith.constant dense<0.000000e+00> : vector<256x512xf32>
    %dot_general3A_8 = tpu.matmul %get3A_4, %get3A_7, %dot_general3A {dimension_numbers = #tpu.dot_dimension_numbers<[0], [1], [1], [0], [0, 1, 1, 0], [], []>, precision = #tpu.contract_precision<fp32>, transpose_lhs_hint = false} : vector<128x256xf32>, vector<512x128xf32>, vector<256x512xf32> -> vector<256x512xf32>
    %add3A = arith.addf %transpose3A, %dot_general3A_8 : vector<256x512xf32>
    %swap3A = arith.constant 0 : index
    %swap3A_9 = arith.constant 0 : index
    %swap3A_10 = vector.load %arg10[%swap3A, %swap3A_9] : memref<256x2056xf32, #tpu.memory_space<vmem>>, vector<256x512xf32>
    tpu.vector_store %arg10[%swap3A, %swap3A_9], %add3A {strides = array<i32>} : memref<256x2056xf32, #tpu.memory_space<vmem>>, vector<256x512xf32>,
    %get3A_11 = arith.constant 0 : index
    %get3A_12 = arith.constant 0 : index
    %get3A_13 = vector.load %arg4[%get3A_11, %get3A_12] : memref<256x256xf32, #tpu.memory_space<vmem>>, vector<256x256xf32>
    %transpose3A_14 = tpu.transpose %get3A_13, [1, 0] : vector<256x256xf32> -> vector<256x256xf32>
    %get3A_15 = arith.constant 0 : index
    %get3A_16 = arith.constant 0 : index
    %get3A_17 = vector.load %arg7[%get3A_15, %get3A_16] : memref<128x256xf32, #tpu.memory_space<vmem>>, vector<128x256xf32>
    %get3A_18 = arith.constant 0 : index
    %get3A_19 = arith.constant 0 : index
    %get3A_20 = vector.load %arg1[%get3A_18, %get3A_19] : memref<256x128xf32, #tpu.memory_space<vmem>>, vector<256x128xf32>
    %dot_general3A_21 = arith.constant dense<0.000000e+00> : vector<256x256xf32>
    %dot_general3A_22 = tpu.matmul %get3A_17, %get3A_20, %dot_general3A_21 {dimension_numbers = #tpu.dot_dimension_numbers<[0], [1], [1], [0], [0, 1, 1, 0], [], []>, precision = #tpu.contract_precision<fp32>, transpose_lhs_hint = false} : vector<128x256xf32>, vector<256x128xf32>, vector<256x256xf32> -> vector<256x256xf32>
    %add3A_23 = arith.addf %transpose3A_14, %dot_general3A_22 : vector<256x256xf32>
    %swap3A_24 = arith.constant 0 : index
    %swap3A_25 = arith.constant 512 : index
    %swap3A_26 = vector.load %arg10[%swap3A_24, %swap3A_25] : memref<256x2056xf32, #tpu.memory_space<vmem>>, vector<256x256xf32>
    tpu.vector_store %arg10[%swap3A_24, %swap3A_25], %add3A_23 {strides = array<i32>} : memref<256x2056xf32, #tpu.memory_space<vmem>>, vector<256x256xf32>,
    %get3A_27 = arith.constant 0 : index
    %get3A_28 = arith.constant 0 : index
    %get3A_29 = vector.load %arg5[%get3A_27, %get3A_28] : memref<256x256xf32, #tpu.memory_space<vmem>>, vector<256x256xf32>
    %transpose3A_30 = tpu.transpose %get3A_29, [1, 0] : vector<256x256xf32> -> vector<256x256xf32>
    %get3A_31 = arith.constant 0 : index
    %get3A_32 = arith.constant 0 : index
    %get3A_33 = vector.load %arg8[%get3A_31, %get3A_32] : memref<128x256xf32, #tpu.memory_space<vmem>>, vector<128x256xf32>
    %get3A_34 = arith.constant 0 : index
    %get3A_35 = arith.constant 0 : index
    %get3A_36 = vector.load %arg2[%get3A_34, %get3A_35] : memref<256x128xf32, #tpu.memory_space<vmem>>, vector<256x128xf32>
    %dot_general3A_37 = arith.constant dense<0.000000e+00> : vector<256x256xf32>
    %dot_general3A_38 = tpu.matmul %get3A_33, %get3A_36, %dot_general3A_37 {dimension_numbers = #tpu.dot_dimension_numbers<[0], [1], [1], [0], [0, 1, 1, 0], [], []>, precision = #tpu.contract_precision<fp32>, transpose_lhs_hint = false} : vector<128x256xf32>, vector<256x128xf32>, vector<256x256xf32> -> vector<256x256xf32>
    %add3A_39 = arith.addf %transpose3A_30, %dot_general3A_38 : vector<256x256xf32>
    %swap3A_40 = arith.constant 0 : index
    %swap3A_41 = arith.constant 768 : index
    %swap3A_42 = vector.load %arg10[%swap3A_40, %swap3A_41] : memref<256x2056xf32, #tpu.memory_space<vmem>>, vector<256x256xf32>
    tpu.vector_store %arg10[%swap3A_40, %swap3A_41], %add3A_39 {strides = array<i32>} : memref<256x2056xf32, #tpu.memory_space<vmem>>, vector<256x256xf32>,
    %get3A_43 = arith.constant 0 : index
    %get3A_44 = arith.constant 0 : index
    %get3A_45 = vector.load %arg9[%get3A_43, %get3A_44] : memref<1024x256xf32, #tpu.memory_space<vmem>>, vector<1024x256xf32>
    %transpose3A_46 = tpu.transpose %get3A_45, [1, 0] : vector<1024x256xf32> -> vector<256x1024xf32>
    %swap3A_47 = arith.constant 0 : index
    %swap3A_48 = arith.constant 1024 : index
    %swap3A_49 = vector.load %arg10[%swap3A_47, %swap3A_48] : memref<256x2056xf32, #tpu.memory_space<vmem>>, vector<256x1024xf32>
    tpu.vector_store %arg10[%swap3A_47, %swap3A_48], %transpose3A_46 {strides = array<i32>} : memref<256x2056xf32, #tpu.memory_space<vmem>>, vector<256x1024xf32>,
    %broadcast_in_dim3A = arith.constant 0.000000e+00 : f32
    %broadcast_in_dim3A_50 = vector.broadcast %broadcast_in_dim3A : f32 to vector<256x8xf32>
    %swap3A_51 = arith.constant 0 : index
    %swap3A_52 = arith.constant 2048 : index
    %swap3A_53 = vector.load %arg10[%swap3A_51, %swap3A_52] : memref<256x2056xf32, #tpu.memory_space<vmem>>, vector<256x8xf32>
    tpu.vector_store %arg10[%swap3A_51, %swap3A_52], %broadcast_in_dim3A_50 {strides = array<i32>} : memref<256x2056xf32, #tpu.memory_space<vmem>>, vector<256x8xf32>,
    return
  }
}

module attributes {stable_mosaic.version = 14 : i64} {
  func.func @_dense_body(%arg0: i32, %arg1: memref<1024x31xi32, #tpu.memory_space<vmem>>, %arg2: memref<31x12xf32, #tpu.memory_space<vmem>>, %arg3: memref<31x4xf32, #tpu.memory_space<vmem>>, %arg4: memref<8x12xf32, #tpu.memory_space<vmem>>, %arg5: memref<31x256xf32, #tpu.memory_space<vmem>>, %arg6: memref<8x256xf32, #tpu.memory_space<vmem>>, %arg7: memref<256x256xf32, #tpu.memory_space<vmem>>, %arg8: memref<12x256xf32, #tpu.memory_space<vmem>>, %arg9: memref<256x1024xf32, #tpu.memory_space<vmem>>, %arg10: memref<16x1024xi32, #tpu.memory_space<vmem>>, %arg11: memref<8x1024xf32, #tpu.memory_space<vmem>>) attributes {dimension_semantics = [#tpu.dimension_semantics<arbitrary>], iteration_bounds = array<i64: 16>, scalar_prefetch = 0 : i64, scratch_operands = 0 : i64, tpu.core_type = #tpu.core_type<tc>, window_params = [{transform_indices = @transform_0, window_bounds = array<i64: 1024, 31>}, {pipeline_mode = #tpu.pipeline_mode<synchronous>, transform_indices = @transform_1, window_bounds = array<i64: 31, 12>}, {pipeline_mode = #tpu.pipeline_mode<synchronous>, transform_indices = @transform_2, window_bounds = array<i64: 31, 4>}, {pipeline_mode = #tpu.pipeline_mode<synchronous>, transform_indices = @transform_3, window_bounds = array<i64: 8, 12>}, {pipeline_mode = #tpu.pipeline_mode<synchronous>, transform_indices = @transform_4, window_bounds = array<i64: 31, 256>}, {pipeline_mode = #tpu.pipeline_mode<synchronous>, transform_indices = @transform_5, window_bounds = array<i64: 8, 256>}, {pipeline_mode = #tpu.pipeline_mode<synchronous>, transform_indices = @transform_6, window_bounds = array<i64: 256, 256>}, {pipeline_mode = #tpu.pipeline_mode<synchronous>, transform_indices = @transform_7, window_bounds = array<i64: 12, 256>}, {transform_indices = @transform_8, window_bounds = array<i64: 256, 1024>}, {transform_indices = @transform_9, window_bounds = array<i64: 16, 1024>}, {transform_indices = @transform_10, window_bounds = array<i64: 8, 1024>}]} {
    %get3A = arith.constant 0 : index
    %get3A_0 = arith.constant 0 : index
    %get3A_1 = vector.load %arg1[%get3A, %get3A_0] : memref<1024x31xi32, #tpu.memory_space<vmem>>, vector<1024x31xi32>
    %convert_element_type3A = arith.sitofp %get3A_1 : vector<1024x31xi32> to vector<1024x31xf32>
    %get3A_2 = arith.constant 0 : index
    %get3A_3 = arith.constant 0 : index
    %get3A_4 = vector.load %arg2[%get3A_2, %get3A_3] : memref<31x12xf32, #tpu.memory_space<vmem>>, vector<31x12xf32>
    %dot_general3A = arith.constant dense<0.000000e+00> : vector<12x1024xf32>
    %dot_general3A_5 = tpu.matmul %get3A_4, %convert_element_type3A, %dot_general3A {dimension_numbers = #tpu.dot_dimension_numbers<[0], [1], [1], [0], [0, 1, 1, 0], [], []>, precision = #tpu.contract_precision<fp32>, transpose_lhs_hint = false} : vector<31x12xf32>, vector<1024x31xf32>, vector<12x1024xf32> -> vector<12x1024xf32>
    %get3A_6 = arith.constant 0 : index
    %get3A_7 = arith.constant 0 : index
    %get3A_8 = vector.load %arg4[%get3A_6, %get3A_7] : memref<8x12xf32, #tpu.memory_space<vmem>>, vector<1x12xf32>
    %transpose3A = tpu.transpose %get3A_8, [1, 0] : vector<1x12xf32> -> vector<12x1xf32>
    %add3A = vector.broadcast %transpose3A : vector<12x1xf32> to vector<12x1024xf32>
    %add3A_9 = arith.addf %dot_general3A_5, %add3A : vector<12x1024xf32>
    %slice3A = vector.extract_strided_slice %convert_element_type3A {offsets = [0, 0], sizes = [1024, 1], strides = [1, 1]} : vector<1024x31xf32> to vector<1024x1xf32>
    %transpose3A_10 = tpu.transpose %slice3A, [1, 0] : vector<1024x1xf32> -> vector<1x1024xf32>
    %ge3A = arith.constant 2.000000e+00 : f32
    %ge3A_11 = vector.broadcast %ge3A : f32 to vector<1x1024xf32>
    %ge3A_12 = arith.cmpf oge, %transpose3A_10, %ge3A_11 : vector<1x1024xf32>
    %jit3A = arith.constant 2.048000e+03 : f32
    %broadcast_in_dim3A = vector.shape_cast %ge3A_12 : vector<1x1024xi1> to vector<1x1024xi1>
    %broadcast_in_dim3A_13 = vector.broadcast %broadcast_in_dim3A : vector<1x1024xi1> to vector<12x1024xi1>
    %broadcast_in_dim3A_14 = vector.broadcast %jit3A : f32 to vector<12x1024xf32>
    %select_n3A = arith.select %broadcast_in_dim3A_13, %add3A_9, %broadcast_in_dim3A_14 : vector<12x1024xi1>, vector<12x1024xf32>
    %convert_element_type3A_15 = arith.fptosi %select_n3A : vector<12x1024xf32> to vector<12x1024xi32>
    %broadcast_in_dim3A_16 = arith.constant 2048 : i32
    %broadcast_in_dim3A_17 = vector.broadcast %broadcast_in_dim3A_16 : i32 to vector<4x1024xi32>
    %concatenate3A = tpu.concatenate %convert_element_type3A_15, %broadcast_in_dim3A_17 in 0 : vector<12x1024xi32>, vector<4x1024xi32> -> vector<16x1024xi32>
    %swap3A = arith.constant 0 : index
    %swap3A_18 = arith.constant 0 : index
    %swap3A_19 = vector.load %arg10[%swap3A, %swap3A_18] : memref<16x1024xi32, #tpu.memory_space<vmem>>, vector<16x1024xi32>
    tpu.vector_store %arg10[%swap3A, %swap3A_18], %concatenate3A {strides = array<i32>} : memref<16x1024xi32, #tpu.memory_space<vmem>>, vector<16x1024xi32>,
    %get3A_20 = arith.constant 0 : index
    %get3A_21 = arith.constant 0 : index
    %get3A_22 = vector.load %arg3[%get3A_20, %get3A_21] : memref<31x4xf32, #tpu.memory_space<vmem>>, vector<31x4xf32>
    %dot_general3A_23 = arith.constant dense<0.000000e+00> : vector<4x1024xf32>
    %dot_general3A_24 = tpu.matmul %get3A_22, %convert_element_type3A, %dot_general3A_23 {dimension_numbers = #tpu.dot_dimension_numbers<[0], [1], [1], [0], [0, 1, 1, 0], [], []>, precision = #tpu.contract_precision<fp32>, transpose_lhs_hint = false} : vector<31x4xf32>, vector<1024x31xf32>, vector<4x1024xf32> -> vector<4x1024xf32>
    %mul3A = arith.constant 9.77517105E-4 : f32
    %mul3A_25 = vector.broadcast %mul3A : f32 to vector<4x1024xf32>
    %mul3A_26 = arith.mulf %dot_general3A_24, %mul3A_25 : vector<4x1024xf32>
    %broadcast_in_dim3A_27 = arith.constant 0.000000e+00 : f32
    %broadcast_in_dim3A_28 = vector.broadcast %broadcast_in_dim3A_27 : f32 to vector<4x1024xf32>
    %concatenate3A_29 = tpu.concatenate %mul3A_26, %broadcast_in_dim3A_28 in 0 : vector<4x1024xf32>, vector<4x1024xf32> -> vector<8x1024xf32>
    %swap3A_30 = arith.constant 0 : index
    %swap3A_31 = arith.constant 0 : index
    %swap3A_32 = vector.load %arg11[%swap3A_30, %swap3A_31] : memref<8x1024xf32, #tpu.memory_space<vmem>>, vector<8x1024xf32>
    tpu.vector_store %arg11[%swap3A_30, %swap3A_31], %concatenate3A_29 {strides = array<i32>} : memref<8x1024xf32, #tpu.memory_space<vmem>>, vector<8x1024xf32>,
    %get3A_33 = arith.constant 0 : index
    %get3A_34 = arith.constant 0 : index
    %get3A_35 = vector.load %arg5[%get3A_33, %get3A_34] : memref<31x256xf32, #tpu.memory_space<vmem>>, vector<31x256xf32>
    %dot_general3A_36 = arith.constant dense<0.000000e+00> : vector<1024x256xf32>
    %dot_general3A_37 = tpu.matmul %convert_element_type3A, %get3A_35, %dot_general3A_36 {dimension_numbers = #tpu.dot_dimension_numbers<[1], [0], [0], [1], [0, 0, 1, 1], [], []>, precision = #tpu.contract_precision<fp32>, transpose_lhs_hint = false} : vector<1024x31xf32>, vector<31x256xf32>, vector<1024x256xf32> -> vector<1024x256xf32>
    %add3A_38 = arith.constant 1.650000e+01 : f32
    %add3A_39 = vector.broadcast %add3A_38 : f32 to vector<1024x256xf32>
    %add3A_40 = arith.addf %dot_general3A_37, %add3A_39 : vector<1024x256xf32>
    %convert_element_type3A_41 = arith.fptosi %add3A_40 : vector<1024x256xf32> to vector<1024x256xi32>
    %sub3A = arith.constant 16 : i32
    %sub3A_42 = vector.broadcast %sub3A : i32 to vector<1024x256xi32>
    %sub3A_43 = arith.subi %convert_element_type3A_41, %sub3A_42 : vector<1024x256xi32>
    %get3A_44 = arith.constant 0 : index
    %get3A_45 = arith.constant 0 : index
    %get3A_46 = vector.load %arg6[%get3A_44, %get3A_45] : memref<8x256xf32, #tpu.memory_space<vmem>>, vector<1x256xf32>
    %convert_element_type3A_47 = arith.fptosi %get3A_46 : vector<1x256xf32> to vector<1x256xi32>
    %get3A_48 = arith.constant 1 : index
    %get3A_49 = arith.constant 0 : index
    %get3A_50 = vector.load %arg6[%get3A_48, %get3A_49] : memref<8x256xf32, #tpu.memory_space<vmem>>, vector<1x256xf32>
    %convert_element_type3A_51 = arith.fptosi %get3A_50 : vector<1x256xf32> to vector<1x256xi32>
    %get3A_52 = arith.constant 2 : index
    %get3A_53 = arith.constant 0 : index
    %get3A_54 = vector.load %arg6[%get3A_52, %get3A_53] : memref<8x256xf32, #tpu.memory_space<vmem>>, vector<1x256xf32>
    %convert_element_type3A_55 = arith.fptosi %get3A_54 : vector<1x256xf32> to vector<1x256xi32>
    %get3A_56 = arith.constant 3 : index
    %get3A_57 = arith.constant 0 : index
    %get3A_58 = vector.load %arg6[%get3A_56, %get3A_57] : memref<8x256xf32, #tpu.memory_space<vmem>>, vector<1x256xf32>
    %shift_right_arithmetic3A = vector.broadcast %convert_element_type3A_51 : vector<1x256xi32> to vector<1024x256xi32>
    %shift_right_arithmetic3A_59 = arith.shrsi %sub3A_43, %shift_right_arithmetic3A : vector<1024x256xi32>
    %and3A = arith.constant 1 : i32
    %and3A_60 = vector.broadcast %and3A : i32 to vector<1024x256xi32>
    %and3A_61 = arith.andi %shift_right_arithmetic3A_59, %and3A_60 : vector<1024x256xi32>
    %convert_element_type3A_62 = arith.sitofp %and3A_61 : vector<1024x256xi32> to vector<1024x256xf32>
    %eq3A = vector.broadcast %convert_element_type3A_55 : vector<1x256xi32> to vector<1024x256xi32>
    %eq3A_63 = arith.cmpi eq, %sub3A_43, %eq3A : vector<1024x256xi32>
    %convert_element_type3A_64 = arith.extui %eq3A_63 : vector<1024x256xi1> to vector<1024x256xi32>
    %convert_element_type3A_65 = arith.sitofp %convert_element_type3A_64 : vector<1024x256xi32> to vector<1024x256xf32>
    %mul3A_66 = vector.broadcast %get3A_58 : vector<1x256xf32> to vector<1024x256xf32>
    %mul3A_67 = arith.mulf %dot_general3A_37, %mul3A_66 : vector<1024x256xf32>
    %eq3A_68 = arith.constant 0 : i32
    %eq3A_69 = vector.broadcast %eq3A_68 : i32 to vector<1x256xi32>
    %eq3A_70 = arith.cmpi eq, %convert_element_type3A_47, %eq3A_69 : vector<1x256xi32>
    %eq3A_71 = arith.constant 1 : i32
    %eq3A_72 = vector.broadcast %eq3A_71 : i32 to vector<1x256xi32>
    %eq3A_73 = arith.cmpi eq, %convert_element_type3A_47, %eq3A_72 : vector<1x256xi32>
    %broadcast_in_dim3A_74 = vector.shape_cast %eq3A_73 : vector<1x256xi1> to vector<1x256xi1>
    %broadcast_in_dim3A_75 = vector.broadcast %broadcast_in_dim3A_74 : vector<1x256xi1> to vector<1024x256xi1>
    %select_n3A_76 = arith.select %broadcast_in_dim3A_75, %convert_element_type3A_65, %mul3A_67 : vector<1024x256xi1>, vector<1024x256xf32>
    %broadcast_in_dim3A_77 = vector.shape_cast %eq3A_70 : vector<1x256xi1> to vector<1x256xi1>
    %broadcast_in_dim3A_78 = vector.broadcast %broadcast_in_dim3A_77 : vector<1x256xi1> to vector<1024x256xi1>
    %select_n3A_79 = arith.select %broadcast_in_dim3A_78, %convert_element_type3A_62, %select_n3A_76 : vector<1024x256xi1>, vector<1024x256xf32>
    %get3A_80 = arith.constant 0 : index
    %get3A_81 = arith.constant 0 : index
    %get3A_82 = vector.load %arg8[%get3A_80, %get3A_81] : memref<12x256xf32, #tpu.memory_space<vmem>>, vector<12x256xf32>
    %reduce_sum3A = arith.constant dense<0.000000e+00> : vector<256xf32>
    %reduce_sum3A_83 = vector.multi_reduction <add>, %get3A_82, %reduce_sum3A [0] : vector<12x256xf32> to vector<256xf32>
    %broadcast_in_dim3A_84 = vector.shape_cast %reduce_sum3A_83 : vector<256xf32> to vector<1x256xf32>
    %get3A_85 = arith.constant 0 : index
    %get3A_86 = arith.constant 0 : index
    %get3A_87 = vector.load %arg7[%get3A_85, %get3A_86] : memref<256x256xf32, #tpu.memory_space<vmem>>, vector<256x256xf32>
    %dot_general3A_88 = arith.constant dense<0.000000e+00> : vector<256x1024xf32>
    %dot_general3A_89 = tpu.matmul %get3A_87, %select_n3A_79, %dot_general3A_88 {dimension_numbers = #tpu.dot_dimension_numbers<[0], [1], [1], [0], [0, 1, 1, 0], [], []>, precision = #tpu.contract_precision<fp32>, transpose_lhs_hint = false} : vector<256x256xf32>, vector<1024x256xf32>, vector<256x1024xf32> -> vector<256x1024xf32>
    %transpose3A_90 = tpu.transpose %broadcast_in_dim3A_84, [1, 0] : vector<1x256xf32> -> vector<256x1xf32>
    %add3A_91 = vector.broadcast %transpose3A_90 : vector<256x1xf32> to vector<256x1024xf32>
    %add3A_92 = arith.addf %dot_general3A_89, %add3A_91 : vector<256x1024xf32>
    %jit3A_93 = arith.constant 0.000000e+00 : f32
    %broadcast_in_dim3A_94 = vector.shape_cast %ge3A_12 : vector<1x1024xi1> to vector<1x1024xi1>
    %broadcast_in_dim3A_95 = vector.broadcast %broadcast_in_dim3A_94 : vector<1x1024xi1> to vector<256x1024xi1>
    %broadcast_in_dim3A_96 = vector.broadcast %jit3A_93 : f32 to vector<256x1024xf32>
    %select_n3A_97 = arith.select %broadcast_in_dim3A_95, %add3A_92, %broadcast_in_dim3A_96 : vector<256x1024xi1>, vector<256x1024xf32>
    %swap3A_98 = arith.constant 0 : index
    %swap3A_99 = arith.constant 0 : index
    %swap3A_100 = vector.load %arg9[%swap3A_98, %swap3A_99] : memref<256x1024xf32, #tpu.memory_space<vmem>>, vector<256x1024xf32>
    tpu.vector_store %arg9[%swap3A_98, %swap3A_99], %select_n3A_97 {strides = array<i32>} : memref<256x1024xf32, #tpu.memory_space<vmem>>, vector<256x1024xf32>,
    return
  }
  func.func @transform_0(%arg0: i32) -> (i32, i32) {
    %c0_i32 = arith.constant 0 : i32
    %c0_i32_0 = arith.constant 0 : i32
    return %arg0, %c0_i32 : i32, i32
  }
  func.func @transform_1(%arg0: i32) -> (i32, i32) {
    %c0_i32 = arith.constant 0 : i32
    %c0_i32_0 = arith.constant 0 : i32
    %c0_i32_1 = arith.constant 0 : i32
    return %c0_i32, %c0_i32_0 : i32, i32
  }
  func.func @transform_2(%arg0: i32) -> (i32, i32) {
    %c0_i32 = arith.constant 0 : i32
    %c0_i32_0 = arith.constant 0 : i32
    %c0_i32_1 = arith.constant 0 : i32
    return %c0_i32, %c0_i32_0 : i32, i32
  }
  func.func @transform_3(%arg0: i32) -> (i32, i32) {
    %c0_i32 = arith.constant 0 : i32
    %c0_i32_0 = arith.constant 0 : i32
    %c0_i32_1 = arith.constant 0 : i32
    return %c0_i32, %c0_i32_0 : i32, i32
  }
  func.func @transform_4(%arg0: i32) -> (i32, i32) {
    %c0_i32 = arith.constant 0 : i32
    %c0_i32_0 = arith.constant 0 : i32
    %c0_i32_1 = arith.constant 0 : i32
    return %c0_i32, %c0_i32_0 : i32, i32
  }
  func.func @transform_5(%arg0: i32) -> (i32, i32) {
    %c0_i32 = arith.constant 0 : i32
    %c0_i32_0 = arith.constant 0 : i32
    %c0_i32_1 = arith.constant 0 : i32
    return %c0_i32, %c0_i32_0 : i32, i32
  }
  func.func @transform_6(%arg0: i32) -> (i32, i32) {
    %c0_i32 = arith.constant 0 : i32
    %c0_i32_0 = arith.constant 0 : i32
    %c0_i32_1 = arith.constant 0 : i32
    return %c0_i32, %c0_i32_0 : i32, i32
  }
  func.func @transform_7(%arg0: i32) -> (i32, i32) {
    %c0_i32 = arith.constant 0 : i32
    %c0_i32_0 = arith.constant 0 : i32
    %c0_i32_1 = arith.constant 0 : i32
    return %c0_i32, %c0_i32_0 : i32, i32
  }
  func.func @transform_8(%arg0: i32) -> (i32, i32) {
    %c0_i32 = arith.constant 0 : i32
    %c0_i32_0 = arith.constant 0 : i32
    return %c0_i32, %arg0 : i32, i32
  }
  func.func @transform_9(%arg0: i32) -> (i32, i32) {
    %c0_i32 = arith.constant 0 : i32
    %c0_i32_0 = arith.constant 0 : i32
    return %c0_i32, %arg0 : i32, i32
  }
  func.func @transform_10(%arg0: i32) -> (i32, i32) {
    %c0_i32 = arith.constant 0 : i32
    %c0_i32_0 = arith.constant 0 : i32
    return %c0_i32, %arg0 : i32, i32
  }
}

</mosaic_0001>

<sc_bundles>
// kernel: kernel.5.cloned.1.call-start
scs
__scs_entry_jumppad:
0x0: {  	(pc) =	sbr.rel $0x88, $3  }
0x1: {  	(tag) =	ssettag $0x0;
	lr =	simm.s32 $0x1  }
0x2: {  	[smem:$0x3F85] =	sst lr;
	_ =	strace $0xD0000000  }
0x3: {  	_ = 	snop  }
0x4: {  	_ = 	snop  }
0x5: {  	_ = 	snop  }
0x6: {  	_ = 	snop  }
0x7: {  	_ = 	snop  }
__scs_overlays_trampoline_lowered:
0x8: {  	[smem:$0x3F94] =	sst s0  }
0x9: {  	[smem:$0x3F95] =	sst s1  }
0xa: {  	[smem:$0x3F96] =	sst s2  }
0xb: {  	[smem:$0x3F97] =	sst s3  }
0xc: {  	[smem:$0x3F98] =	sst s4  }
0xd: {  	[smem:$0x3F99] =	sst s5  }
0xe: {  	[smem:$0x3F9A] =	sst s6  }
0xf: {  	[smem:$0x3F9B] =	sst s7  }
0x10: {  	[smem:$0x3F9C] =	sst s8  }
0x11: {  	[smem:$0x3F9D] =	sst s9;
	s0 =	simm.s32 @!p0 $0x0  }
0x12: {  	s1 =	sld [smem:$0x3F83];
	s0 =	simm.s32 @p0 $0x1  }
0x13: {  	[smem:$0x3F9E] =	sst s0;
	s0 =	simm.s32 @!p1 $0x0  }
0x14: {  	s2 =	sld [smem:$0x3F82];
	s0 =	simm.s32 @p1 $0x1  }
0x15: {  	[smem:$0x3F9F] =	sst s0;
	s0 =	simm.s32 @!p2 $0x0  }
0x16: {  	s3 =	sld [smem:$0x3FDB];
	s0 =	simm.s32 @p2 $0x1  }
0x17: {  	s4 =	simm.s32 $0x1BF5;
	[smem:$0x3FA1] =	sst s0  }
0x18: {  	s0 =	sld [smem:$0x3F84];
	_ =	swait.ge [sflag:s4], $0x0  }
0x19: {  	s7 =	sld [smem:$0x3F85]  }
0x1a: {  	s8 =	sadd.s32 $0xFFFFE003, lr  }
0x1b: {  	s9 =	sadd.s32 $0xFFFFFEF7, lr;
	s5 =	simm.s32 $0xFFFFFFFF;
	p2 =	slt.u32 s8, $0xFFFFF086  }
0x1c: {  	p1 =	slt.u32 s9, $0xF7A;
	s5 =	simm.s32 @!p2 $0x0  }
0x1d: {  	s5 =	simm.s32 @p1 $0x1;
	p0 =	seq.s32 s7, s2  }
0x1e: {  	s7 =	smul.u32 @!p0 $0xF7A, s2;
	p2 =	seq.s32 @!p0 s5, $0x0  }
0x1f: {  	s9 =	smul.u32 $0xF7A, s1;
	s8 =	simm.s32 @!p0 $0x1BF5;
	p2 =	por !p2, p0  }
0x20: {  	[sflag:s8] =	ssyncset.s32 @!p0 $0xFFFFF086;
	s6 =	sadd.s32 @!p0 s3, s7;
	s7 =	simm.s32 @!p0 $0x108  }
0x21: {  	s3 =	sadd.s32 s3, s9;
	s6 =	sadd.s32 @!p0 $0x88, s6;
	s7 =	simm.s32 @p2 $0x1082  }
0x22: {  	[simem:s7], [sflag:s8] =	dma.local @!p0 [hbm:s6], $0xF7A  }
0x23: {  	s9 =	sor.u32 $0xD0000000, s2;
	s6 =	simm.s32 $0x108;
	_ =	swait.ge @!p0 [sflag:s8], $0x0  }
0x24: {  	s3 =	sadd.s32 $0x88, s3;
	s6 =	simm.s32 @!p1 $0x1082;
	[sflag:s4] =	ssyncset.s32 $0xFFFFF086  }
0x25: {  	[simem:s6], [sflag:s4] =	dma.local [hbm:s3], $0xF7A  }
0x26: {  	[smem:$0x3F85] =	sst s1;
	(tag) =	ssettag s2;
	_ =	strace s9  }
0x27: {  	s1 =	sld [smem:$0x3F95]  }
0x28: {  	s2 =	sld [smem:$0x3F96]  }
0x29: {  	s4 =	sld [smem:$0x3F98]  }
0x2a: {  	p0 =	seq.s32 s5, $0x0;
	s5 =	sld [smem:$0x3F99]  }
0x2b: {  	s6 =	sld [smem:$0x3F9A]  }
0x2c: {  	s7 =	sld [smem:$0x3F9B]  }
0x2d: {  	s3 =	simm.s32 $0x108;
	s8 =	sld [smem:$0x3F9C]  }
0x2e: {  	s3 =	simm.s32 @!p0 $0x1082;
	s9 =	sld [smem:$0x3F9D]  }
0x2f: {  	lr =	sadd.s32 s0, s3;
	s0 =	sld [smem:$0x3F94]  }
0x30: {  	s3 =	sld [smem:$0x3F97]  }
0x31: {  	[smem:$0x3FA0] =	sst s10  }
0x32: {  	s10 =	sld [smem:$0x3F9E];
	_ =	sdelay $0x3  }
0x33: {  	p0 =	seq.s32 s10, $0x1;
	s10 =	sld [smem:$0x3FA0];
	_ =	sdelay $0x3  }
0x34: {  	[smem:$0x3FA0] =	sst s10  }
0x35: {  	s10 =	sld [smem:$0x3F9F];
	_ =	sdelay $0x3  }
0x36: {  	p1 =	seq.s32 s10, $0x1;
	s10 =	sld [smem:$0x3FA0];
	_ =	sdelay $0x3  }
0x37: {  	[smem:$0x3FA0] =	sst s10  }
0x38: {  	s10 =	sld [smem:$0x3FA1]  }
0x39: {  	_ = 	snop;
	(pc) =	sbr.ind lr, $3  }
0x3a: {  	_ = 	snop  }
0x3b: {  	_ = 	snop  }
0x3c: {  	p2 =	seq.s32 s10, $0x1;
	s10 =	sld [smem:$0x3FA0]  }
0x3d: {  	_ =	shalt  }
0x3e: {  	_ =	shalt  }
0x3f: {  	_ =	shalt  }
0x40: {  	_ =	shalt  }
0x41: {  	_ =	shalt  }
0x42: {  	_ =	shalt  }
0x43: {  	_ =	shalt  }
0x44: {  	_ =	shalt  }
0x45: {  	_ =	shalt  }
0x46: {  	_ =	shalt  }
0x47: {  	_ =	shalt  }
0x48: {  	_ =	shalt  }
0x49: {  	_ =	shalt  }
0x4a: {  	_ =	shalt  }
0x4b: {  	_ =	shalt  }
0x4c: {  	_ =	shalt  }
0x4d: {  	_ =	shalt  }
0x4e: {  	_ =	shalt  }
0x4f: {  	_ =	shalt  }
0x50: {  	_ =	shalt  }
0x51: {  	_ =	shalt  }
0x52: {  	_ =	shalt  }
0x53: {  	_ =	shalt  }
0x54: {  	_ =	shalt  }
0x55: {  	_ =	shalt  }
0x56: {  	_ =	shalt  }
0x57: {  	_ =	shalt  }
0x58: {  	_ =	shalt  }
0x59: {  	_ =	shalt  }
0x5a: {  	_ =	shalt  }
0x5b: {  	_ =	shalt  }
0x5c: {  	_ =	shalt  }
0x5d: {  	_ =	shalt  }
0x5e: {  	_ =	shalt  }
0x5f: {  	_ =	shalt  }
0x60: {  	_ =	shalt  }
0x61: {  	_ =	shalt  }
0x62: {  	_ =	shalt  }
0x63: {  	_ =	shalt  }
0x64: {  	_ =	shalt  }
0x65: {  	_ =	shalt  }
0x66: {  	_ =	shalt  }
0x67: {  	_ =	shalt  }
0x68: {  	_ =	shalt  }
0x69: {  	_ =	shalt  }
0x6a: {  	_ =	shalt  }
0x6b: {  	_ =	shalt  }
0x6c: {  	_ =	shalt  }
0x6d: {  	_ =	shalt  }
0x6e: {  	_ =	shalt  }
0x6f: {  	_ =	shalt  }
0x70: {  	_ =	shalt  }
0x71: {  	_ =	shalt  }
0x72: {  	_ =	shalt  }
0x73: {  	_ =	shalt  }
0x74: {  	_ =	shalt  }
0x75: {  	_ =	shalt  }
0x76: {  	_ =	shalt  }
0x77: {  	_ =	shalt  }
0x78: {  	_ =	shalt  }
0x79: {  	_ =	shalt  }
0x7a: {  	_ =	shalt  }
0x7b: {  	_ =	shalt  }
0x7c: {  	_ =	shalt  }
0x7d: {  	_ =	shalt  }
0x7e: {  	_ =	shalt  }
0x7f: {  	_ =	shalt  }
0x80: {  	_ =	shalt  }
0x81: {  	_ =	shalt  }
0x82: {  	_ =	shalt  }
0x83: {  	_ =	shalt  }
0x84: {  	_ =	shalt  }
0x85: {  	_ =	shalt  }
0x86: {  	_ =	shalt  }
0x87: {  	_ =	shalt  }
.Lfunc_end0:
.L_simem_size_0:
called_computation_lowered:
.L_overlay_start_0:
0x88: {  	s2 =	sld [smem:$0x3FD9]  }
0x89: {  	s3 =	sld [smem:$0x3FFE];
	_ =	sdelay $0x1  }
0x8a: {  	s1 =	srdreg.scid  }
0x8b: {  	s0 =	sand.u32 $0x1, s1  }
0x8c: {  	s17 =	sshll.u32 s0, $0xA;
	s2 =	sadd.s32 s3, s2  }
0x8d: {  	s2 =	sadd.s32 s2, s17  }
0x8e: {  	[smem:$0x3FAC] =	sst s2  }
0x8f: {  	_ = 	snop  }
0x90: {  	s2 =	sld [smem:$0x3FD0];
	(tm) =	ssettm $0x1  }
0x91: {  	s18 =	sld [smem:$0x3FFB];
	_ =	sdelay $0x3  }
0x92: {  	_ =	strace s18  }
0x93: {  	s3 =	sld [smem:$0x3FFC];
	_ =	sdelay $0x3  }
0x94: {  	_ =	strace s3  }
0x95: {  	s3 =	sld [smem:$0x3FFD];
	_ =	sdelay $0x3  }
0x96: {  	_ =	strace s3  }
0x97: {  	_ =	strace $0x8FFFFFFF  }
0x98: {  	s19 =	sld [smem:$0x3FDB];
	_ =	sdelay $0x1  }
0x99: {  	s4 =	simm.s32 $_scs_section_size  }
0x9a: {  	s5 =	simm.s32 $_size__tile_overlayer_lowered;
	s6 =	simm.s32 $_tile_overlayer_lowered  }
0x9b: {  	s22 =	simm.s32 $0x1BFF;
	s21 =	sshll.u32 s6, $0x1;
	s3 =	sadd.s32 s4, s19  }
0x9c: {  	s7 =	simm.s32 $0x0;
	s20 =	sshll.u32 s5, $0x1;
	s5 =	sadd.s32 s21, s3  }
0x9d: {  	[timem:s7], [sflag:s22] =	dma.local [hbm:s5], s20  }
0x9e: {  	_ =	swait.ge [sflag:s22], s20  }
0x9f: {  	s4 =	ssub.s32 $0x0, s20;
	[sflag:s22] =	ssyncset.done $0x0  }
0xa0: {  	[sflag:s22] =	ssyncadd.s32 s4;
	_ =	sdelay $0x1  }
0xa1: {  	s23 =	simm.s32 $0x1B8B  }
0xa2: {  	_ =	swait.ge [sflag:s23], $0x1  }
0xa3: {  	[sflag:s23] =	ssyncset.done $0x0  }
0xa4: {  	s25 =	simm.s32 $0x1B8E;
	s24 =	sld [smem:$0x3FFE];
	[sflag:s23] =	ssyncadd.s32 $0xFFFFFFFF  }
0xa5: {  	s26 =	simm.s32 $execute0_lowered;
	[smem:$0x3FD2] =	sst s25  }
0xa6: {  	s5 =	sshll.u32 s26, $0x1;
	_ =	strace $0x80000046;
	[dreg:$0x1] =	wrdreg $0xFFFFFFFF  }
0xa7: {  	s28 =	simm.s32 $_size_execute0_lowered;
	s3 =	sadd.s32 s3, s5;
	[dreg:$0x0] =	wrdreg $0x0  }
0xa8: {  	s5 =	sshll.u32 s28, $0x1;
	[dreg:$0x2] =	wrdreg s3  }
0xa9: {  	[dreg:$0x3] =	wrdreg s5  }
0xaa: {  	[dreg:$0x4] =	wrdreg $0xC0  }
0xab: {  	_ =	task [dreg:s7], $0x5FFFF  }
0xac: {  	[dreg:$0x1] =	wrdreg $0xFFFFFFFF  }
0xad: {  	[dreg:$0x0] =	wrdreg $0x60  }
0xae: {  	[dreg:$0x2] =	wrdreg s24  }
0xaf: {  	[dreg:$0x3] =	wrdreg s2  }
0xb0: {  	[dreg:$0x4] =	wrdreg $0x9  }
0xb1: {  	_ =	task.clear_ibuf [dreg:s7], $0x5FFFF;
	_ =	strace $0x90000046  }
0xb2: {  	s29 =	simm.s32 $0x9;
	_ =	strace $0x80000048  }
0xb3: {  	_ =	swait.ge [sflag:s29], $0x1  }
0xb4: {  	[sflag:s29] =	ssyncadd.s32 $0xFFFFFFFF  }
0xb5: {  	_ =	strace $0x90000048  }
0xb6: {  	_ =	sfence  }
0xb7: {  	s30 =	sld [smem:$0x0];
	_ =	sdelay $0x2  }
0xb8: {  	s31 =	sshll.u32 s1, $0xD;
	s1 =	sshrl.u32 s1, $0x2  }
0xb9: {  	s3 =	sand.u32 $0x4000, s31;
	s1 =	sadd.s32 s1, s30  }
0xba: {  	s0 =	sor.u32 s3, s0;
	s1 =	sshll.u32 s1, $0x11  }
0xbb: {  	s0 =	sor.u32 s1, s0  }
0xbc: {  	s0 =	sadd.s32 $0x8F2B, s0  }
0xbd: {  	[sflag:s0] =	ssyncadd.remote.s32 $0x1  }
0xbe: {  	_ =	sfence.sel $0xFFFF  }
0xbf: {  	[dreg:$0x0] =	wrdreg $0xFFFFFFFF;
	(pc) =	sbr.abs _section_cstart, $3  }
0xc0: {  	[dreg:$0x1] =	wrdreg $0xFFFFFFFF  }
0xc1: {  	_ =	task.clear_ibuf [dreg:s7], $0x2FFFF;
	_ =	strace $0x9FFFFFFF  }
0xc2: {  	(tm) =	ssettm $0x7FFFFFFF  }
0xc3: {  	_ =	shalt  }
tec
execute0_lowered:
.L_overlay_start_1:
0x0: {  	(tag) =	ssettag $0x1  }
0x1: {  	s6 =	stileid.u32;
	s7 =	rddreg [dreg:$0x0]  }
0x2: {  	s0 =	srdreg.scid;
	s2 =	rddreg [dreg:$0x1];
	s3 =	simm.s32 $0x0  }
0x3: {  	s28 =	simm.s32 $0x9080;
	s29 =	simm.s32 $0xA880;
	s30 =	simm.s32 $0xC080  }
0x4: {  	s31 =	simm.s32 $0x1;
	s1 =	sshll.u32 s6, $0x1;
	s0 =	sand.u32 $0x1, s0  }
0x5: {  	[smem:$0x7FF] =	sst s3;
	s5 =	sadd.s32 $0x1C800, s7;
	s6 =	sshll.u32 s6, $0xA  }
0x6: {  	s1 =	sand.u32 $0xE, s1;
	_ =	strace $0x80000047;
	s10 =	sand.u32 $0x2000, s6  }
0x7: {  	s1 =	sor.u32 s0, s1;
	s0 =	ssub.s32 $0x2, s0;
	s21 =	sshrl.u32 s10, $0x3  }
0x8: {  	s22 =	sor.u32 $0x100, s10;
	s16 =	sor.u32 $0x200, s10;
	s17 =	sor.u32 $0x300, s10  }
0x9: {  	s4 =	smul.u32 $0x1010, s1;
	s6 =	sshll.u32 s1, $0x12;
	s18 =	sshrl.u32 s0, $0x1  }
0xa: {  	s23 =	sshrl.u32 s22, $0x3;
	s8 =	sor.u32 s10, s6;
	s0 =	ssub.s32 s0, s18  }
0xb: {  	s26 =	sadd.s32 s5, s23;
	s9 =	sadd.s32 s4, s7;
	s4 =	sadd.s32 $0x14800, s7  }
0xc: {  	s7 =	sadd.s32 $0x20800, s7;
	s20 =	sshrl.u32 s8, $0x3;
	[dreg:$0x8] =	wrdreg s26  }
0xd: {  	s0 =	smax.u32 s0, $0x1;
	s26 =	simm.s32 $0xB080;
	s19 =	sadd.s32 $0x4600, s9  }
0xe: {  	s1 =	sadd.s32 s7, s20;
	s11 =	sadd.s32 s4, s21;
	[dreg:$0xa] =	wrdreg s0  }
0xf: {  	s9 =	sor.u32 s22, s6;
	s24 =	sadd.s32 s4, s23;
	[dreg:$0x3] =	wrdreg s19  }
0x10: {  	s20 =	simm.s32 $0x100;
	s22 =	simm.s32 $0xD080;
	[dreg:$0x4] =	wrdreg s1  }
0x11: {  	s23 =	simm.s32 $0xE080;
	s0 =	simm.s32 $0x2;
	[dreg:$0x5] =	wrdreg s11  }
0x12: {  	s1 =	sadd.s32 s5, s21;
	[dreg:$0x7] =	wrdreg s24;
	s25 =	sshrl.u32 s9, $0x3  }
0x13: {  	s21 =	simm.s32 $0x4000;
	s24 =	simm.s32 $0x8080;
	s9 =	simm.s32 $0x4  }
0x14: {  	s11 =	simm.s32 $0x0;
	[dreg:$0x6] =	wrdreg s1;
	s1 =	sadd.s32 s7, s25  }
0x15: {  	s25 =	simm.s32 $0xA080;
	[dreg:$0x9] =	wrdreg s1;
	s1 =	simm.s32 $0x3  }
.LBB2_1:
0x16: {  	[dreg:$0xb] =	wrdreg s11  }
0x17: {  	s10 =	rddreg [dreg:$0x3];
	s11 =	simm.s32 $0x5  }
0x18: {  	[tilespmem:s3], [sflag:$0x5] =	stream.linear.gather [hbm4b:s10+s3], $0x8080, $0x38;
	[tilespmem:$0xF080] =	vst v63  }
0x19: {  	_ =	swait.ge [sflag:s11], $0x8080  }
0x1a: {  	[sflag:s11] =	ssyncset.done $0x0  }
0x1b: {  	s12 =	rddreg [dreg:$0x4];
	[sflag:s11] =	ssyncadd.s32 $0xFFFF7F80  }
0x1c: {  	[tilespmem:s22], [sflag:$0x3] =	stream.strided.gather [hbm4b:s12+s20], $0x1000, s21, s20, $0x38;
	[tilespmem:$0xF080] =	vst v63  }
0x1d: {  	_ = 	snop  }
0x1e: {  	[tilespmem:s23], [sflag:$0x4] =	stream.strided.gather [hbm4b:s12+s20], $0x1000, s21, s20, $0x38;
	[tilespmem:$0xF080] =	vst v63  }
0x1f: {  	s13 =	rddreg [dreg:$0x5]  }
0x20: {  	[tilespmem:s24], [sflag:$0x1] =	stream.strided.gather [hbm4b:s13+s20], $0x1000, s21, s20, $0x38;
	[tilespmem:$0xF080] =	vst v63  }
0x21: {  	s14 =	rddreg [dreg:$0x6]  }
0x22: {  	[tilespmem:s25], [sflag:$0x1] =	stream.strided.gather [hbm4b:s14+s20], $0x800, s21, s20, $0x38;
	[tilespmem:$0xF080] =	vst v63  }
0x23: {  	_ = 	snop  }
0x24: {  	[tilespmem:s26], [sflag:$0x1] =	stream.strided.gather [hbm4b:s12+s20], $0x1000, s21, s20, $0x38;
	[tilespmem:$0xF080] =	vst v63  }
0x25: {  	s15 =	rddreg [dreg:$0x7]  }
0x26: {  	[tilespmem:s28], [sflag:$0x2] =	stream.strided.gather [hbm4b:s15+s20], $0x1000, s21, s20, $0x38;
	[tilespmem:$0xF080] =	vst v63  }
0x27: {  	s18 =	rddreg [dreg:$0x8]  }
0x28: {  	[tilespmem:s29], [sflag:$0x2] =	stream.strided.gather [hbm4b:s18+s20], $0x800, s21, s20, $0x38;
	[tilespmem:$0xF080] =	vst v63  }
0x29: {  	s19 =	rddreg [dreg:$0x9];
	s12 =	simm.s32 $0x0  }
0x2a: {  	[tilespmem:s30], [sflag:$0x2] =	stream.strided.gather [hbm4b:s19+s20], $0x1000, s21, s20, $0x38;
	[tilespmem:$0xF080] =	vst v63  }
.LBB2_2:
0x2b: {  	_ =	swait.ge [sflag:s31], $0x1000  }
0x2c: {  	[sflag:s31] =	ssyncset.done $0x0  }
0x2d: {  	[sflag:s31] =	ssyncadd.s32 $0xFFFFF000  }
0x2e: {  	_ =	swait.ge [sflag:s31], $0x800  }
0x2f: {  	[sflag:s31] =	ssyncset.done $0x0  }
0x30: {  	[sflag:s31] =	ssyncadd.s32 $0xFFFFF800  }
0x31: {  	_ =	swait.ge [sflag:s31], $0x1000  }
0x32: {  	[sflag:s31] =	ssyncset.done $0x0  }
0x33: {  	[sflag:s31] =	ssyncadd.s32 $0xFFFFF000  }
0x34: {  	s13 =	simm.s32 $0xFFFFFFFC;
	_ =	swait.ge [sflag:s1], $0x1000  }
0x35: {  	s14 =	simm.s32 $0xB880;
	s15 =	simm.s32 $0xD880;
	[sflag:s1] =	ssyncset.done $0x0  }
0x36: {  	s18 =	simm.s32 $0x85A0;
	s10 =	simm.s32 $0xA280;
	[sflag:s1] =	ssyncadd.s32 $0xFFFFF000  }
.LBB2_3:
0x37: {  	v29 =	vld [tilespmem:s18+$0xFFFFFAE0]  }
0x38: {  	v28 =	vld [tilespmem:s18+$0xFFFFFBE0]  }
0x39: {  	v27 =	vld [tilespmem:s18+$0xFFFFFCE0]  }
0x3a: {  	v26 =	vld [tilespmem:s18+$0xFFFFFDE0]  }
0x3b: {  	v24 =	vld [tilespmem:s18+$0xFFFFFEE0]  }
0x3c: {  	v20 =	vld [tilespmem:s18+$0xFFFFFFE0]  }
0x3d: {  	v19 =	vld [tilespmem:s18+$0xE0]  }
0x3e: {  	v25 =	vld [tilespmem:s18+$0x1E0]  }
0x3f: {  	v22 =	vld [tilespmem:s18+$0x2E0]  }
0x40: {  	v23 =	vld [tilespmem:s18+$0x3E0]  }
0x41: {  	v21 =	vld [tilespmem:s18+$0x4E0]  }
0x42: {  	v17 =	vld [tilespmem:s10+$0xFFFFFE00]  }
0x43: {  	v18 =	vld [tilespmem:s10+$0xFFFFFF00]  }
0x44: {  	v15 =	vld [tilespmem:s10+$0x0]  }
0x45: {  	v16 =	vld [tilespmem:s10+$0x100]  }
0x46: {  	v0 =	vld [tilespmem:s14+$0xFFFFF800]  }
0x47: {  	v1 =	vld.idx.msk [tilespmem:v29+s3+$0x0], $0xffff  }
0x48: {  	v2 =	vld.idx.msk [tilespmem:v28+s3+$0x0], $0xffff  }
0x49: {  	v3 =	vld.idx.msk [tilespmem:v27+s3+$0x0], $0xffff  }
0x4a: {  	v4 =	vld.idx.msk [tilespmem:v26+s3+$0x0], $0xffff  }
0x4b: {  	v5 =	vld.idx.msk [tilespmem:v24+s3+$0x0], $0xffff  }
0x4c: {  	v6 =	vld.idx.msk [tilespmem:v20+s3+$0x0], $0xffff  }
0x4d: {  	v7 =	vld.idx.msk [tilespmem:v25+s3+$0x0], $0xffff  }
0x4e: {  	v8 =	vld.idx.msk [tilespmem:v22+s3+$0x0], $0xffff  }
0x4f: {  	v9 =	vld.idx.msk [tilespmem:v23+s3+$0x0], $0xffff  }
0x50: {  	v10 =	vld.idx.msk [tilespmem:v21+s3+$0x0], $0xffff  }
0x51: {  	v11 =	vld.idx.msk [tilespmem:v19+s3+$0x0], $0xffff;
	_ =	sdelay $0x1  }
0x52: {  	v7 =	vmul.f32 v7, v17  }
0x53: {  	v8 =	vmul.f32 v8, v18;
	v9 =	vmul.f32 v9, v15  }
0x54: {  	v10 =	vmul.f32 v10, v16;
	v0 =	vadd.f32 v1, v0;
	v49 =	vadd.f32 v3, v2  }
0x55: {  	v50 =	vadd.f32 v5, v4;
	v51 =	vadd.f32 v11, v6  }
0x56: {  	v52 =	vadd.f32 v8, v7;
	v53 =	vadd.f32 v10, v9  }
0x57: {  	v0 =	vadd.f32 v49, v0;
	v54 =	vadd.f32 v51, v50;
	_ =	sdelay $0x1  }
0x58: {  	v55 =	vadd.f32 v53, v52;
	v0 =	vadd.f32 v54, v0  }
0x59: {  	v56 =	vadd.s32 $0x808, v29  }
0x5a: {  	v57 =	vadd.s32 $0x808, v28;
	v0 =	vadd.f32 v55, v0  }
0x5b: {  	v58 =	vadd.s32 $0x808, v27  }
0x5c: {  	v59 =	vadd.s32 $0x808, v26;
	[tilespmem:s15+$0xFFFFF800] =	vst v0  }
0x5d: {  	v61 =	vadd.s32 $0x808, v24;
	v60 =	vld [tilespmem:s14+$0xFFFFF900]  }
0x5e: {  	v62 =	vadd.s32 $0x808, v20;
	v1 =	vld.idx.msk [tilespmem:v56+s3+$0x0], $0xffff  }
0x5f: {  	v63 =	vadd.s32 $0x808, v25;
	v2 =	vld.idx.msk [tilespmem:v57+s3+$0x0], $0xffff  }
0x60: {  	v12 =	vadd.s32 $0x808, v22;
	v3 =	vld.idx.msk [tilespmem:v58+s3+$0x0], $0xffff  }
0x61: {  	v13 =	vadd.s32 $0x808, v23;
	v0 =	vld.idx.msk [tilespmem:v59+s3+$0x0], $0xffff  }
0x62: {  	v14 =	vadd.s32 $0x808, v21;
	v5 =	vld.idx.msk [tilespmem:v61+s3+$0x0], $0xffff  }
0x63: {  	v30 =	vadd.s32 $0x808, v19;
	v6 =	vld.idx.msk [tilespmem:v62+s3+$0x0], $0xffff  }
0x64: {  	v7 =	vld.idx.msk [tilespmem:v63+s3+$0x0], $0xffff  }
0x65: {  	v8 =	vld.idx.msk [tilespmem:v12+s3+$0x0], $0xffff  }
0x66: {  	v9 =	vld.idx.msk [tilespmem:v13+s3+$0x0], $0xffff  }
0x67: {  	v10 =	vld.idx.msk [tilespmem:v14+s3+$0x0], $0xffff  }
0x68: {  	v11 =	vld.idx.msk [tilespmem:v30+s3+$0x0], $0xffff;
	_ =	sdelay $0x1  }
0x69: {  	v7 =	vmul.f32 v7, v17  }
0x6a: {  	v8 =	vmul.f32 v8, v18;
	v9 =	vmul.f32 v9, v15  }
0x6b: {  	v10 =	vmul.f32 v10, v16;
	v1 =	vadd.f32 v1, v60;
	v2 =	vadd.f32 v3, v2  }
0x6c: {  	v0 =	vadd.f32 v5, v0;
	v31 =	vadd.f32 v11, v6  }
0x6d: {  	v32 =	vadd.f32 v8, v7;
	v33 =	vadd.f32 v10, v9  }
0x6e: {  	v1 =	vadd.f32 v2, v1;
	v0 =	vadd.f32 v31, v0;
	_ =	sdelay $0x1  }
0x6f: {  	v34 =	vadd.f32 v33, v32;
	v0 =	vadd.f32 v0, v1  }
0x70: {  	v35 =	vadd.s32 $0x1010, v29  }
0x71: {  	v36 =	vadd.s32 $0x1010, v28;
	v0 =	vadd.f32 v34, v0  }
0x72: {  	v37 =	vadd.s32 $0x1010, v27  }
0x73: {  	v38 =	vadd.s32 $0x1010, v26;
	[tilespmem:s15+$0xFFFFF900] =	vst v0  }
0x74: {  	v40 =	vadd.s32 $0x1010, v24;
	v39 =	vld [tilespmem:s14+$0xFFFFFA00]  }
0x75: {  	v41 =	vadd.s32 $0x1010, v20;
	v1 =	vld.idx.msk [tilespmem:v35+s3+$0x0], $0xffff  }
0x76: {  	v42 =	vadd.s32 $0x1010, v25;
	v2 =	vld.idx.msk [tilespmem:v36+s3+$0x0], $0xffff  }
0x77: {  	v43 =	vadd.s32 $0x1010, v22;
	v3 =	vld.idx.msk [tilespmem:v37+s3+$0x0], $0xffff  }
0x78: {  	v44 =	vadd.s32 $0x1010, v23;
	v0 =	vld.idx.msk [tilespmem:v38+s3+$0x0], $0xffff  }
0x79: {  	v45 =	vadd.s32 $0x1010, v21;
	v5 =	vld.idx.msk [tilespmem:v40+s3+$0x0], $0xffff  }
0x7a: {  	v46 =	vadd.s32 $0x1010, v19;
	v6 =	vld.idx.msk [tilespmem:v41+s3+$0x0], $0xffff  }
0x7b: {  	v7 =	vld.idx.msk [tilespmem:v42+s3+$0x0], $0xffff  }
0x7c: {  	v8 =	vld.idx.msk [tilespmem:v43+s3+$0x0], $0xffff  }
0x7d: {  	v9 =	vld.idx.msk [tilespmem:v44+s3+$0x0], $0xffff  }
0x7e: {  	v10 =	vld.idx.msk [tilespmem:v45+s3+$0x0], $0xffff  }
0x7f: {  	v11 =	vld.idx.msk [tilespmem:v46+s3+$0x0], $0xffff;
	_ =	sdelay $0x1  }
0x80: {  	v7 =	vmul.f32 v7, v17  }
0x81: {  	v8 =	vmul.f32 v8, v18;
	v9 =	vmul.f32 v9, v15  }
0x82: {  	v10 =	vmul.f32 v10, v16;
	v1 =	vadd.f32 v1, v39;
	v2 =	vadd.f32 v3, v2  }
0x83: {  	v0 =	vadd.f32 v5, v0;
	v47 =	vadd.f32 v11, v6  }
0x84: {  	v48 =	vadd.f32 v8, v7;
	v49 =	vadd.f32 v10, v9  }
0x85: {  	v1 =	vadd.f32 v2, v1;
	v0 =	vadd.f32 v47, v0;
	_ =	sdelay $0x1  }
0x86: {  	v50 =	vadd.f32 v49, v48;
	v0 =	vadd.f32 v0, v1  }
0x87: {  	v51 =	vadd.s32 $0x1818, v29  }
0x88: {  	v52 =	vadd.s32 $0x1818, v28;
	v0 =	vadd.f32 v50, v0  }
0x89: {  	v53 =	vadd.s32 $0x1818, v27  }
0x8a: {  	v54 =	vadd.s32 $0x1818, v26;
	[tilespmem:s15+$0xFFFFFA00] =	vst v0  }
0x8b: {  	v56 =	vadd.s32 $0x1818, v24;
	v55 =	vld [tilespmem:s14+$0xFFFFFB00]  }
0x8c: {  	v57 =	vadd.s32 $0x1818, v20;
	v1 =	vld.idx.msk [tilespmem:v51+s3+$0x0], $0xffff  }
0x8d: {  	v58 =	vadd.s32 $0x1818, v25;
	v2 =	vld.idx.msk [tilespmem:v52+s3+$0x0], $0xffff  }
0x8e: {  	v59 =	vadd.s32 $0x1818, v22;
	v3 =	vld.idx.msk [tilespmem:v53+s3+$0x0], $0xffff  }
0x8f: {  	v60 =	vadd.s32 $0x1818, v23;
	v0 =	vld.idx.msk [tilespmem:v54+s3+$0x0], $0xffff  }
0x90: {  	v61 =	vadd.s32 $0x1818, v21;
	v5 =	vld.idx.msk [tilespmem:v56+s3+$0x0], $0xffff  }
0x91: {  	v62 =	vadd.s32 $0x1818, v19;
	v6 =	vld.idx.msk [tilespmem:v57+s3+$0x0], $0xffff  }
0x92: {  	v7 =	vld.idx.msk [tilespmem:v58+s3+$0x0], $0xffff  }
0x93: {  	v8 =	vld.idx.msk [tilespmem:v59+s3+$0x0], $0xffff  }
0x94: {  	v9 =	vld.idx.msk [tilespmem:v60+s3+$0x0], $0xffff  }
0x95: {  	v10 =	vld.idx.msk [tilespmem:v61+s3+$0x0], $0xffff  }
0x96: {  	v11 =	vld.idx.msk [tilespmem:v62+s3+$0x0], $0xffff;
	_ =	sdelay $0x1  }
0x97: {  	v7 =	vmul.f32 v7, v17  }
0x98: {  	v8 =	vmul.f32 v8, v18;
	v9 =	vmul.f32 v9, v15  }
0x99: {  	v10 =	vmul.f32 v10, v16;
	v1 =	vadd.f32 v1, v55;
	v2 =	vadd.f32 v3, v2  }
0x9a: {  	v0 =	vadd.f32 v5, v0;
	v63 =	vadd.f32 v11, v6  }
0x9b: {  	v11 =	vadd.f32 v8, v7;
	v12 =	vadd.f32 v10, v9  }
0x9c: {  	v1 =	vadd.f32 v2, v1;
	v0 =	vadd.f32 v63, v0;
	_ =	sdelay $0x1  }
0x9d: {  	v13 =	vadd.f32 v12, v11;
	v0 =	vadd.f32 v0, v1  }
0x9e: {  	v14 =	vadd.s32 $0x2020, v29  }
0x9f: {  	v30 =	vadd.s32 $0x2020, v28;
	v0 =	vadd.f32 v13, v0  }
0xa0: {  	v4 =	vld [tilespmem:s18+$0x4F0];
	v31 =	vadd.s32 $0x2020, v27  }
0xa1: {  	v32 =	vadd.s32 $0x2020, v26;
	v12 =	vld [tilespmem:s18+$0xFFFFFCF0];
	[tilespmem:s15+$0xFFFFFB00] =	vst v0  }
0xa2: {  	v35 =	vadd.s32 $0x2020, v20;
	v33 =	vld [tilespmem:s14+$0xFFFFFC00]  }
0xa3: {  	v36 =	vadd.s32 $0x2020, v25;
	v1 =	vld.idx.msk [tilespmem:v14+s3+$0x0], $0xffff  }
0xa4: {  	v37 =	vadd.s32 $0x2020, v22;
	v2 =	vld.idx.msk [tilespmem:v30+s3+$0x0], $0xffff  }
0xa5: {  	v38 =	vadd.s32 $0x2020, v23;
	v3 =	vld.idx.msk [tilespmem:v31+s3+$0x0], $0xffff  }
0xa6: {  	v40 =	vadd.s32 $0x2020, v19;
	v0 =	vld.idx.msk [tilespmem:v32+s3+$0x0], $0xffff  }
0xa7: {  	v39 =	vadd.s32 $0x2020, v21;
	v6 =	vld.idx.msk [tilespmem:v35+s3+$0x0], $0xffff  }
0xa8: {  	v34 =	vadd.s32 $0x2020, v24;
	v7 =	vld.idx.msk [tilespmem:v36+s3+$0x0], $0xffff  }
0xa9: {  	v8 =	vld.idx.msk [tilespmem:v37+s3+$0x0], $0xffff  }
0xaa: {  	v9 =	vld.idx.msk [tilespmem:v38+s3+$0x0], $0xffff  }
0xab: {  	v11 =	vld.idx.msk [tilespmem:v40+s3+$0x0], $0xffff  }
0xac: {  	v10 =	vld.idx.msk [tilespmem:v39+s3+$0x0], $0xffff  }
0xad: {  	v5 =	vld.idx.msk [tilespmem:v34+s3+$0x0], $0xffff  }
0xae: {  	v13 =	vld [tilespmem:s18+$0xFFFFFBF0]  }
0xaf: {  	v14 =	vld [tilespmem:s18+$0xFFFFFAF0]  }
0xb0: {  	v7 =	vmul.f32 v7, v17;
	v8 =	vmul.f32 v8, v18;
	v41 =	vadd.f32 v11, v6;
	v11 =	vld [tilespmem:s18+$0xFFFFFDF0]  }
0xb1: {  	v9 =	vmul.f32 v9, v15;
	v10 =	vmul.f32 v10, v16;
	v1 =	vadd.f32 v1, v33;
	v6 =	vld [tilespmem:s18+$0x2F0]  }
0xb2: {  	v2 =	vadd.f32 v3, v2;
	v0 =	vadd.f32 v5, v0;
	v5 =	vld [tilespmem:s18+$0x3F0]  }
0xb3: {  	v3 =	vld [tilespmem:s10+$0xFFFFFF10];
	v42 =	vadd.f32 v8, v7;
	v43 =	vadd.f32 v10, v9  }
0xb4: {  	v1 =	vadd.f32 v2, v1;
	v0 =	vadd.f32 v41, v0;
	v10 =	vld [tilespmem:s18+$0xFFFFFEF0]  }
0xb5: {  	v9 =	vld [tilespmem:s18+$0xFFFFFFF0]  }
0xb6: {  	v8 =	vld [tilespmem:s18+$0xF0];
	v44 =	vadd.f32 v43, v42;
	v0 =	vadd.f32 v0, v1  }
0xb7: {  	v45 =	vadd.s32 $0x2828, v29;
	v7 =	vld [tilespmem:s18+$0x1F0]  }
0xb8: {  	v46 =	vadd.s32 $0x2828, v28;
	v2 =	vld [tilespmem:s10+$0xFFFFFE10];
	v0 =	vadd.f32 v44, v0  }
0xb9: {  	v47 =	vadd.s32 $0x2828, v27;
	v1 =	vld [tilespmem:s10+$0x110]  }
0xba: {  	v48 =	vadd.s32 $0x2828, v26;
	v42 =	vld [tilespmem:s14+$0xFFFFF810];
	[tilespmem:s15+$0xFFFFFC00] =	vst v0  }
0xbb: {  	v49 =	vadd.s32 $0x2828, v24;
	v30 =	vld [tilespmem:s14+$0xFFFFFD00]  }
0xbc: {  	v50 =	vadd.s32 $0x2828, v20;
	v31 =	vld.idx.msk [tilespmem:v45+s3+$0x0], $0xffff  }
0xbd: {  	v52 =	vadd.s32 $0x2828, v25;
	v32 =	vld.idx.msk [tilespmem:v46+s3+$0x0], $0xffff  }
0xbe: {  	v53 =	vadd.s32 $0x2828, v22;
	v33 =	vld.idx.msk [tilespmem:v47+s3+$0x0], $0xffff  }
0xbf: {  	v54 =	vadd.s32 $0x2828, v23;
	v34 =	vld.idx.msk [tilespmem:v48+s3+$0x0], $0xffff  }
0xc0: {  	v55 =	vadd.s32 $0x2828, v21;
	v35 =	vld.idx.msk [tilespmem:v49+s3+$0x0], $0xffff  }
0xc1: {  	v51 =	vadd.s32 $0x2828, v19;
	v36 =	vld.idx.msk [tilespmem:v50+s3+$0x0], $0xffff  }
0xc2: {  	v38 =	vld.idx.msk [tilespmem:v52+s3+$0x0], $0xffff  }
0xc3: {  	v39 =	vld.idx.msk [tilespmem:v53+s3+$0x0], $0xffff  }
0xc4: {  	v40 =	vld.idx.msk [tilespmem:v54+s3+$0x0], $0xffff  }
0xc5: {  	v41 =	vld.idx.msk [tilespmem:v55+s3+$0x0], $0xffff  }
0xc6: {  	v37 =	vld.idx.msk [tilespmem:v51+s3+$0x0], $0xffff  }
0xc7: {  	v43 =	vld.idx.msk [tilespmem:v14+s3+$0x0], $0xffff  }
0xc8: {  	v44 =	vld.idx.msk [tilespmem:v13+s3+$0x0], $0xffff;
	v38 =	vmul.f32 v38, v17  }
0xc9: {  	v0 =	vld [tilespmem:s10+$0x10];
	v39 =	vmul.f32 v39, v18;
	v40 =	vmul.f32 v40, v15  }
0xca: {  	v53 =	vld.idx.msk [tilespmem:v6+s3+$0x0], $0xffff;
	v41 =	vmul.f32 v41, v16;
	v30 =	vadd.f32 v31, v30;
	v56 =	vadd.f32 v33, v32  }
0xcb: {  	v55 =	vld.idx.msk [tilespmem:v5+s3+$0x0], $0xffff;
	v57 =	vadd.f32 v35, v34;
	v58 =	vadd.f32 v37, v36  }
0xcc: {  	v61 =	vld.idx.msk [tilespmem:v10+s3+$0x0], $0xffff;
	v59 =	vadd.f32 v39, v38;
	v60 =	vadd.f32 v41, v40  }
0xcd: {  	v63 =	vld.idx.msk [tilespmem:v9+s3+$0x0], $0xffff;
	v30 =	vadd.f32 v56, v30;
	v62 =	vadd.f32 v58, v57  }
0xce: {  	v52 =	vld.idx.msk [tilespmem:v7+s3+$0x0], $0xffff  }
0xcf: {  	v45 =	vld.idx.msk [tilespmem:v8+s3+$0x0], $0xffff;
	v36 =	vadd.f32 v60, v59;
	v30 =	vadd.f32 v62, v30  }
0xd0: {  	v54 =	vadd.s32 $0x3030, v29;
	v32 =	vld.idx.msk [tilespmem:v12+s3+$0x0], $0xffff  }
0xd1: {  	v35 =	vld.idx.msk [tilespmem:v11+s3+$0x0], $0xffff;
	v56 =	vadd.s32 $0x3030, v28;
	v30 =	vadd.f32 v36, v30  }
0xd2: {  	v57 =	vld.idx.msk [tilespmem:v4+s3+$0x0], $0xffff;
	v58 =	vadd.s32 $0x3030, v27  }
0xd3: {  	v59 =	vadd.s32 $0x3030, v26;
	[tilespmem:s15+$0xFFFFFD00] =	vst v30  }
0xd4: {  	v47 =	vadd.s32 $0x3030, v24;
	v48 =	vadd.s32 $0x3030, v25;
	v49 =	vadd.s32 $0x3030, v22;
	v46 =	vld [tilespmem:s14+$0xFFFFFE00]  }
0xd5: {  	v42 =	vadd.f32 v43, v42;
	v31 =	vmul.f32 v53, v3;
	v34 =	vmul.f32 v52, v2;
	v37 =	vld.idx.msk [tilespmem:v54+s3+$0x0], $0xffff  }
0xd6: {  	v33 =	vadd.f32 v45, v63;
	v39 =	vmul.f32 v55, v0;
	v32 =	vadd.f32 v32, v44;
	v36 =	vld.idx.msk [tilespmem:v56+s3+$0x0], $0xffff  }
0xd7: {  	v60 =	vadd.s32 $0x3030, v23;
	v35 =	vadd.f32 v61, v35;
	v40 =	vmul.f32 v57, v1;
	v41 =	vld.idx.msk [tilespmem:v58+s3+$0x0], $0xffff  }
0xd8: {  	v50 =	vadd.s32 $0x3030, v20;
	v31 =	vadd.f32 v31, v34;
	v32 =	vadd.f32 v32, v42;
	v30 =	vld.idx.msk [tilespmem:v59+s3+$0x0], $0xffff  }
0xd9: {  	v51 =	vadd.s32 $0x3030, v19;
	v33 =	vadd.f32 v33, v35;
	v62 =	vadd.f32 v40, v39;
	v63 =	vld.idx.msk [tilespmem:v47+s3+$0x0], $0xffff  }
0xda: {  	v61 =	vadd.s32 $0x3030, v21;
	v52 =	vld.idx.msk [tilespmem:v48+s3+$0x0], $0xffff  }
0xdb: {  	v53 =	vld.idx.msk [tilespmem:v49+s3+$0x0], $0xffff;
	v32 =	vadd.f32 v33, v32;
	v31 =	vadd.f32 v62, v31  }
0xdc: {  	v55 =	vadd.s32 $0x808, v14;
	v54 =	vld.idx.msk [tilespmem:v60+s3+$0x0], $0xffff  }
0xdd: {  	v56 =	vadd.s32 $0x808, v13;
	v40 =	vld.idx.msk [tilespmem:v50+s3+$0x0], $0xffff;
	v31 =	vadd.f32 v31, v32  }
0xde: {  	v57 =	vadd.s32 $0x808, v12;
	v35 =	vld.idx.msk [tilespmem:v51+s3+$0x0], $0xffff  }
0xdf: {  	v58 =	vadd.s32 $0x808, v11;
	v38 =	vld.idx.msk [tilespmem:v61+s3+$0x0], $0xffff;
	[tilespmem:s15+$0xFFFFF810] =	vst v31  }
0xe0: {  	v60 =	vadd.s32 $0x808, v9;
	v45 =	vld [tilespmem:s14+$0xFFFFF910]  }
0xe1: {  	v59 =	vadd.s32 $0x808, v10;
	v51 =	vadd.s32 $0x808, v4;
	v61 =	vadd.s32 $0x808, v7;
	v34 =	vld.idx.msk [tilespmem:v55+s3+$0x0], $0xffff  }
0xe2: {  	v62 =	vadd.s32 $0x808, v6;
	v42 =	vmul.f32 v52, v17;
	v44 =	vmul.f32 v53, v18;
	v32 =	vld.idx.msk [tilespmem:v56+s3+$0x0], $0xffff  }
0xe3: {  	v33 =	vmul.f32 v54, v15;
	v37 =	vadd.f32 v37, v46;
	v36 =	vadd.f32 v41, v36;
	v41 =	vld.idx.msk [tilespmem:v57+s3+$0x0], $0xffff  }
0xe4: {  	v30 =	vadd.f32 v63, v30;
	v35 =	vadd.f32 v35, v40;
	v38 =	vmul.f32 v38, v16;
	v31 =	vld.idx.msk [tilespmem:v58+s3+$0x0], $0xffff  }
0xe5: {  	v63 =	vadd.s32 $0x808, v5;
	v50 =	vadd.f32 v44, v42;
	v36 =	vadd.f32 v36, v37;
	v52 =	vld.idx.msk [tilespmem:v60+s3+$0x0], $0xffff  }
0xe6: {  	v53 =	vadd.s32 $0x808, v8;
	v30 =	vadd.f32 v35, v30;
	v54 =	vld.idx.msk [tilespmem:v61+s3+$0x0], $0xffff;
	v33 =	vadd.f32 v38, v33  }
0xe7: {  	v55 =	vld.idx.msk [tilespmem:v62+s3+$0x0], $0xffff  }
0xe8: {  	v42 =	vld.idx.msk [tilespmem:v51+s3+$0x0], $0xffff;
	v30 =	vadd.f32 v30, v36;
	v33 =	vadd.f32 v33, v50  }
0xe9: {  	v56 =	vadd.s32 $0x3838, v29;
	v38 =	vld.idx.msk [tilespmem:v59+s3+$0x0], $0xffff  }
0xea: {  	v57 =	vadd.s32 $0x3838, v28;
	v39 =	vld.idx.msk [tilespmem:v63+s3+$0x0], $0xffff;
	v30 =	vadd.f32 v33, v30  }
0xeb: {  	v58 =	vadd.s32 $0x3838, v27;
	v37 =	vld.idx.msk [tilespmem:v53+s3+$0x0], $0xffff  }
0xec: {  	v59 =	vadd.s32 $0x3838, v26;
	[tilespmem:s15+$0xFFFFFE00] =	vst v30  }
0xed: {  	v61 =	vadd.s32 $0x3838, v25;
	v62 =	vadd.s32 $0x3838, v22;
	v63 =	vadd.s32 $0x3838, v23;
	v46 =	vld [tilespmem:s14+$0xFFFFFF00]  }
0xee: {  	v50 =	vadd.s32 $0x3838, v21;
	v44 =	vmul.f32 v54, v2;
	v36 =	vmul.f32 v55, v3;
	v40 =	vld.idx.msk [tilespmem:v56+s3+$0x0], $0xffff  }
0xef: {  	v42 =	vmul.f32 v42, v1;
	v34 =	vadd.f32 v34, v45;
	v32 =	vadd.f32 v41, v32;
	v33 =	vld.idx.msk [tilespmem:v57+s3+$0x0], $0xffff  }
0xf0: {  	v31 =	vadd.f32 v38, v31;
	v39 =	vmul.f32 v39, v0;
	v41 =	vld.idx.msk [tilespmem:v58+s3+$0x0], $0xffff;
	v35 =	vadd.f32 v37, v52  }
0xf1: {  	v53 =	vadd.s32 $0x3838, v19;
	v36 =	vadd.f32 v36, v44;
	v32 =	vadd.f32 v32, v34;
	v30 =	vld.idx.msk [tilespmem:v59+s3+$0x0], $0xffff  }
0xf2: {  	v60 =	vadd.s32 $0x3838, v24;
	v54 =	vld.idx.msk [tilespmem:v61+s3+$0x0], $0xffff;
	v51 =	vadd.f32 v42, v39;
	v31 =	vadd.f32 v35, v31  }
0xf3: {  	v52 =	vadd.s32 $0x3838, v20;
	v55 =	vld.idx.msk [tilespmem:v62+s3+$0x0], $0xffff  }
0xf4: {  	v56 =	vld.idx.msk [tilespmem:v63+s3+$0x0], $0xffff;
	v36 =	vadd.f32 v51, v36;
	v31 =	vadd.f32 v31, v32  }
0xf5: {  	v57 =	vadd.s32 $0x1010, v14;
	v37 =	vld.idx.msk [tilespmem:v50+s3+$0x0], $0xffff  }
0xf6: {  	v58 =	vadd.s32 $0x1010, v13;
	v34 =	vld.idx.msk [tilespmem:v53+s3+$0x0], $0xffff;
	v31 =	vadd.f32 v36, v31  }
0xf7: {  	v59 =	vadd.s32 $0x1010, v12;
	v39 =	vld.idx.msk [tilespmem:v60+s3+$0x0], $0xffff  }
0xf8: {  	v60 =	vadd.s32 $0x1010, v11;
	v42 =	vld.idx.msk [tilespmem:v52+s3+$0x0], $0xffff;
	[tilespmem:s15+$0xFFFFF910] =	vst v31  }
0xf9: {  	v61 =	vadd.s32 $0x1010, v10;
	v45 =	vld [tilespmem:s14+$0xFFFFFA10]  }
0xfa: {  	v62 =	vadd.s32 $0x1010, v9;
	v63 =	vadd.s32 $0x1010, v7;
	v35 =	vmul.f32 v54, v17;
	v38 =	vld.idx.msk [tilespmem:v57+s3+$0x0], $0xffff  }
0xfb: {  	v50 =	vadd.s32 $0x1010, v6;
	v44 =	vmul.f32 v55, v18;
	v32 =	vmul.f32 v56, v15;
	v36 =	vld.idx.msk [tilespmem:v58+s3+$0x0], $0xffff  }
0xfc: {  	v37 =	vmul.f32 v37, v16;
	v40 =	vadd.f32 v40, v46;
	v33 =	vadd.f32 v41, v33;
	v41 =	vld.idx.msk [tilespmem:v59+s3+$0x0], $0xffff  }
0xfd: {  	v51 =	vadd.s32 $0x1010, v5;
	v30 =	vadd.f32 v39, v30;
	v31 =	vld.idx.msk [tilespmem:v60+s3+$0x0], $0xffff;
	v34 =	vadd.f32 v34, v42  }
0xfe: {  	v52 =	vadd.s32 $0x1010, v4;
	v35 =	vadd.f32 v44, v35;
	v32 =	vadd.f32 v37, v32;
	v37 =	vld.idx.msk [tilespmem:v61+s3+$0x0], $0xffff  }
0xff: {  	v54 =	vadd.s32 $0x1010, v8;
	v33 =	vadd.f32 v33, v40;
	v53 =	vld.idx.msk [tilespmem:v62+s3+$0x0], $0xffff;
	v30 =	vadd.f32 v34, v30  }
0x100: {  	v55 =	vld.idx.msk [tilespmem:v63+s3+$0x0], $0xffff  }
0x101: {  	v32 =	vadd.f32 v32, v35;
	v56 =	vld.idx.msk [tilespmem:v50+s3+$0x0], $0xffff;
	v30 =	vadd.f32 v30, v33  }
0x102: {  	v57 =	vadd.s32 $0x4040, v29;
	v39 =	vld.idx.msk [tilespmem:v51+s3+$0x0], $0xffff  }
0x103: {  	v58 =	vadd.s32 $0x4040, v28;
	v42 =	vld.idx.msk [tilespmem:v52+s3+$0x0], $0xffff;
	v30 =	vadd.f32 v32, v30  }
0x104: {  	v59 =	vadd.s32 $0x4040, v27;
	v40 =	vld.idx.msk [tilespmem:v54+s3+$0x0], $0xffff  }
0x105: {  	v60 =	vadd.s32 $0x4040, v26;
	[tilespmem:s15+$0xFFFFFF00] =	vst v30  }
0x106: {  	v61 =	vadd.s32 $0x4040, v24;
	v62 =	vadd.s32 $0x4040, v25;
	v63 =	vadd.s32 $0x4040, v22;
	v46 =	vld [tilespmem:s14+$0x0]  }
0x107: {  	v50 =	vadd.s32 $0x4040, v23;
	v44 =	vmul.f32 v55, v2;
	v33 =	vmul.f32 v56, v3;
	v35 =	vld.idx.msk [tilespmem:v57+s3+$0x0], $0xffff  }
0x108: {  	v39 =	vmul.f32 v39, v0;
	v38 =	vadd.f32 v38, v45;
	v36 =	vadd.f32 v41, v36;
	v32 =	vld.idx.msk [tilespmem:v58+s3+$0x0], $0xffff  }
0x109: {  	v31 =	vadd.f32 v37, v31;
	v42 =	vmul.f32 v42, v1;
	v34 =	vadd.f32 v40, v53;
	v41 =	vld.idx.msk [tilespmem:v59+s3+$0x0], $0xffff  }
0x10a: {  	v51 =	vadd.s32 $0x4040, v21;
	v33 =	vadd.f32 v33, v44;
	v36 =	vadd.f32 v36, v38;
	v30 =	vld.idx.msk [tilespmem:v60+s3+$0x0], $0xffff  }
0x10b: {  	v52 =	vadd.s32 $0x4040, v20;
	v39 =	vadd.f32 v42, v39;
	v31 =	vadd.f32 v34, v31;
	v40 =	vld.idx.msk [tilespmem:v61+s3+$0x0], $0xffff  }
0x10c: {  	v53 =	vadd.s32 $0x4040, v19;
	v54 =	vld.idx.msk [tilespmem:v62+s3+$0x0], $0xffff  }
0x10d: {  	v55 =	vld.idx.msk [tilespmem:v63+s3+$0x0], $0xffff;
	v33 =	vadd.f32 v39, v33;
	v31 =	vadd.f32 v31, v36  }
0x10e: {  	v56 =	vld.idx.msk [tilespmem:v50+s3+$0x0], $0xffff;
	v57 =	vadd.s32 $0x1818, v14  }
0x10f: {  	v37 =	vld.idx.msk [tilespmem:v51+s3+$0x0], $0xffff;
	v58 =	vadd.s32 $0x1818, v13;
	v31 =	vadd.f32 v33, v31  }
0x110: {  	v42 =	vld.idx.msk [tilespmem:v52+s3+$0x0], $0xffff;
	v59 =	vadd.s32 $0x1818, v12  }
0x111: {  	v60 =	vadd.s32 $0x1818, v11;
	v34 =	vld.idx.msk [tilespmem:v53+s3+$0x0], $0xffff;
	[tilespmem:s15+$0xFFFFFA10] =	vst v31  }
0x112: {  	v62 =	vadd.s32 $0x1818, v9;
	v45 =	vld [tilespmem:s14+$0xFFFFFB10]  }
0x113: {  	v63 =	vadd.s32 $0x1818, v7;
	v51 =	vadd.s32 $0x1818, v6;
	v38 =	vmul.f32 v54, v17;
	v39 =	vld.idx.msk [tilespmem:v57+s3+$0x0], $0xffff  }
0x114: {  	v52 =	vadd.s32 $0x1818, v5;
	v44 =	vmul.f32 v55, v18;
	v36 =	vmul.f32 v56, v15;
	v33 =	vld.idx.msk [tilespmem:v58+s3+$0x0], $0xffff  }
0x115: {  	v37 =	vmul.f32 v37, v16;
	v35 =	vadd.f32 v35, v46;
	v32 =	vadd.f32 v41, v32;
	v41 =	vld.idx.msk [tilespmem:v59+s3+$0x0], $0xffff  }
0x116: {  	v53 =	vadd.s32 $0x1818, v4;
	v30 =	vadd.f32 v40, v30;
	v31 =	vld.idx.msk [tilespmem:v60+s3+$0x0], $0xffff;
	v34 =	vadd.f32 v34, v42  }
0x117: {  	v61 =	vadd.s32 $0x1818, v10;
	v54 =	vld.idx.msk [tilespmem:v62+s3+$0x0], $0xffff;
	v38 =	vadd.f32 v44, v38;
	v36 =	vadd.f32 v37, v36  }
0x118: {  	v55 =	vadd.s32 $0x1818, v8;
	v56 =	vld.idx.msk [tilespmem:v63+s3+$0x0], $0xffff;
	v32 =	vadd.f32 v32, v35;
	v30 =	vadd.f32 v34, v30  }
0x119: {  	v57 =	vld.idx.msk [tilespmem:v51+s3+$0x0], $0xffff  }
0x11a: {  	v40 =	vld.idx.msk [tilespmem:v52+s3+$0x0], $0xffff;
	v36 =	vadd.f32 v36, v38;
	v30 =	vadd.f32 v30, v32  }
0x11b: {  	v58 =	vadd.s32 $0x4848, v29;
	v42 =	vld.idx.msk [tilespmem:v53+s3+$0x0], $0xffff  }
0x11c: {  	v59 =	vadd.s32 $0x4848, v28;
	v37 =	vld.idx.msk [tilespmem:v61+s3+$0x0], $0xffff;
	v30 =	vadd.f32 v36, v30  }
0x11d: {  	v60 =	vadd.s32 $0x4848, v27;
	v35 =	vld.idx.msk [tilespmem:v55+s3+$0x0], $0xffff  }
0x11e: {  	v61 =	vadd.s32 $0x4848, v26;
	[tilespmem:s15+$0x0] =	vst v30  }
0x11f: {  	v62 =	vadd.s32 $0x4848, v24;
	v63 =	vadd.s32 $0x4848, v25;
	v52 =	vadd.s32 $0x4848, v22;
	v46 =	vld [tilespmem:s14+$0x100]  }
0x120: {  	v53 =	vadd.s32 $0x4848, v23;
	v44 =	vmul.f32 v56, v2;
	v32 =	vmul.f32 v57, v3;
	v38 =	vld.idx.msk [tilespmem:v58+s3+$0x0], $0xffff  }
0x121: {  	v40 =	vmul.f32 v40, v0;
	v39 =	vadd.f32 v39, v45;
	v33 =	vadd.f32 v41, v33;
	v36 =	vld.idx.msk [tilespmem:v59+s3+$0x0], $0xffff  }
0x122: {  	v42 =	vmul.f32 v42, v1;
	v31 =	vadd.f32 v37, v31;
	v41 =	vld.idx.msk [tilespmem:v60+s3+$0x0], $0xffff;
	v34 =	vadd.f32 v35, v54  }
0x123: {  	v56 =	vadd.s32 $0x4848, v20;
	v32 =	vadd.f32 v32, v44;
	v33 =	vadd.f32 v33, v39;
	v30 =	vld.idx.msk [tilespmem:v61+s3+$0x0], $0xffff  }
0x124: {  	v57 =	vadd.s32 $0x4848, v19;
	v55 =	vadd.f32 v42, v40;
	v40 =	vld.idx.msk [tilespmem:v62+s3+$0x0], $0xffff;
	v31 =	vadd.f32 v34, v31  }
0x125: {  	v54 =	vadd.s32 $0x4848, v21;
	v58 =	vld.idx.msk [tilespmem:v63+s3+$0x0], $0xffff  }
0x126: {  	v59 =	vld.idx.msk [tilespmem:v52+s3+$0x0], $0xffff;
	v32 =	vadd.f32 v55, v32;
	v31 =	vadd.f32 v31, v33  }
0x127: {  	v60 =	vld.idx.msk [tilespmem:v53+s3+$0x0], $0xffff;
	v61 =	vadd.s32 $0x2020, v14  }
0x128: {  	v62 =	vadd.s32 $0x2020, v13;
	v42 =	vld.idx.msk [tilespmem:v56+s3+$0x0], $0xffff;
	v31 =	vadd.f32 v32, v31  }
0x129: {  	v63 =	vadd.s32 $0x2020, v12;
	v34 =	vld.idx.msk [tilespmem:v57+s3+$0x0], $0xffff  }
0x12a: {  	v52 =	vadd.s32 $0x2020, v11;
	v35 =	vld.idx.msk [tilespmem:v54+s3+$0x0], $0xffff;
	[tilespmem:s15+$0xFFFFFB10] =	vst v31  }
0x12b: {  	v55 =	vadd.s32 $0x2020, v7;
	v45 =	vld [tilespmem:s14+$0xFFFFFC10]  }
0x12c: {  	v56 =	vadd.s32 $0x2020, v6;
	v57 =	vadd.s32 $0x2020, v5;
	v39 =	vmul.f32 v58, v17;
	v37 =	vld.idx.msk [tilespmem:v61+s3+$0x0], $0xffff  }
0x12d: {  	v44 =	vmul.f32 v59, v18;
	v54 =	vadd.s32 $0x2020, v9;
	v38 =	vadd.f32 v38, v46;
	v32 =	vld.idx.msk [tilespmem:v62+s3+$0x0], $0xffff  }
0x12e: {  	v33 =	vmul.f32 v60, v15;
	v36 =	vadd.f32 v41, v36;
	v30 =	vadd.f32 v40, v30;
	v41 =	vld.idx.msk [tilespmem:v63+s3+$0x0], $0xffff  }
0x12f: {  	v58 =	vadd.s32 $0x2020, v4;
	v34 =	vadd.f32 v34, v42;
	v31 =	vld.idx.msk [tilespmem:v52+s3+$0x0], $0xffff;
	v35 =	vmul.f32 v35, v16  }
0x130: {  	v60 =	vadd.s32 $0x2020, v8;
	v39 =	vadd.f32 v44, v39;
	v36 =	vadd.f32 v36, v38;
	v61 =	vld.idx.msk [tilespmem:v55+s3+$0x0], $0xffff  }
0x131: {  	v53 =	vadd.s32 $0x2020, v10;
	v30 =	vadd.f32 v34, v30;
	v62 =	vld.idx.msk [tilespmem:v56+s3+$0x0], $0xffff;
	v33 =	vadd.f32 v35, v33  }
0x132: {  	v40 =	vld.idx.msk [tilespmem:v57+s3+$0x0], $0xffff  }
0x133: {  	v59 =	vld.idx.msk [tilespmem:v54+s3+$0x0], $0xffff;
	v30 =	vadd.f32 v30, v36;
	v33 =	vadd.f32 v33, v39  }
0x134: {  	v63 =	vadd.s32 $0x5050, v29;
	v42 =	vld.idx.msk [tilespmem:v58+s3+$0x0], $0xffff  }
0x135: {  	v52 =	vadd.s32 $0x5050, v28;
	v38 =	vld.idx.msk [tilespmem:v60+s3+$0x0], $0xffff;
	v30 =	vadd.f32 v33, v30  }
0x136: {  	v35 =	vld.idx.msk [tilespmem:v53+s3+$0x0], $0xffff;
	v53 =	vadd.s32 $0x5050, v27  }
0x137: {  	v54 =	vadd.s32 $0x5050, v26;
	[tilespmem:s15+$0x100] =	vst v30  }
0x138: {  	v55 =	vadd.s32 $0x5050, v24;
	v56 =	vadd.s32 $0x5050, v25;
	v57 =	vadd.s32 $0x5050, v22;
	v46 =	vld [tilespmem:s14+$0x200]  }
0x139: {  	v58 =	vadd.s32 $0x5050, v23;
	v44 =	vmul.f32 v61, v2;
	v36 =	vmul.f32 v62, v3;
	v39 =	vld.idx.msk [tilespmem:v63+s3+$0x0], $0xffff  }
0x13a: {  	v40 =	vmul.f32 v40, v0;
	v37 =	vadd.f32 v37, v45;
	v32 =	vadd.f32 v41, v32;
	v33 =	vld.idx.msk [tilespmem:v52+s3+$0x0], $0xffff  }
0x13b: {  	v42 =	vmul.f32 v42, v1;
	v34 =	vadd.f32 v38, v59;
	v31 =	vadd.f32 v35, v31;
	v41 =	vld.idx.msk [tilespmem:v53+s3+$0x0], $0xffff  }
0x13c: {  	v62 =	vadd.s32 $0x5050, v20;
	v36 =	vadd.f32 v36, v44;
	v32 =	vadd.f32 v32, v37;
	v30 =	vld.idx.msk [tilespmem:v54+s3+$0x0], $0xffff  }
0x13d: {  	v59 =	vadd.s32 $0x5050, v21;
	v60 =	vadd.f32 v42, v40;
	v61 =	vld.idx.msk [tilespmem:v55+s3+$0x0], $0xffff;
	v31 =	vadd.f32 v34, v31  }
0x13e: {  	v63 =	vadd.s32 $0x5050, v19;
	v50 =	vld.idx.msk [tilespmem:v56+s3+$0x0], $0xffff  }
0x13f: {  	v51 =	vld.idx.msk [tilespmem:v57+s3+$0x0], $0xffff;
	v36 =	vadd.f32 v60, v36;
	v31 =	vadd.f32 v31, v32  }
0x140: {  	v52 =	vld.idx.msk [tilespmem:v58+s3+$0x0], $0xffff;
	v53 =	vadd.s32 $0x2828, v14  }
0x141: {  	v54 =	vadd.s32 $0x2828, v13;
	v42 =	vld.idx.msk [tilespmem:v62+s3+$0x0], $0xffff;
	v31 =	vadd.f32 v36, v31  }
0x142: {  	v55 =	vadd.s32 $0x2828, v12;
	v35 =	vld.idx.msk [tilespmem:v59+s3+$0x0], $0xffff  }
0x143: {  	v56 =	vadd.s32 $0x2828, v11;
	v34 =	vld.idx.msk [tilespmem:v63+s3+$0x0], $0xffff;
	[tilespmem:s15+$0xFFFFFC10] =	vst v31  }
0x144: {  	v58 =	vadd.s32 $0x2828, v9;
	v45 =	vld [tilespmem:s14+$0xFFFFFD10]  }
0x145: {  	v57 =	vadd.s32 $0x2828, v10;
	v60 =	vadd.s32 $0x2828, v6;
	v59 =	vadd.s32 $0x2828, v7;
	v38 =	vld.idx.msk [tilespmem:v53+s3+$0x0], $0xffff  }
0x146: {  	v37 =	vmul.f32 v50, v17;
	v44 =	vmul.f32 v51, v18;
	v39 =	vadd.f32 v39, v46;
	v36 =	vld.idx.msk [tilespmem:v54+s3+$0x0], $0xffff  }
0x147: {  	v32 =	vmul.f32 v52, v15;
	v33 =	vadd.f32 v41, v33;
	v30 =	vadd.f32 v61, v30;
	v41 =	vld.idx.msk [tilespmem:v55+s3+$0x0], $0xffff  }
0x148: {  	v61 =	vadd.s32 $0x2828, v5;
	v35 =	vmul.f32 v35, v16;
	v31 =	vld.idx.msk [tilespmem:v56+s3+$0x0], $0xffff;
	v34 =	vadd.f32 v34, v42  }
0x149: {  	v62 =	vadd.s32 $0x2828, v4;
	v37 =	vadd.f32 v44, v37;
	v33 =	vadd.f32 v33, v39;
	v63 =	vld.idx.msk [tilespmem:v58+s3+$0x0], $0xffff  }
0x14a: {  	v52 =	vadd.s32 $0x2828, v8;
	v53 =	vld.idx.msk [tilespmem:v59+s3+$0x0], $0xffff;
	v32 =	vadd.f32 v35, v32;
	v30 =	vadd.f32 v34, v30  }
0x14b: {  	v54 =	vld.idx.msk [tilespmem:v60+s3+$0x0], $0xffff  }
0x14c: {  	v35 =	vld.idx.msk [tilespmem:v57+s3+$0x0], $0xffff;
	v32 =	vadd.f32 v32, v37;
	v30 =	vadd.f32 v30, v33  }
0x14d: {  	v55 =	vadd.s32 $0x5858, v29;
	v40 =	vld.idx.msk [tilespmem:v61+s3+$0x0], $0xffff  }
0x14e: {  	v56 =	vadd.s32 $0x5858, v28;
	v42 =	vld.idx.msk [tilespmem:v62+s3+$0x0], $0xffff;
	v30 =	vadd.f32 v32, v30  }
0x14f: {  	v57 =	vadd.s32 $0x5858, v27;
	v39 =	vld.idx.msk [tilespmem:v52+s3+$0x0], $0xffff  }
0x150: {  	v58 =	vadd.s32 $0x5858, v26;
	[tilespmem:s15+$0x200] =	vst v30  }
0x151: {  	v59 =	vadd.s32 $0x5858, v24;
	v60 =	vadd.s32 $0x5858, v25;
	v61 =	vadd.s32 $0x5858, v22;
	v46 =	vld [tilespmem:s14+$0x300]  }
0x152: {  	v62 =	vadd.s32 $0x5858, v23;
	v44 =	vmul.f32 v53, v2;
	v38 =	vadd.f32 v38, v45;
	v37 =	vld.idx.msk [tilespmem:v55+s3+$0x0], $0xffff  }
0x153: {  	v36 =	vadd.f32 v41, v36;
	v31 =	vadd.f32 v35, v31;
	v33 =	vmul.f32 v54, v3;
	v32 =	vld.idx.msk [tilespmem:v56+s3+$0x0], $0xffff  }
0x154: {  	v40 =	vmul.f32 v40, v0;
	v42 =	vmul.f32 v42, v1;
	v34 =	vadd.f32 v39, v63;
	v41 =	vld.idx.msk [tilespmem:v57+s3+$0x0], $0xffff  }
0x155: {  	v51 =	vadd.s32 $0x5858, v20;
	v36 =	vadd.f32 v36, v38;
	v33 =	vadd.f32 v33, v44;
	v30 =	vld.idx.msk [tilespmem:v58+s3+$0x0], $0xffff  }
0x156: {  	v52 =	vadd.s32 $0x5858, v19;
	v50 =	vadd.f32 v42, v40;
	v31 =	vadd.f32 v34, v31;
	v40 =	vld.idx.msk [tilespmem:v59+s3+$0x0], $0xffff  }
0x157: {  	v63 =	vadd.s32 $0x5858, v21;
	v53 =	vld.idx.msk [tilespmem:v60+s3+$0x0], $0xffff  }
0x158: {  	v54 =	vld.idx.msk [tilespmem:v61+s3+$0x0], $0xffff;
	v33 =	vadd.f32 v50, v33;
	v31 =	vadd.f32 v31, v36  }
0x159: {  	v55 =	vld.idx.msk [tilespmem:v62+s3+$0x0], $0xffff;
	v56 =	vadd.s32 $0x3030, v14  }
0x15a: {  	v57 =	vadd.s32 $0x3030, v13;
	v42 =	vld.idx.msk [tilespmem:v51+s3+$0x0], $0xffff;
	v31 =	vadd.f32 v33, v31  }
0x15b: {  	v58 =	vadd.s32 $0x3030, v12;
	v34 =	vld.idx.msk [tilespmem:v52+s3+$0x0], $0xffff  }
0x15c: {  	v59 =	vadd.s32 $0x3030, v11;
	v35 =	vld.idx.msk [tilespmem:v63+s3+$0x0], $0xffff;
	[tilespmem:s15+$0xFFFFFD10] =	vst v31  }
0x15d: {  	v61 =	vadd.s32 $0x3030, v9;
	v45 =	vld [tilespmem:s14+$0xFFFFFE10]  }
0x15e: {  	v62 =	vadd.s32 $0x3030, v7;
	v50 =	vadd.s32 $0x3030, v5;
	v51 =	vadd.s32 $0x3030, v4;
	v39 =	vld.idx.msk [tilespmem:v56+s3+$0x0], $0xffff  }
0x15f: {  	v63 =	vadd.s32 $0x3030, v6;
	v38 =	vmul.f32 v53, v17;
	v44 =	vmul.f32 v54, v18;
	v33 =	vld.idx.msk [tilespmem:v57+s3+$0x0], $0xffff  }
0x160: {  	v36 =	vmul.f32 v55, v15;
	v37 =	vadd.f32 v37, v46;
	v32 =	vadd.f32 v41, v32;
	v41 =	vld.idx.msk [tilespmem:v58+s3+$0x0], $0xffff  }
0x161: {  	v30 =	vadd.f32 v40, v30;
	v34 =	vadd.f32 v34, v42;
	v31 =	vld.idx.msk [tilespmem:v59+s3+$0x0], $0xffff;
	v35 =	vmul.f32 v35, v16  }
0x162: {  	v60 =	vadd.s32 $0x3030, v10;
	v52 =	vld.idx.msk [tilespmem:v61+s3+$0x0], $0xffff;
	v38 =	vadd.f32 v44, v38;
	v32 =	vadd.f32 v32, v37  }
0x163: {  	v53 =	vadd.s32 $0x3030, v8;
	v54 =	vld.idx.msk [tilespmem:v62+s3+$0x0], $0xffff;
	v30 =	vadd.f32 v34, v30;
	v35 =	vadd.f32 v35, v36  }
0x164: {  	v40 =	vld.idx.msk [tilespmem:v50+s3+$0x0], $0xffff  }
0x165: {  	v42 =	vld.idx.msk [tilespmem:v51+s3+$0x0], $0xffff;
	v30 =	vadd.f32 v30, v32;
	v35 =	vadd.f32 v35, v38  }
0x166: {  	v56 =	vadd.s32 $0x6060, v29;
	v55 =	vld.idx.msk [tilespmem:v63+s3+$0x0], $0xffff  }
0x167: {  	v57 =	vadd.s32 $0x6060, v28;
	v36 =	vld.idx.msk [tilespmem:v60+s3+$0x0], $0xffff;
	v30 =	vadd.f32 v35, v30  }
0x168: {  	v58 =	vadd.s32 $0x6060, v27;
	v37 =	vld.idx.msk [tilespmem:v53+s3+$0x0], $0xffff  }
0x169: {  	v59 =	vadd.s32 $0x6060, v26;
	[tilespmem:s15+$0x300] =	vst v30  }
0x16a: {  	v61 =	vadd.s32 $0x6060, v25;
	v62 =	vadd.s32 $0x6060, v22;
	v60 =	vadd.s32 $0x6060, v24;
	v46 =	vld [tilespmem:s14+$0x400]  }
0x16b: {  	v63 =	vadd.s32 $0x6060, v23;
	v44 =	vmul.f32 v54, v2;
	v40 =	vmul.f32 v40, v0;
	v38 =	vld.idx.msk [tilespmem:v56+s3+$0x0], $0xffff  }
0x16c: {  	v42 =	vmul.f32 v42, v1;
	v39 =	vadd.f32 v39, v45;
	v33 =	vadd.f32 v41, v33;
	v35 =	vld.idx.msk [tilespmem:v57+s3+$0x0], $0xffff  }
0x16d: {  	v32 =	vmul.f32 v55, v3;
	v31 =	vadd.f32 v36, v31;
	v41 =	vld.idx.msk [tilespmem:v58+s3+$0x0], $0xffff;
	v34 =	vadd.f32 v37, v52  }
0x16e: {  	v50 =	vadd.s32 $0x6060, v21;
	v51 =	vadd.f32 v42, v40;
	v33 =	vadd.f32 v33, v39;
	v30 =	vld.idx.msk [tilespmem:v59+s3+$0x0], $0xffff  }
0x16f: {  	v53 =	vadd.s32 $0x6060, v19;
	v32 =	vadd.f32 v32, v44;
	v40 =	vld.idx.msk [tilespmem:v60+s3+$0x0], $0xffff;
	v31 =	vadd.f32 v34, v31  }
0x170: {  	v52 =	vadd.s32 $0x6060, v20;
	v54 =	vld.idx.msk [tilespmem:v61+s3+$0x0], $0xffff  }
0x171: {  	v55 =	vld.idx.msk [tilespmem:v62+s3+$0x0], $0xffff;
	v32 =	vadd.f32 v51, v32;
	v31 =	vadd.f32 v31, v33  }
0x172: {  	v56 =	vld.idx.msk [tilespmem:v63+s3+$0x0], $0xffff;
	v57 =	vadd.s32 $0x3838, v14  }
0x173: {  	v36 =	vld.idx.msk [tilespmem:v50+s3+$0x0], $0xffff;
	v58 =	vadd.s32 $0x3838, v13;
	v31 =	vadd.f32 v32, v31  }
0x174: {  	v59 =	vadd.s32 $0x3838, v12;
	v34 =	vld.idx.msk [tilespmem:v53+s3+$0x0], $0xffff  }
0x175: {  	v60 =	vadd.s32 $0x3838, v11;
	v42 =	vld.idx.msk [tilespmem:v52+s3+$0x0], $0xffff;
	[tilespmem:s15+$0xFFFFFE10] =	vst v31  }
0x176: {  	v61 =	vadd.s32 $0x3838, v10;
	v45 =	vld [tilespmem:s14+$0xFFFFFF10]  }
0x177: {  	v62 =	vadd.s32 $0x3838, v9;
	v63 =	vadd.s32 $0x3838, v7;
	v39 =	vmul.f32 v54, v17;
	v37 =	vld.idx.msk [tilespmem:v57+s3+$0x0], $0xffff  }
0x178: {  	v51 =	vadd.s32 $0x3838, v6;
	v44 =	vmul.f32 v55, v18;
	v33 =	vmul.f32 v56, v15;
	v32 =	vld.idx.msk [tilespmem:v58+s3+$0x0], $0xffff  }
0x179: {  	v36 =	vmul.f32 v36, v16;
	v38 =	vadd.f32 v38, v46;
	v35 =	vadd.f32 v41, v35;
	v41 =	vld.idx.msk [tilespmem:v59+s3+$0x0], $0xffff  }
0x17a: {  	v30 =	vadd.f32 v40, v30;
	v52 =	vadd.s32 $0x3838, v5;
	v31 =	vld.idx.msk [tilespmem:v60+s3+$0x0], $0xffff;
	v34 =	vadd.f32 v34, v42  }
0x17b: {  	v53 =	vadd.s32 $0x3838, v4;
	v39 =	vadd.f32 v44, v39;
	v33 =	vadd.f32 v36, v33;
	v36 =	vld.idx.msk [tilespmem:v61+s3+$0x0], $0xffff  }
0x17c: {  	v55 =	vadd.s32 $0x3838, v8;
	v35 =	vadd.f32 v35, v38;
	v54 =	vld.idx.msk [tilespmem:v62+s3+$0x0], $0xffff;
	v30 =	vadd.f32 v34, v30  }
0x17d: {  	v56 =	vld.idx.msk [tilespmem:v63+s3+$0x0], $0xffff  }
0x17e: {  	v33 =	vadd.f32 v33, v39;
	v57 =	vld.idx.msk [tilespmem:v51+s3+$0x0], $0xffff;
	v30 =	vadd.f32 v30, v35  }
0x17f: {  	v58 =	vadd.s32 $0x6868, v29;
	v40 =	vld.idx.msk [tilespmem:v52+s3+$0x0], $0xffff  }
0x180: {  	v59 =	vadd.s32 $0x6868, v28;
	v42 =	vld.idx.msk [tilespmem:v53+s3+$0x0], $0xffff;
	v30 =	vadd.f32 v33, v30  }
0x181: {  	v60 =	vadd.s32 $0x6868, v27;
	v38 =	vld.idx.msk [tilespmem:v55+s3+$0x0], $0xffff  }
0x182: {  	v61 =	vadd.s32 $0x6868, v26;
	[tilespmem:s15+$0x400] =	vst v30  }
0x183: {  	v62 =	vadd.s32 $0x6868, v24;
	v63 =	vadd.s32 $0x6868, v25;
	v52 =	vadd.s32 $0x6868, v22;
	v46 =	vld [tilespmem:s14+$0x500]  }
0x184: {  	v53 =	vadd.s32 $0x6868, v23;
	v44 =	vmul.f32 v56, v2;
	v37 =	vadd.f32 v37, v45;
	v39 =	vld.idx.msk [tilespmem:v58+s3+$0x0], $0xffff  }
0x185: {  	v35 =	vmul.f32 v57, v3;
	v32 =	vadd.f32 v41, v32;
	v31 =	vadd.f32 v36, v31;
	v33 =	vld.idx.msk [tilespmem:v59+s3+$0x0], $0xffff  }
0x186: {  	v40 =	vmul.f32 v40, v0;
	v42 =	vmul.f32 v42, v1;
	v34 =	vadd.f32 v38, v54;
	v41 =	vld.idx.msk [tilespmem:v60+s3+$0x0], $0xffff  }
0x187: {  	v56 =	vadd.s32 $0x6868, v20;
	v35 =	vadd.f32 v35, v44;
	v32 =	vadd.f32 v32, v37;
	v30 =	vld.idx.msk [tilespmem:v61+s3+$0x0], $0xffff  }
0x188: {  	v57 =	vadd.s32 $0x6868, v19;
	v55 =	vadd.f32 v42, v40;
	v31 =	vadd.f32 v34, v31;
	v40 =	vld.idx.msk [tilespmem:v62+s3+$0x0], $0xffff  }
0x189: {  	v54 =	vadd.s32 $0x6868, v21;
	v58 =	vld.idx.msk [tilespmem:v63+s3+$0x0], $0xffff  }
0x18a: {  	v59 =	vld.idx.msk [tilespmem:v52+s3+$0x0], $0xffff;
	v35 =	vadd.f32 v55, v35;
	v31 =	vadd.f32 v31, v32  }
0x18b: {  	v60 =	vld.idx.msk [tilespmem:v53+s3+$0x0], $0xffff;
	v61 =	vadd.s32 $0x4040, v14  }
0x18c: {  	v62 =	vadd.s32 $0x4040, v13;
	v42 =	vld.idx.msk [tilespmem:v56+s3+$0x0], $0xffff;
	v31 =	vadd.f32 v35, v31  }
0x18d: {  	v63 =	vadd.s32 $0x4040, v12;
	v34 =	vld.idx.msk [tilespmem:v57+s3+$0x0], $0xffff  }
0x18e: {  	v52 =	vadd.s32 $0x4040, v11;
	v36 =	vld.idx.msk [tilespmem:v54+s3+$0x0], $0xffff;
	[tilespmem:s15+$0xFFFFFF10] =	vst v31  }
0x18f: {  	v55 =	vadd.s32 $0x4040, v7;
	v45 =	vld [tilespmem:s14+$0x10]  }
0x190: {  	v53 =	vadd.s32 $0x4040, v10;
	v56 =	vadd.s32 $0x4040, v6;
	v57 =	vadd.s32 $0x4040, v5;
	v38 =	vld.idx.msk [tilespmem:v61+s3+$0x0], $0xffff  }
0x191: {  	v54 =	vadd.s32 $0x4040, v9;
	v37 =	vmul.f32 v58, v17;
	v44 =	vmul.f32 v59, v18;
	v35 =	vld.idx.msk [tilespmem:v62+s3+$0x0], $0xffff  }
0x192: {  	v32 =	vmul.f32 v60, v15;
	v39 =	vadd.f32 v39, v46;
	v33 =	vadd.f32 v41, v33;
	v41 =	vld.idx.msk [tilespmem:v63+s3+$0x0], $0xffff  }
0x193: {  	v30 =	vadd.f32 v40, v30;
	v34 =	vadd.f32 v34, v42;
	v31 =	vld.idx.msk [tilespmem:v52+s3+$0x0], $0xffff;
	v36 =	vmul.f32 v36, v16  }
0x194: {  	v58 =	vadd.s32 $0x4040, v4;
	v61 =	vld.idx.msk [tilespmem:v55+s3+$0x0], $0xffff;
	v37 =	vadd.f32 v44, v37;
	v33 =	vadd.f32 v33, v39  }
0x195: {  	v60 =	vadd.s32 $0x4040, v8;
	v62 =	vld.idx.msk [tilespmem:v56+s3+$0x0], $0xffff;
	v30 =	vadd.f32 v34, v30;
	v32 =	vadd.f32 v36, v32  }
0x196: {  	v40 =	vld.idx.msk [tilespmem:v57+s3+$0x0], $0xffff  }
0x197: {  	v59 =	vld.idx.msk [tilespmem:v54+s3+$0x0], $0xffff;
	v30 =	vadd.f32 v30, v33;
	v32 =	vadd.f32 v32, v37  }
0x198: {  	v63 =	vadd.s32 $0x7070, v29;
	v36 =	vld.idx.msk [tilespmem:v53+s3+$0x0], $0xffff  }
0x199: {  	v52 =	vadd.s32 $0x7070, v28;
	v42 =	vld.idx.msk [tilespmem:v58+s3+$0x0], $0xffff;
	v30 =	vadd.f32 v32, v30  }
0x19a: {  	v53 =	vadd.s32 $0x7070, v27;
	v39 =	vld.idx.msk [tilespmem:v60+s3+$0x0], $0xffff  }
0x19b: {  	v54 =	vadd.s32 $0x7070, v26;
	[tilespmem:s15+$0x500] =	vst v30  }
0x19c: {  	v55 =	vadd.s32 $0x7070, v24;
	v57 =	vadd.s32 $0x7070, v19;
	v44 =	vmul.f32 v61, v2;
	v46 =	vld [tilespmem:s14+$0x600]  }
0x19d: {  	v33 =	vmul.f32 v62, v3;
	v40 =	vmul.f32 v40, v0;
	v58 =	vadd.s32 $0x7070, v25;
	v37 =	vld.idx.msk [tilespmem:v63+s3+$0x0], $0xffff  }
0x19e: {  	v38 =	vadd.f32 v38, v45;
	v35 =	vadd.f32 v41, v35;
	v62 =	vadd.s32 $0x7070, v21;
	v32 =	vld.idx.msk [tilespmem:v52+s3+$0x0], $0xffff  }
0x19f: {  	v31 =	vadd.f32 v36, v31;
	v42 =	vmul.f32 v42, v1;
	v41 =	vld.idx.msk [tilespmem:v53+s3+$0x0], $0xffff;
	v34 =	vadd.f32 v39, v59  }
0x1a0: {  	v56 =	vadd.s32 $0x7070, v20;
	v33 =	vadd.f32 v33, v44;
	v35 =	vadd.f32 v35, v38;
	v30 =	vld.idx.msk [tilespmem:v54+s3+$0x0], $0xffff  }
0x1a1: {  	v61 =	vadd.s32 $0x7070, v23;
	v44 =	vld.idx.msk [tilespmem:v57+s3+$0x0], $0xffff;
	v60 =	vadd.f32 v42, v40;
	v31 =	vadd.f32 v34, v31  }
0x1a2: {  	v59 =	vadd.s32 $0x7070, v22;
	v63 =	vld.idx.msk [tilespmem:v58+s3+$0x0], $0xffff  }
0x1a3: {  	v38 =	vld.idx.msk [tilespmem:v62+s3+$0x0], $0xffff;
	v33 =	vadd.f32 v60, v33;
	v31 =	vadd.f32 v31, v35  }
0x1a4: {  	v40 =	vld.idx.msk [tilespmem:v55+s3+$0x0], $0xffff;
	v55 =	vadd.s32 $0x4848, v14  }
0x1a5: {  	v34 =	vld.idx.msk [tilespmem:v56+s3+$0x0], $0xffff;
	v56 =	vadd.s32 $0x4848, v13;
	v31 =	vadd.f32 v33, v31  }
0x1a6: {  	v57 =	vadd.s32 $0x4848, v12;
	v42 =	vld.idx.msk [tilespmem:v61+s3+$0x0], $0xffff  }
0x1a7: {  	v58 =	vadd.s32 $0x4848, v11;
	v36 =	vld.idx.msk [tilespmem:v59+s3+$0x0], $0xffff;
	[tilespmem:s15+$0x10] =	vst v31  }
0x1a8: {  	v60 =	vadd.s32 $0x4848, v10;
	v59 =	vld [tilespmem:s14+$0x110]  }
0x1a9: {  	v61 =	vadd.s32 $0x4848, v9;
	v39 =	vld.idx.msk [tilespmem:v55+s3+$0x0], $0xffff  }
0x1aa: {  	v62 =	vadd.s32 $0x4848, v7;
	v33 =	vld.idx.msk [tilespmem:v56+s3+$0x0], $0xffff  }
0x1ab: {  	v50 =	vadd.s32 $0x4848, v6;
	v43 =	vld.idx.msk [tilespmem:v57+s3+$0x0], $0xffff  }
0x1ac: {  	v51 =	vadd.s32 $0x4848, v5;
	v31 =	vld.idx.msk [tilespmem:v58+s3+$0x0], $0xffff  }
0x1ad: {  	v52 =	vadd.s32 $0x4848, v4;
	v47 =	vld.idx.msk [tilespmem:v60+s3+$0x0], $0xffff  }
0x1ae: {  	v53 =	vadd.s32 $0x4848, v8;
	v48 =	vld.idx.msk [tilespmem:v61+s3+$0x0], $0xffff  }
0x1af: {  	v49 =	vld.idx.msk [tilespmem:v62+s3+$0x0], $0xffff  }
0x1b0: {  	v50 =	vld.idx.msk [tilespmem:v50+s3+$0x0], $0xffff  }
0x1b1: {  	v51 =	vld.idx.msk [tilespmem:v51+s3+$0x0], $0xffff  }
0x1b2: {  	v35 =	vmul.f32 v63, v17;
	v63 =	vld.idx.msk [tilespmem:v52+s3+$0x0], $0xffff  }
0x1b3: {  	v52 =	vld.idx.msk [tilespmem:v53+s3+$0x0], $0xffff  }
0x1b4: {  	v30 =	vadd.f32 v40, v30;
	v34 =	vadd.f32 v44, v34  }
0x1b5: {  	v37 =	vadd.f32 v37, v46;
	v54 =	vmul.f32 v49, v2  }
0x1b6: {  	v30 =	vadd.f32 v34, v30;
	v55 =	vmul.f32 v50, v3;
	v56 =	vmul.f32 v51, v0  }
0x1b7: {  	v57 =	vmul.f32 v63, v1;
	v39 =	vadd.f32 v39, v59;
	v33 =	vadd.f32 v43, v33  }
0x1b8: {  	v31 =	vadd.f32 v47, v31;
	v40 =	vadd.f32 v52, v48  }
0x1b9: {  	v34 =	vadd.f32 v55, v54;
	v58 =	vadd.f32 v57, v56  }
0x1ba: {  	v33 =	vadd.f32 v33, v39;
	v31 =	vadd.f32 v40, v31  }
0x1bb: {  	v38 =	vmul.f32 v38, v16;
	v32 =	vadd.f32 v41, v32;
	v42 =	vmul.f32 v42, v15  }
0x1bc: {  	v36 =	vmul.f32 v36, v18;
	v59 =	vadd.f32 v58, v34;
	v31 =	vadd.f32 v31, v33  }
0x1bd: {  	v32 =	vadd.f32 v32, v37;
	v53 =	vadd.f32 v38, v42;
	v60 =	vadd.s32 $0x5050, v14  }
0x1be: {  	v61 =	vadd.s32 $0x5050, v13;
	v35 =	vadd.f32 v36, v35;
	v31 =	vadd.f32 v59, v31  }
0x1bf: {  	v62 =	vadd.s32 $0x5050, v12  }
0x1c0: {  	v44 =	vadd.s32 $0x5050, v11;
	v30 =	vadd.f32 v30, v32;
	v35 =	vadd.f32 v53, v35;
	[tilespmem:s15+$0x110] =	vst v31  }
0x1c1: {  	v46 =	vadd.s32 $0x5050, v10;
	v45 =	vld [tilespmem:s14+$0x210]  }
0x1c2: {  	v47 =	vadd.s32 $0x5050, v9;
	v30 =	vadd.f32 v35, v30;
	v33 =	vld.idx.msk [tilespmem:v60+s3+$0x0], $0xffff  }
0x1c3: {  	v48 =	vadd.s32 $0x5050, v7;
	v32 =	vld.idx.msk [tilespmem:v61+s3+$0x0], $0xffff  }
0x1c4: {  	v49 =	vadd.s32 $0x5050, v6;
	[tilespmem:s15+$0x600] =	vst v30;
	v30 =	vld.idx.msk [tilespmem:v62+s3+$0x0], $0xffff  }
0x1c5: {  	v50 =	vadd.s32 $0x5050, v5;
	v31 =	vld.idx.msk [tilespmem:v44+s3+$0x0], $0xffff  }
0x1c6: {  	v51 =	vadd.s32 $0x5050, v4;
	v36 =	vld.idx.msk [tilespmem:v46+s3+$0x0], $0xffff  }
0x1c7: {  	v52 =	vadd.s32 $0x5050, v8;
	v37 =	vld.idx.msk [tilespmem:v47+s3+$0x0], $0xffff  }
0x1c8: {  	v38 =	vld.idx.msk [tilespmem:v48+s3+$0x0], $0xffff  }
0x1c9: {  	v39 =	vld.idx.msk [tilespmem:v49+s3+$0x0], $0xffff  }
0x1ca: {  	v29 =	vadd.s32 $0x7878, v29;
	v40 =	vld.idx.msk [tilespmem:v50+s3+$0x0], $0xffff  }
0x1cb: {  	v28 =	vadd.s32 $0x7878, v28;
	v41 =	vld.idx.msk [tilespmem:v51+s3+$0x0], $0xffff  }
0x1cc: {  	v27 =	vadd.s32 $0x7878, v27;
	v42 =	vld.idx.msk [tilespmem:v52+s3+$0x0], $0xffff  }
0x1cd: {  	v26 =	vadd.s32 $0x7878, v26  }
0x1ce: {  	v24 =	vadd.s32 $0x7878, v24;
	v25 =	vadd.s32 $0x7878, v25;
	v63 =	vld [tilespmem:s14+$0x700];
	v38 =	vmul.f32 v38, v2  }
0x1cf: {  	v22 =	vadd.s32 $0x7878, v22;
	v29 =	vld.idx.msk [tilespmem:v29+s3+$0x0], $0xffff;
	v39 =	vmul.f32 v39, v3;
	v40 =	vmul.f32 v40, v0  }
0x1d0: {  	v28 =	vld.idx.msk [tilespmem:v28+s3+$0x0], $0xffff;
	v41 =	vmul.f32 v41, v1;
	v33 =	vadd.f32 v33, v45;
	v30 =	vadd.f32 v30, v32  }
0x1d1: {  	v23 =	vadd.s32 $0x7878, v23;
	v27 =	vld.idx.msk [tilespmem:v27+s3+$0x0], $0xffff;
	v31 =	vadd.f32 v36, v31;
	v53 =	vadd.f32 v42, v37  }
0x1d2: {  	v21 =	vadd.s32 $0x7878, v21;
	v26 =	vld.idx.msk [tilespmem:v26+s3+$0x0], $0xffff;
	v54 =	vadd.f32 v39, v38;
	v55 =	vadd.f32 v41, v40  }
0x1d3: {  	v20 =	vadd.s32 $0x7878, v20;
	v24 =	vld.idx.msk [tilespmem:v24+s3+$0x0], $0xffff;
	v30 =	vadd.f32 v30, v33;
	v31 =	vadd.f32 v53, v31  }
0x1d4: {  	v19 =	vadd.s32 $0x7878, v19;
	v25 =	vld.idx.msk [tilespmem:v25+s3+$0x0], $0xffff  }
0x1d5: {  	v22 =	vld.idx.msk [tilespmem:v22+s3+$0x0], $0xffff;
	v56 =	vadd.f32 v55, v54;
	v30 =	vadd.f32 v31, v30  }
0x1d6: {  	v57 =	vadd.s32 $0x5858, v14;
	v23 =	vld.idx.msk [tilespmem:v23+s3+$0x0], $0xffff  }
0x1d7: {  	v58 =	vadd.s32 $0x5858, v13;
	v21 =	vld.idx.msk [tilespmem:v21+s3+$0x0], $0xffff;
	v30 =	vadd.f32 v56, v30  }
0x1d8: {  	v20 =	vld.idx.msk [tilespmem:v20+s3+$0x0], $0xffff;
	v59 =	vadd.s32 $0x5858, v12  }
0x1d9: {  	v19 =	vld.idx.msk [tilespmem:v19+s3+$0x0], $0xffff;
	v60 =	vadd.s32 $0x5858, v11;
	[tilespmem:s15+$0x210] =	vst v30  }
0x1da: {  	v62 =	vadd.s32 $0x5858, v10;
	v61 =	vld [tilespmem:s14+$0x310]  }
0x1db: {  	v35 =	vadd.s32 $0x5858, v9;
	v34 =	vld.idx.msk [tilespmem:v57+s3+$0x0], $0xffff  }
0x1dc: {  	v39 =	vadd.s32 $0x5858, v7;
	v36 =	vld.idx.msk [tilespmem:v58+s3+$0x0], $0xffff  }
0x1dd: {  	v47 =	vadd.s32 $0x5858, v4;
	v17 =	vmul.f32 v25, v17;
	v40 =	vadd.s32 $0x5858, v6;
	v38 =	vld.idx.msk [tilespmem:v59+s3+$0x0], $0xffff  }
0x1de: {  	v18 =	vmul.f32 v22, v18;
	v15 =	vmul.f32 v23, v15;
	v41 =	vadd.s32 $0x5858, v5;
	v22 =	vld.idx.msk [tilespmem:v60+s3+$0x0], $0xffff  }
0x1df: {  	v16 =	vmul.f32 v21, v16;
	v63 =	vadd.f32 v29, v63;
	v27 =	vadd.f32 v27, v28;
	v23 =	vld.idx.msk [tilespmem:v62+s3+$0x0], $0xffff  }
0x1e0: {  	v24 =	vadd.f32 v24, v26;
	v19 =	vadd.f32 v19, v20;
	v37 =	vadd.s32 $0x5858, v8;
	v43 =	vld.idx.msk [tilespmem:v35+s3+$0x0], $0xffff  }
0x1e1: {  	v17 =	vadd.f32 v18, v17;
	v15 =	vadd.f32 v16, v15;
	v48 =	vld.idx.msk [tilespmem:v39+s3+$0x0], $0xffff  }
0x1e2: {  	v25 =	vadd.f32 v27, v63;
	v19 =	vadd.f32 v19, v24;
	v49 =	vld.idx.msk [tilespmem:v40+s3+$0x0], $0xffff  }
0x1e3: {  	v50 =	vld.idx.msk [tilespmem:v41+s3+$0x0], $0xffff  }
0x1e4: {  	v15 =	vadd.f32 v15, v17;
	v42 =	vadd.f32 v19, v25;
	v51 =	vld.idx.msk [tilespmem:v47+s3+$0x0], $0xffff  }
0x1e5: {  	v26 =	vld.idx.msk [tilespmem:v37+s3+$0x0], $0xffff  }
0x1e6: {  	v15 =	vadd.f32 v15, v42  }
0x1e7: {  	v17 =	vmul.f32 v48, v2  }
0x1e8: {  	[tilespmem:s15+$0x700] =	vst v15;
	v18 =	vmul.f32 v49, v3;
	v15 =	vmul.f32 v50, v0  }
0x1e9: {  	v24 =	vmul.f32 v51, v1;
	v21 =	vadd.f32 v34, v61;
	v16 =	vadd.f32 v38, v36  }
0x1ea: {  	v52 =	vadd.f32 v23, v22;
	v19 =	vadd.f32 v26, v43  }
0x1eb: {  	v17 =	vadd.f32 v18, v17;
	v15 =	vadd.f32 v24, v15  }
0x1ec: {  	v16 =	vadd.f32 v16, v21;
	v53 =	vadd.f32 v19, v52;
	_ =	sdelay $0x1  }
0x1ed: {  	v15 =	vadd.f32 v15, v17;
	v16 =	vadd.f32 v53, v16  }
0x1ee: {  	v54 =	vadd.s32 $0x6060, v14  }
0x1ef: {  	v55 =	vadd.s32 $0x6060, v13;
	v15 =	vadd.f32 v15, v16  }
0x1f0: {  	v56 =	vadd.s32 $0x6060, v12  }
0x1f1: {  	v57 =	vadd.s32 $0x6060, v11;
	[tilespmem:s15+$0x310] =	vst v15  }
0x1f2: {  	v59 =	vadd.s32 $0x6060, v10;
	v58 =	vld [tilespmem:s14+$0x410]  }
0x1f3: {  	v60 =	vadd.s32 $0x6060, v9;
	v17 =	vld.idx.msk [tilespmem:v54+s3+$0x0], $0xffff  }
0x1f4: {  	v61 =	vadd.s32 $0x6060, v7;
	v16 =	vld.idx.msk [tilespmem:v55+s3+$0x0], $0xffff  }
0x1f5: {  	v62 =	vadd.s32 $0x6060, v6;
	v18 =	vld.idx.msk [tilespmem:v56+s3+$0x0], $0xffff  }
0x1f6: {  	v63 =	vadd.s32 $0x6060, v5;
	v15 =	vld.idx.msk [tilespmem:v57+s3+$0x0], $0xffff  }
0x1f7: {  	v28 =	vadd.s32 $0x6060, v4;
	v20 =	vld.idx.msk [tilespmem:v59+s3+$0x0], $0xffff  }
0x1f8: {  	v29 =	vadd.s32 $0x6060, v8;
	v21 =	vld.idx.msk [tilespmem:v60+s3+$0x0], $0xffff  }
0x1f9: {  	v22 =	vld.idx.msk [tilespmem:v61+s3+$0x0], $0xffff  }
0x1fa: {  	v23 =	vld.idx.msk [tilespmem:v62+s3+$0x0], $0xffff  }
0x1fb: {  	v24 =	vld.idx.msk [tilespmem:v63+s3+$0x0], $0xffff  }
0x1fc: {  	v25 =	vld.idx.msk [tilespmem:v28+s3+$0x0], $0xffff  }
0x1fd: {  	v26 =	vld.idx.msk [tilespmem:v29+s3+$0x0], $0xffff;
	_ =	sdelay $0x1  }
0x1fe: {  	v22 =	vmul.f32 v22, v2  }
0x1ff: {  	v23 =	vmul.f32 v23, v3;
	v24 =	vmul.f32 v24, v0  }
0x200: {  	v25 =	vmul.f32 v25, v1;
	v17 =	vadd.f32 v17, v58;
	v16 =	vadd.f32 v18, v16  }
0x201: {  	v15 =	vadd.f32 v20, v15;
	v30 =	vadd.f32 v26, v21  }
0x202: {  	v31 =	vadd.f32 v23, v22;
	v32 =	vadd.f32 v25, v24  }
0x203: {  	v16 =	vadd.f32 v16, v17;
	v15 =	vadd.f32 v30, v15;
	_ =	sdelay $0x1  }
0x204: {  	v33 =	vadd.f32 v32, v31;
	v15 =	vadd.f32 v15, v16  }
0x205: {  	[tilespmem:$0x1FF60] =	vst v11;
	v34 =	vadd.s32 $0x6868, v14  }
0x206: {  	[tilespmem:$0x1FFB0] =	vst v6;
	v35 =	vadd.s32 $0x6868, v13;
	v15 =	vadd.f32 v33, v15  }
0x207: {  	[tilespmem:$0x1FFC0] =	vst v5;
	v36 =	vadd.s32 $0x6868, v12  }
0x208: {  	v37 =	vadd.s32 $0x6868, v11;
	[tilespmem:s15+$0x410] =	vst v15  }
0x209: {  	[tilespmem:$0x1FF70] =	vst v10;
	v40 =	vadd.s32 $0x6868, v10;
	v39 =	vld [tilespmem:s14+$0x510]  }
0x20a: {  	[tilespmem:$0x1FF80] =	vst v9;
	v42 =	vadd.s32 $0x6868, v9;
	v16 =	vld.idx.msk [tilespmem:v34+s3+$0x0], $0xffff  }
0x20b: {  	[tilespmem:$0x1FFA0] =	vst v7;
	v44 =	vadd.s32 $0x6868, v7;
	v17 =	vld.idx.msk [tilespmem:v35+s3+$0x0], $0xffff  }
0x20c: {  	[tilespmem:$0x1FF30] =	vst v1;
	v47 =	vadd.s32 $0x6868, v6;
	v18 =	vld.idx.msk [tilespmem:v36+s3+$0x0], $0xffff  }
0x20d: {  	[tilespmem:$0x1FF20] =	vst v0;
	v48 =	vadd.s32 $0x6868, v5;
	v15 =	vld.idx.msk [tilespmem:v37+s3+$0x0], $0xffff  }
0x20e: {  	v49 =	vadd.s32 $0x6868, v4;
	v20 =	vld.idx.msk [tilespmem:v40+s3+$0x0], $0xffff  }
0x20f: {  	v50 =	vadd.s32 $0x6868, v8;
	v21 =	vld.idx.msk [tilespmem:v42+s3+$0x0], $0xffff  }
0x210: {  	v22 =	vld.idx.msk [tilespmem:v44+s3+$0x0], $0xffff  }
0x211: {  	v23 =	vld.idx.msk [tilespmem:v47+s3+$0x0], $0xffff  }
0x212: {  	v24 =	vld.idx.msk [tilespmem:v48+s3+$0x0], $0xffff  }
0x213: {  	v25 =	vld.idx.msk [tilespmem:v49+s3+$0x0], $0xffff  }
0x214: {  	v26 =	vld.idx.msk [tilespmem:v50+s3+$0x0], $0xffff  }
0x215: {  	v43 =	vmov v9;
	v44 =	vld [tilespmem:s18+$0xFFFFFB00]  }
0x216: {  	v60 =	vadd.s32 $0x7070, v43;
	v43 =	vld [tilespmem:s18+$0xFFFFFC00]  }
0x217: {  	v41 =	vmov v10;
	v42 =	vld [tilespmem:s18+$0xFFFFFD00]  }
0x218: {  	v59 =	vadd.s32 $0x7070, v41;
	v41 =	vld [tilespmem:s18+$0xFFFFFE00]  }
0x219: {  	v40 =	vld [tilespmem:s18+$0xFFFFFF00]  }
0x21a: {  	v37 =	vld [tilespmem:s18+$0x100]  }
0x21b: {  	v33 =	vld [tilespmem:s18+$0x200]  }
0x21c: {  	v31 =	vld [tilespmem:s18+$0x300]  }
0x21d: {  	v29 =	vld [tilespmem:s18+$0x400]  }
0x21e: {  	v38 =	vmov v11;
	v28 =	vld [tilespmem:s18+$0x500]  }
0x21f: {  	v58 =	vadd.s32 $0x7070, v38;
	v38 =	vld [tilespmem:s18+$0xFFFFFB10]  }
0x220: {  	v36 =	vld [tilespmem:s18+$0xFFFFFC10]  }
0x221: {  	v35 =	vld [tilespmem:s18+$0xFFFFFD10]  }
0x222: {  	v34 =	vld [tilespmem:s18+$0xFFFFFE10]  }
0x223: {  	v32 =	vld [tilespmem:s18+$0xFFFFFF10]  }
0x224: {  	v30 =	vld [tilespmem:s18+$0x10]  }
0x225: {  	v27 =	vld [tilespmem:s18+$0x210]  }
0x226: {  	v19 =	vld [tilespmem:s10+$0xFFFFFF30]  }
0x227: {  	v11 =	vmov v5;
	v5 =	vld [tilespmem:s14+$0xFFFFF830]  }
0x228: {  	v16 =	vadd.f32 v16, v39;
	v39 =	vld [tilespmem:s18+$0x0]  }
0x229: {  	v17 =	vadd.f32 v18, v17;
	v18 =	vld [tilespmem:s10+$0xFFFFFE20]  }
0x22a: {  	v25 =	vmul.f32 v25, v1;
	v1 =	vld [tilespmem:s14+$0xFFFFF820]  }
0x22b: {  	v51 =	vadd.f32 v26, v21;
	v26 =	vld [tilespmem:s18+$0x310]  }
0x22c: {  	v22 =	vmul.f32 v22, v2;
	v23 =	vmul.f32 v23, v3;
	v15 =	vadd.f32 v20, v15;
	v20 =	vld [tilespmem:s10+$0x30]  }
0x22d: {  	v24 =	vmul.f32 v24, v0;
	v21 =	vld [tilespmem:s10+$0x130]  }
0x22e: {  	v52 =	vadd.f32 v23, v22;
	v16 =	vadd.f32 v17, v16;
	v17 =	vld [tilespmem:s10+$0x20]  }
0x22f: {  	v53 =	vadd.f32 v25, v24;
	v15 =	vadd.f32 v51, v15;
	v23 =	vld [tilespmem:s18+$0x110]  }
0x230: {  	v25 =	vld [tilespmem:s18+$0x410]  }
0x231: {  	v55 =	vadd.s32 $0x7070, v14;
	v24 =	vld [tilespmem:s18+$0x510];
	v54 =	vadd.f32 v53, v52;
	v15 =	vadd.f32 v15, v16  }
0x232: {  	v45 =	vmov v2;
	v56 =	vadd.s32 $0x7070, v13;
	[tilespmem:$0x1FFE0] =	vst v2;
	v2 =	vld.idx.msk [tilespmem:v44+s3+$0x0], $0xffff  }
0x233: {  	v57 =	vadd.s32 $0x7070, v12;
	v16 =	vld [tilespmem:s10+$0xFFFFFF20];
	v15 =	vadd.f32 v54, v15  }
0x234: {  	v54 =	vld.idx.msk [tilespmem:v43+s3+$0x0], $0xffff  }
0x235: {  	[tilespmem:s15+$0x510] =	vst v15;
	v15 =	vld [tilespmem:s10+$0x120]  }
0x236: {  	v50 =	vld.idx.msk [tilespmem:v55+s3+$0x0], $0xffff  }
0x237: {  	v61 =	vadd.s32 $0x7070, v8;
	v49 =	vld.idx.msk [tilespmem:v56+s3+$0x0], $0xffff  }
0x238: {  	v51 =	vld.idx.msk [tilespmem:v57+s3+$0x0], $0xffff  }
0x239: {  	v62 =	vld.idx.msk [tilespmem:v58+s3+$0x0], $0xffff  }
0x23a: {  	v63 =	vld.idx.msk [tilespmem:v59+s3+$0x0], $0xffff  }
0x23b: {  	v47 =	vld.idx.msk [tilespmem:v60+s3+$0x0], $0xffff  }
0x23c: {  	v48 =	vld.idx.msk [tilespmem:v61+s3+$0x0], $0xffff  }
0x23d: {  	v55 =	vld.idx.msk [tilespmem:v42+s3+$0x0], $0xffff  }
0x23e: {  	v56 =	vld.idx.msk [tilespmem:v41+s3+$0x0], $0xffff  }
0x23f: {  	v57 =	vld.idx.msk [tilespmem:v40+s3+$0x0], $0xffff  }
0x240: {  	v58 =	vld.idx.msk [tilespmem:v39+s3+$0x0], $0xffff  }
0x241: {  	v59 =	vld.idx.msk [tilespmem:v37+s3+$0x0], $0xffff  }
0x242: {  	v60 =	vld.idx.msk [tilespmem:v33+s3+$0x0], $0xffff  }
0x243: {  	v61 =	vld.idx.msk [tilespmem:v31+s3+$0x0], $0xffff  }
0x244: {  	[tilespmem:$0x1FF40] =	vst v62;
	v62 =	vld.idx.msk [tilespmem:v29+s3+$0x0], $0xffff  }
0x245: {  	[tilespmem:$0x1FF50] =	vst v63;
	v63 =	vld.idx.msk [tilespmem:v28+s3+$0x0], $0xffff  }
0x246: {  	[tilespmem:$0x1FFD0] =	vst v4;
	v22 =	vld [tilespmem:s10+$0xFFFFFE30]  }
0x247: {  	v10 =	vmov v4;
	[tilespmem:$0x1FF90] =	vst v8;
	v4 =	vld.idx.msk [tilespmem:v38+s3+$0x0], $0xffff  }
0x248: {  	v46 =	vmov v3;
	[tilespmem:$0x1FFF0] =	vst v3;
	v52 =	vadd.f32 v2, v1;
	v0 =	vmul.f32 v61, v16;
	v61 =	vld.idx.msk [tilespmem:v36+s3+$0x0], $0xffff  }
0x249: {  	v8 =	vmul.f32 v60, v18;
	v54 =	vadd.f32 v55, v54;
	v3 =	vadd.f32 v59, v58;
	v58 =	vld.idx.msk [tilespmem:v34+s3+$0x0], $0xffff  }
0x24a: {  	v56 =	vadd.f32 v57, v56;
	v59 =	vld.idx.msk [tilespmem:v32+s3+$0x0], $0xffff;
	v1 =	vmul.f32 v62, v17;
	v2 =	vmul.f32 v63, v15  }
0x24b: {  	v60 =	vld.idx.msk [tilespmem:v27+s3+$0x0], $0xffff;
	v53 =	vadd.f32 v0, v8;
	v52 =	vadd.f32 v54, v52  }
0x24c: {  	v9 =	vmov v6;
	v6 =	vadd.f32 v3, v56;
	v56 =	vld.idx.msk [tilespmem:v30+s3+$0x0], $0xffff;
	v55 =	vadd.f32 v2, v1  }
0x24d: {  	v57 =	vadd.s32 $0x7070, v7;
	v63 =	vld.idx.msk [tilespmem:v35+s3+$0x0], $0xffff  }
0x24e: {  	v54 =	vadd.s32 $0x808, v44;
	v0 =	vld.idx.msk [tilespmem:v24+s3+$0x0], $0xffff;
	v52 =	vadd.f32 v6, v52;
	v53 =	vadd.f32 v55, v53  }
0x24f: {  	v8 =	vld.idx.msk [tilespmem:v23+s3+$0x0], $0xffff;
	v62 =	vadd.s32 $0x808, v43  }
0x250: {  	v6 =	vadd.s32 $0x808, v41;
	v2 =	vld.idx.msk [tilespmem:v25+s3+$0x0], $0xffff;
	v52 =	vadd.f32 v53, v52  }
0x251: {  	v1 =	vadd.s32 $0x808, v31;
	v55 =	vld.idx.msk [tilespmem:v26+s3+$0x0], $0xffff  }
0x252: {  	v4 =	vadd.f32 v4, v5;
	v5 =	vadd.f32 v63, v61;
	v61 =	vadd.s32 $0x808, v39;
	[tilespmem:s15+$0xFFFFF820] =	vst v52;
	v52 =	vld.idx.msk [tilespmem:v57+s3+$0x0], $0xffff  }
0x253: {  	v63 =	vadd.s32 $0x808, v33;
	v54 =	vld.idx.msk [tilespmem:v54+s3+$0x0], $0xffff  }
0x254: {  	v53 =	vadd.s32 $0x808, v42;
	v62 =	vld.idx.msk [tilespmem:v62+s3+$0x0], $0xffff  }
0x255: {  	v60 =	vmul.f32 v60, v22;
	v58 =	vadd.f32 v59, v58;
	v57 =	vadd.s32 $0x808, v40;
	v7 =	vld.idx.msk [tilespmem:v6+s3+$0x0], $0xffff  }
0x256: {  	v0 =	vmul.f32 v0, v21;
	v3 =	vadd.f32 v8, v56;
	v8 =	vadd.s32 $0x808, v28;
	v1 =	vld.idx.msk [tilespmem:v1+s3+$0x0], $0xffff  }
0x257: {  	v2 =	vmul.f32 v2, v20;
	v4 =	vadd.f32 v5, v4;
	v55 =	vmul.f32 v55, v19;
	v5 =	vld.idx.msk [tilespmem:v61+s3+$0x0], $0xffff  }
0x258: {  	v3 =	vadd.f32 v3, v58;
	v58 =	vld.idx.msk [tilespmem:v63+s3+$0x0], $0xffff  }
0x259: {  	v56 =	vadd.s32 $0x808, v29;
	v0 =	vadd.f32 v0, v2;
	v53 =	vld.idx.msk [tilespmem:v53+s3+$0x0], $0xffff;
	v55 =	vadd.f32 v55, v60  }
0x25a: {  	v59 =	vadd.s32 $0x808, v37;
	v6 =	vld.idx.msk [tilespmem:v57+s3+$0x0], $0xffff  }
0x25b: {  	v3 =	vadd.f32 v3, v4;
	v4 =	vadd.s32 $0x808, v38;
	v0 =	vadd.f32 v0, v55;
	v55 =	vld [tilespmem:s14+$0xFFFFF920]  }
0x25c: {  	v60 =	vadd.s32 $0x808, v36;
	v57 =	vld.idx.msk [tilespmem:v8+s3+$0x0], $0xffff  }
0x25d: {  	v8 =	vadd.s32 $0x808, v34;
	v52 =	vmul.f32 v52, v45;
	v45 =	vld [tilespmem:$0x1FF40];
	v0 =	vadd.f32 v0, v3  }
0x25e: {  	v2 =	vadd.s32 $0x808, v26;
	v3 =	vld.idx.msk [tilespmem:v56+s3+$0x0], $0xffff  }
0x25f: {  	v9 =	vadd.s32 $0x7070, v9;
	[tilespmem:s15+$0xFFFFF830] =	vst v0;
	v0 =	vld.idx.msk [tilespmem:v59+s3+$0x0], $0xffff  }
0x260: {  	v56 =	vadd.s32 $0x808, v35;
	v4 =	vld.idx.msk [tilespmem:v4+s3+$0x0], $0xffff  }
0x261: {  	v53 =	vadd.f32 v53, v62;
	v62 =	vadd.s32 $0x808, v25;
	v54 =	vadd.f32 v54, v55;
	v55 =	vld.idx.msk [tilespmem:v60+s3+$0x0], $0xffff  }
0x262: {  	v59 =	vadd.s32 $0x808, v32;
	v61 =	vld.idx.msk [tilespmem:v8+s3+$0x0], $0xffff  }
0x263: {  	v63 =	vadd.s32 $0x808, v30;
	v2 =	vld.idx.msk [tilespmem:v2+s3+$0x0], $0xffff  }
0x264: {  	v1 =	vmul.f32 v1, v16;
	v8 =	vld.idx.msk [tilespmem:v9+s3+$0x0], $0xffff  }
0x265: {  	v58 =	vmul.f32 v58, v18;
	v60 =	vadd.s32 $0x808, v27;
	v57 =	vmul.f32 v57, v15;
	v56 =	vld.idx.msk [tilespmem:v56+s3+$0x0], $0xffff  }
0x266: {  	v6 =	vadd.f32 v6, v7;
	v3 =	vmul.f32 v3, v17;
	v7 =	vld.idx.msk [tilespmem:v62+s3+$0x0], $0xffff;
	v0 =	vadd.f32 v0, v5  }
0x267: {  	v1 =	vadd.f32 v1, v58;
	v53 =	vadd.f32 v53, v54;
	v54 =	vadd.s32 $0x808, v23;
	v5 =	vld.idx.msk [tilespmem:v59+s3+$0x0], $0xffff  }
0x268: {  	v58 =	vadd.s32 $0x808, v24;
	v3 =	vadd.f32 v57, v3;
	v57 =	vld.idx.msk [tilespmem:v63+s3+$0x0], $0xffff;
	v0 =	vadd.f32 v0, v6  }
0x269: {  	v63 =	vld [tilespmem:$0x1FF30]  }
0x26a: {  	v6 =	vld.idx.msk [tilespmem:v60+s3+$0x0], $0xffff;
	v1 =	vadd.f32 v3, v1;
	v3 =	vadd.s32 $0x1010, v44;
	v0 =	vadd.f32 v0, v53  }
0x26b: {  	v60 =	vadd.s32 $0x1010, v43;
	v53 =	vld [tilespmem:s14+$0xFFFFF930]  }
0x26c: {  	v62 =	vadd.s32 $0x1010, v41;
	v54 =	vld.idx.msk [tilespmem:v54+s3+$0x0], $0xffff;
	v0 =	vadd.f32 v1, v0  }
0x26d: {  	v59 =	vadd.s32 $0x1010, v40;
	v1 =	vld.idx.msk [tilespmem:v58+s3+$0x0], $0xffff  }
0x26e: {  	v8 =	vmul.f32 v8, v46;
	v46 =	vld [tilespmem:$0x1FF50];
	v5 =	vadd.f32 v5, v61;
	v61 =	vadd.s32 $0x1010, v31;
	[tilespmem:s15+$0xFFFFF920] =	vst v0  }
0x26f: {  	v2 =	vmul.f32 v2, v19;
	v58 =	vadd.s32 $0x1010, v42;
	v6 =	vmul.f32 v6, v22;
	v3 =	vld.idx.msk [tilespmem:v3+s3+$0x0], $0xffff  }
0x270: {  	v4 =	vadd.f32 v4, v53;
	v53 =	vadd.f32 v56, v55;
	v55 =	vadd.s32 $0x1010, v39;
	v56 =	vld.idx.msk [tilespmem:v60+s3+$0x0], $0xffff  }
0x271: {  	v9 =	vadd.s32 $0x1010, v33;
	v7 =	vmul.f32 v7, v20;
	v54 =	vadd.f32 v54, v57;
	v57 =	vld.idx.msk [tilespmem:v62+s3+$0x0], $0xffff  }
0x272: {  	v60 =	vadd.s32 $0x1010, v37;
	v2 =	vadd.f32 v2, v6;
	v6 =	vld.idx.msk [tilespmem:v59+s3+$0x0], $0xffff;
	v1 =	vmul.f32 v1, v21  }
0x273: {  	v5 =	vadd.f32 v54, v5;
	v59 =	vld.idx.msk [tilespmem:v61+s3+$0x0], $0xffff  }
0x274: {  	v58 =	vld.idx.msk [tilespmem:v58+s3+$0x0], $0xffff;
	v4 =	vadd.f32 v53, v4;
	v53 =	vadd.s32 $0x1010, v29;
	v1 =	vadd.f32 v1, v7  }
0x275: {  	v7 =	vld.idx.msk [tilespmem:v55+s3+$0x0], $0xffff;
	v55 =	vadd.s32 $0x1010, v28  }
0x276: {  	v1 =	vadd.f32 v1, v2;
	v2 =	vadd.f32 v5, v4;
	v4 =	vld.idx.msk [tilespmem:v9+s3+$0x0], $0xffff;
	v9 =	vadd.s32 $0x1010, v38  }
0x277: {  	v54 =	vld.idx.msk [tilespmem:v60+s3+$0x0], $0xffff;
	v60 =	vadd.s32 $0x1010, v36  }
0x278: {  	v61 =	vadd.s32 $0x1010, v35;
	v1 =	vadd.f32 v1, v2;
	v2 =	vld [tilespmem:s14+$0xFFFFFA20]  }
0x279: {  	v62 =	vadd.s32 $0x1010, v34;
	v53 =	vld.idx.msk [tilespmem:v53+s3+$0x0], $0xffff  }
0x27a: {  	v0 =	vadd.s32 $0x1010, v27;
	[tilespmem:s15+$0xFFFFF930] =	vst v1;
	v1 =	vld.idx.msk [tilespmem:v55+s3+$0x0], $0xffff  }
0x27b: {  	v5 =	vld.idx.msk [tilespmem:v9+s3+$0x0], $0xffff;
	v9 =	vadd.s32 $0x1010, v30  }
0x27c: {  	v55 =	vadd.s32 $0x1010, v32;
	v60 =	vld.idx.msk [tilespmem:v60+s3+$0x0], $0xffff  }
0x27d: {  	v6 =	vadd.f32 v6, v57;
	v2 =	vadd.f32 v3, v2;
	v3 =	vld.idx.msk [tilespmem:v61+s3+$0x0], $0xffff;
	v61 =	vadd.s32 $0x1010, v26  }
0x27e: {  	v56 =	vadd.f32 v58, v56;
	v58 =	vmul.f32 v59, v16;
	v7 =	vadd.f32 v54, v7;
	v59 =	vld.idx.msk [tilespmem:v62+s3+$0x0], $0xffff  }
0x27f: {  	v62 =	vadd.s32 $0x1010, v25;
	v0 =	vld.idx.msk [tilespmem:v0+s3+$0x0], $0xffff;
	v53 =	vmul.f32 v53, v17;
	v1 =	vmul.f32 v1, v15  }
0x280: {  	v4 =	vmul.f32 v4, v18;
	v54 =	vld.idx.msk [tilespmem:v9+s3+$0x0], $0xffff;
	v9 =	vadd.s32 $0x1010, v24  }
0x281: {  	v6 =	vadd.f32 v7, v6;
	v55 =	vld.idx.msk [tilespmem:v55+s3+$0x0], $0xffff;
	v1 =	vadd.f32 v1, v53;
	v53 =	vadd.s32 $0x1010, v23  }
0x282: {  	v11 =	vadd.s32 $0x7070, v11;
	v4 =	vadd.f32 v58, v4;
	v2 =	vadd.f32 v56, v2;
	v7 =	vld.idx.msk [tilespmem:v61+s3+$0x0], $0xffff  }
0x283: {  	v58 =	vadd.s32 $0x7070, v10;
	v61 =	vld [tilespmem:s14+$0xFFFFFA30]  }
0x284: {  	v2 =	vadd.f32 v6, v2;
	v6 =	vadd.s32 $0x1818, v44;
	v1 =	vadd.f32 v1, v4;
	v4 =	vld.idx.msk [tilespmem:v62+s3+$0x0], $0xffff  }
0x285: {  	v57 =	vld.idx.msk [tilespmem:v9+s3+$0x0], $0xffff  }
0x286: {  	v9 =	vadd.s32 $0x1818, v43;
	v1 =	vadd.f32 v1, v2;
	v10 =	vld.idx.msk [tilespmem:v53+s3+$0x0], $0xffff  }
0x287: {  	v53 =	vld.idx.msk [tilespmem:v11+s3+$0x0], $0xffff  }
0x288: {  	v11 =	vadd.s32 $0x1818, v42;
	[tilespmem:s15+$0xFFFFFA20] =	vst v1;
	v1 =	vadd.f32 v5, v61;
	v5 =	vld.idx.msk [tilespmem:v58+s3+$0x0], $0xffff  }
0x289: {  	v58 =	vadd.s32 $0x1818, v41;
	v6 =	vld.idx.msk [tilespmem:v6+s3+$0x0], $0xffff  }
0x28a: {  	v0 =	vmul.f32 v0, v22;
	v3 =	vadd.f32 v3, v60;
	v60 =	vadd.s32 $0x1818, v40;
	v56 =	vld [tilespmem:s14+$0xFFFFFB20]  }
0x28b: {  	v62 =	vadd.s32 $0x1818, v39;
	v55 =	vadd.f32 v55, v59;
	v7 =	vmul.f32 v7, v19;
	v61 =	vld.idx.msk [tilespmem:v9+s3+$0x0], $0xffff  }
0x28c: {  	v4 =	vmul.f32 v4, v20;
	v57 =	vmul.f32 v57, v21;
	v9 =	vld [tilespmem:s14+$0x610];
	v2 =	vadd.f32 v10, v54  }
0x28d: {  	v0 =	vadd.f32 v7, v0;
	v1 =	vadd.f32 v3, v1;
	v10 =	vadd.s32 $0x1818, v33;
	v7 =	vld.idx.msk [tilespmem:v11+s3+$0x0], $0xffff  }
0x28e: {  	v11 =	vadd.s32 $0x1818, v31;
	v4 =	vadd.f32 v57, v4;
	v3 =	vld.idx.msk [tilespmem:v58+s3+$0x0], $0xffff;
	v2 =	vadd.f32 v2, v55  }
0x28f: {  	v57 =	vadd.s32 $0x1818, v29;
	v55 =	vld.idx.msk [tilespmem:v60+s3+$0x0], $0xffff  }
0x290: {  	v0 =	vadd.f32 v4, v0;
	v4 =	vadd.s32 $0x1818, v28;
	v1 =	vadd.f32 v2, v1;
	v2 =	vld.idx.msk [tilespmem:v62+s3+$0x0], $0xffff  }
0x291: {  	v58 =	vadd.s32 $0x1818, v37;
	v62 =	vld [tilespmem:$0x1FF20]  }
0x292: {  	v49 =	vadd.f32 v51, v49;
	v51 =	vadd.s32 $0x1818, v38;
	v45 =	vadd.f32 v46, v45;
	v54 =	vld.idx.msk [tilespmem:v10+s3+$0x0], $0xffff  }
0x293: {  	v46 =	vadd.f32 v48, v47;
	v59 =	vadd.s32 $0x1818, v36;
	v0 =	vadd.f32 v0, v1;
	v1 =	vld.idx.msk [tilespmem:v11+s3+$0x0], $0xffff  }
0x294: {  	v47 =	vadd.s32 $0x1818, v34;
	v57 =	vld.idx.msk [tilespmem:v57+s3+$0x0], $0xffff  }
0x295: {  	v8 =	vadd.f32 v8, v52;
	v48 =	vadd.s32 $0x1818, v32;
	v45 =	vadd.f32 v46, v45;
	v4 =	vld.idx.msk [tilespmem:v4+s3+$0x0], $0xffff  }
0x296: {  	v6 =	vadd.f32 v6, v56;
	v56 =	vadd.s32 $0x1818, v23;
	v50 =	vadd.f32 v50, v9;
	[tilespmem:s15+$0xFFFFFA30] =	vst v0;
	v0 =	vld.idx.msk [tilespmem:v58+s3+$0x0], $0xffff  }
0x297: {  	v5 =	vmul.f32 v5, v63;
	v60 =	vadd.s32 $0x1818, v35;
	v7 =	vadd.f32 v7, v61;
	v46 =	vld.idx.msk [tilespmem:v51+s3+$0x0], $0xffff  }
0x298: {  	v9 =	vadd.s32 $0x1818, v30;
	v61 =	vadd.s32 $0x1818, v24;
	v49 =	vadd.f32 v49, v50;
	v50 =	vld.idx.msk [tilespmem:v59+s3+$0x0], $0xffff  }
0x299: {  	v3 =	vadd.f32 v55, v3;
	v6 =	vadd.f32 v7, v6;
	v53 =	vmul.f32 v53, v62;
	v47 =	vld.idx.msk [tilespmem:v47+s3+$0x0], $0xffff  }
0x29a: {  	v52 =	vld [tilespmem:s14+$0xFFFFFB30];
	v10 =	vmul.f32 v54, v18;
	v54 =	vadd.s32 $0x1818, v27;
	v1 =	vmul.f32 v1, v16  }
0x29b: {  	v7 =	vld.idx.msk [tilespmem:v56+s3+$0x0], $0xffff;
	v11 =	vmul.f32 v57, v17;
	v4 =	vmul.f32 v4, v15;
	v0 =	vadd.f32 v0, v2  }
0x29c: {  	v5 =	vadd.f32 v5, v53;
	v53 =	vld.idx.msk [tilespmem:v60+s3+$0x0], $0xffff;
	v60 =	vadd.s32 $0x1818, v25;
	v1 =	vadd.f32 v1, v10  }
0x29d: {  	v57 =	vadd.s32 $0x1818, v26;
	v2 =	vld.idx.msk [tilespmem:v48+s3+$0x0], $0xffff;
	v4 =	vadd.f32 v4, v11;
	v0 =	vadd.f32 v0, v3  }
0x29e: {  	v48 =	vld.idx.msk [tilespmem:v61+s3+$0x0], $0xffff  }
0x29f: {  	v3 =	vld.idx.msk [tilespmem:v9+s3+$0x0], $0xffff;
	v1 =	vadd.f32 v4, v1;
	v0 =	vadd.f32 v0, v6  }
0x2a0: {  	v58 =	vadd.f32 v45, v49;
	v49 =	vld.idx.msk [tilespmem:v54+s3+$0x0], $0xffff;
	v6 =	vadd.s32 $0x2020, v44  }
0x2a1: {  	v59 =	vadd.s32 $0x2020, v43;
	v5 =	vadd.f32 v5, v8;
	v8 =	vld.idx.msk [tilespmem:v60+s3+$0x0], $0xffff;
	v0 =	vadd.f32 v1, v0  }
0x2a2: {  	v60 =	vadd.s32 $0x2020, v42;
	v4 =	vld.idx.msk [tilespmem:v57+s3+$0x0], $0xffff  }
0x2a3: {  	v56 =	vadd.s32 $0x2020, v28;
	v61 =	vadd.s32 $0x2020, v41;
	[tilespmem:s15+$0xFFFFFB20] =	vst v0  }
0x2a4: {  	v46 =	vadd.f32 v46, v52;
	v5 =	vadd.f32 v5, v58;
	v58 =	vadd.s32 $0x2020, v39;
	v51 =	vld [tilespmem:s14+$0xFFFFFC20]  }
0x2a5: {  	v50 =	vadd.f32 v53, v50;
	v57 =	vadd.s32 $0x2020, v40;
	v48 =	vmul.f32 v48, v21;
	v6 =	vld.idx.msk [tilespmem:v6+s3+$0x0], $0xffff  }
0x2a6: {  	v2 =	vadd.f32 v2, v47;
	v49 =	vmul.f32 v49, v22;
	v3 =	vadd.f32 v7, v3;
	v1 =	vld.idx.msk [tilespmem:v59+s3+$0x0], $0xffff  }
0x2a7: {  	[tilespmem:s15+$0x610] =	vst v5;
	v8 =	vmul.f32 v8, v20;
	v4 =	vmul.f32 v4, v19;
	v59 =	vadd.s32 $0x2020, v33;
	v5 =	vld.idx.msk [tilespmem:v60+s3+$0x0], $0xffff  }
0x2a8: {  	v46 =	vadd.f32 v50, v46;
	v60 =	vadd.s32 $0x2020, v31;
	v0 =	vld.idx.msk [tilespmem:v61+s3+$0x0], $0xffff;
	v2 =	vadd.f32 v3, v2  }
0x2a9: {  	v61 =	vadd.s32 $0x2020, v29;
	v3 =	vld.idx.msk [tilespmem:v58+s3+$0x0], $0xffff;
	v8 =	vadd.f32 v48, v8;
	v4 =	vadd.f32 v4, v49  }
0x2aa: {  	v48 =	vld.idx.msk [tilespmem:v57+s3+$0x0], $0xffff;
	v57 =	vadd.s32 $0x2020, v37  }
0x2ab: {  	v47 =	vld.idx.msk [tilespmem:v56+s3+$0x0], $0xffff;
	v2 =	vadd.f32 v2, v46;
	v4 =	vadd.f32 v8, v4  }
0x2ac: {  	v58 =	vadd.s32 $0x2020, v38;
	v52 =	vld.idx.msk [tilespmem:v59+s3+$0x0], $0xffff  }
0x2ad: {  	v56 =	vadd.s32 $0x2020, v23;
	v8 =	vld.idx.msk [tilespmem:v60+s3+$0x0], $0xffff;
	v2 =	vadd.f32 v4, v2  }
0x2ae: {  	v7 =	vld.idx.msk [tilespmem:v61+s3+$0x0], $0xffff;
	v59 =	vadd.s32 $0x2020, v36  }
0x2af: {  	v60 =	vadd.s32 $0x2020, v35;
	v50 =	vld.idx.msk [tilespmem:v57+s3+$0x0], $0xffff;
	[tilespmem:s15+$0xFFFFFB30] =	vst v2  }
0x2b0: {  	v61 =	vadd.s32 $0x2020, v34;
	v6 =	vadd.f32 v6, v51;
	v1 =	vadd.f32 v5, v1;
	v53 =	vld [tilespmem:s14+$0xFFFFFC30]  }
0x2b1: {  	v54 =	vadd.s32 $0x2020, v24;
	v47 =	vmul.f32 v47, v15;
	v46 =	vld.idx.msk [tilespmem:v58+s3+$0x0], $0xffff  }
0x2b2: {  	v57 =	vadd.s32 $0x2020, v32;
	v0 =	vadd.f32 v48, v0;
	v1 =	vadd.f32 v1, v6;
	v6 =	vld.idx.msk [tilespmem:v56+s3+$0x0], $0xffff  }
0x2b3: {  	v58 =	vadd.s32 $0x2020, v30;
	v52 =	vmul.f32 v52, v18;
	v8 =	vmul.f32 v8, v16;
	v4 =	vld.idx.msk [tilespmem:v59+s3+$0x0], $0xffff  }
0x2b4: {  	v59 =	vadd.s32 $0x2020, v27;
	v7 =	vmul.f32 v7, v17;
	v49 =	vld.idx.msk [tilespmem:v60+s3+$0x0], $0xffff;
	v3 =	vadd.f32 v50, v3  }
0x2b5: {  	v60 =	vadd.s32 $0x2020, v26;
	v2 =	vld.idx.msk [tilespmem:v61+s3+$0x0], $0xffff;
	v8 =	vadd.f32 v8, v52  }
0x2b6: {  	v61 =	vadd.s32 $0x2020, v25;
	v50 =	vld.idx.msk [tilespmem:v54+s3+$0x0], $0xffff;
	v7 =	vadd.f32 v47, v7;
	v0 =	vadd.f32 v3, v0  }
0x2b7: {  	v47 =	vld.idx.msk [tilespmem:v57+s3+$0x0], $0xffff  }
0x2b8: {  	v3 =	vld.idx.msk [tilespmem:v58+s3+$0x0], $0xffff;
	v7 =	vadd.f32 v7, v8;
	v0 =	vadd.f32 v0, v1  }
0x2b9: {  	v8 =	vadd.s32 $0x2828, v44;
	v5 =	vld.idx.msk [tilespmem:v59+s3+$0x0], $0xffff  }
0x2ba: {  	v57 =	vadd.s32 $0x2828, v43;
	v1 =	vld.idx.msk [tilespmem:v60+s3+$0x0], $0xffff;
	v0 =	vadd.f32 v7, v0  }
0x2bb: {  	v58 =	vadd.s32 $0x2828, v42;
	v48 =	vld.idx.msk [tilespmem:v61+s3+$0x0], $0xffff  }
0x2bc: {  	v59 =	vadd.s32 $0x2828, v41;
	[tilespmem:s15+$0xFFFFFC20] =	vst v0  }
0x2bd: {  	v55 =	vadd.s32 $0x2828, v29;
	v10 =	vadd.s32 $0x2828, v33;
	v46 =	vadd.f32 v46, v53;
	v52 =	vld [tilespmem:s14+$0xFFFFFD20]  }
0x2be: {  	v61 =	vadd.s32 $0x2828, v39;
	v4 =	vadd.f32 v49, v4;
	v50 =	vmul.f32 v50, v21;
	v8 =	vld.idx.msk [tilespmem:v8+s3+$0x0], $0xffff  }
0x2bf: {  	v2 =	vadd.f32 v47, v2;
	v3 =	vadd.f32 v6, v3;
	v5 =	vmul.f32 v5, v22;
	v7 =	vld.idx.msk [tilespmem:v57+s3+$0x0], $0xffff  }
0x2c0: {  	v60 =	vadd.s32 $0x2828, v40;
	v1 =	vmul.f32 v1, v19;
	v48 =	vmul.f32 v48, v20;
	v51 =	vld.idx.msk [tilespmem:v58+s3+$0x0], $0xffff  }
0x2c1: {  	v11 =	vadd.s32 $0x2828, v31;
	v4 =	vadd.f32 v4, v46;
	v0 =	vld.idx.msk [tilespmem:v59+s3+$0x0], $0xffff;
	v2 =	vadd.f32 v3, v2  }
0x2c2: {  	v57 =	vadd.s32 $0x2828, v28;
	v49 =	vld.idx.msk [tilespmem:v10+s3+$0x0], $0xffff;
	v1 =	vadd.f32 v1, v5;
	v56 =	vadd.f32 v50, v48  }
0x2c3: {  	v58 =	vadd.s32 $0x2828, v37;
	v6 =	vld.idx.msk [tilespmem:v55+s3+$0x0], $0xffff  }
0x2c4: {  	v3 =	vld.idx.msk [tilespmem:v61+s3+$0x0], $0xffff;
	v2 =	vadd.f32 v2, v4;
	v1 =	vadd.f32 v56, v1  }
0x2c5: {  	v59 =	vadd.s32 $0x2828, v38;
	v48 =	vld.idx.msk [tilespmem:v60+s3+$0x0], $0xffff  }
0x2c6: {  	v60 =	vadd.s32 $0x2828, v36;
	v4 =	vld.idx.msk [tilespmem:v11+s3+$0x0], $0xffff;
	v1 =	vadd.f32 v1, v2  }
0x2c7: {  	v61 =	vadd.s32 $0x2828, v35;
	v47 =	vld.idx.msk [tilespmem:v57+s3+$0x0], $0xffff  }
0x2c8: {  	v46 =	vld.idx.msk [tilespmem:v58+s3+$0x0], $0xffff;
	v57 =	vadd.s32 $0x2828, v34;
	[tilespmem:s15+$0xFFFFFC30] =	vst v1  }
0x2c9: {  	v58 =	vadd.s32 $0x2828, v32;
	v53 =	vld [tilespmem:s14+$0xFFFFFD30]  }
0x2ca: {  	v49 =	vmul.f32 v49, v18;
	v8 =	vadd.f32 v8, v52;
	v5 =	vld.idx.msk [tilespmem:v59+s3+$0x0], $0xffff;
	v59 =	vadd.s32 $0x2828, v30  }
0x2cb: {  	v7 =	vadd.f32 v51, v7;
	v6 =	vmul.f32 v6, v17;
	v2 =	vld.idx.msk [tilespmem:v60+s3+$0x0], $0xffff;
	v60 =	vadd.s32 $0x2828, v27  }
0x2cc: {  	v0 =	vadd.f32 v48, v0;
	v50 =	vld.idx.msk [tilespmem:v61+s3+$0x0], $0xffff;
	v61 =	vadd.s32 $0x2828, v26;
	v47 =	vmul.f32 v47, v15  }
0x2cd: {  	v4 =	vmul.f32 v4, v16;
	v3 =	vadd.f32 v46, v3;
	v1 =	vld.idx.msk [tilespmem:v57+s3+$0x0], $0xffff;
	v57 =	vadd.s32 $0x2828, v25  }
0x2ce: {  	v7 =	vadd.f32 v7, v8;
	v6 =	vadd.f32 v47, v6;
	v47 =	vld.idx.msk [tilespmem:v58+s3+$0x0], $0xffff;
	v58 =	vadd.s32 $0x2828, v24  }
0x2cf: {  	v4 =	vadd.f32 v4, v49;
	v0 =	vadd.f32 v3, v0;
	v3 =	vld.idx.msk [tilespmem:v59+s3+$0x0], $0xffff;
	v59 =	vadd.s32 $0x2828, v23  }
0x2d0: {  	v49 =	vld.idx.msk [tilespmem:v60+s3+$0x0], $0xffff  }
0x2d1: {  	v4 =	vadd.f32 v6, v4;
	v0 =	vadd.f32 v0, v7;
	v6 =	vld.idx.msk [tilespmem:v61+s3+$0x0], $0xffff  }
0x2d2: {  	v7 =	vadd.s32 $0x3030, v44;
	v46 =	vld.idx.msk [tilespmem:v57+s3+$0x0], $0xffff  }
0x2d3: {  	v60 =	vadd.s32 $0x3030, v43;
	v0 =	vadd.f32 v4, v0;
	v48 =	vld.idx.msk [tilespmem:v58+s3+$0x0], $0xffff  }
0x2d4: {  	v61 =	vadd.s32 $0x3030, v42;
	v8 =	vld.idx.msk [tilespmem:v59+s3+$0x0], $0xffff  }
0x2d5: {  	v45 =	vld [tilespmem:s14+$0x710];
	v56 =	vadd.s32 $0x3030, v28;
	[tilespmem:s15+$0xFFFFFD20] =	vst v0  }
0x2d6: {  	v55 =	vadd.s32 $0x3030, v29;
	v5 =	vadd.f32 v5, v53;
	v57 =	vadd.s32 $0x3030, v41;
	v52 =	vld [tilespmem:s14+$0xFFFFFE20]  }
0x2d7: {  	v2 =	vadd.f32 v50, v2;
	v58 =	vadd.s32 $0x3030, v40;
	v1 =	vadd.f32 v47, v1;
	v7 =	vld.idx.msk [tilespmem:v7+s3+$0x0], $0xffff  }
0x2d8: {  	v49 =	vmul.f32 v49, v22;
	v6 =	vmul.f32 v6, v19;
	v4 =	vld.idx.msk [tilespmem:v60+s3+$0x0], $0xffff;
	v60 =	vadd.s32 $0x3030, v33  }
0x2d9: {  	v51 =	vld.idx.msk [tilespmem:v61+s3+$0x0], $0xffff;
	v46 =	vmul.f32 v46, v20;
	v48 =	vmul.f32 v48, v21;
	v3 =	vadd.f32 v8, v3  }
0x2da: {  	v2 =	vadd.f32 v2, v5;
	v59 =	vadd.s32 $0x3030, v39;
	v47 =	vld.idx.msk [tilespmem:v56+s3+$0x0], $0xffff;
	v6 =	vadd.f32 v6, v49  }
0x2db: {  	v0 =	vld.idx.msk [tilespmem:v57+s3+$0x0], $0xffff;
	v57 =	vadd.s32 $0x3030, v37;
	v46 =	vadd.f32 v48, v46;
	v1 =	vadd.f32 v3, v1  }
0x2dc: {  	v61 =	vadd.s32 $0x3030, v31;
	v48 =	vld.idx.msk [tilespmem:v58+s3+$0x0], $0xffff  }
0x2dd: {  	v50 =	vld.idx.msk [tilespmem:v60+s3+$0x0], $0xffff;
	v6 =	vadd.f32 v46, v6;
	v1 =	vadd.f32 v1, v2  }
0x2de: {  	v58 =	vadd.s32 $0x3030, v38;
	v8 =	vld.idx.msk [tilespmem:v55+s3+$0x0], $0xffff  }
0x2df: {  	v3 =	vld.idx.msk [tilespmem:v59+s3+$0x0], $0xffff;
	v59 =	vadd.s32 $0x3030, v36;
	v1 =	vadd.f32 v6, v1  }
0x2e0: {  	v60 =	vadd.s32 $0x3030, v35;
	v5 =	vld.idx.msk [tilespmem:v57+s3+$0x0], $0xffff  }
0x2e1: {  	v2 =	vld.idx.msk [tilespmem:v61+s3+$0x0], $0xffff;
	v61 =	vadd.s32 $0x3030, v34;
	[tilespmem:s15+$0xFFFFFD30] =	vst v1  }
0x2e2: {  	v57 =	vadd.s32 $0x3030, v32;
	v53 =	vld [tilespmem:s14+$0xFFFFFE30]  }
0x2e3: {  	v54 =	vadd.s32 $0x3030, v24;
	v56 =	vadd.s32 $0x3030, v23;
	v7 =	vadd.f32 v7, v52;
	v46 =	vld.idx.msk [tilespmem:v58+s3+$0x0], $0xffff  }
0x2e4: {  	v4 =	vadd.f32 v51, v4;
	v47 =	vmul.f32 v47, v15;
	v50 =	vmul.f32 v50, v18;
	v6 =	vld.idx.msk [tilespmem:v59+s3+$0x0], $0xffff  }
0x2e5: {  	v8 =	vmul.f32 v8, v17;
	v0 =	vadd.f32 v48, v0;
	v58 =	vadd.s32 $0x3030, v30;
	v49 =	vld.idx.msk [tilespmem:v60+s3+$0x0], $0xffff  }
0x2e6: {  	v3 =	vadd.f32 v5, v3;
	v2 =	vmul.f32 v2, v16;
	v59 =	vadd.s32 $0x3030, v27;
	v1 =	vld.idx.msk [tilespmem:v61+s3+$0x0], $0xffff  }
0x2e7: {  	v4 =	vadd.f32 v4, v7;
	v8 =	vadd.f32 v47, v8;
	v60 =	vadd.s32 $0x3030, v26;
	v47 =	vld.idx.msk [tilespmem:v57+s3+$0x0], $0xffff  }
0x2e8: {  	v61 =	vadd.s32 $0x3030, v25;
	v0 =	vadd.f32 v3, v0;
	v48 =	vld.idx.msk [tilespmem:v54+s3+$0x0], $0xffff;
	v2 =	vadd.f32 v2, v50  }
0x2e9: {  	v14 =	vadd.s32 $0x7878, v14;
	v7 =	vld.idx.msk [tilespmem:v56+s3+$0x0], $0xffff  }
0x2ea: {  	v0 =	vadd.f32 v0, v4;
	v2 =	vadd.f32 v8, v2;
	v3 =	vld.idx.msk [tilespmem:v58+s3+$0x0], $0xffff  }
0x2eb: {  	v8 =	vadd.s32 $0x3838, v44;
	v50 =	vld.idx.msk [tilespmem:v59+s3+$0x0], $0xffff  }
0x2ec: {  	v57 =	vadd.s32 $0x3838, v43;
	v4 =	vld.idx.msk [tilespmem:v60+s3+$0x0], $0xffff;
	v0 =	vadd.f32 v2, v0  }
0x2ed: {  	v55 =	vadd.s32 $0x3838, v33;
	v5 =	vld.idx.msk [tilespmem:v61+s3+$0x0], $0xffff  }
0x2ee: {  	v14 =	vld.idx.msk [tilespmem:v14+s3+$0x0], $0xffff;
	v58 =	vadd.s32 $0x3838, v42;
	[tilespmem:s15+$0xFFFFFE20] =	vst v0  }
0x2ef: {  	v56 =	vadd.s32 $0x3838, v31;
	v59 =	vadd.s32 $0x3838, v41;
	v60 =	vadd.s32 $0x3838, v40;
	v52 =	vld [tilespmem:s14+$0xFFFFFF20]  }
0x2f0: {  	v46 =	vadd.f32 v46, v53;
	v61 =	vadd.s32 $0x3838, v39;
	v48 =	vmul.f32 v48, v21;
	v8 =	vld.idx.msk [tilespmem:v8+s3+$0x0], $0xffff  }
0x2f1: {  	v6 =	vadd.f32 v49, v6;
	v2 =	vld.idx.msk [tilespmem:v57+s3+$0x0], $0xffff;
	v50 =	vmul.f32 v50, v22;
	v4 =	vmul.f32 v4, v19  }
0x2f2: {  	v1 =	vadd.f32 v47, v1;
	v49 =	vld.idx.msk [tilespmem:v55+s3+$0x0], $0xffff;
	v5 =	vmul.f32 v5, v20;
	v3 =	vadd.f32 v7, v3  }
0x2f3: {  	v6 =	vadd.f32 v6, v46;
	v57 =	vadd.s32 $0x3838, v29;
	v51 =	vld.idx.msk [tilespmem:v58+s3+$0x0], $0xffff;
	v4 =	vadd.f32 v4, v50  }
0x2f4: {  	v0 =	vld.idx.msk [tilespmem:v59+s3+$0x0], $0xffff;
	v58 =	vadd.s32 $0x3838, v28;
	v5 =	vadd.f32 v48, v5;
	v1 =	vadd.f32 v3, v1  }
0x2f5: {  	v59 =	vadd.s32 $0x3838, v37;
	v48 =	vld.idx.msk [tilespmem:v60+s3+$0x0], $0xffff  }
0x2f6: {  	v3 =	vld.idx.msk [tilespmem:v61+s3+$0x0], $0xffff;
	v4 =	vadd.f32 v5, v4;
	v1 =	vadd.f32 v1, v6  }
0x2f7: {  	v60 =	vadd.s32 $0x3838, v38;
	v5 =	vld.idx.msk [tilespmem:v56+s3+$0x0], $0xffff  }
0x2f8: {  	v7 =	vld.idx.msk [tilespmem:v57+s3+$0x0], $0xffff;
	v57 =	vadd.s32 $0x3838, v35;
	v1 =	vadd.f32 v4, v1  }
0x2f9: {  	v61 =	vld.idx.msk [tilespmem:v58+s3+$0x0], $0xffff;
	v58 =	vadd.s32 $0x3838, v34  }
0x2fa: {  	v56 =	vadd.s32 $0x3838, v25;
	v46 =	vld.idx.msk [tilespmem:v59+s3+$0x0], $0xffff;
	[tilespmem:s15+$0xFFFFFE30] =	vst v1  }
0x2fb: {  	v4 =	vadd.s32 $0x3838, v36;
	v53 =	vld [tilespmem:s14+$0xFFFFFF30]  }
0x2fc: {  	v2 =	vadd.f32 v51, v2;
	v51 =	vadd.s32 $0x3838, v27;
	v6 =	vld.idx.msk [tilespmem:v60+s3+$0x0], $0xffff  }
0x2fd: {  	v49 =	vmul.f32 v49, v18;
	v8 =	vadd.f32 v8, v52;
	v59 =	vadd.s32 $0x3838, v32;
	v50 =	vld.idx.msk [tilespmem:v57+s3+$0x0], $0xffff  }
0x2fe: {  	v0 =	vadd.f32 v48, v0;
	v60 =	vadd.s32 $0x3838, v30;
	v5 =	vmul.f32 v5, v16;
	v1 =	vld.idx.msk [tilespmem:v58+s3+$0x0], $0xffff  }
0x2ff: {  	v7 =	vmul.f32 v7, v17;
	v47 =	vmul.f32 v61, v15;
	v3 =	vadd.f32 v46, v3;
	v46 =	vld.idx.msk [tilespmem:v56+s3+$0x0], $0xffff  }
0x300: {  	v2 =	vadd.f32 v2, v8;
	v57 =	vadd.s32 $0x3838, v24;
	v4 =	vld.idx.msk [tilespmem:v4+s3+$0x0], $0xffff;
	v5 =	vadd.f32 v5, v49  }
0x301: {  	v61 =	vadd.s32 $0x3838, v26;
	v49 =	vld.idx.msk [tilespmem:v51+s3+$0x0], $0xffff;
	v7 =	vadd.f32 v47, v7;
	v0 =	vadd.f32 v3, v0  }
0x302: {  	v58 =	vadd.s32 $0x3838, v23;
	v47 =	vld.idx.msk [tilespmem:v59+s3+$0x0], $0xffff  }
0x303: {  	v59 =	vld [tilespmem:$0x1FF60];
	v5 =	vadd.f32 v7, v5;
	v0 =	vadd.f32 v0, v2  }
0x304: {  	v3 =	vld.idx.msk [tilespmem:v60+s3+$0x0], $0xffff;
	v7 =	vadd.s32 $0x4040, v44  }
0x305: {  	v48 =	vld.idx.msk [tilespmem:v57+s3+$0x0], $0xffff;
	v57 =	vadd.s32 $0x4040, v42;
	v0 =	vadd.f32 v5, v0  }
0x306: {  	v2 =	vld.idx.msk [tilespmem:v61+s3+$0x0], $0xffff;
	v61 =	vadd.s32 $0x4040, v43  }
0x307: {  	v8 =	vld.idx.msk [tilespmem:v58+s3+$0x0], $0xffff;
	v58 =	vadd.s32 $0x4040, v41;
	[tilespmem:s15+$0xFFFFFF20] =	vst v0  }
0x308: {  	v56 =	vadd.s32 $0x4040, v29;
	v52 =	vld [tilespmem:s14+$0x20]  }
0x309: {  	v55 =	vadd.s32 $0x4040, v31;
	v6 =	vadd.f32 v6, v53;
	v60 =	vadd.s32 $0x7878, v59;
	v7 =	vld.idx.msk [tilespmem:v7+s3+$0x0], $0xffff  }
0x30a: {  	v46 =	vmul.f32 v46, v20;
	v49 =	vmul.f32 v49, v22;
	v59 =	vadd.s32 $0x4040, v40;
	v51 =	vld.idx.msk [tilespmem:v57+s3+$0x0], $0xffff  }
0x30b: {  	v4 =	vadd.f32 v50, v4;
	v1 =	vadd.f32 v47, v1;
	v48 =	vmul.f32 v48, v21;
	v5 =	vld.idx.msk [tilespmem:v61+s3+$0x0], $0xffff  }
0x30c: {  	v2 =	vmul.f32 v2, v19;
	v61 =	vadd.s32 $0x4040, v33;
	v3 =	vadd.f32 v8, v3;
	v0 =	vld.idx.msk [tilespmem:v58+s3+$0x0], $0xffff  }
0x30d: {  	v4 =	vadd.f32 v4, v6;
	v58 =	vadd.s32 $0x4040, v37;
	v8 =	vld.idx.msk [tilespmem:v56+s3+$0x0], $0xffff;
	v46 =	vadd.f32 v48, v46  }
0x30e: {  	v11 =	vld.idx.msk [tilespmem:v60+s3+$0x0], $0xffff;
	v60 =	vadd.s32 $0x4040, v39;
	v2 =	vadd.f32 v2, v49;
	v1 =	vadd.f32 v3, v1  }
0x30f: {  	v57 =	vadd.s32 $0x4040, v28;
	v48 =	vld.idx.msk [tilespmem:v59+s3+$0x0], $0xffff  }
0x310: {  	v2 =	vadd.f32 v46, v2;
	v1 =	vadd.f32 v1, v4;
	v4 =	vld.idx.msk [tilespmem:v55+s3+$0x0], $0xffff  }
0x311: {  	v59 =	vadd.s32 $0x4040, v38;
	v50 =	vld.idx.msk [tilespmem:v61+s3+$0x0], $0xffff  }
0x312: {  	v10 =	vadd.s32 $0x4040, v36;
	v6 =	vld.idx.msk [tilespmem:v58+s3+$0x0], $0xffff;
	v1 =	vadd.f32 v2, v1  }
0x313: {  	v56 =	vadd.s32 $0x4040, v24;
	v3 =	vld.idx.msk [tilespmem:v60+s3+$0x0], $0xffff  }
0x314: {  	v61 =	vadd.s32 $0x4040, v35;
	v60 =	vld.idx.msk [tilespmem:v57+s3+$0x0], $0xffff;
	[tilespmem:s15+$0xFFFFFF30] =	vst v1  }
0x315: {  	v57 =	vadd.s32 $0x4040, v34;
	v53 =	vld [tilespmem:s14+$0x30]  }
0x316: {  	v5 =	vadd.f32 v51, v5;
	v51 =	vadd.s32 $0x4040, v27;
	v46 =	vld.idx.msk [tilespmem:v59+s3+$0x0], $0xffff  }
0x317: {  	v7 =	vadd.f32 v7, v52;
	v58 =	vadd.s32 $0x4040, v32;
	v0 =	vadd.f32 v48, v0;
	v2 =	vld.idx.msk [tilespmem:v10+s3+$0x0], $0xffff  }
0x318: {  	v59 =	vadd.s32 $0x4040, v30;
	v4 =	vmul.f32 v4, v16;
	v48 =	vld.idx.msk [tilespmem:v56+s3+$0x0], $0xffff;
	v50 =	vmul.f32 v50, v18  }
0x319: {  	v8 =	vmul.f32 v8, v17;
	v49 =	vld.idx.msk [tilespmem:v61+s3+$0x0], $0xffff;
	v47 =	vmul.f32 v60, v15;
	v3 =	vadd.f32 v6, v3  }
0x31a: {  	v5 =	vadd.f32 v5, v7;
	v61 =	vadd.s32 $0x4040, v25;
	v1 =	vld.idx.msk [tilespmem:v57+s3+$0x0], $0xffff;
	v4 =	vadd.f32 v4, v50  }
0x31b: {  	v60 =	vadd.s32 $0x4040, v26;
	v50 =	vld.idx.msk [tilespmem:v51+s3+$0x0], $0xffff;
	v8 =	vadd.f32 v47, v8;
	v0 =	vadd.f32 v3, v0  }
0x31c: {  	v57 =	vadd.s32 $0x4040, v23;
	v47 =	vld.idx.msk [tilespmem:v58+s3+$0x0], $0xffff  }
0x31d: {  	v3 =	vld.idx.msk [tilespmem:v59+s3+$0x0], $0xffff;
	v4 =	vadd.f32 v8, v4;
	v0 =	vadd.f32 v0, v5  }
0x31e: {  	v58 =	vld [tilespmem:$0x1FF70];
	v8 =	vadd.s32 $0x4848, v44  }
0x31f: {  	v6 =	vld.idx.msk [tilespmem:v61+s3+$0x0], $0xffff;
	v61 =	vadd.s32 $0x4848, v42;
	v0 =	vadd.f32 v4, v0  }
0x320: {  	v55 =	vadd.s32 $0x4848, v28;
	v5 =	vld.idx.msk [tilespmem:v60+s3+$0x0], $0xffff  }
0x321: {  	v56 =	vadd.s32 $0x4848, v37;
	v7 =	vld.idx.msk [tilespmem:v57+s3+$0x0], $0xffff;
	[tilespmem:s15+$0x20] =	vst v0  }
0x322: {  	v52 =	vld [tilespmem:s14+$0x120]  }
0x323: {  	v9 =	vadd.s32 $0x4848, v29;
	v60 =	vadd.s32 $0x4848, v43;
	v8 =	vld.idx.msk [tilespmem:v8+s3+$0x0], $0xffff  }
0x324: {  	v46 =	vadd.f32 v46, v53;
	v2 =	vadd.f32 v49, v2;
	v57 =	vadd.s32 $0x4848, v41;
	v51 =	vld.idx.msk [tilespmem:v61+s3+$0x0], $0xffff  }
0x325: {  	v48 =	vmul.f32 v48, v21;
	v59 =	vadd.s32 $0x7878, v58;
	v1 =	vadd.f32 v47, v1;
	v47 =	vld.idx.msk [tilespmem:v55+s3+$0x0], $0xffff  }
0x326: {  	v50 =	vmul.f32 v50, v22;
	v2 =	vadd.f32 v2, v46;
	v6 =	vmul.f32 v6, v20;
	v46 =	vld.idx.msk [tilespmem:v56+s3+$0x0], $0xffff  }
0x327: {  	v58 =	vadd.s32 $0x4848, v40;
	v56 =	vld [tilespmem:$0x1FF80];
	v5 =	vmul.f32 v5, v19;
	v3 =	vadd.f32 v7, v3  }
0x328: {  	v61 =	vadd.s32 $0x4848, v31;
	v4 =	vld.idx.msk [tilespmem:v60+s3+$0x0], $0xffff;
	v6 =	vadd.f32 v48, v6  }
0x329: {  	v60 =	vadd.s32 $0x4848, v33;
	v0 =	vld.idx.msk [tilespmem:v57+s3+$0x0], $0xffff;
	v5 =	vadd.f32 v5, v50;
	v1 =	vadd.f32 v3, v1  }
0x32a: {  	v10 =	vld.idx.msk [tilespmem:v59+s3+$0x0], $0xffff;
	v59 =	vadd.s32 $0x4848, v39  }
0x32b: {  	v7 =	vld.idx.msk [tilespmem:v9+s3+$0x0], $0xffff;
	v5 =	vadd.f32 v6, v5;
	v1 =	vadd.f32 v1, v2  }
0x32c: {  	v57 =	vadd.s32 $0x4848, v38;
	v48 =	vld.idx.msk [tilespmem:v58+s3+$0x0], $0xffff  }
0x32d: {  	v58 =	vadd.s32 $0x4848, v36;
	v2 =	vld.idx.msk [tilespmem:v61+s3+$0x0], $0xffff;
	v1 =	vadd.f32 v5, v1  }
0x32e: {  	v61 =	vadd.s32 $0x4848, v32;
	v49 =	vld.idx.msk [tilespmem:v60+s3+$0x0], $0xffff  }
0x32f: {  	v54 =	vadd.s32 $0x4848, v23;
	v3 =	vld.idx.msk [tilespmem:v59+s3+$0x0], $0xffff;
	[tilespmem:s15+$0x30] =	vst v1  }
0x330: {  	v47 =	vmul.f32 v47, v15;
	v60 =	vadd.s32 $0x4848, v34;
	v7 =	vmul.f32 v7, v17;
	v53 =	vld [tilespmem:s14+$0x130]  }
0x331: {  	v8 =	vadd.f32 v8, v52;
	v4 =	vadd.f32 v51, v4;
	v59 =	vadd.s32 $0x4848, v35;
	v6 =	vld.idx.msk [tilespmem:v57+s3+$0x0], $0xffff  }
0x332: {  	v0 =	vadd.f32 v48, v0;
	v7 =	vadd.f32 v47, v7;
	v57 =	vadd.s32 $0x4848, v30;
	v5 =	vld.idx.msk [tilespmem:v58+s3+$0x0], $0xffff  }
0x333: {  	v4 =	vadd.f32 v4, v8;
	v2 =	vmul.f32 v2, v16;
	v58 =	vadd.s32 $0x4848, v27;
	v47 =	vld.idx.msk [tilespmem:v61+s3+$0x0], $0xffff  }
0x334: {  	v61 =	vadd.s32 $0x4848, v24;
	v8 =	vld.idx.msk [tilespmem:v54+s3+$0x0], $0xffff;
	v49 =	vmul.f32 v49, v18;
	v3 =	vadd.f32 v46, v3  }
0x335: {  	v1 =	vld.idx.msk [tilespmem:v60+s3+$0x0], $0xffff;
	v60 =	vadd.s32 $0x4848, v25  }
0x336: {  	v50 =	vld.idx.msk [tilespmem:v59+s3+$0x0], $0xffff;
	v59 =	vadd.s32 $0x4848, v26;
	v2 =	vadd.f32 v2, v49;
	v0 =	vadd.f32 v3, v0  }
0x337: {  	v13 =	vadd.s32 $0x7878, v13;
	v3 =	vld.idx.msk [tilespmem:v57+s3+$0x0], $0xffff  }
0x338: {  	v49 =	vld.idx.msk [tilespmem:v58+s3+$0x0], $0xffff;
	v2 =	vadd.f32 v7, v2;
	v0 =	vadd.f32 v0, v4  }
0x339: {  	v7 =	vadd.s32 $0x5050, v44;
	v48 =	vld.idx.msk [tilespmem:v61+s3+$0x0], $0xffff  }
0x33a: {  	v57 =	vadd.s32 $0x5050, v43;
	v46 =	vld.idx.msk [tilespmem:v60+s3+$0x0], $0xffff;
	v0 =	vadd.f32 v2, v0  }
0x33b: {  	v58 =	vadd.s32 $0x5050, v42;
	v4 =	vld.idx.msk [tilespmem:v59+s3+$0x0], $0xffff  }
0x33c: {  	v13 =	vld.idx.msk [tilespmem:v13+s3+$0x0], $0xffff;
	v55 =	vadd.s32 $0x5050, v33;
	v61 =	vadd.s32 $0x5050, v39;
	[tilespmem:s15+$0x120] =	vst v0  }
0x33d: {  	v9 =	vadd.s32 $0x7878, v56;
	v6 =	vadd.f32 v6, v53;
	v60 =	vadd.s32 $0x5050, v40;
	v52 =	vld [tilespmem:s14+$0x220]  }
0x33e: {  	v1 =	vadd.f32 v47, v1;
	v59 =	vadd.s32 $0x5050, v41;
	v5 =	vadd.f32 v50, v5;
	v7 =	vld.idx.msk [tilespmem:v7+s3+$0x0], $0xffff  }
0x33f: {  	v49 =	vmul.f32 v49, v22;
	v48 =	vmul.f32 v48, v21;
	v3 =	vadd.f32 v8, v3;
	v2 =	vld.idx.msk [tilespmem:v57+s3+$0x0], $0xffff  }
0x340: {  	v56 =	vadd.s32 $0x5050, v31;
	v46 =	vmul.f32 v46, v20;
	v51 =	vld.idx.msk [tilespmem:v58+s3+$0x0], $0xffff;
	v4 =	vmul.f32 v4, v19  }
0x341: {  	v5 =	vadd.f32 v5, v6;
	v57 =	vadd.s32 $0x5050, v29;
	v1 =	vadd.f32 v3, v1;
	v3 =	vld.idx.msk [tilespmem:v61+s3+$0x0], $0xffff  }
0x342: {  	v58 =	vadd.s32 $0x5050, v28;
	v50 =	vld.idx.msk [tilespmem:v55+s3+$0x0], $0xffff;
	v46 =	vadd.f32 v48, v46;
	v4 =	vadd.f32 v4, v49  }
0x343: {  	v0 =	vld.idx.msk [tilespmem:v59+s3+$0x0], $0xffff;
	v59 =	vadd.s32 $0x5050, v37  }
0x344: {  	v48 =	vld.idx.msk [tilespmem:v60+s3+$0x0], $0xffff;
	v1 =	vadd.f32 v1, v5;
	v4 =	vadd.f32 v46, v4  }
0x345: {  	v60 =	vadd.s32 $0x5050, v38;
	v5 =	vld.idx.msk [tilespmem:v56+s3+$0x0], $0xffff  }
0x346: {  	v8 =	vld.idx.msk [tilespmem:v57+s3+$0x0], $0xffff;
	v57 =	vadd.s32 $0x5050, v35;
	v1 =	vadd.f32 v4, v1  }
0x347: {  	v61 =	vld.idx.msk [tilespmem:v58+s3+$0x0], $0xffff;
	v58 =	vadd.s32 $0x5050, v34  }
0x348: {  	v2 =	vadd.f32 v51, v2;
	v51 =	vadd.s32 $0x5050, v27;
	v6 =	vld.idx.msk [tilespmem:v59+s3+$0x0], $0xffff;
	[tilespmem:s15+$0x130] =	vst v1  }
0x349: {  	v4 =	vadd.s32 $0x5050, v36;
	v53 =	vld [tilespmem:s14+$0x230]  }
0x34a: {  	v59 =	vadd.s32 $0x5050, v32;
	v46 =	vld.idx.msk [tilespmem:v60+s3+$0x0], $0xffff  }
0x34b: {  	v60 =	vadd.s32 $0x5050, v30;
	v49 =	vld.idx.msk [tilespmem:v57+s3+$0x0], $0xffff  }
0x34c: {  	v50 =	vmul.f32 v50, v18;
	v7 =	vadd.f32 v7, v52;
	v0 =	vadd.f32 v48, v0;
	v1 =	vld.idx.msk [tilespmem:v58+s3+$0x0], $0xffff  }
0x34d: {  	v8 =	vmul.f32 v8, v17;
	v47 =	vmul.f32 v61, v15;
	v61 =	vadd.s32 $0x5050, v26;
	v51 =	vld.idx.msk [tilespmem:v51+s3+$0x0], $0xffff  }
0x34e: {  	v5 =	vmul.f32 v5, v16;
	v57 =	vadd.s32 $0x5050, v25;
	v3 =	vadd.f32 v6, v3;
	v4 =	vld.idx.msk [tilespmem:v4+s3+$0x0], $0xffff  }
0x34f: {  	v2 =	vadd.f32 v2, v7;
	v58 =	vadd.s32 $0x5050, v24;
	v8 =	vadd.f32 v47, v8;
	v47 =	vld.idx.msk [tilespmem:v59+s3+$0x0], $0xffff  }
0x350: {  	v12 =	vadd.s32 $0x7878, v12;
	v5 =	vadd.f32 v5, v50;
	v0 =	vadd.f32 v3, v0;
	v3 =	vld.idx.msk [tilespmem:v60+s3+$0x0], $0xffff  }
0x351: {  	v59 =	vadd.s32 $0x5050, v23;
	v60 =	vld [tilespmem:$0x1FF90]  }
0x352: {  	v52 =	vadd.s32 $0x5858, v44;
	v5 =	vadd.f32 v8, v5;
	v0 =	vadd.f32 v0, v2;
	v2 =	vld.idx.msk [tilespmem:v61+s3+$0x0], $0xffff  }
0x353: {  	v6 =	vld.idx.msk [tilespmem:v57+s3+$0x0], $0xffff;
	v61 =	vadd.s32 $0x5858, v43  }
0x354: {  	v48 =	vld.idx.msk [tilespmem:v58+s3+$0x0], $0xffff;
	v57 =	vadd.s32 $0x5858, v42;
	v0 =	vadd.f32 v5, v0  }
0x355: {  	v12 =	vld.idx.msk [tilespmem:v12+s3+$0x0], $0xffff;
	v58 =	vadd.s32 $0x5858, v41  }
0x356: {  	v7 =	vld.idx.msk [tilespmem:v59+s3+$0x0], $0xffff;
	v59 =	vadd.s32 $0x5858, v40;
	[tilespmem:s15+$0x220] =	vst v0  }
0x357: {  	v50 =	vadd.s32 $0x7878, v60;
	v52 =	vld.idx.msk [tilespmem:v52+s3+$0x0], $0xffff  }
0x358: {  	v46 =	vadd.f32 v46, v53;
	v51 =	vmul.f32 v51, v22;
	v4 =	vadd.f32 v49, v4;
	v5 =	vld.idx.msk [tilespmem:v61+s3+$0x0], $0xffff  }
0x359: {  	v60 =	vadd.s32 $0x5858, v39;
	v6 =	vmul.f32 v6, v20;
	v48 =	vmul.f32 v48, v21;
	v54 =	vld.idx.msk [tilespmem:v57+s3+$0x0], $0xffff  }
0x35a: {  	v1 =	vadd.f32 v47, v1;
	v2 =	vmul.f32 v2, v19;
	v61 =	vadd.s32 $0x5858, v33;
	v0 =	vld.idx.msk [tilespmem:v58+s3+$0x0], $0xffff  }
0x35b: {  	v58 =	vadd.s32 $0x5858, v29;
	v3 =	vadd.f32 v7, v3;
	v6 =	vadd.f32 v48, v6;
	v48 =	vld.idx.msk [tilespmem:v59+s3+$0x0], $0xffff  }
0x35c: {  	v4 =	vadd.f32 v4, v46;
	v57 =	vadd.s32 $0x5858, v31;
	v8 =	vld.idx.msk [tilespmem:v50+s3+$0x0], $0xffff  }
0x35d: {  	v2 =	vadd.f32 v2, v51;
	v59 =	vadd.s32 $0x5858, v28;
	v1 =	vadd.f32 v3, v1;
	v50 =	vld [tilespmem:s14+$0x320]  }
0x35e: {  	v3 =	vld.idx.msk [tilespmem:v60+s3+$0x0], $0xffff;
	v60 =	vadd.s32 $0x5858, v37  }
0x35f: {  	v2 =	vadd.f32 v6, v2;
	v49 =	vld.idx.msk [tilespmem:v61+s3+$0x0], $0xffff;
	v1 =	vadd.f32 v1, v4  }
0x360: {  	v61 =	vadd.s32 $0x5858, v38;
	v7 =	vld.idx.msk [tilespmem:v58+s3+$0x0], $0xffff  }
0x361: {  	v4 =	vld.idx.msk [tilespmem:v57+s3+$0x0], $0xffff;
	v57 =	vadd.s32 $0x5858, v36;
	v1 =	vadd.f32 v2, v1  }
0x362: {  	v5 =	vadd.f32 v54, v5;
	v54 =	vadd.s32 $0x5858, v27;
	v58 =	vld.idx.msk [tilespmem:v59+s3+$0x0], $0xffff  }
0x363: {  	v59 =	vadd.s32 $0x5858, v35;
	v46 =	vld.idx.msk [tilespmem:v60+s3+$0x0], $0xffff;
	[tilespmem:s15+$0x230] =	vst v1  }
0x364: {  	v55 =	vadd.s32 $0x5858, v32;
	v53 =	vld [tilespmem:s14+$0x330]  }
0x365: {  	v1 =	vadd.s32 $0x5858, v34;
	v6 =	vld.idx.msk [tilespmem:v61+s3+$0x0], $0xffff  }
0x366: {  	v0 =	vadd.f32 v48, v0;
	v50 =	vadd.f32 v52, v50;
	v2 =	vld.idx.msk [tilespmem:v57+s3+$0x0], $0xffff;
	v57 =	vadd.s32 $0x5858, v25  }
0x367: {  	v60 =	vadd.s32 $0x5858, v30;
	v7 =	vmul.f32 v7, v17;
	v52 =	vld.idx.msk [tilespmem:v54+s3+$0x0], $0xffff;
	v47 =	vmul.f32 v58, v15  }
0x368: {  	v49 =	vmul.f32 v49, v18;
	v4 =	vmul.f32 v4, v16;
	v51 =	vld.idx.msk [tilespmem:v59+s3+$0x0], $0xffff;
	v58 =	vadd.s32 $0x5858, v24  }
0x369: {  	v61 =	vadd.s32 $0x5858, v26;
	v7 =	vadd.f32 v47, v7;
	v47 =	vld.idx.msk [tilespmem:v55+s3+$0x0], $0xffff;
	v3 =	vadd.f32 v46, v3  }
0x36a: {  	v5 =	vadd.f32 v5, v50;
	v1 =	vld.idx.msk [tilespmem:v1+s3+$0x0], $0xffff  }
0x36b: {  	v59 =	vadd.s32 $0x5858, v23;
	v4 =	vadd.f32 v4, v49;
	v46 =	vld.idx.msk [tilespmem:v57+s3+$0x0], $0xffff;
	v0 =	vadd.f32 v3, v0  }
0x36c: {  	v3 =	vld.idx.msk [tilespmem:v60+s3+$0x0], $0xffff  }
0x36d: {  	v54 =	vadd.s32 $0x6060, v44;
	v4 =	vadd.f32 v7, v4;
	v48 =	vld.idx.msk [tilespmem:v58+s3+$0x0], $0xffff;
	v0 =	vadd.f32 v0, v5  }
0x36e: {  	v5 =	vld.idx.msk [tilespmem:v61+s3+$0x0], $0xffff;
	v61 =	vadd.s32 $0x6060, v43  }
0x36f: {  	v55 =	vadd.s32 $0x6060, v42;
	v60 =	vld [tilespmem:$0x1FFA0];
	v0 =	vadd.f32 v4, v0  }
0x370: {  	v56 =	vadd.s32 $0x6060, v40;
	v49 =	vld.idx.msk [tilespmem:v59+s3+$0x0], $0xffff  }
0x371: {  	v9 =	vld.idx.msk [tilespmem:v9+s3+$0x0], $0xffff;
	v58 =	vadd.s32 $0x6060, v29;
	[tilespmem:s15+$0x320] =	vst v0  }
0x372: {  	v6 =	vadd.f32 v6, v53;
	v59 =	vadd.s32 $0x6060, v28;
	v54 =	vld.idx.msk [tilespmem:v54+s3+$0x0], $0xffff  }
0x373: {  	v57 =	vadd.s32 $0x6060, v31;
	v46 =	vmul.f32 v46, v20;
	v48 =	vmul.f32 v48, v21;
	v4 =	vld.idx.msk [tilespmem:v61+s3+$0x0], $0xffff  }
0x374: {  	v2 =	vadd.f32 v51, v2;
	v1 =	vadd.f32 v47, v1;
	v50 =	vadd.s32 $0x7878, v60;
	v55 =	vld.idx.msk [tilespmem:v55+s3+$0x0], $0xffff  }
0x375: {  	v60 =	vadd.s32 $0x6060, v39;
	v3 =	vadd.f32 v49, v3;
	v46 =	vadd.f32 v48, v46;
	v48 =	vld.idx.msk [tilespmem:v56+s3+$0x0], $0xffff  }
0x376: {  	v52 =	vmul.f32 v52, v22;
	v2 =	vadd.f32 v2, v6;
	v47 =	vld.idx.msk [tilespmem:v58+s3+$0x0], $0xffff  }
0x377: {  	v5 =	vmul.f32 v5, v19;
	v61 =	vadd.s32 $0x6060, v33;
	v1 =	vadd.f32 v3, v1;
	v49 =	vld.idx.msk [tilespmem:v59+s3+$0x0], $0xffff  }
0x378: {  	v59 =	vld [tilespmem:$0x1FFB0]  }
0x379: {  	v0 =	vadd.s32 $0x6060, v41;
	v5 =	vadd.f32 v5, v52;
	v1 =	vadd.f32 v1, v2;
	v2 =	vld.idx.msk [tilespmem:v57+s3+$0x0], $0xffff  }
0x37a: {  	v3 =	vld.idx.msk [tilespmem:v60+s3+$0x0], $0xffff;
	v60 =	vadd.s32 $0x6060, v37  }
0x37b: {  	v7 =	vld.idx.msk [tilespmem:v50+s3+$0x0], $0xffff;
	v5 =	vadd.f32 v46, v5  }
0x37c: {  	v51 =	vld.idx.msk [tilespmem:v61+s3+$0x0], $0xffff;
	v61 =	vadd.s32 $0x6060, v38  }
0x37d: {  	v52 =	vadd.s32 $0x6060, v35;
	v50 =	vld [tilespmem:s14+$0x420];
	v1 =	vadd.f32 v5, v1  }
0x37e: {  	v0 =	vld.idx.msk [tilespmem:v0+s3+$0x0], $0xffff;
	v4 =	vadd.f32 v55, v4;
	v55 =	vadd.s32 $0x6060, v27  }
0x37f: {  	v5 =	vadd.s32 $0x6060, v36;
	v6 =	vld.idx.msk [tilespmem:v60+s3+$0x0], $0xffff;
	[tilespmem:s15+$0x330] =	vst v1  }
0x380: {  	v60 =	vadd.s32 $0x6060, v32;
	v53 =	vld [tilespmem:s14+$0x430]  }
0x381: {  	v58 =	vadd.s32 $0x6060, v25;
	v46 =	vld.idx.msk [tilespmem:v61+s3+$0x0], $0xffff;
	v61 =	vadd.s32 $0x6060, v30  }
0x382: {  	v57 =	vadd.s32 $0x6060, v26;
	v47 =	vmul.f32 v47, v17;
	v49 =	vmul.f32 v49, v15;
	v52 =	vld.idx.msk [tilespmem:v52+s3+$0x0], $0xffff  }
0x383: {  	v2 =	vmul.f32 v2, v16;
	v1 =	vadd.s32 $0x6060, v34;
	v50 =	vadd.f32 v54, v50;
	v54 =	vld.idx.msk [tilespmem:v55+s3+$0x0], $0xffff  }
0x384: {  	v0 =	vadd.f32 v48, v0;
	v51 =	vmul.f32 v51, v18;
	v5 =	vld.idx.msk [tilespmem:v5+s3+$0x0], $0xffff;
	v3 =	vadd.f32 v6, v3  }
0x385: {  	v47 =	vadd.f32 v49, v47;
	v4 =	vadd.f32 v4, v50;
	v48 =	vld.idx.msk [tilespmem:v60+s3+$0x0], $0xffff;
	v60 =	vadd.s32 $0x6060, v24  }
0x386: {  	v2 =	vadd.f32 v2, v51;
	v0 =	vadd.f32 v3, v0;
	v3 =	vld.idx.msk [tilespmem:v61+s3+$0x0], $0xffff;
	v61 =	vadd.s32 $0x6060, v23  }
0x387: {  	v55 =	vld.idx.msk [tilespmem:v58+s3+$0x0], $0xffff;
	v51 =	vadd.s32 $0x7878, v59  }
0x388: {  	v1 =	vld.idx.msk [tilespmem:v1+s3+$0x0], $0xffff;
	v2 =	vadd.f32 v47, v2;
	v0 =	vadd.f32 v0, v4  }
0x389: {  	v47 =	vadd.s32 $0x6868, v44;
	v4 =	vld.idx.msk [tilespmem:v57+s3+$0x0], $0xffff  }
0x38a: {  	v5 =	vadd.f32 v52, v5;
	v52 =	vadd.s32 $0x6868, v33;
	v49 =	vld.idx.msk [tilespmem:v60+s3+$0x0], $0xffff;
	v0 =	vadd.f32 v2, v0  }
0x38b: {  	v60 =	vadd.s32 $0x6868, v42;
	v50 =	vld.idx.msk [tilespmem:v61+s3+$0x0], $0xffff  }
0x38c: {  	v59 =	vadd.s32 $0x6868, v37;
	v6 =	vld.idx.msk [tilespmem:v51+s3+$0x0], $0xffff;
	[tilespmem:s15+$0x420] =	vst v0  }
0x38d: {  	v46 =	vadd.f32 v46, v53;
	v2 =	vadd.s32 $0x6868, v43;
	v51 =	vld [tilespmem:s14+$0x520]  }
0x38e: {  	v54 =	vmul.f32 v54, v22;
	v55 =	vmul.f32 v55, v20;
	v61 =	vadd.s32 $0x6868, v41;
	v47 =	vld.idx.msk [tilespmem:v47+s3+$0x0], $0xffff  }
0x38f: {  	v57 =	vadd.s32 $0x6868, v40;
	v1 =	vadd.f32 v48, v1;
	v4 =	vmul.f32 v4, v19;
	v52 =	vld.idx.msk [tilespmem:v52+s3+$0x0], $0xffff  }
0x390: {  	v49 =	vmul.f32 v49, v21;
	v56 =	vld.idx.msk [tilespmem:v60+s3+$0x0], $0xffff;
	v60 =	vadd.s32 $0x6868, v31;
	v3 =	vadd.f32 v50, v3  }
0x391: {  	v53 =	vadd.s32 $0x6868, v39;
	v5 =	vadd.f32 v5, v46;
	v46 =	vld.idx.msk [tilespmem:v59+s3+$0x0], $0xffff;
	v4 =	vadd.f32 v4, v54  }
0x392: {  	v58 =	vadd.s32 $0x6868, v28;
	v2 =	vld.idx.msk [tilespmem:v2+s3+$0x0], $0xffff;
	v49 =	vadd.f32 v49, v55;
	v1 =	vadd.f32 v3, v1  }
0x393: {  	v0 =	vld.idx.msk [tilespmem:v61+s3+$0x0], $0xffff;
	v61 =	vadd.s32 $0x6868, v29  }
0x394: {  	v54 =	vld.idx.msk [tilespmem:v57+s3+$0x0], $0xffff;
	v4 =	vadd.f32 v49, v4;
	v1 =	vadd.f32 v1, v5  }
0x395: {  	v5 =	vld.idx.msk [tilespmem:v60+s3+$0x0], $0xffff;
	v60 =	vadd.s32 $0x6868, v38  }
0x396: {  	v3 =	vld.idx.msk [tilespmem:v53+s3+$0x0], $0xffff;
	v53 =	vadd.s32 $0x6868, v35;
	v1 =	vadd.f32 v4, v1  }
0x397: {  	v50 =	vld.idx.msk [tilespmem:v58+s3+$0x0], $0xffff;
	v2 =	vadd.f32 v56, v2;
	v56 =	vadd.s32 $0x6868, v27  }
0x398: {  	v49 =	vld.idx.msk [tilespmem:v61+s3+$0x0], $0xffff;
	v61 =	vadd.s32 $0x6868, v34;
	[tilespmem:s15+$0x430] =	vst v1  }
0x399: {  	v59 =	vadd.s32 $0x6868, v24;
	v4 =	vadd.s32 $0x6868, v36;
	v55 =	vld [tilespmem:s14+$0x530]  }
0x39a: {  	v57 =	vadd.s32 $0x6868, v32;
	v58 =	vadd.s32 $0x6868, v26;
	v47 =	vadd.f32 v47, v51;
	v48 =	vld.idx.msk [tilespmem:v60+s3+$0x0], $0xffff  }
0x39b: {  	v52 =	vmul.f32 v52, v18;
	v0 =	vadd.f32 v54, v0;
	v3 =	vadd.f32 v46, v3;
	v53 =	vld.idx.msk [tilespmem:v53+s3+$0x0], $0xffff  }
0x39c: {  	v50 =	vmul.f32 v50, v15;
	v2 =	vadd.f32 v2, v47;
	v5 =	vmul.f32 v5, v16;
	v54 =	vld.idx.msk [tilespmem:v56+s3+$0x0], $0xffff  }
0x39d: {  	v60 =	vadd.s32 $0x6868, v30;
	v0 =	vadd.f32 v3, v0;
	v49 =	vmul.f32 v49, v17;
	v1 =	vld.idx.msk [tilespmem:v61+s3+$0x0], $0xffff  }
0x39e: {  	v4 =	vld.idx.msk [tilespmem:v4+s3+$0x0], $0xffff;
	v5 =	vadd.f32 v5, v52  }
0x39f: {  	v61 =	vadd.s32 $0x6868, v25;
	v0 =	vadd.f32 v0, v2;
	v2 =	vld.idx.msk [tilespmem:v58+s3+$0x0], $0xffff;
	v49 =	vadd.f32 v50, v49  }
0x3a0: {  	v47 =	vadd.s32 $0x6868, v23;
	v52 =	vld.idx.msk [tilespmem:v59+s3+$0x0], $0xffff  }
0x3a1: {  	v50 =	vld.idx.msk [tilespmem:v57+s3+$0x0], $0xffff;
	v5 =	vadd.f32 v49, v5  }
0x3a2: {  	v3 =	vld.idx.msk [tilespmem:v60+s3+$0x0], $0xffff;
	v49 =	vadd.s32 $0x7070, v44  }
0x3a3: {  	v59 =	vadd.s32 $0x7070, v28;
	v60 =	vld [tilespmem:$0x1FFC0];
	v0 =	vadd.f32 v5, v0  }
0x3a4: {  	v46 =	vld.idx.msk [tilespmem:v61+s3+$0x0], $0xffff;
	v61 =	vadd.s32 $0x7070, v42  }
0x3a5: {  	v47 =	vld.idx.msk [tilespmem:v47+s3+$0x0], $0xffff;
	v5 =	vadd.s32 $0x7070, v43;
	[tilespmem:s15+$0x520] =	vst v0  }
0x3a6: {  	v4 =	vadd.f32 v53, v4;
	v53 =	vadd.s32 $0x7070, v33;
	v57 =	vld [tilespmem:s14+$0x620]  }
0x3a7: {  	v58 =	vadd.s32 $0x7070, v40;
	v48 =	vadd.f32 v48, v55;
	v49 =	vld.idx.msk [tilespmem:v49+s3+$0x0], $0xffff  }
0x3a8: {  	v1 =	vadd.f32 v50, v1;
	v51 =	vadd.s32 $0x7878, v60;
	v60 =	vadd.s32 $0x7070, v39;
	v50 =	vld.idx.msk [tilespmem:v59+s3+$0x0], $0xffff  }
0x3a9: {  	v54 =	vmul.f32 v54, v22;
	v2 =	vmul.f32 v2, v19;
	v0 =	vadd.s32 $0x7070, v41;
	v56 =	vld.idx.msk [tilespmem:v61+s3+$0x0], $0xffff  }
0x3aa: {  	v52 =	vmul.f32 v52, v21;
	v3 =	vadd.f32 v47, v3;
	v46 =	vmul.f32 v46, v20;
	v5 =	vld.idx.msk [tilespmem:v5+s3+$0x0], $0xffff  }
0x3ab: {  	v2 =	vadd.f32 v2, v54;
	v4 =	vadd.f32 v4, v48;
	v61 =	vadd.s32 $0x7070, v31;
	v53 =	vld.idx.msk [tilespmem:v53+s3+$0x0], $0xffff  }
0x3ac: {  	v47 =	vadd.s32 $0x7070, v29;
	v1 =	vadd.f32 v3, v1;
	v46 =	vadd.f32 v52, v46;
	v52 =	vld.idx.msk [tilespmem:v58+s3+$0x0], $0xffff  }
0x3ad: {  	v3 =	vld.idx.msk [tilespmem:v60+s3+$0x0], $0xffff;
	v60 =	vadd.s32 $0x7070, v37  }
0x3ae: {  	v0 =	vld.idx.msk [tilespmem:v0+s3+$0x0], $0xffff;
	v1 =	vadd.f32 v1, v4;
	v2 =	vadd.f32 v46, v2  }
0x3af: {  	v54 =	vadd.s32 $0x7070, v35;
	v51 =	vld.idx.msk [tilespmem:v51+s3+$0x0], $0xffff  }
0x3b0: {  	v4 =	vld.idx.msk [tilespmem:v61+s3+$0x0], $0xffff;
	v61 =	vadd.s32 $0x7070, v38;
	v1 =	vadd.f32 v2, v1  }
0x3b1: {  	v47 =	vld.idx.msk [tilespmem:v47+s3+$0x0], $0xffff;
	v2 =	vadd.s32 $0x7070, v36  }
0x3b2: {  	v5 =	vadd.f32 v56, v5;
	v56 =	vadd.s32 $0x7070, v27;
	[tilespmem:s15+$0x530] =	vst v1;
	v48 =	vld.idx.msk [tilespmem:v60+s3+$0x0], $0xffff  }
0x3b3: {  	v1 =	vadd.s32 $0x7070, v34;
	v55 =	vld [tilespmem:s14+$0x630]  }
0x3b4: {  	v60 =	vadd.s32 $0x7070, v32;
	v54 =	vld.idx.msk [tilespmem:v54+s3+$0x0], $0xffff  }
0x3b5: {  	v59 =	vadd.s32 $0x7070, v26;
	v50 =	vmul.f32 v50, v15;
	v46 =	vld.idx.msk [tilespmem:v61+s3+$0x0], $0xffff;
	v61 =	vadd.s32 $0x7070, v30  }
0x3b6: {  	v49 =	vadd.f32 v49, v57;
	v53 =	vmul.f32 v53, v18;
	v47 =	vmul.f32 v47, v17;
	v2 =	vld.idx.msk [tilespmem:v2+s3+$0x0], $0xffff  }
0x3b7: {  	v0 =	vadd.f32 v52, v0;
	v4 =	vmul.f32 v4, v16;
	v56 =	vld.idx.msk [tilespmem:v56+s3+$0x0], $0xffff;
	v3 =	vadd.f32 v48, v3  }
0x3b8: {  	v52 =	vadd.s32 $0x7070, v24;
	v5 =	vadd.f32 v5, v49;
	v47 =	vadd.f32 v50, v47;
	v1 =	vld.idx.msk [tilespmem:v1+s3+$0x0], $0xffff  }
0x3b9: {  	v4 =	vadd.f32 v4, v53;
	v48 =	vadd.s32 $0x7070, v25;
	v50 =	vld.idx.msk [tilespmem:v60+s3+$0x0], $0xffff;
	v0 =	vadd.f32 v3, v0  }
0x3ba: {  	v60 =	vadd.s32 $0x7070, v23;
	v3 =	vld.idx.msk [tilespmem:v61+s3+$0x0], $0xffff  }
0x3bb: {  	v4 =	vadd.f32 v47, v4;
	v61 =	vld [tilespmem:$0x1FFD0];
	v0 =	vadd.f32 v0, v5  }
0x3bc: {  	v44 =	vadd.s32 $0x7878, v44;
	v5 =	vld.idx.msk [tilespmem:v59+s3+$0x0], $0xffff  }
0x3bd: {  	v58 =	vadd.s32 $0x7878, v43;
	v59 =	vld.idx.msk [tilespmem:v52+s3+$0x0], $0xffff;
	v0 =	vadd.f32 v4, v0  }
0x3be: {  	v42 =	vadd.s32 $0x7878, v42;
	v57 =	vld.idx.msk [tilespmem:v48+s3+$0x0], $0xffff  }
0x3bf: {  	v41 =	vadd.s32 $0x7878, v41;
	v60 =	vld.idx.msk [tilespmem:v60+s3+$0x0], $0xffff;
	[tilespmem:s15+$0x620] =	vst v0  }
0x3c0: {  	v39 =	vadd.s32 $0x7878, v39;
	v49 =	vld [tilespmem:s14+$0x720]  }
0x3c1: {  	v33 =	vadd.s32 $0x7878, v33;
	v44 =	vld.idx.msk [tilespmem:v44+s3+$0x0], $0xffff  }
0x3c2: {  	v31 =	vadd.s32 $0x7878, v31;
	v4 =	vld.idx.msk [tilespmem:v58+s3+$0x0], $0xffff  }
0x3c3: {  	v29 =	vadd.s32 $0x7878, v29;
	v46 =	vadd.f32 v46, v55;
	v42 =	vld.idx.msk [tilespmem:v42+s3+$0x0], $0xffff  }
0x3c4: {  	v28 =	vadd.s32 $0x7878, v28;
	v2 =	vadd.f32 v54, v2;
	v1 =	vadd.f32 v50, v1;
	v41 =	vld.idx.msk [tilespmem:v41+s3+$0x0], $0xffff  }
0x3c5: {  	v53 =	vadd.s32 $0x7878, v61;
	v61 =	vmul.f32 v56, v22;
	v5 =	vmul.f32 v5, v19;
	v39 =	vld.idx.msk [tilespmem:v39+s3+$0x0], $0xffff  }
0x3c6: {  	v43 =	vmul.f32 v59, v21;
	v33 =	vld.idx.msk [tilespmem:v33+s3+$0x0], $0xffff;
	v47 =	vmul.f32 v57, v20;
	v3 =	vadd.f32 v60, v3  }
0x3c7: {  	v2 =	vadd.f32 v2, v46;
	v55 =	vld.idx.msk [tilespmem:v31+s3+$0x0], $0xffff;
	v5 =	vadd.f32 v5, v61  }
0x3c8: {  	v40 =	vadd.s32 $0x7878, v40;
	v29 =	vld.idx.msk [tilespmem:v29+s3+$0x0], $0xffff;
	v43 =	vadd.f32 v43, v47;
	v1 =	vadd.f32 v3, v1  }
0x3c9: {  	v37 =	vadd.s32 $0x7878, v37;
	v59 =	vld [tilespmem:$0x1FFE0]  }
0x3ca: {  	v57 =	vld.idx.msk [tilespmem:v28+s3+$0x0], $0xffff;
	v5 =	vadd.f32 v43, v5;
	v1 =	vadd.f32 v1, v2  }
0x3cb: {  	v54 =	vadd.s32 $0x7878, v38;
	v60 =	vld [tilespmem:$0x1FFF0]  }
0x3cc: {  	v56 =	vadd.s32 $0x7878, v36;
	v0 =	vld.idx.msk [tilespmem:v53+s3+$0x0], $0xffff;
	v1 =	vadd.f32 v5, v1  }
0x3cd: {  	v35 =	vadd.s32 $0x7878, v35;
	v53 =	vld.idx.msk [tilespmem:v40+s3+$0x0], $0xffff  }
0x3ce: {  	v58 =	vadd.s32 $0x7878, v34;
	v2 =	vld.idx.msk [tilespmem:v37+s3+$0x0], $0xffff;
	[tilespmem:s15+$0x630] =	vst v1  }
0x3cf: {  	v32 =	vadd.s32 $0x7878, v32;
	v61 =	vld [tilespmem:s14+$0x730]  }
0x3d0: {  	v30 =	vadd.s32 $0x7878, v30;
	v37 =	vld.idx.msk [tilespmem:v54+s3+$0x0], $0xffff  }
0x3d1: {  	v27 =	vadd.s32 $0x7878, v27;
	v0 =	vmul.f32 v0, v63;
	v63 =	vld.idx.msk [tilespmem:v56+s3+$0x0], $0xffff  }
0x3d2: {  	v14 =	vadd.f32 v14, v45;
	v12 =	vadd.f32 v12, v13;
	v25 =	vadd.s32 $0x7878, v25;
	v31 =	vld.idx.msk [tilespmem:v35+s3+$0x0], $0xffff  }
0x3d3: {  	v10 =	vadd.f32 v10, v11;
	v8 =	vadd.f32 v8, v9;
	v43 =	vadd.s32 $0x7878, v24;
	v38 =	vld.idx.msk [tilespmem:v58+s3+$0x0], $0xffff  }
0x3d4: {  	v12 =	vadd.f32 v12, v14;
	v23 =	vadd.s32 $0x7878, v23;
	v40 =	vld.idx.msk [tilespmem:v32+s3+$0x0], $0xffff  }
0x3d5: {  	v8 =	vadd.f32 v8, v10;
	v62 =	vmul.f32 v51, v62;
	v35 =	vadd.s32 $0x7878, v26;
	v45 =	vld.idx.msk [tilespmem:v30+s3+$0x0], $0xffff  }
0x3d6: {  	v7 =	vmul.f32 v7, v59;
	v52 =	vadd.f32 v44, v49;
	v4 =	vadd.f32 v42, v4;
	v47 =	vld.idx.msk [tilespmem:v27+s3+$0x0], $0xffff  }
0x3d7: {  	v46 =	vadd.f32 v8, v12;
	v48 =	vmul.f32 v33, v18;
	v6 =	vmul.f32 v6, v60;
	v50 =	vld.idx.msk [tilespmem:v25+s3+$0x0], $0xffff  }
0x3d8: {  	v51 =	vmul.f32 v29, v17;
	v5 =	vmul.f32 v55, v16;
	v4 =	vadd.f32 v4, v52;
	v14 =	vld.idx.msk [tilespmem:v43+s3+$0x0], $0xffff  }
0x3d9: {  	v6 =	vadd.f32 v6, v7;
	v3 =	vadd.f32 v53, v41;
	v1 =	vmul.f32 v57, v15;
	v53 =	vld.idx.msk [tilespmem:v23+s3+$0x0], $0xffff  }
0x3da: {  	v0 =	vadd.f32 v0, v62;
	v2 =	vadd.f32 v2, v39;
	v11 =	vld.idx.msk [tilespmem:v35+s3+$0x0], $0xffff  }
0x3db: {  	v5 =	vadd.f32 v5, v48;
	v1 =	vadd.f32 v1, v51  }
0x3dc: {  	v0 =	vadd.f32 v0, v6;
	v2 =	vadd.f32 v2, v3  }
0x3dd: {  	v1 =	vadd.f32 v1, v5;
	v54 =	vmul.f32 v47, v22;
	v56 =	vmul.f32 v50, v20  }
0x3de: {  	v57 =	vmul.f32 v14, v21;
	v58 =	vadd.f32 v37, v61;
	v9 =	vadd.f32 v31, v63  }
0x3df: {  	v7 =	vadd.f32 v40, v38;
	v59 =	vadd.f32 v53, v45;
	v55 =	vmul.f32 v11, v19  }
0x3e0: {  	v60 =	vadd.f32 v57, v56;
	v61 =	vadd.f32 v9, v58  }
0x3e1: {  	s13 =	sadd.s32 $0x4, s13;
	v7 =	vadd.f32 v59, v7;
	v3 =	vadd.f32 v55, v54  }
0x3e2: {  	p0 =	slt.u32 s13, $0xC;
	v0 =	vadd.f32 v0, v46;
	v2 =	vadd.f32 v2, v4  }
.Ltmp0:
0x3e3: {  	v62 =	vadd.f32 v7, v61;
	v3 =	vadd.f32 v60, v3;
	(pc) =	sbr.rel @p0 .LBB2_3-.Ltmp0, $4  }
0x3e4: {  	v1 =	vadd.f32 v1, v2  }
0x3e5: {  	[tilespmem:s15+$0x710] =	vst v0;
	v63 =	vadd.f32 v3, v62  }
0x3e6: {  	s18 =	sadd.s32 $0x40, s18;
	[tilespmem:s15+$0x720] =	vst v1  }
0x3e7: {  	s10 =	sadd.s32 $0x40, s10;
	s14 =	sadd.s32 $0x40, s14;
	[tilespmem:s15+$0x730] =	vst v63;
	s15 =	sadd.s32 $0x40, s15  }
0x3e8: {  	s10 =	sshll.u32 s12, $0x9  }
0x3e9: {  	s10 =	sor.u32 s10, s8  }
0x3ea: {  	s13 =	sshll.u32 s12, $0x1;
	s14 =	sshrl.u32 s10, $0x3  }
0x3eb: {  	s19 =	smin.u32 s13, $0x1D;
	s10 =	sadd.s32 s2, s14  }
0x3ec: {  	[hbm4b:s10+s20] =	stream.strided.scatter [tilespmem:s22], [sflag:$0x3], $0x1000, s21, s20, $0x38;
	[tilespmem:$0xF080] =	vst v63  }
0x3ed: {  	s10 =	sshll.u32 s19, $0x8  }
0x3ee: {  	s10 =	sadd.s32 s10, s16  }
0x3ef: {  	s11 =	sshrl.u32 s10, $0x3  }
0x3f0: {  	s10 =	sor.u32 s6, s10;
	s15 =	sadd.s32 s4, s11  }
0x3f1: {  	[tilespmem:s24], [sflag:$0x1] =	stream.strided.gather [hbm4b:s15+s20], $0x1000, s21, s20, $0x38;
	[tilespmem:$0xF080] =	vst v63  }
0x3f2: {  	s11 =	sadd.s32 s5, s11;
	s10 =	sshrl.u32 s10, $0x3  }
0x3f3: {  	[tilespmem:s25], [sflag:$0x1] =	stream.strided.gather [hbm4b:s11+s20], $0x800, s21, s20, $0x38;
	[tilespmem:$0xF080] =	vst v63  }
0x3f4: {  	s10 =	sadd.s32 s7, s10  }
0x3f5: {  	[tilespmem:s26], [sflag:$0x1] =	stream.strided.gather [hbm4b:s10+s20], $0x1000, s21, s20, $0x38;
	[tilespmem:$0xF080] =	vst v63  }
0x3f6: {  	_ =	swait.ge [sflag:s0], $0x1000  }
0x3f7: {  	[sflag:s0] =	ssyncset.done $0x0  }
0x3f8: {  	[sflag:s0] =	ssyncadd.s32 $0xFFFFF000  }
0x3f9: {  	_ =	swait.ge [sflag:s0], $0x800  }
0x3fa: {  	[sflag:s0] =	ssyncset.done $0x0  }
0x3fb: {  	[sflag:s0] =	ssyncadd.s32 $0xFFFFF800  }
0x3fc: {  	_ =	swait.ge [sflag:s0], $0x1000  }
0x3fd: {  	[sflag:s0] =	ssyncset.done $0x0  }
0x3fe: {  	[sflag:s0] =	ssyncadd.s32 $0xFFFFF000  }
0x3ff: {  	s18 =	simm.s32 $0xC880;
	_ =	swait.ge [sflag:s9], $0x1000  }
0x400: {  	s19 =	simm.s32 $0xE880;
	s15 =	simm.s32 $0xFFFFFFFC;
	[sflag:s9] =	ssyncset.done $0x0  }
0x401: {  	s11 =	simm.s32 $0xAA80;
	s10 =	simm.s32 $0x95A0;
	[sflag:s9] =	ssyncadd.s32 $0xFFFFF000  }
.LBB2_5:
0x402: {  	v29 =	vld [tilespmem:s10+$0xFFFFFAE0]  }
0x403: {  	v28 =	vld [tilespmem:s10+$0xFFFFFBE0]  }
0x404: {  	v27 =	vld [tilespmem:s10+$0xFFFFFCE0]  }
0x405: {  	v26 =	vld [tilespmem:s10+$0xFFFFFDE0]  }
0x406: {  	v24 =	vld [tilespmem:s10+$0xFFFFFEE0]  }
0x407: {  	v20 =	vld [tilespmem:s10+$0xFFFFFFE0]  }
0x408: {  	v19 =	vld [tilespmem:s10+$0xE0]  }
0x409: {  	v25 =	vld [tilespmem:s10+$0x1E0]  }
0x40a: {  	v22 =	vld [tilespmem:s10+$0x2E0]  }
0x40b: {  	v23 =	vld [tilespmem:s10+$0x3E0]  }
0x40c: {  	v21 =	vld [tilespmem:s10+$0x4E0]  }
0x40d: {  	v17 =	vld [tilespmem:s11+$0xFFFFFE00]  }
0x40e: {  	v18 =	vld [tilespmem:s11+$0xFFFFFF00]  }
0x40f: {  	v15 =	vld [tilespmem:s11+$0x0]  }
0x410: {  	v16 =	vld [tilespmem:s11+$0x100]  }
0x411: {  	v0 =	vld [tilespmem:s18+$0xFFFFF800]  }
0x412: {  	v1 =	vld.idx.msk [tilespmem:v29+s3+$0x0], $0xffff  }
0x413: {  	v2 =	vld.idx.msk [tilespmem:v28+s3+$0x0], $0xffff  }
0x414: {  	v3 =	vld.idx.msk [tilespmem:v27+s3+$0x0], $0xffff  }
0x415: {  	v4 =	vld.idx.msk [tilespmem:v26+s3+$0x0], $0xffff  }
0x416: {  	v5 =	vld.idx.msk [tilespmem:v24+s3+$0x0], $0xffff  }
0x417: {  	v6 =	vld.idx.msk [tilespmem:v20+s3+$0x0], $0xffff  }
0x418: {  	v7 =	vld.idx.msk [tilespmem:v25+s3+$0x0], $0xffff  }
0x419: {  	v8 =	vld.idx.msk [tilespmem:v22+s3+$0x0], $0xffff  }
0x41a: {  	v9 =	vld.idx.msk [tilespmem:v23+s3+$0x0], $0xffff  }
0x41b: {  	v10 =	vld.idx.msk [tilespmem:v21+s3+$0x0], $0xffff  }
0x41c: {  	v11 =	vld.idx.msk [tilespmem:v19+s3+$0x0], $0xffff;
	_ =	sdelay $0x1  }
0x41d: {  	v7 =	vmul.f32 v7, v17  }
0x41e: {  	v8 =	vmul.f32 v8, v18;
	v9 =	vmul.f32 v9, v15  }
0x41f: {  	v10 =	vmul.f32 v10, v16;
	v0 =	vadd.f32 v1, v0;
	v49 =	vadd.f32 v3, v2  }
0x420: {  	v50 =	vadd.f32 v5, v4;
	v51 =	vadd.f32 v11, v6  }
0x421: {  	v52 =	vadd.f32 v8, v7;
	v53 =	vadd.f32 v10, v9  }
0x422: {  	v0 =	vadd.f32 v49, v0;
	v54 =	vadd.f32 v51, v50;
	_ =	sdelay $0x1  }
0x423: {  	v55 =	vadd.f32 v53, v52;
	v0 =	vadd.f32 v54, v0  }
0x424: {  	v56 =	vadd.s32 $0x808, v29  }
0x425: {  	v57 =	vadd.s32 $0x808, v28;
	v0 =	vadd.f32 v55, v0  }
0x426: {  	v58 =	vadd.s32 $0x808, v27  }
0x427: {  	v59 =	vadd.s32 $0x808, v26;
	[tilespmem:s19+$0xFFFFF800] =	vst v0  }
0x428: {  	v61 =	vadd.s32 $0x808, v24;
	v60 =	vld [tilespmem:s18+$0xFFFFF900]  }
0x429: {  	v62 =	vadd.s32 $0x808, v20;
	v1 =	vld.idx.msk [tilespmem:v56+s3+$0x0], $0xffff  }
0x42a: {  	v63 =	vadd.s32 $0x808, v25;
	v2 =	vld.idx.msk [tilespmem:v57+s3+$0x0], $0xffff  }
0x42b: {  	v12 =	vadd.s32 $0x808, v22;
	v3 =	vld.idx.msk [tilespmem:v58+s3+$0x0], $0xffff  }
0x42c: {  	v13 =	vadd.s32 $0x808, v23;
	v0 =	vld.idx.msk [tilespmem:v59+s3+$0x0], $0xffff  }
0x42d: {  	v14 =	vadd.s32 $0x808, v21;
	v5 =	vld.idx.msk [tilespmem:v61+s3+$0x0], $0xffff  }
0x42e: {  	v30 =	vadd.s32 $0x808, v19;
	v6 =	vld.idx.msk [tilespmem:v62+s3+$0x0], $0xffff  }
0x42f: {  	v7 =	vld.idx.msk [tilespmem:v63+s3+$0x0], $0xffff  }
0x430: {  	v8 =	vld.idx.msk [tilespmem:v12+s3+$0x0], $0xffff  }
0x431: {  	v9 =	vld.idx.msk [tilespmem:v13+s3+$0x0], $0xffff  }
0x432: {  	v10 =	vld.idx.msk [tilespmem:v14+s3+$0x0], $0xffff  }
0x433: {  	v11 =	vld.idx.msk [tilespmem:v30+s3+$0x0], $0xffff;
	_ =	sdelay $0x1  }
0x434: {  	v7 =	vmul.f32 v7, v17  }
0x435: {  	v8 =	vmul.f32 v8, v18;
	v9 =	vmul.f32 v9, v15  }
0x436: {  	v10 =	vmul.f32 v10, v16;
	v1 =	vadd.f32 v1, v60;
	v2 =	vadd.f32 v3, v2  }
0x437: {  	v0 =	vadd.f32 v5, v0;
	v31 =	vadd.f32 v11, v6  }
0x438: {  	v32 =	vadd.f32 v8, v7;
	v33 =	vadd.f32 v10, v9  }
0x439: {  	v1 =	vadd.f32 v2, v1;
	v0 =	vadd.f32 v31, v0;
	_ =	sdelay $0x1  }
0x43a: {  	v34 =	vadd.f32 v33, v32;
	v0 =	vadd.f32 v0, v1  }
0x43b: {  	v35 =	vadd.s32 $0x1010, v29  }
0x43c: {  	v36 =	vadd.s32 $0x1010, v28;
	v0 =	vadd.f32 v34, v0  }
0x43d: {  	v37 =	vadd.s32 $0x1010, v27  }
0x43e: {  	v38 =	vadd.s32 $0x1010, v26;
	[tilespmem:s19+$0xFFFFF900] =	vst v0  }
0x43f: {  	v40 =	vadd.s32 $0x1010, v24;
	v39 =	vld [tilespmem:s18+$0xFFFFFA00]  }
0x440: {  	v41 =	vadd.s32 $0x1010, v20;
	v1 =	vld.idx.msk [tilespmem:v35+s3+$0x0], $0xffff  }
0x441: {  	v42 =	vadd.s32 $0x1010, v25;
	v2 =	vld.idx.msk [tilespmem:v36+s3+$0x0], $0xffff  }
0x442: {  	v43 =	vadd.s32 $0x1010, v22;
	v3 =	vld.idx.msk [tilespmem:v37+s3+$0x0], $0xffff  }
0x443: {  	v44 =	vadd.s32 $0x1010, v23;
	v0 =	vld.idx.msk [tilespmem:v38+s3+$0x0], $0xffff  }
0x444: {  	v45 =	vadd.s32 $0x1010, v21;
	v5 =	vld.idx.msk [tilespmem:v40+s3+$0x0], $0xffff  }
0x445: {  	v46 =	vadd.s32 $0x1010, v19;
	v6 =	vld.idx.msk [tilespmem:v41+s3+$0x0], $0xffff  }
0x446: {  	v7 =	vld.idx.msk [tilespmem:v42+s3+$0x0], $0xffff  }
0x447: {  	v8 =	vld.idx.msk [tilespmem:v43+s3+$0x0], $0xffff  }
0x448: {  	v9 =	vld.idx.msk [tilespmem:v44+s3+$0x0], $0xffff  }
0x449: {  	v10 =	vld.idx.msk [tilespmem:v45+s3+$0x0], $0xffff  }
0x44a: {  	v11 =	vld.idx.msk [tilespmem:v46+s3+$0x0], $0xffff;
	_ =	sdelay $0x1  }
0x44b: {  	v7 =	vmul.f32 v7, v17  }
0x44c: {  	v8 =	vmul.f32 v8, v18;
	v9 =	vmul.f32 v9, v15  }
0x44d: {  	v10 =	vmul.f32 v10, v16;
	v1 =	vadd.f32 v1, v39;
	v2 =	vadd.f32 v3, v2  }
0x44e: {  	v0 =	vadd.f32 v5, v0;
	v47 =	vadd.f32 v11, v6  }
0x44f: {  	v48 =	vadd.f32 v8, v7;
	v49 =	vadd.f32 v10, v9  }
0x450: {  	v1 =	vadd.f32 v2, v1;
	v0 =	vadd.f32 v47, v0;
	_ =	sdelay $0x1  }
0x451: {  	v50 =	vadd.f32 v49, v48;
	v0 =	vadd.f32 v0, v1  }
0x452: {  	v51 =	vadd.s32 $0x1818, v29  }
0x453: {  	v52 =	vadd.s32 $0x1818, v28;
	v0 =	vadd.f32 v50, v0  }
0x454: {  	v53 =	vadd.s32 $0x1818, v27  }
0x455: {  	v54 =	vadd.s32 $0x1818, v26;
	[tilespmem:s19+$0xFFFFFA00] =	vst v0  }
0x456: {  	v56 =	vadd.s32 $0x1818, v24;
	v55 =	vld [tilespmem:s18+$0xFFFFFB00]  }
0x457: {  	v57 =	vadd.s32 $0x1818, v20;
	v1 =	vld.idx.msk [tilespmem:v51+s3+$0x0], $0xffff  }
0x458: {  	v58 =	vadd.s32 $0x1818, v25;
	v2 =	vld.idx.msk [tilespmem:v52+s3+$0x0], $0xffff  }
0x459: {  	v59 =	vadd.s32 $0x1818, v22;
	v3 =	vld.idx.msk [tilespmem:v53+s3+$0x0], $0xffff  }
0x45a: {  	v60 =	vadd.s32 $0x1818, v23;
	v0 =	vld.idx.msk [tilespmem:v54+s3+$0x0], $0xffff  }
0x45b: {  	v61 =	vadd.s32 $0x1818, v21;
	v5 =	vld.idx.msk [tilespmem:v56+s3+$0x0], $0xffff  }
0x45c: {  	v62 =	vadd.s32 $0x1818, v19;
	v6 =	vld.idx.msk [tilespmem:v57+s3+$0x0], $0xffff  }
0x45d: {  	v7 =	vld.idx.msk [tilespmem:v58+s3+$0x0], $0xffff  }
0x45e: {  	v8 =	vld.idx.msk [tilespmem:v59+s3+$0x0], $0xffff  }
0x45f: {  	v9 =	vld.idx.msk [tilespmem:v60+s3+$0x0], $0xffff  }
0x460: {  	v10 =	vld.idx.msk [tilespmem:v61+s3+$0x0], $0xffff  }
0x461: {  	v11 =	vld.idx.msk [tilespmem:v62+s3+$0x0], $0xffff;
	_ =	sdelay $0x1  }
0x462: {  	v7 =	vmul.f32 v7, v17  }
0x463: {  	v8 =	vmul.f32 v8, v18;
	v9 =	vmul.f32 v9, v15  }
0x464: {  	v10 =	vmul.f32 v10, v16;
	v1 =	vadd.f32 v1, v55;
	v2 =	vadd.f32 v3, v2  }
0x465: {  	v0 =	vadd.f32 v5, v0;
	v63 =	vadd.f32 v11, v6  }
0x466: {  	v11 =	vadd.f32 v8, v7;
	v12 =	vadd.f32 v10, v9  }
0x467: {  	v1 =	vadd.f32 v2, v1;
	v0 =	vadd.f32 v63, v0;
	_ =	sdelay $0x1  }
0x468: {  	v13 =	vadd.f32 v12, v11;
	v0 =	vadd.f32 v0, v1  }
0x469: {  	v14 =	vadd.s32 $0x2020, v29  }
0x46a: {  	v30 =	vadd.s32 $0x2020, v28;
	v0 =	vadd.f32 v13, v0  }
0x46b: {  	v4 =	vld [tilespmem:s10+$0x4F0];
	v31 =	vadd.s32 $0x2020, v27  }
0x46c: {  	v32 =	vadd.s32 $0x2020, v26;
	v12 =	vld [tilespmem:s10+$0xFFFFFCF0];
	[tilespmem:s19+$0xFFFFFB00] =	vst v0  }
0x46d: {  	v35 =	vadd.s32 $0x2020, v20;
	v33 =	vld [tilespmem:s18+$0xFFFFFC00]  }
0x46e: {  	v36 =	vadd.s32 $0x2020, v25;
	v1 =	vld.idx.msk [tilespmem:v14+s3+$0x0], $0xffff  }
0x46f: {  	v37 =	vadd.s32 $0x2020, v22;
	v2 =	vld.idx.msk [tilespmem:v30+s3+$0x0], $0xffff  }
0x470: {  	v38 =	vadd.s32 $0x2020, v23;
	v3 =	vld.idx.msk [tilespmem:v31+s3+$0x0], $0xffff  }
0x471: {  	v40 =	vadd.s32 $0x2020, v19;
	v0 =	vld.idx.msk [tilespmem:v32+s3+$0x0], $0xffff  }
0x472: {  	v39 =	vadd.s32 $0x2020, v21;
	v6 =	vld.idx.msk [tilespmem:v35+s3+$0x0], $0xffff  }
0x473: {  	v34 =	vadd.s32 $0x2020, v24;
	v7 =	vld.idx.msk [tilespmem:v36+s3+$0x0], $0xffff  }
0x474: {  	v8 =	vld.idx.msk [tilespmem:v37+s3+$0x0], $0xffff  }
0x475: {  	v9 =	vld.idx.msk [tilespmem:v38+s3+$0x0], $0xffff  }
0x476: {  	v11 =	vld.idx.msk [tilespmem:v40+s3+$0x0], $0xffff  }
0x477: {  	v10 =	vld.idx.msk [tilespmem:v39+s3+$0x0], $0xffff  }
0x478: {  	v5 =	vld.idx.msk [tilespmem:v34+s3+$0x0], $0xffff  }
0x479: {  	v13 =	vld [tilespmem:s10+$0xFFFFFBF0]  }
0x47a: {  	v14 =	vld [tilespmem:s10+$0xFFFFFAF0]  }
0x47b: {  	v7 =	vmul.f32 v7, v17;
	v8 =	vmul.f32 v8, v18;
	v41 =	vadd.f32 v11, v6;
	v11 =	vld [tilespmem:s10+$0xFFFFFDF0]  }
0x47c: {  	v9 =	vmul.f32 v9, v15;
	v10 =	vmul.f32 v10, v16;
	v1 =	vadd.f32 v1, v33;
	v6 =	vld [tilespmem:s10+$0x2F0]  }
0x47d: {  	v2 =	vadd.f32 v3, v2;
	v0 =	vadd.f32 v5, v0;
	v5 =	vld [tilespmem:s10+$0x3F0]  }
0x47e: {  	v3 =	vld [tilespmem:s11+$0xFFFFFF10];
	v42 =	vadd.f32 v8, v7;
	v43 =	vadd.f32 v10, v9  }
0x47f: {  	v1 =	vadd.f32 v2, v1;
	v0 =	vadd.f32 v41, v0;
	v10 =	vld [tilespmem:s10+$0xFFFFFEF0]  }
0x480: {  	v9 =	vld [tilespmem:s10+$0xFFFFFFF0]  }
0x481: {  	v8 =	vld [tilespmem:s10+$0xF0];
	v44 =	vadd.f32 v43, v42;
	v0 =	vadd.f32 v0, v1  }
0x482: {  	v45 =	vadd.s32 $0x2828, v29;
	v7 =	vld [tilespmem:s10+$0x1F0]  }
0x483: {  	v46 =	vadd.s32 $0x2828, v28;
	v2 =	vld [tilespmem:s11+$0xFFFFFE10];
	v0 =	vadd.f32 v44, v0  }
0x484: {  	v47 =	vadd.s32 $0x2828, v27;
	v1 =	vld [tilespmem:s11+$0x110]  }
0x485: {  	v48 =	vadd.s32 $0x2828, v26;
	v42 =	vld [tilespmem:s18+$0xFFFFF810];
	[tilespmem:s19+$0xFFFFFC00] =	vst v0  }
0x486: {  	v49 =	vadd.s32 $0x2828, v24;
	v30 =	vld [tilespmem:s18+$0xFFFFFD00]  }
0x487: {  	v50 =	vadd.s32 $0x2828, v20;
	v31 =	vld.idx.msk [tilespmem:v45+s3+$0x0], $0xffff  }
0x488: {  	v52 =	vadd.s32 $0x2828, v25;
	v32 =	vld.idx.msk [tilespmem:v46+s3+$0x0], $0xffff  }
0x489: {  	v53 =	vadd.s32 $0x2828, v22;
	v33 =	vld.idx.msk [tilespmem:v47+s3+$0x0], $0xffff  }
0x48a: {  	v54 =	vadd.s32 $0x2828, v23;
	v34 =	vld.idx.msk [tilespmem:v48+s3+$0x0], $0xffff  }
0x48b: {  	v55 =	vadd.s32 $0x2828, v21;
	v35 =	vld.idx.msk [tilespmem:v49+s3+$0x0], $0xffff  }
0x48c: {  	v51 =	vadd.s32 $0x2828, v19;
	v36 =	vld.idx.msk [tilespmem:v50+s3+$0x0], $0xffff  }
0x48d: {  	v38 =	vld.idx.msk [tilespmem:v52+s3+$0x0], $0xffff  }
0x48e: {  	v39 =	vld.idx.msk [tilespmem:v53+s3+$0x0], $0xffff  }
0x48f: {  	v40 =	vld.idx.msk [tilespmem:v54+s3+$0x0], $0xffff  }
0x490: {  	v41 =	vld.idx.msk [tilespmem:v55+s3+$0x0], $0xffff  }
0x491: {  	v37 =	vld.idx.msk [tilespmem:v51+s3+$0x0], $0xffff  }
0x492: {  	v43 =	vld.idx.msk [tilespmem:v14+s3+$0x0], $0xffff  }
0x493: {  	v44 =	vld.idx.msk [tilespmem:v13+s3+$0x0], $0xffff;
	v38 =	vmul.f32 v38, v17  }
0x494: {  	v0 =	vld [tilespmem:s11+$0x10];
	v39 =	vmul.f32 v39, v18;
	v40 =	vmul.f32 v40, v15  }
0x495: {  	v53 =	vld.idx.msk [tilespmem:v6+s3+$0x0], $0xffff;
	v41 =	vmul.f32 v41, v16;
	v30 =	vadd.f32 v31, v30;
	v56 =	vadd.f32 v33, v32  }
0x496: {  	v55 =	vld.idx.msk [tilespmem:v5+s3+$0x0], $0xffff;
	v57 =	vadd.f32 v35, v34;
	v58 =	vadd.f32 v37, v36  }
0x497: {  	v61 =	vld.idx.msk [tilespmem:v10+s3+$0x0], $0xffff;
	v59 =	vadd.f32 v39, v38;
	v60 =	vadd.f32 v41, v40  }
0x498: {  	v63 =	vld.idx.msk [tilespmem:v9+s3+$0x0], $0xffff;
	v30 =	vadd.f32 v56, v30;
	v62 =	vadd.f32 v58, v57  }
0x499: {  	v52 =	vld.idx.msk [tilespmem:v7+s3+$0x0], $0xffff  }
0x49a: {  	v45 =	vld.idx.msk [tilespmem:v8+s3+$0x0], $0xffff;
	v36 =	vadd.f32 v60, v59;
	v30 =	vadd.f32 v62, v30  }
0x49b: {  	v54 =	vadd.s32 $0x3030, v29;
	v32 =	vld.idx.msk [tilespmem:v12+s3+$0x0], $0xffff  }
0x49c: {  	v35 =	vld.idx.msk [tilespmem:v11+s3+$0x0], $0xffff;
	v56 =	vadd.s32 $0x3030, v28;
	v30 =	vadd.f32 v36, v30  }
0x49d: {  	v57 =	vld.idx.msk [tilespmem:v4+s3+$0x0], $0xffff;
	v58 =	vadd.s32 $0x3030, v27  }
0x49e: {  	v59 =	vadd.s32 $0x3030, v26;
	[tilespmem:s19+$0xFFFFFD00] =	vst v30  }
0x49f: {  	v47 =	vadd.s32 $0x3030, v24;
	v48 =	vadd.s32 $0x3030, v25;
	v49 =	vadd.s32 $0x3030, v22;
	v46 =	vld [tilespmem:s18+$0xFFFFFE00]  }
0x4a0: {  	v42 =	vadd.f32 v43, v42;
	v31 =	vmul.f32 v53, v3;
	v34 =	vmul.f32 v52, v2;
	v37 =	vld.idx.msk [tilespmem:v54+s3+$0x0], $0xffff  }
0x4a1: {  	v33 =	vadd.f32 v45, v63;
	v39 =	vmul.f32 v55, v0;
	v32 =	vadd.f32 v32, v44;
	v36 =	vld.idx.msk [tilespmem:v56+s3+$0x0], $0xffff  }
0x4a2: {  	v60 =	vadd.s32 $0x3030, v23;
	v35 =	vadd.f32 v61, v35;
	v40 =	vmul.f32 v57, v1;
	v41 =	vld.idx.msk [tilespmem:v58+s3+$0x0], $0xffff  }
0x4a3: {  	v50 =	vadd.s32 $0x3030, v20;
	v31 =	vadd.f32 v31, v34;
	v32 =	vadd.f32 v32, v42;
	v30 =	vld.idx.msk [tilespmem:v59+s3+$0x0], $0xffff  }
0x4a4: {  	v51 =	vadd.s32 $0x3030, v19;
	v33 =	vadd.f32 v33, v35;
	v62 =	vadd.f32 v40, v39;
	v63 =	vld.idx.msk [tilespmem:v47+s3+$0x0], $0xffff  }
0x4a5: {  	v61 =	vadd.s32 $0x3030, v21;
	v52 =	vld.idx.msk [tilespmem:v48+s3+$0x0], $0xffff  }
0x4a6: {  	v53 =	vld.idx.msk [tilespmem:v49+s3+$0x0], $0xffff;
	v32 =	vadd.f32 v33, v32;
	v31 =	vadd.f32 v62, v31  }
0x4a7: {  	v55 =	vadd.s32 $0x808, v14;
	v54 =	vld.idx.msk [tilespmem:v60+s3+$0x0], $0xffff  }
0x4a8: {  	v56 =	vadd.s32 $0x808, v13;
	v40 =	vld.idx.msk [tilespmem:v50+s3+$0x0], $0xffff;
	v31 =	vadd.f32 v31, v32  }
0x4a9: {  	v57 =	vadd.s32 $0x808, v12;
	v35 =	vld.idx.msk [tilespmem:v51+s3+$0x0], $0xffff  }
0x4aa: {  	v58 =	vadd.s32 $0x808, v11;
	v38 =	vld.idx.msk [tilespmem:v61+s3+$0x0], $0xffff;
	[tilespmem:s19+$0xFFFFF810] =	vst v31  }
0x4ab: {  	v60 =	vadd.s32 $0x808, v9;
	v45 =	vld [tilespmem:s18+$0xFFFFF910]  }
0x4ac: {  	v59 =	vadd.s32 $0x808, v10;
	v51 =	vadd.s32 $0x808, v4;
	v61 =	vadd.s32 $0x808, v7;
	v34 =	vld.idx.msk [tilespmem:v55+s3+$0x0], $0xffff  }
0x4ad: {  	v62 =	vadd.s32 $0x808, v6;
	v42 =	vmul.f32 v52, v17;
	v44 =	vmul.f32 v53, v18;
	v32 =	vld.idx.msk [tilespmem:v56+s3+$0x0], $0xffff  }
0x4ae: {  	v33 =	vmul.f32 v54, v15;
	v37 =	vadd.f32 v37, v46;
	v36 =	vadd.f32 v41, v36;
	v41 =	vld.idx.msk [tilespmem:v57+s3+$0x0], $0xffff  }
0x4af: {  	v30 =	vadd.f32 v63, v30;
	v35 =	vadd.f32 v35, v40;
	v38 =	vmul.f32 v38, v16;
	v31 =	vld.idx.msk [tilespmem:v58+s3+$0x0], $0xffff  }
0x4b0: {  	v63 =	vadd.s32 $0x808, v5;
	v50 =	vadd.f32 v44, v42;
	v36 =	vadd.f32 v36, v37;
	v52 =	vld.idx.msk [tilespmem:v60+s3+$0x0], $0xffff  }
0x4b1: {  	v53 =	vadd.s32 $0x808, v8;
	v30 =	vadd.f32 v35, v30;
	v54 =	vld.idx.msk [tilespmem:v61+s3+$0x0], $0xffff;
	v33 =	vadd.f32 v38, v33  }
0x4b2: {  	v55 =	vld.idx.msk [tilespmem:v62+s3+$0x0], $0xffff  }
0x4b3: {  	v42 =	vld.idx.msk [tilespmem:v51+s3+$0x0], $0xffff;
	v30 =	vadd.f32 v30, v36;
	v33 =	vadd.f32 v33, v50  }
0x4b4: {  	v56 =	vadd.s32 $0x3838, v29;
	v38 =	vld.idx.msk [tilespmem:v59+s3+$0x0], $0xffff  }
0x4b5: {  	v57 =	vadd.s32 $0x3838, v28;
	v39 =	vld.idx.msk [tilespmem:v63+s3+$0x0], $0xffff;
	v30 =	vadd.f32 v33, v30  }
0x4b6: {  	v58 =	vadd.s32 $0x3838, v27;
	v37 =	vld.idx.msk [tilespmem:v53+s3+$0x0], $0xffff  }
0x4b7: {  	v59 =	vadd.s32 $0x3838, v26;
	[tilespmem:s19+$0xFFFFFE00] =	vst v30  }
0x4b8: {  	v61 =	vadd.s32 $0x3838, v25;
	v62 =	vadd.s32 $0x3838, v22;
	v63 =	vadd.s32 $0x3838, v23;
	v46 =	vld [tilespmem:s18+$0xFFFFFF00]  }
0x4b9: {  	v50 =	vadd.s32 $0x3838, v21;
	v44 =	vmul.f32 v54, v2;
	v36 =	vmul.f32 v55, v3;
	v40 =	vld.idx.msk [tilespmem:v56+s3+$0x0], $0xffff  }
0x4ba: {  	v42 =	vmul.f32 v42, v1;
	v34 =	vadd.f32 v34, v45;
	v32 =	vadd.f32 v41, v32;
	v33 =	vld.idx.msk [tilespmem:v57+s3+$0x0], $0xffff  }
0x4bb: {  	v31 =	vadd.f32 v38, v31;
	v39 =	vmul.f32 v39, v0;
	v41 =	vld.idx.msk [tilespmem:v58+s3+$0x0], $0xffff;
	v35 =	vadd.f32 v37, v52  }
0x4bc: {  	v53 =	vadd.s32 $0x3838, v19;
	v36 =	vadd.f32 v36, v44;
	v32 =	vadd.f32 v32, v34;
	v30 =	vld.idx.msk [tilespmem:v59+s3+$0x0], $0xffff  }
0x4bd: {  	v60 =	vadd.s32 $0x3838, v24;
	v54 =	vld.idx.msk [tilespmem:v61+s3+$0x0], $0xffff;
	v51 =	vadd.f32 v42, v39;
	v31 =	vadd.f32 v35, v31  }
0x4be: {  	v52 =	vadd.s32 $0x3838, v20;
	v55 =	vld.idx.msk [tilespmem:v62+s3+$0x0], $0xffff  }
0x4bf: {  	v56 =	vld.idx.msk [tilespmem:v63+s3+$0x0], $0xffff;
	v36 =	vadd.f32 v51, v36;
	v31 =	vadd.f32 v31, v32  }
0x4c0: {  	v57 =	vadd.s32 $0x1010, v14;
	v37 =	vld.idx.msk [tilespmem:v50+s3+$0x0], $0xffff  }
0x4c1: {  	v58 =	vadd.s32 $0x1010, v13;
	v34 =	vld.idx.msk [tilespmem:v53+s3+$0x0], $0xffff;
	v31 =	vadd.f32 v36, v31  }
0x4c2: {  	v59 =	vadd.s32 $0x1010, v12;
	v39 =	vld.idx.msk [tilespmem:v60+s3+$0x0], $0xffff  }
0x4c3: {  	v60 =	vadd.s32 $0x1010, v11;
	v42 =	vld.idx.msk [tilespmem:v52+s3+$0x0], $0xffff;
	[tilespmem:s19+$0xFFFFF910] =	vst v31  }
0x4c4: {  	v61 =	vadd.s32 $0x1010, v10;
	v45 =	vld [tilespmem:s18+$0xFFFFFA10]  }
0x4c5: {  	v62 =	vadd.s32 $0x1010, v9;
	v63 =	vadd.s32 $0x1010, v7;
	v35 =	vmul.f32 v54, v17;
	v38 =	vld.idx.msk [tilespmem:v57+s3+$0x0], $0xffff  }
0x4c6: {  	v50 =	vadd.s32 $0x1010, v6;
	v44 =	vmul.f32 v55, v18;
	v32 =	vmul.f32 v56, v15;
	v36 =	vld.idx.msk [tilespmem:v58+s3+$0x0], $0xffff  }
0x4c7: {  	v37 =	vmul.f32 v37, v16;
	v40 =	vadd.f32 v40, v46;
	v33 =	vadd.f32 v41, v33;
	v41 =	vld.idx.msk [tilespmem:v59+s3+$0x0], $0xffff  }
0x4c8: {  	v51 =	vadd.s32 $0x1010, v5;
	v30 =	vadd.f32 v39, v30;
	v31 =	vld.idx.msk [tilespmem:v60+s3+$0x0], $0xffff;
	v34 =	vadd.f32 v34, v42  }
0x4c9: {  	v52 =	vadd.s32 $0x1010, v4;
	v35 =	vadd.f32 v44, v35;
	v32 =	vadd.f32 v37, v32;
	v37 =	vld.idx.msk [tilespmem:v61+s3+$0x0], $0xffff  }
0x4ca: {  	v54 =	vadd.s32 $0x1010, v8;
	v33 =	vadd.f32 v33, v40;
	v53 =	vld.idx.msk [tilespmem:v62+s3+$0x0], $0xffff;
	v30 =	vadd.f32 v34, v30  }
0x4cb: {  	v55 =	vld.idx.msk [tilespmem:v63+s3+$0x0], $0xffff  }
0x4cc: {  	v32 =	vadd.f32 v32, v35;
	v56 =	vld.idx.msk [tilespmem:v50+s3+$0x0], $0xffff;
	v30 =	vadd.f32 v30, v33  }
0x4cd: {  	v57 =	vadd.s32 $0x4040, v29;
	v39 =	vld.idx.msk [tilespmem:v51+s3+$0x0], $0xffff  }
0x4ce: {  	v58 =	vadd.s32 $0x4040, v28;
	v42 =	vld.idx.msk [tilespmem:v52+s3+$0x0], $0xffff;
	v30 =	vadd.f32 v32, v30  }
0x4cf: {  	v59 =	vadd.s32 $0x4040, v27;
	v40 =	vld.idx.msk [tilespmem:v54+s3+$0x0], $0xffff  }
0x4d0: {  	v60 =	vadd.s32 $0x4040, v26;
	[tilespmem:s19+$0xFFFFFF00] =	vst v30  }
0x4d1: {  	v61 =	vadd.s32 $0x4040, v24;
	v62 =	vadd.s32 $0x4040, v25;
	v63 =	vadd.s32 $0x4040, v22;
	v46 =	vld [tilespmem:s18+$0x0]  }
0x4d2: {  	v50 =	vadd.s32 $0x4040, v23;
	v44 =	vmul.f32 v55, v2;
	v33 =	vmul.f32 v56, v3;
	v35 =	vld.idx.msk [tilespmem:v57+s3+$0x0], $0xffff  }
0x4d3: {  	v39 =	vmul.f32 v39, v0;
	v38 =	vadd.f32 v38, v45;
	v36 =	vadd.f32 v41, v36;
	v32 =	vld.idx.msk [tilespmem:v58+s3+$0x0], $0xffff  }
0x4d4: {  	v31 =	vadd.f32 v37, v31;
	v42 =	vmul.f32 v42, v1;
	v34 =	vadd.f32 v40, v53;
	v41 =	vld.idx.msk [tilespmem:v59+s3+$0x0], $0xffff  }
0x4d5: {  	v51 =	vadd.s32 $0x4040, v21;
	v33 =	vadd.f32 v33, v44;
	v36 =	vadd.f32 v36, v38;
	v30 =	vld.idx.msk [tilespmem:v60+s3+$0x0], $0xffff  }
0x4d6: {  	v52 =	vadd.s32 $0x4040, v20;
	v39 =	vadd.f32 v42, v39;
	v31 =	vadd.f32 v34, v31;
	v40 =	vld.idx.msk [tilespmem:v61+s3+$0x0], $0xffff  }
0x4d7: {  	v53 =	vadd.s32 $0x4040, v19;
	v54 =	vld.idx.msk [tilespmem:v62+s3+$0x0], $0xffff  }
0x4d8: {  	v55 =	vld.idx.msk [tilespmem:v63+s3+$0x0], $0xffff;
	v33 =	vadd.f32 v39, v33;
	v31 =	vadd.f32 v31, v36  }
0x4d9: {  	v56 =	vld.idx.msk [tilespmem:v50+s3+$0x0], $0xffff;
	v57 =	vadd.s32 $0x1818, v14  }
0x4da: {  	v37 =	vld.idx.msk [tilespmem:v51+s3+$0x0], $0xffff;
	v58 =	vadd.s32 $0x1818, v13;
	v31 =	vadd.f32 v33, v31  }
0x4db: {  	v42 =	vld.idx.msk [tilespmem:v52+s3+$0x0], $0xffff;
	v59 =	vadd.s32 $0x1818, v12  }
0x4dc: {  	v60 =	vadd.s32 $0x1818, v11;
	v34 =	vld.idx.msk [tilespmem:v53+s3+$0x0], $0xffff;
	[tilespmem:s19+$0xFFFFFA10] =	vst v31  }
0x4dd: {  	v62 =	vadd.s32 $0x1818, v9;
	v45 =	vld [tilespmem:s18+$0xFFFFFB10]  }
0x4de: {  	v63 =	vadd.s32 $0x1818, v7;
	v51 =	vadd.s32 $0x1818, v6;
	v38 =	vmul.f32 v54, v17;
	v39 =	vld.idx.msk [tilespmem:v57+s3+$0x0], $0xffff  }
0x4df: {  	v52 =	vadd.s32 $0x1818, v5;
	v44 =	vmul.f32 v55, v18;
	v36 =	vmul.f32 v56, v15;
	v33 =	vld.idx.msk [tilespmem:v58+s3+$0x0], $0xffff  }
0x4e0: {  	v37 =	vmul.f32 v37, v16;
	v35 =	vadd.f32 v35, v46;
	v32 =	vadd.f32 v41, v32;
	v41 =	vld.idx.msk [tilespmem:v59+s3+$0x0], $0xffff  }
0x4e1: {  	v53 =	vadd.s32 $0x1818, v4;
	v30 =	vadd.f32 v40, v30;
	v31 =	vld.idx.msk [tilespmem:v60+s3+$0x0], $0xffff;
	v34 =	vadd.f32 v34, v42  }
0x4e2: {  	v61 =	vadd.s32 $0x1818, v10;
	v54 =	vld.idx.msk [tilespmem:v62+s3+$0x0], $0xffff;
	v38 =	vadd.f32 v44, v38;
	v36 =	vadd.f32 v37, v36  }
0x4e3: {  	v55 =	vadd.s32 $0x1818, v8;
	v56 =	vld.idx.msk [tilespmem:v63+s3+$0x0], $0xffff;
	v32 =	vadd.f32 v32, v35;
	v30 =	vadd.f32 v34, v30  }
0x4e4: {  	v57 =	vld.idx.msk [tilespmem:v51+s3+$0x0], $0xffff  }
0x4e5: {  	v40 =	vld.idx.msk [tilespmem:v52+s3+$0x0], $0xffff;
	v36 =	vadd.f32 v36, v38;
	v30 =	vadd.f32 v30, v32  }
0x4e6: {  	v58 =	vadd.s32 $0x4848, v29;
	v42 =	vld.idx.msk [tilespmem:v53+s3+$0x0], $0xffff  }
0x4e7: {  	v59 =	vadd.s32 $0x4848, v28;
	v37 =	vld.idx.msk [tilespmem:v61+s3+$0x0], $0xffff;
	v30 =	vadd.f32 v36, v30  }
0x4e8: {  	v60 =	vadd.s32 $0x4848, v27;
	v35 =	vld.idx.msk [tilespmem:v55+s3+$0x0], $0xffff  }
0x4e9: {  	v61 =	vadd.s32 $0x4848, v26;
	[tilespmem:s19+$0x0] =	vst v30  }
0x4ea: {  	v62 =	vadd.s32 $0x4848, v24;
	v63 =	vadd.s32 $0x4848, v25;
	v52 =	vadd.s32 $0x4848, v22;
	v46 =	vld [tilespmem:s18+$0x100]  }
0x4eb: {  	v53 =	vadd.s32 $0x4848, v23;
	v44 =	vmul.f32 v56, v2;
	v32 =	vmul.f32 v57, v3;
	v38 =	vld.idx.msk [tilespmem:v58+s3+$0x0], $0xffff  }
0x4ec: {  	v40 =	vmul.f32 v40, v0;
	v39 =	vadd.f32 v39, v45;
	v33 =	vadd.f32 v41, v33;
	v36 =	vld.idx.msk [tilespmem:v59+s3+$0x0], $0xffff  }
0x4ed: {  	v42 =	vmul.f32 v42, v1;
	v31 =	vadd.f32 v37, v31;
	v41 =	vld.idx.msk [tilespmem:v60+s3+$0x0], $0xffff;
	v34 =	vadd.f32 v35, v54  }
0x4ee: {  	v56 =	vadd.s32 $0x4848, v20;
	v32 =	vadd.f32 v32, v44;
	v33 =	vadd.f32 v33, v39;
	v30 =	vld.idx.msk [tilespmem:v61+s3+$0x0], $0xffff  }
0x4ef: {  	v57 =	vadd.s32 $0x4848, v19;
	v55 =	vadd.f32 v42, v40;
	v40 =	vld.idx.msk [tilespmem:v62+s3+$0x0], $0xffff;
	v31 =	vadd.f32 v34, v31  }
0x4f0: {  	v54 =	vadd.s32 $0x4848, v21;
	v58 =	vld.idx.msk [tilespmem:v63+s3+$0x0], $0xffff  }
0x4f1: {  	v59 =	vld.idx.msk [tilespmem:v52+s3+$0x0], $0xffff;
	v32 =	vadd.f32 v55, v32;
	v31 =	vadd.f32 v31, v33  }
0x4f2: {  	v60 =	vld.idx.msk [tilespmem:v53+s3+$0x0], $0xffff;
	v61 =	vadd.s32 $0x2020, v14  }
0x4f3: {  	v62 =	vadd.s32 $0x2020, v13;
	v42 =	vld.idx.msk [tilespmem:v56+s3+$0x0], $0xffff;
	v31 =	vadd.f32 v32, v31  }
0x4f4: {  	v63 =	vadd.s32 $0x2020, v12;
	v34 =	vld.idx.msk [tilespmem:v57+s3+$0x0], $0xffff  }
0x4f5: {  	v52 =	vadd.s32 $0x2020, v11;
	v35 =	vld.idx.msk [tilespmem:v54+s3+$0x0], $0xffff;
	[tilespmem:s19+$0xFFFFFB10] =	vst v31  }
0x4f6: {  	v55 =	vadd.s32 $0x2020, v7;
	v45 =	vld [tilespmem:s18+$0xFFFFFC10]  }
0x4f7: {  	v56 =	vadd.s32 $0x2020, v6;
	v57 =	vadd.s32 $0x2020, v5;
	v39 =	vmul.f32 v58, v17;
	v37 =	vld.idx.msk [tilespmem:v61+s3+$0x0], $0xffff  }
0x4f8: {  	v44 =	vmul.f32 v59, v18;
	v54 =	vadd.s32 $0x2020, v9;
	v38 =	vadd.f32 v38, v46;
	v32 =	vld.idx.msk [tilespmem:v62+s3+$0x0], $0xffff  }
0x4f9: {  	v33 =	vmul.f32 v60, v15;
	v36 =	vadd.f32 v41, v36;
	v30 =	vadd.f32 v40, v30;
	v41 =	vld.idx.msk [tilespmem:v63+s3+$0x0], $0xffff  }
0x4fa: {  	v58 =	vadd.s32 $0x2020, v4;
	v34 =	vadd.f32 v34, v42;
	v31 =	vld.idx.msk [tilespmem:v52+s3+$0x0], $0xffff;
	v35 =	vmul.f32 v35, v16  }
0x4fb: {  	v60 =	vadd.s32 $0x2020, v8;
	v39 =	vadd.f32 v44, v39;
	v36 =	vadd.f32 v36, v38;
	v61 =	vld.idx.msk [tilespmem:v55+s3+$0x0], $0xffff  }
0x4fc: {  	v53 =	vadd.s32 $0x2020, v10;
	v30 =	vadd.f32 v34, v30;
	v62 =	vld.idx.msk [tilespmem:v56+s3+$0x0], $0xffff;
	v33 =	vadd.f32 v35, v33  }
0x4fd: {  	v40 =	vld.idx.msk [tilespmem:v57+s3+$0x0], $0xffff  }
0x4fe: {  	v59 =	vld.idx.msk [tilespmem:v54+s3+$0x0], $0xffff;
	v30 =	vadd.f32 v30, v36;
	v33 =	vadd.f32 v33, v39  }
0x4ff: {  	v63 =	vadd.s32 $0x5050, v29;
	v42 =	vld.idx.msk [tilespmem:v58+s3+$0x0], $0xffff  }
0x500: {  	v52 =	vadd.s32 $0x5050, v28;
	v38 =	vld.idx.msk [tilespmem:v60+s3+$0x0], $0xffff;
	v30 =	vadd.f32 v33, v30  }
0x501: {  	v35 =	vld.idx.msk [tilespmem:v53+s3+$0x0], $0xffff;
	v53 =	vadd.s32 $0x5050, v27  }
0x502: {  	v54 =	vadd.s32 $0x5050, v26;
	[tilespmem:s19+$0x100] =	vst v30  }
0x503: {  	v55 =	vadd.s32 $0x5050, v24;
	v56 =	vadd.s32 $0x5050, v25;
	v57 =	vadd.s32 $0x5050, v22;
	v46 =	vld [tilespmem:s18+$0x200]  }
0x504: {  	v58 =	vadd.s32 $0x5050, v23;
	v44 =	vmul.f32 v61, v2;
	v36 =	vmul.f32 v62, v3;
	v39 =	vld.idx.msk [tilespmem:v63+s3+$0x0], $0xffff  }
0x505: {  	v40 =	vmul.f32 v40, v0;
	v37 =	vadd.f32 v37, v45;
	v32 =	vadd.f32 v41, v32;
	v33 =	vld.idx.msk [tilespmem:v52+s3+$0x0], $0xffff  }
0x506: {  	v42 =	vmul.f32 v42, v1;
	v34 =	vadd.f32 v38, v59;
	v31 =	vadd.f32 v35, v31;
	v41 =	vld.idx.msk [tilespmem:v53+s3+$0x0], $0xffff  }
0x507: {  	v62 =	vadd.s32 $0x5050, v20;
	v36 =	vadd.f32 v36, v44;
	v32 =	vadd.f32 v32, v37;
	v30 =	vld.idx.msk [tilespmem:v54+s3+$0x0], $0xffff  }
0x508: {  	v59 =	vadd.s32 $0x5050, v21;
	v60 =	vadd.f32 v42, v40;
	v61 =	vld.idx.msk [tilespmem:v55+s3+$0x0], $0xffff;
	v31 =	vadd.f32 v34, v31  }
0x509: {  	v63 =	vadd.s32 $0x5050, v19;
	v50 =	vld.idx.msk [tilespmem:v56+s3+$0x0], $0xffff  }
0x50a: {  	v51 =	vld.idx.msk [tilespmem:v57+s3+$0x0], $0xffff;
	v36 =	vadd.f32 v60, v36;
	v31 =	vadd.f32 v31, v32  }
0x50b: {  	v52 =	vld.idx.msk [tilespmem:v58+s3+$0x0], $0xffff;
	v53 =	vadd.s32 $0x2828, v14  }
0x50c: {  	v54 =	vadd.s32 $0x2828, v13;
	v42 =	vld.idx.msk [tilespmem:v62+s3+$0x0], $0xffff;
	v31 =	vadd.f32 v36, v31  }
0x50d: {  	v55 =	vadd.s32 $0x2828, v12;
	v35 =	vld.idx.msk [tilespmem:v59+s3+$0x0], $0xffff  }
0x50e: {  	v56 =	vadd.s32 $0x2828, v11;
	v34 =	vld.idx.msk [tilespmem:v63+s3+$0x0], $0xffff;
	[tilespmem:s19+$0xFFFFFC10] =	vst v31  }
0x50f: {  	v58 =	vadd.s32 $0x2828, v9;
	v45 =	vld [tilespmem:s18+$0xFFFFFD10]  }
0x510: {  	v57 =	vadd.s32 $0x2828, v10;
	v60 =	vadd.s32 $0x2828, v6;
	v59 =	vadd.s32 $0x2828, v7;
	v38 =	vld.idx.msk [tilespmem:v53+s3+$0x0], $0xffff  }
0x511: {  	v37 =	vmul.f32 v50, v17;
	v44 =	vmul.f32 v51, v18;
	v39 =	vadd.f32 v39, v46;
	v36 =	vld.idx.msk [tilespmem:v54+s3+$0x0], $0xffff  }
0x512: {  	v32 =	vmul.f32 v52, v15;
	v33 =	vadd.f32 v41, v33;
	v30 =	vadd.f32 v61, v30;
	v41 =	vld.idx.msk [tilespmem:v55+s3+$0x0], $0xffff  }
0x513: {  	v61 =	vadd.s32 $0x2828, v5;
	v35 =	vmul.f32 v35, v16;
	v31 =	vld.idx.msk [tilespmem:v56+s3+$0x0], $0xffff;
	v34 =	vadd.f32 v34, v42  }
0x514: {  	v62 =	vadd.s32 $0x2828, v4;
	v37 =	vadd.f32 v44, v37;
	v33 =	vadd.f32 v33, v39;
	v63 =	vld.idx.msk [tilespmem:v58+s3+$0x0], $0xffff  }
0x515: {  	v52 =	vadd.s32 $0x2828, v8;
	v53 =	vld.idx.msk [tilespmem:v59+s3+$0x0], $0xffff;
	v32 =	vadd.f32 v35, v32;
	v30 =	vadd.f32 v34, v30  }
0x516: {  	v54 =	vld.idx.msk [tilespmem:v60+s3+$0x0], $0xffff  }
0x517: {  	v35 =	vld.idx.msk [tilespmem:v57+s3+$0x0], $0xffff;
	v32 =	vadd.f32 v32, v37;
	v30 =	vadd.f32 v30, v33  }
0x518: {  	v55 =	vadd.s32 $0x5858, v29;
	v40 =	vld.idx.msk [tilespmem:v61+s3+$0x0], $0xffff  }
0x519: {  	v56 =	vadd.s32 $0x5858, v28;
	v42 =	vld.idx.msk [tilespmem:v62+s3+$0x0], $0xffff;
	v30 =	vadd.f32 v32, v30  }
0x51a: {  	v57 =	vadd.s32 $0x5858, v27;
	v39 =	vld.idx.msk [tilespmem:v52+s3+$0x0], $0xffff  }
0x51b: {  	v58 =	vadd.s32 $0x5858, v26;
	[tilespmem:s19+$0x200] =	vst v30  }
0x51c: {  	v59 =	vadd.s32 $0x5858, v24;
	v60 =	vadd.s32 $0x5858, v25;
	v61 =	vadd.s32 $0x5858, v22;
	v46 =	vld [tilespmem:s18+$0x300]  }
0x51d: {  	v62 =	vadd.s32 $0x5858, v23;
	v44 =	vmul.f32 v53, v2;
	v38 =	vadd.f32 v38, v45;
	v37 =	vld.idx.msk [tilespmem:v55+s3+$0x0], $0xffff  }
0x51e: {  	v36 =	vadd.f32 v41, v36;
	v31 =	vadd.f32 v35, v31;
	v33 =	vmul.f32 v54, v3;
	v32 =	vld.idx.msk [tilespmem:v56+s3+$0x0], $0xffff  }
0x51f: {  	v40 =	vmul.f32 v40, v0;
	v42 =	vmul.f32 v42, v1;
	v34 =	vadd.f32 v39, v63;
	v41 =	vld.idx.msk [tilespmem:v57+s3+$0x0], $0xffff  }
0x520: {  	v51 =	vadd.s32 $0x5858, v20;
	v36 =	vadd.f32 v36, v38;
	v33 =	vadd.f32 v33, v44;
	v30 =	vld.idx.msk [tilespmem:v58+s3+$0x0], $0xffff  }
0x521: {  	v52 =	vadd.s32 $0x5858, v19;
	v50 =	vadd.f32 v42, v40;
	v31 =	vadd.f32 v34, v31;
	v40 =	vld.idx.msk [tilespmem:v59+s3+$0x0], $0xffff  }
0x522: {  	v63 =	vadd.s32 $0x5858, v21;
	v53 =	vld.idx.msk [tilespmem:v60+s3+$0x0], $0xffff  }
0x523: {  	v54 =	vld.idx.msk [tilespmem:v61+s3+$0x0], $0xffff;
	v33 =	vadd.f32 v50, v33;
	v31 =	vadd.f32 v31, v36  }
0x524: {  	v55 =	vld.idx.msk [tilespmem:v62+s3+$0x0], $0xffff;
	v56 =	vadd.s32 $0x3030, v14  }
0x525: {  	v57 =	vadd.s32 $0x3030, v13;
	v42 =	vld.idx.msk [tilespmem:v51+s3+$0x0], $0xffff;
	v31 =	vadd.f32 v33, v31  }
0x526: {  	v58 =	vadd.s32 $0x3030, v12;
	v34 =	vld.idx.msk [tilespmem:v52+s3+$0x0], $0xffff  }
0x527: {  	v59 =	vadd.s32 $0x3030, v11;
	v35 =	vld.idx.msk [tilespmem:v63+s3+$0x0], $0xffff;
	[tilespmem:s19+$0xFFFFFD10] =	vst v31  }
0x528: {  	v61 =	vadd.s32 $0x3030, v9;
	v45 =	vld [tilespmem:s18+$0xFFFFFE10]  }
0x529: {  	v62 =	vadd.s32 $0x3030, v7;
	v50 =	vadd.s32 $0x3030, v5;
	v51 =	vadd.s32 $0x3030, v4;
	v39 =	vld.idx.msk [tilespmem:v56+s3+$0x0], $0xffff  }
0x52a: {  	v63 =	vadd.s32 $0x3030, v6;
	v38 =	vmul.f32 v53, v17;
	v44 =	vmul.f32 v54, v18;
	v33 =	vld.idx.msk [tilespmem:v57+s3+$0x0], $0xffff  }
0x52b: {  	v36 =	vmul.f32 v55, v15;
	v37 =	vadd.f32 v37, v46;
	v32 =	vadd.f32 v41, v32;
	v41 =	vld.idx.msk [tilespmem:v58+s3+$0x0], $0xffff  }
0x52c: {  	v30 =	vadd.f32 v40, v30;
	v34 =	vadd.f32 v34, v42;
	v31 =	vld.idx.msk [tilespmem:v59+s3+$0x0], $0xffff;
	v35 =	vmul.f32 v35, v16  }
0x52d: {  	v60 =	vadd.s32 $0x3030, v10;
	v52 =	vld.idx.msk [tilespmem:v61+s3+$0x0], $0xffff;
	v38 =	vadd.f32 v44, v38;
	v32 =	vadd.f32 v32, v37  }
0x52e: {  	v53 =	vadd.s32 $0x3030, v8;
	v54 =	vld.idx.msk [tilespmem:v62+s3+$0x0], $0xffff;
	v30 =	vadd.f32 v34, v30;
	v35 =	vadd.f32 v35, v36  }
0x52f: {  	v40 =	vld.idx.msk [tilespmem:v50+s3+$0x0], $0xffff  }
0x530: {  	v42 =	vld.idx.msk [tilespmem:v51+s3+$0x0], $0xffff;
	v30 =	vadd.f32 v30, v32;
	v35 =	vadd.f32 v35, v38  }
0x531: {  	v56 =	vadd.s32 $0x6060, v29;
	v55 =	vld.idx.msk [tilespmem:v63+s3+$0x0], $0xffff  }
0x532: {  	v57 =	vadd.s32 $0x6060, v28;
	v36 =	vld.idx.msk [tilespmem:v60+s3+$0x0], $0xffff;
	v30 =	vadd.f32 v35, v30  }
0x533: {  	v58 =	vadd.s32 $0x6060, v27;
	v37 =	vld.idx.msk [tilespmem:v53+s3+$0x0], $0xffff  }
0x534: {  	v59 =	vadd.s32 $0x6060, v26;
	[tilespmem:s19+$0x300] =	vst v30  }
0x535: {  	v61 =	vadd.s32 $0x6060, v25;
	v62 =	vadd.s32 $0x6060, v22;
	v60 =	vadd.s32 $0x6060, v24;
	v46 =	vld [tilespmem:s18+$0x400]  }
0x536: {  	v63 =	vadd.s32 $0x6060, v23;
	v44 =	vmul.f32 v54, v2;
	v40 =	vmul.f32 v40, v0;
	v38 =	vld.idx.msk [tilespmem:v56+s3+$0x0], $0xffff  }
0x537: {  	v42 =	vmul.f32 v42, v1;
	v39 =	vadd.f32 v39, v45;
	v33 =	vadd.f32 v41, v33;
	v35 =	vld.idx.msk [tilespmem:v57+s3+$0x0], $0xffff  }
0x538: {  	v32 =	vmul.f32 v55, v3;
	v31 =	vadd.f32 v36, v31;
	v41 =	vld.idx.msk [tilespmem:v58+s3+$0x0], $0xffff;
	v34 =	vadd.f32 v37, v52  }
0x539: {  	v50 =	vadd.s32 $0x6060, v21;
	v51 =	vadd.f32 v42, v40;
	v33 =	vadd.f32 v33, v39;
	v30 =	vld.idx.msk [tilespmem:v59+s3+$0x0], $0xffff  }
0x53a: {  	v53 =	vadd.s32 $0x6060, v19;
	v32 =	vadd.f32 v32, v44;
	v40 =	vld.idx.msk [tilespmem:v60+s3+$0x0], $0xffff;
	v31 =	vadd.f32 v34, v31  }
0x53b: {  	v52 =	vadd.s32 $0x6060, v20;
	v54 =	vld.idx.msk [tilespmem:v61+s3+$0x0], $0xffff  }
0x53c: {  	v55 =	vld.idx.msk [tilespmem:v62+s3+$0x0], $0xffff;
	v32 =	vadd.f32 v51, v32;
	v31 =	vadd.f32 v31, v33  }
0x53d: {  	v56 =	vld.idx.msk [tilespmem:v63+s3+$0x0], $0xffff;
	v57 =	vadd.s32 $0x3838, v14  }
0x53e: {  	v36 =	vld.idx.msk [tilespmem:v50+s3+$0x0], $0xffff;
	v58 =	vadd.s32 $0x3838, v13;
	v31 =	vadd.f32 v32, v31  }
0x53f: {  	v59 =	vadd.s32 $0x3838, v12;
	v34 =	vld.idx.msk [tilespmem:v53+s3+$0x0], $0xffff  }
0x540: {  	v60 =	vadd.s32 $0x3838, v11;
	v42 =	vld.idx.msk [tilespmem:v52+s3+$0x0], $0xffff;
	[tilespmem:s19+$0xFFFFFE10] =	vst v31  }
0x541: {  	v61 =	vadd.s32 $0x3838, v10;
	v45 =	vld [tilespmem:s18+$0xFFFFFF10]  }
0x542: {  	v62 =	vadd.s32 $0x3838, v9;
	v63 =	vadd.s32 $0x3838, v7;
	v39 =	vmul.f32 v54, v17;
	v37 =	vld.idx.msk [tilespmem:v57+s3+$0x0], $0xffff  }
0x543: {  	v51 =	vadd.s32 $0x3838, v6;
	v44 =	vmul.f32 v55, v18;
	v33 =	vmul.f32 v56, v15;
	v32 =	vld.idx.msk [tilespmem:v58+s3+$0x0], $0xffff  }
0x544: {  	v36 =	vmul.f32 v36, v16;
	v38 =	vadd.f32 v38, v46;
	v35 =	vadd.f32 v41, v35;
	v41 =	vld.idx.msk [tilespmem:v59+s3+$0x0], $0xffff  }
0x545: {  	v30 =	vadd.f32 v40, v30;
	v52 =	vadd.s32 $0x3838, v5;
	v31 =	vld.idx.msk [tilespmem:v60+s3+$0x0], $0xffff;
	v34 =	vadd.f32 v34, v42  }
0x546: {  	v53 =	vadd.s32 $0x3838, v4;
	v39 =	vadd.f32 v44, v39;
	v33 =	vadd.f32 v36, v33;
	v36 =	vld.idx.msk [tilespmem:v61+s3+$0x0], $0xffff  }
0x547: {  	v55 =	vadd.s32 $0x3838, v8;
	v35 =	vadd.f32 v35, v38;
	v54 =	vld.idx.msk [tilespmem:v62+s3+$0x0], $0xffff;
	v30 =	vadd.f32 v34, v30  }
0x548: {  	v56 =	vld.idx.msk [tilespmem:v63+s3+$0x0], $0xffff  }
0x549: {  	v33 =	vadd.f32 v33, v39;
	v57 =	vld.idx.msk [tilespmem:v51+s3+$0x0], $0xffff;
	v30 =	vadd.f32 v30, v35  }
0x54a: {  	v58 =	vadd.s32 $0x6868, v29;
	v40 =	vld.idx.msk [tilespmem:v52+s3+$0x0], $0xffff  }
0x54b: {  	v59 =	vadd.s32 $0x6868, v28;
	v42 =	vld.idx.msk [tilespmem:v53+s3+$0x0], $0xffff;
	v30 =	vadd.f32 v33, v30  }
0x54c: {  	v60 =	vadd.s32 $0x6868, v27;
	v38 =	vld.idx.msk [tilespmem:v55+s3+$0x0], $0xffff  }
0x54d: {  	v61 =	vadd.s32 $0x6868, v26;
	[tilespmem:s19+$0x400] =	vst v30  }
0x54e: {  	v62 =	vadd.s32 $0x6868, v24;
	v63 =	vadd.s32 $0x6868, v25;
	v52 =	vadd.s32 $0x6868, v22;
	v46 =	vld [tilespmem:s18+$0x500]  }
0x54f: {  	v53 =	vadd.s32 $0x6868, v23;
	v44 =	vmul.f32 v56, v2;
	v37 =	vadd.f32 v37, v45;
	v39 =	vld.idx.msk [tilespmem:v58+s3+$0x0], $0xffff  }
0x550: {  	v35 =	vmul.f32 v57, v3;
	v32 =	vadd.f32 v41, v32;
	v31 =	vadd.f32 v36, v31;
	v33 =	vld.idx.msk [tilespmem:v59+s3+$0x0], $0xffff  }
0x551: {  	v40 =	vmul.f32 v40, v0;
	v42 =	vmul.f32 v42, v1;
	v34 =	vadd.f32 v38, v54;
	v41 =	vld.idx.msk [tilespmem:v60+s3+$0x0], $0xffff  }
0x552: {  	v56 =	vadd.s32 $0x6868, v20;
	v35 =	vadd.f32 v35, v44;
	v32 =	vadd.f32 v32, v37;
	v30 =	vld.idx.msk [tilespmem:v61+s3+$0x0], $0xffff  }
0x553: {  	v57 =	vadd.s32 $0x6868, v19;
	v55 =	vadd.f32 v42, v40;
	v31 =	vadd.f32 v34, v31;
	v40 =	vld.idx.msk [tilespmem:v62+s3+$0x0], $0xffff  }
0x554: {  	v54 =	vadd.s32 $0x6868, v21;
	v58 =	vld.idx.msk [tilespmem:v63+s3+$0x0], $0xffff  }
0x555: {  	v59 =	vld.idx.msk [tilespmem:v52+s3+$0x0], $0xffff;
	v35 =	vadd.f32 v55, v35;
	v31 =	vadd.f32 v31, v32  }
0x556: {  	v60 =	vld.idx.msk [tilespmem:v53+s3+$0x0], $0xffff;
	v61 =	vadd.s32 $0x4040, v14  }
0x557: {  	v62 =	vadd.s32 $0x4040, v13;
	v42 =	vld.idx.msk [tilespmem:v56+s3+$0x0], $0xffff;
	v31 =	vadd.f32 v35, v31  }
0x558: {  	v63 =	vadd.s32 $0x4040, v12;
	v34 =	vld.idx.msk [tilespmem:v57+s3+$0x0], $0xffff  }
0x559: {  	v52 =	vadd.s32 $0x4040, v11;
	v36 =	vld.idx.msk [tilespmem:v54+s3+$0x0], $0xffff;
	[tilespmem:s19+$0xFFFFFF10] =	vst v31  }
0x55a: {  	v55 =	vadd.s32 $0x4040, v7;
	v45 =	vld [tilespmem:s18+$0x10]  }
0x55b: {  	v53 =	vadd.s32 $0x4040, v10;
	v56 =	vadd.s32 $0x4040, v6;
	v57 =	vadd.s32 $0x4040, v5;
	v38 =	vld.idx.msk [tilespmem:v61+s3+$0x0], $0xffff  }
0x55c: {  	v54 =	vadd.s32 $0x4040, v9;
	v37 =	vmul.f32 v58, v17;
	v44 =	vmul.f32 v59, v18;
	v35 =	vld.idx.msk [tilespmem:v62+s3+$0x0], $0xffff  }
0x55d: {  	v32 =	vmul.f32 v60, v15;
	v39 =	vadd.f32 v39, v46;
	v33 =	vadd.f32 v41, v33;
	v41 =	vld.idx.msk [tilespmem:v63+s3+$0x0], $0xffff  }
0x55e: {  	v30 =	vadd.f32 v40, v30;
	v34 =	vadd.f32 v34, v42;
	v31 =	vld.idx.msk [tilespmem:v52+s3+$0x0], $0xffff;
	v36 =	vmul.f32 v36, v16  }
0x55f: {  	v58 =	vadd.s32 $0x4040, v4;
	v61 =	vld.idx.msk [tilespmem:v55+s3+$0x0], $0xffff;
	v37 =	vadd.f32 v44, v37;
	v33 =	vadd.f32 v33, v39  }
0x560: {  	v60 =	vadd.s32 $0x4040, v8;
	v62 =	vld.idx.msk [tilespmem:v56+s3+$0x0], $0xffff;
	v30 =	vadd.f32 v34, v30;
	v32 =	vadd.f32 v36, v32  }
0x561: {  	v40 =	vld.idx.msk [tilespmem:v57+s3+$0x0], $0xffff  }
0x562: {  	v59 =	vld.idx.msk [tilespmem:v54+s3+$0x0], $0xffff;
	v30 =	vadd.f32 v30, v33;
	v32 =	vadd.f32 v32, v37  }
0x563: {  	v63 =	vadd.s32 $0x7070, v29;
	v36 =	vld.idx.msk [tilespmem:v53+s3+$0x0], $0xffff  }
0x564: {  	v52 =	vadd.s32 $0x7070, v28;
	v42 =	vld.idx.msk [tilespmem:v58+s3+$0x0], $0xffff;
	v30 =	vadd.f32 v32, v30  }
0x565: {  	v53 =	vadd.s32 $0x7070, v27;
	v39 =	vld.idx.msk [tilespmem:v60+s3+$0x0], $0xffff  }
0x566: {  	v54 =	vadd.s32 $0x7070, v26;
	[tilespmem:s19+$0x500] =	vst v30  }
0x567: {  	v55 =	vadd.s32 $0x7070, v24;
	v57 =	vadd.s32 $0x7070, v19;
	v44 =	vmul.f32 v61, v2;
	v46 =	vld [tilespmem:s18+$0x600]  }
0x568: {  	v33 =	vmul.f32 v62, v3;
	v40 =	vmul.f32 v40, v0;
	v58 =	vadd.s32 $0x7070, v25;
	v37 =	vld.idx.msk [tilespmem:v63+s3+$0x0], $0xffff  }
0x569: {  	v38 =	vadd.f32 v38, v45;
	v35 =	vadd.f32 v41, v35;
	v62 =	vadd.s32 $0x7070, v21;
	v32 =	vld.idx.msk [tilespmem:v52+s3+$0x0], $0xffff  }
0x56a: {  	v31 =	vadd.f32 v36, v31;
	v42 =	vmul.f32 v42, v1;
	v41 =	vld.idx.msk [tilespmem:v53+s3+$0x0], $0xffff;
	v34 =	vadd.f32 v39, v59  }
0x56b: {  	v56 =	vadd.s32 $0x7070, v20;
	v33 =	vadd.f32 v33, v44;
	v35 =	vadd.f32 v35, v38;
	v30 =	vld.idx.msk [tilespmem:v54+s3+$0x0], $0xffff  }
0x56c: {  	v61 =	vadd.s32 $0x7070, v23;
	v44 =	vld.idx.msk [tilespmem:v57+s3+$0x0], $0xffff;
	v60 =	vadd.f32 v42, v40;
	v31 =	vadd.f32 v34, v31  }
0x56d: {  	v59 =	vadd.s32 $0x7070, v22;
	v63 =	vld.idx.msk [tilespmem:v58+s3+$0x0], $0xffff  }
0x56e: {  	v38 =	vld.idx.msk [tilespmem:v62+s3+$0x0], $0xffff;
	v33 =	vadd.f32 v60, v33;
	v31 =	vadd.f32 v31, v35  }
0x56f: {  	v40 =	vld.idx.msk [tilespmem:v55+s3+$0x0], $0xffff;
	v55 =	vadd.s32 $0x4848, v14  }
0x570: {  	v34 =	vld.idx.msk [tilespmem:v56+s3+$0x0], $0xffff;
	v56 =	vadd.s32 $0x4848, v13;
	v31 =	vadd.f32 v33, v31  }
0x571: {  	v57 =	vadd.s32 $0x4848, v12;
	v42 =	vld.idx.msk [tilespmem:v61+s3+$0x0], $0xffff  }
0x572: {  	v58 =	vadd.s32 $0x4848, v11;
	v36 =	vld.idx.msk [tilespmem:v59+s3+$0x0], $0xffff;
	[tilespmem:s19+$0x10] =	vst v31  }
0x573: {  	v60 =	vadd.s32 $0x4848, v10;
	v59 =	vld [tilespmem:s18+$0x110]  }
0x574: {  	v61 =	vadd.s32 $0x4848, v9;
	v39 =	vld.idx.msk [tilespmem:v55+s3+$0x0], $0xffff  }
0x575: {  	v62 =	vadd.s32 $0x4848, v7;
	v33 =	vld.idx.msk [tilespmem:v56+s3+$0x0], $0xffff  }
0x576: {  	v50 =	vadd.s32 $0x4848, v6;
	v43 =	vld.idx.msk [tilespmem:v57+s3+$0x0], $0xffff  }
0x577: {  	v51 =	vadd.s32 $0x4848, v5;
	v31 =	vld.idx.msk [tilespmem:v58+s3+$0x0], $0xffff  }
0x578: {  	v52 =	vadd.s32 $0x4848, v4;
	v47 =	vld.idx.msk [tilespmem:v60+s3+$0x0], $0xffff  }
0x579: {  	v53 =	vadd.s32 $0x4848, v8;
	v48 =	vld.idx.msk [tilespmem:v61+s3+$0x0], $0xffff  }
0x57a: {  	v49 =	vld.idx.msk [tilespmem:v62+s3+$0x0], $0xffff  }
0x57b: {  	v50 =	vld.idx.msk [tilespmem:v50+s3+$0x0], $0xffff  }
0x57c: {  	v51 =	vld.idx.msk [tilespmem:v51+s3+$0x0], $0xffff  }
0x57d: {  	v35 =	vmul.f32 v63, v17;
	v63 =	vld.idx.msk [tilespmem:v52+s3+$0x0], $0xffff  }
0x57e: {  	v52 =	vld.idx.msk [tilespmem:v53+s3+$0x0], $0xffff  }
0x57f: {  	v30 =	vadd.f32 v40, v30;
	v34 =	vadd.f32 v44, v34  }
0x580: {  	v37 =	vadd.f32 v37, v46;
	v54 =	vmul.f32 v49, v2  }
0x581: {  	v30 =	vadd.f32 v34, v30;
	v55 =	vmul.f32 v50, v3;
	v56 =	vmul.f32 v51, v0  }
0x582: {  	v57 =	vmul.f32 v63, v1;
	v39 =	vadd.f32 v39, v59;
	v33 =	vadd.f32 v43, v33  }
0x583: {  	v31 =	vadd.f32 v47, v31;
	v40 =	vadd.f32 v52, v48  }
0x584: {  	v34 =	vadd.f32 v55, v54;
	v58 =	vadd.f32 v57, v56  }
0x585: {  	v33 =	vadd.f32 v33, v39;
	v31 =	vadd.f32 v40, v31  }
0x586: {  	v38 =	vmul.f32 v38, v16;
	v32 =	vadd.f32 v41, v32;
	v42 =	vmul.f32 v42, v15  }
0x587: {  	v36 =	vmul.f32 v36, v18;
	v59 =	vadd.f32 v58, v34;
	v31 =	vadd.f32 v31, v33  }
0x588: {  	v32 =	vadd.f32 v32, v37;
	v53 =	vadd.f32 v38, v42;
	v60 =	vadd.s32 $0x5050, v14  }
0x589: {  	v61 =	vadd.s32 $0x5050, v13;
	v35 =	vadd.f32 v36, v35;
	v31 =	vadd.f32 v59, v31  }
0x58a: {  	v62 =	vadd.s32 $0x5050, v12  }
0x58b: {  	v44 =	vadd.s32 $0x5050, v11;
	v30 =	vadd.f32 v30, v32;
	v35 =	vadd.f32 v53, v35;
	[tilespmem:s19+$0x110] =	vst v31  }
0x58c: {  	v46 =	vadd.s32 $0x5050, v10;
	v45 =	vld [tilespmem:s18+$0x210]  }
0x58d: {  	v47 =	vadd.s32 $0x5050, v9;
	v30 =	vadd.f32 v35, v30;
	v33 =	vld.idx.msk [tilespmem:v60+s3+$0x0], $0xffff  }
0x58e: {  	v48 =	vadd.s32 $0x5050, v7;
	v32 =	vld.idx.msk [tilespmem:v61+s3+$0x0], $0xffff  }
0x58f: {  	v49 =	vadd.s32 $0x5050, v6;
	[tilespmem:s19+$0x600] =	vst v30;
	v30 =	vld.idx.msk [tilespmem:v62+s3+$0x0], $0xffff  }
0x590: {  	v50 =	vadd.s32 $0x5050, v5;
	v31 =	vld.idx.msk [tilespmem:v44+s3+$0x0], $0xffff  }
0x591: {  	v51 =	vadd.s32 $0x5050, v4;
	v36 =	vld.idx.msk [tilespmem:v46+s3+$0x0], $0xffff  }
0x592: {  	v52 =	vadd.s32 $0x5050, v8;
	v37 =	vld.idx.msk [tilespmem:v47+s3+$0x0], $0xffff  }
0x593: {  	v38 =	vld.idx.msk [tilespmem:v48+s3+$0x0], $0xffff  }
0x594: {  	v39 =	vld.idx.msk [tilespmem:v49+s3+$0x0], $0xffff  }
0x595: {  	v29 =	vadd.s32 $0x7878, v29;
	v40 =	vld.idx.msk [tilespmem:v50+s3+$0x0], $0xffff  }
0x596: {  	v28 =	vadd.s32 $0x7878, v28;
	v41 =	vld.idx.msk [tilespmem:v51+s3+$0x0], $0xffff  }
0x597: {  	v27 =	vadd.s32 $0x7878, v27;
	v42 =	vld.idx.msk [tilespmem:v52+s3+$0x0], $0xffff  }
0x598: {  	v26 =	vadd.s32 $0x7878, v26  }
0x599: {  	v24 =	vadd.s32 $0x7878, v24;
	v25 =	vadd.s32 $0x7878, v25;
	v63 =	vld [tilespmem:s18+$0x700];
	v38 =	vmul.f32 v38, v2  }
0x59a: {  	v22 =	vadd.s32 $0x7878, v22;
	v29 =	vld.idx.msk [tilespmem:v29+s3+$0x0], $0xffff;
	v39 =	vmul.f32 v39, v3;
	v40 =	vmul.f32 v40, v0  }
0x59b: {  	v28 =	vld.idx.msk [tilespmem:v28+s3+$0x0], $0xffff;
	v41 =	vmul.f32 v41, v1;
	v33 =	vadd.f32 v33, v45;
	v30 =	vadd.f32 v30, v32  }
0x59c: {  	v23 =	vadd.s32 $0x7878, v23;
	v27 =	vld.idx.msk [tilespmem:v27+s3+$0x0], $0xffff;
	v31 =	vadd.f32 v36, v31;
	v53 =	vadd.f32 v42, v37  }
0x59d: {  	v21 =	vadd.s32 $0x7878, v21;
	v26 =	vld.idx.msk [tilespmem:v26+s3+$0x0], $0xffff;
	v54 =	vadd.f32 v39, v38;
	v55 =	vadd.f32 v41, v40  }
0x59e: {  	v20 =	vadd.s32 $0x7878, v20;
	v24 =	vld.idx.msk [tilespmem:v24+s3+$0x0], $0xffff;
	v30 =	vadd.f32 v30, v33;
	v31 =	vadd.f32 v53, v31  }
0x59f: {  	v19 =	vadd.s32 $0x7878, v19;
	v25 =	vld.idx.msk [tilespmem:v25+s3+$0x0], $0xffff  }
0x5a0: {  	v22 =	vld.idx.msk [tilespmem:v22+s3+$0x0], $0xffff;
	v56 =	vadd.f32 v55, v54;
	v30 =	vadd.f32 v31, v30  }
0x5a1: {  	v57 =	vadd.s32 $0x5858, v14;
	v23 =	vld.idx.msk [tilespmem:v23+s3+$0x0], $0xffff  }
0x5a2: {  	v58 =	vadd.s32 $0x5858, v13;
	v21 =	vld.idx.msk [tilespmem:v21+s3+$0x0], $0xffff;
	v30 =	vadd.f32 v56, v30  }
0x5a3: {  	v20 =	vld.idx.msk [tilespmem:v20+s3+$0x0], $0xffff;
	v59 =	vadd.s32 $0x5858, v12  }
0x5a4: {  	v19 =	vld.idx.msk [tilespmem:v19+s3+$0x0], $0xffff;
	v60 =	vadd.s32 $0x5858, v11;
	[tilespmem:s19+$0x210] =	vst v30  }
0x5a5: {  	v62 =	vadd.s32 $0x5858, v10;
	v61 =	vld [tilespmem:s18+$0x310]  }
0x5a6: {  	v35 =	vadd.s32 $0x5858, v9;
	v34 =	vld.idx.msk [tilespmem:v57+s3+$0x0], $0xffff  }
0x5a7: {  	v39 =	vadd.s32 $0x5858, v7;
	v36 =	vld.idx.msk [tilespmem:v58+s3+$0x0], $0xffff  }
0x5a8: {  	v47 =	vadd.s32 $0x5858, v4;
	v17 =	vmul.f32 v25, v17;
	v40 =	vadd.s32 $0x5858, v6;
	v38 =	vld.idx.msk [tilespmem:v59+s3+$0x0], $0xffff  }
0x5a9: {  	v18 =	vmul.f32 v22, v18;
	v15 =	vmul.f32 v23, v15;
	v41 =	vadd.s32 $0x5858, v5;
	v22 =	vld.idx.msk [tilespmem:v60+s3+$0x0], $0xffff  }
0x5aa: {  	v16 =	vmul.f32 v21, v16;
	v63 =	vadd.f32 v29, v63;
	v27 =	vadd.f32 v27, v28;
	v23 =	vld.idx.msk [tilespmem:v62+s3+$0x0], $0xffff  }
0x5ab: {  	v24 =	vadd.f32 v24, v26;
	v19 =	vadd.f32 v19, v20;
	v37 =	vadd.s32 $0x5858, v8;
	v43 =	vld.idx.msk [tilespmem:v35+s3+$0x0], $0xffff  }
0x5ac: {  	v17 =	vadd.f32 v18, v17;
	v15 =	vadd.f32 v16, v15;
	v48 =	vld.idx.msk [tilespmem:v39+s3+$0x0], $0xffff  }
0x5ad: {  	v25 =	vadd.f32 v27, v63;
	v19 =	vadd.f32 v19, v24;
	v49 =	vld.idx.msk [tilespmem:v40+s3+$0x0], $0xffff  }
0x5ae: {  	v50 =	vld.idx.msk [tilespmem:v41+s3+$0x0], $0xffff  }
0x5af: {  	v15 =	vadd.f32 v15, v17;
	v42 =	vadd.f32 v19, v25;
	v51 =	vld.idx.msk [tilespmem:v47+s3+$0x0], $0xffff  }
0x5b0: {  	v26 =	vld.idx.msk [tilespmem:v37+s3+$0x0], $0xffff  }
0x5b1: {  	v15 =	vadd.f32 v15, v42  }
0x5b2: {  	v17 =	vmul.f32 v48, v2  }
0x5b3: {  	[tilespmem:s19+$0x700] =	vst v15;
	v18 =	vmul.f32 v49, v3;
	v15 =	vmul.f32 v50, v0  }
0x5b4: {  	v24 =	vmul.f32 v51, v1;
	v21 =	vadd.f32 v34, v61;
	v16 =	vadd.f32 v38, v36  }
0x5b5: {  	v52 =	vadd.f32 v23, v22;
	v19 =	vadd.f32 v26, v43  }
0x5b6: {  	v17 =	vadd.f32 v18, v17;
	v15 =	vadd.f32 v24, v15  }
0x5b7: {  	v16 =	vadd.f32 v16, v21;
	v53 =	vadd.f32 v19, v52;
	_ =	sdelay $0x1  }
0x5b8: {  	v15 =	vadd.f32 v15, v17;
	v16 =	vadd.f32 v53, v16  }
0x5b9: {  	v54 =	vadd.s32 $0x6060, v14  }
0x5ba: {  	v55 =	vadd.s32 $0x6060, v13;
	v15 =	vadd.f32 v15, v16  }
0x5bb: {  	v56 =	vadd.s32 $0x6060, v12  }
0x5bc: {  	v57 =	vadd.s32 $0x6060, v11;
	[tilespmem:s19+$0x310] =	vst v15  }
0x5bd: {  	v59 =	vadd.s32 $0x6060, v10;
	v58 =	vld [tilespmem:s18+$0x410]  }
0x5be: {  	v60 =	vadd.s32 $0x6060, v9;
	v17 =	vld.idx.msk [tilespmem:v54+s3+$0x0], $0xffff  }
0x5bf: {  	v61 =	vadd.s32 $0x6060, v7;
	v16 =	vld.idx.msk [tilespmem:v55+s3+$0x0], $0xffff  }
0x5c0: {  	v62 =	vadd.s32 $0x6060, v6;
	v18 =	vld.idx.msk [tilespmem:v56+s3+$0x0], $0xffff  }
0x5c1: {  	v63 =	vadd.s32 $0x6060, v5;
	v15 =	vld.idx.msk [tilespmem:v57+s3+$0x0], $0xffff  }
0x5c2: {  	v28 =	vadd.s32 $0x6060, v4;
	v20 =	vld.idx.msk [tilespmem:v59+s3+$0x0], $0xffff  }
0x5c3: {  	v29 =	vadd.s32 $0x6060, v8;
	v21 =	vld.idx.msk [tilespmem:v60+s3+$0x0], $0xffff  }
0x5c4: {  	v22 =	vld.idx.msk [tilespmem:v61+s3+$0x0], $0xffff  }
0x5c5: {  	v23 =	vld.idx.msk [tilespmem:v62+s3+$0x0], $0xffff  }
0x5c6: {  	v24 =	vld.idx.msk [tilespmem:v63+s3+$0x0], $0xffff  }
0x5c7: {  	v25 =	vld.idx.msk [tilespmem:v28+s3+$0x0], $0xffff  }
0x5c8: {  	v26 =	vld.idx.msk [tilespmem:v29+s3+$0x0], $0xffff;
	_ =	sdelay $0x1  }
0x5c9: {  	v22 =	vmul.f32 v22, v2  }
0x5ca: {  	v23 =	vmul.f32 v23, v3;
	v24 =	vmul.f32 v24, v0  }
0x5cb: {  	v25 =	vmul.f32 v25, v1;
	v17 =	vadd.f32 v17, v58;
	v16 =	vadd.f32 v18, v16  }
0x5cc: {  	v15 =	vadd.f32 v20, v15;
	v30 =	vadd.f32 v26, v21  }
0x5cd: {  	v31 =	vadd.f32 v23, v22;
	v32 =	vadd.f32 v25, v24  }
0x5ce: {  	v16 =	vadd.f32 v16, v17;
	v15 =	vadd.f32 v30, v15;
	_ =	sdelay $0x1  }
0x5cf: {  	v33 =	vadd.f32 v32, v31;
	v15 =	vadd.f32 v15, v16  }
0x5d0: {  	[tilespmem:$0x1FE80] =	vst v11;
	v34 =	vadd.s32 $0x6868, v14  }
0x5d1: {  	[tilespmem:$0x1FED0] =	vst v6;
	v35 =	vadd.s32 $0x6868, v13;
	v15 =	vadd.f32 v33, v15  }
0x5d2: {  	[tilespmem:$0x1FEE0] =	vst v5;
	v36 =	vadd.s32 $0x6868, v12  }
0x5d3: {  	v37 =	vadd.s32 $0x6868, v11;
	[tilespmem:s19+$0x410] =	vst v15  }
0x5d4: {  	[tilespmem:$0x1FE90] =	vst v10;
	v40 =	vadd.s32 $0x6868, v10;
	v39 =	vld [tilespmem:s18+$0x510]  }
0x5d5: {  	[tilespmem:$0x1FEA0] =	vst v9;
	v42 =	vadd.s32 $0x6868, v9;
	v16 =	vld.idx.msk [tilespmem:v34+s3+$0x0], $0xffff  }
0x5d6: {  	[tilespmem:$0x1FEC0] =	vst v7;
	v44 =	vadd.s32 $0x6868, v7;
	v17 =	vld.idx.msk [tilespmem:v35+s3+$0x0], $0xffff  }
0x5d7: {  	[tilespmem:$0x1FE50] =	vst v1;
	v47 =	vadd.s32 $0x6868, v6;
	v18 =	vld.idx.msk [tilespmem:v36+s3+$0x0], $0xffff  }
0x5d8: {  	[tilespmem:$0x1FE40] =	vst v0;
	v48 =	vadd.s32 $0x6868, v5;
	v15 =	vld.idx.msk [tilespmem:v37+s3+$0x0], $0xffff  }
0x5d9: {  	v49 =	vadd.s32 $0x6868, v4;
	v20 =	vld.idx.msk [tilespmem:v40+s3+$0x0], $0xffff  }
0x5da: {  	v50 =	vadd.s32 $0x6868, v8;
	v21 =	vld.idx.msk [tilespmem:v42+s3+$0x0], $0xffff  }
0x5db: {  	v22 =	vld.idx.msk [tilespmem:v44+s3+$0x0], $0xffff  }
0x5dc: {  	v23 =	vld.idx.msk [tilespmem:v47+s3+$0x0], $0xffff  }
0x5dd: {  	v24 =	vld.idx.msk [tilespmem:v48+s3+$0x0], $0xffff  }
0x5de: {  	v25 =	vld.idx.msk [tilespmem:v49+s3+$0x0], $0xffff  }
0x5df: {  	v26 =	vld.idx.msk [tilespmem:v50+s3+$0x0], $0xffff  }
0x5e0: {  	v43 =	vmov v9;
	v44 =	vld [tilespmem:s10+$0xFFFFFB00]  }
0x5e1: {  	v60 =	vadd.s32 $0x7070, v43;
	v43 =	vld [tilespmem:s10+$0xFFFFFC00]  }
0x5e2: {  	v41 =	vmov v10;
	v42 =	vld [tilespmem:s10+$0xFFFFFD00]  }
0x5e3: {  	v59 =	vadd.s32 $0x7070, v41;
	v41 =	vld [tilespmem:s10+$0xFFFFFE00]  }
0x5e4: {  	v40 =	vld [tilespmem:s10+$0xFFFFFF00]  }
0x5e5: {  	v37 =	vld [tilespmem:s10+$0x100]  }
0x5e6: {  	v33 =	vld [tilespmem:s10+$0x200]  }
0x5e7: {  	v31 =	vld [tilespmem:s10+$0x300]  }
0x5e8: {  	v29 =	vld [tilespmem:s10+$0x400]  }
0x5e9: {  	v38 =	vmov v11;
	v28 =	vld [tilespmem:s10+$0x500]  }
0x5ea: {  	v58 =	vadd.s32 $0x7070, v38;
	v38 =	vld [tilespmem:s10+$0xFFFFFB10]  }
0x5eb: {  	v36 =	vld [tilespmem:s10+$0xFFFFFC10]  }
0x5ec: {  	v35 =	vld [tilespmem:s10+$0xFFFFFD10]  }
0x5ed: {  	v34 =	vld [tilespmem:s10+$0xFFFFFE10]  }
0x5ee: {  	v32 =	vld [tilespmem:s10+$0xFFFFFF10]  }
0x5ef: {  	v30 =	vld [tilespmem:s10+$0x10]  }
0x5f0: {  	v27 =	vld [tilespmem:s10+$0x210]  }
0x5f1: {  	v19 =	vld [tilespmem:s11+$0xFFFFFF30]  }
0x5f2: {  	v11 =	vmov v5;
	v5 =	vld [tilespmem:s18+$0xFFFFF830]  }
0x5f3: {  	v16 =	vadd.f32 v16, v39;
	v39 =	vld [tilespmem:s10+$0x0]  }
0x5f4: {  	v17 =	vadd.f32 v18, v17;
	v18 =	vld [tilespmem:s11+$0xFFFFFE20]  }
0x5f5: {  	v25 =	vmul.f32 v25, v1;
	v1 =	vld [tilespmem:s18+$0xFFFFF820]  }
0x5f6: {  	v51 =	vadd.f32 v26, v21;
	v26 =	vld [tilespmem:s10+$0x310]  }
0x5f7: {  	v22 =	vmul.f32 v22, v2;
	v23 =	vmul.f32 v23, v3;
	v15 =	vadd.f32 v20, v15;
	v20 =	vld [tilespmem:s11+$0x30]  }
0x5f8: {  	v24 =	vmul.f32 v24, v0;
	v21 =	vld [tilespmem:s11+$0x130]  }
0x5f9: {  	v52 =	vadd.f32 v23, v22;
	v16 =	vadd.f32 v17, v16;
	v17 =	vld [tilespmem:s11+$0x20]  }
0x5fa: {  	v53 =	vadd.f32 v25, v24;
	v15 =	vadd.f32 v51, v15;
	v23 =	vld [tilespmem:s10+$0x110]  }
0x5fb: {  	v25 =	vld [tilespmem:s10+$0x410]  }
0x5fc: {  	v55 =	vadd.s32 $0x7070, v14;
	v24 =	vld [tilespmem:s10+$0x510];
	v54 =	vadd.f32 v53, v52;
	v15 =	vadd.f32 v15, v16  }
0x5fd: {  	v45 =	vmov v2;
	v56 =	vadd.s32 $0x7070, v13;
	[tilespmem:$0x1FF00] =	vst v2;
	v2 =	vld.idx.msk [tilespmem:v44+s3+$0x0], $0xffff  }
0x5fe: {  	v57 =	vadd.s32 $0x7070, v12;
	v16 =	vld [tilespmem:s11+$0xFFFFFF20];
	v15 =	vadd.f32 v54, v15  }
0x5ff: {  	v54 =	vld.idx.msk [tilespmem:v43+s3+$0x0], $0xffff  }
0x600: {  	[tilespmem:s19+$0x510] =	vst v15;
	v15 =	vld [tilespmem:s11+$0x120]  }
0x601: {  	v50 =	vld.idx.msk [tilespmem:v55+s3+$0x0], $0xffff  }
0x602: {  	v61 =	vadd.s32 $0x7070, v8;
	v49 =	vld.idx.msk [tilespmem:v56+s3+$0x0], $0xffff  }
0x603: {  	v51 =	vld.idx.msk [tilespmem:v57+s3+$0x0], $0xffff  }
0x604: {  	v62 =	vld.idx.msk [tilespmem:v58+s3+$0x0], $0xffff  }
0x605: {  	v63 =	vld.idx.msk [tilespmem:v59+s3+$0x0], $0xffff  }
0x606: {  	v47 =	vld.idx.msk [tilespmem:v60+s3+$0x0], $0xffff  }
0x607: {  	v48 =	vld.idx.msk [tilespmem:v61+s3+$0x0], $0xffff  }
0x608: {  	v55 =	vld.idx.msk [tilespmem:v42+s3+$0x0], $0xffff  }
0x609: {  	v56 =	vld.idx.msk [tilespmem:v41+s3+$0x0], $0xffff  }
0x60a: {  	v57 =	vld.idx.msk [tilespmem:v40+s3+$0x0], $0xffff  }
0x60b: {  	v58 =	vld.idx.msk [tilespmem:v39+s3+$0x0], $0xffff  }
0x60c: {  	v59 =	vld.idx.msk [tilespmem:v37+s3+$0x0], $0xffff  }
0x60d: {  	v60 =	vld.idx.msk [tilespmem:v33+s3+$0x0], $0xffff  }
0x60e: {  	v61 =	vld.idx.msk [tilespmem:v31+s3+$0x0], $0xffff  }
0x60f: {  	[tilespmem:$0x1FE60] =	vst v62;
	v62 =	vld.idx.msk [tilespmem:v29+s3+$0x0], $0xffff  }
0x610: {  	[tilespmem:$0x1FE70] =	vst v63;
	v63 =	vld.idx.msk [tilespmem:v28+s3+$0x0], $0xffff  }
0x611: {  	[tilespmem:$0x1FEF0] =	vst v4;
	v22 =	vld [tilespmem:s11+$0xFFFFFE30]  }
0x612: {  	v10 =	vmov v4;
	[tilespmem:$0x1FEB0] =	vst v8;
	v4 =	vld.idx.msk [tilespmem:v38+s3+$0x0], $0xffff  }
0x613: {  	v46 =	vmov v3;
	[tilespmem:$0x1FF10] =	vst v3;
	v52 =	vadd.f32 v2, v1;
	v0 =	vmul.f32 v61, v16;
	v61 =	vld.idx.msk [tilespmem:v36+s3+$0x0], $0xffff  }
0x614: {  	v8 =	vmul.f32 v60, v18;
	v54 =	vadd.f32 v55, v54;
	v3 =	vadd.f32 v59, v58;
	v58 =	vld.idx.msk [tilespmem:v34+s3+$0x0], $0xffff  }
0x615: {  	v56 =	vadd.f32 v57, v56;
	v59 =	vld.idx.msk [tilespmem:v32+s3+$0x0], $0xffff;
	v1 =	vmul.f32 v62, v17;
	v2 =	vmul.f32 v63, v15  }
0x616: {  	v60 =	vld.idx.msk [tilespmem:v27+s3+$0x0], $0xffff;
	v53 =	vadd.f32 v0, v8;
	v52 =	vadd.f32 v54, v52  }
0x617: {  	v9 =	vmov v6;
	v6 =	vadd.f32 v3, v56;
	v56 =	vld.idx.msk [tilespmem:v30+s3+$0x0], $0xffff;
	v55 =	vadd.f32 v2, v1  }
0x618: {  	v57 =	vadd.s32 $0x7070, v7;
	v63 =	vld.idx.msk [tilespmem:v35+s3+$0x0], $0xffff  }
0x619: {  	v54 =	vadd.s32 $0x808, v44;
	v0 =	vld.idx.msk [tilespmem:v24+s3+$0x0], $0xffff;
	v52 =	vadd.f32 v6, v52;
	v53 =	vadd.f32 v55, v53  }
0x61a: {  	v8 =	vld.idx.msk [tilespmem:v23+s3+$0x0], $0xffff;
	v62 =	vadd.s32 $0x808, v43  }
0x61b: {  	v6 =	vadd.s32 $0x808, v41;
	v2 =	vld.idx.msk [tilespmem:v25+s3+$0x0], $0xffff;
	v52 =	vadd.f32 v53, v52  }
0x61c: {  	v1 =	vadd.s32 $0x808, v31;
	v55 =	vld.idx.msk [tilespmem:v26+s3+$0x0], $0xffff  }
0x61d: {  	v4 =	vadd.f32 v4, v5;
	v5 =	vadd.f32 v63, v61;
	v61 =	vadd.s32 $0x808, v39;
	[tilespmem:s19+$0xFFFFF820] =	vst v52;
	v52 =	vld.idx.msk [tilespmem:v57+s3+$0x0], $0xffff  }
0x61e: {  	v63 =	vadd.s32 $0x808, v33;
	v54 =	vld.idx.msk [tilespmem:v54+s3+$0x0], $0xffff  }
0x61f: {  	v53 =	vadd.s32 $0x808, v42;
	v62 =	vld.idx.msk [tilespmem:v62+s3+$0x0], $0xffff  }
0x620: {  	v60 =	vmul.f32 v60, v22;
	v58 =	vadd.f32 v59, v58;
	v57 =	vadd.s32 $0x808, v40;
	v7 =	vld.idx.msk [tilespmem:v6+s3+$0x0], $0xffff  }
0x621: {  	v0 =	vmul.f32 v0, v21;
	v3 =	vadd.f32 v8, v56;
	v8 =	vadd.s32 $0x808, v28;
	v1 =	vld.idx.msk [tilespmem:v1+s3+$0x0], $0xffff  }
0x622: {  	v2 =	vmul.f32 v2, v20;
	v4 =	vadd.f32 v5, v4;
	v55 =	vmul.f32 v55, v19;
	v5 =	vld.idx.msk [tilespmem:v61+s3+$0x0], $0xffff  }
0x623: {  	v3 =	vadd.f32 v3, v58;
	v58 =	vld.idx.msk [tilespmem:v63+s3+$0x0], $0xffff  }
0x624: {  	v56 =	vadd.s32 $0x808, v29;
	v0 =	vadd.f32 v0, v2;
	v53 =	vld.idx.msk [tilespmem:v53+s3+$0x0], $0xffff;
	v55 =	vadd.f32 v55, v60  }
0x625: {  	v59 =	vadd.s32 $0x808, v37;
	v6 =	vld.idx.msk [tilespmem:v57+s3+$0x0], $0xffff  }
0x626: {  	v3 =	vadd.f32 v3, v4;
	v4 =	vadd.s32 $0x808, v38;
	v0 =	vadd.f32 v0, v55;
	v55 =	vld [tilespmem:s18+$0xFFFFF920]  }
0x627: {  	v60 =	vadd.s32 $0x808, v36;
	v57 =	vld.idx.msk [tilespmem:v8+s3+$0x0], $0xffff  }
0x628: {  	v8 =	vadd.s32 $0x808, v34;
	v52 =	vmul.f32 v52, v45;
	v45 =	vld [tilespmem:$0x1FE60];
	v0 =	vadd.f32 v0, v3  }
0x629: {  	v2 =	vadd.s32 $0x808, v26;
	v3 =	vld.idx.msk [tilespmem:v56+s3+$0x0], $0xffff  }
0x62a: {  	v9 =	vadd.s32 $0x7070, v9;
	[tilespmem:s19+$0xFFFFF830] =	vst v0;
	v0 =	vld.idx.msk [tilespmem:v59+s3+$0x0], $0xffff  }
0x62b: {  	v56 =	vadd.s32 $0x808, v35;
	v4 =	vld.idx.msk [tilespmem:v4+s3+$0x0], $0xffff  }
0x62c: {  	v53 =	vadd.f32 v53, v62;
	v62 =	vadd.s32 $0x808, v25;
	v54 =	vadd.f32 v54, v55;
	v55 =	vld.idx.msk [tilespmem:v60+s3+$0x0], $0xffff  }
0x62d: {  	v59 =	vadd.s32 $0x808, v32;
	v61 =	vld.idx.msk [tilespmem:v8+s3+$0x0], $0xffff  }
0x62e: {  	v63 =	vadd.s32 $0x808, v30;
	v2 =	vld.idx.msk [tilespmem:v2+s3+$0x0], $0xffff  }
0x62f: {  	v1 =	vmul.f32 v1, v16;
	v8 =	vld.idx.msk [tilespmem:v9+s3+$0x0], $0xffff  }
0x630: {  	v58 =	vmul.f32 v58, v18;
	v60 =	vadd.s32 $0x808, v27;
	v57 =	vmul.f32 v57, v15;
	v56 =	vld.idx.msk [tilespmem:v56+s3+$0x0], $0xffff  }
0x631: {  	v6 =	vadd.f32 v6, v7;
	v3 =	vmul.f32 v3, v17;
	v7 =	vld.idx.msk [tilespmem:v62+s3+$0x0], $0xffff;
	v0 =	vadd.f32 v0, v5  }
0x632: {  	v1 =	vadd.f32 v1, v58;
	v53 =	vadd.f32 v53, v54;
	v54 =	vadd.s32 $0x808, v23;
	v5 =	vld.idx.msk [tilespmem:v59+s3+$0x0], $0xffff  }
0x633: {  	v58 =	vadd.s32 $0x808, v24;
	v3 =	vadd.f32 v57, v3;
	v57 =	vld.idx.msk [tilespmem:v63+s3+$0x0], $0xffff;
	v0 =	vadd.f32 v0, v6  }
0x634: {  	v63 =	vld [tilespmem:$0x1FE50]  }
0x635: {  	v6 =	vld.idx.msk [tilespmem:v60+s3+$0x0], $0xffff;
	v1 =	vadd.f32 v3, v1;
	v3 =	vadd.s32 $0x1010, v44;
	v0 =	vadd.f32 v0, v53  }
0x636: {  	v60 =	vadd.s32 $0x1010, v43;
	v53 =	vld [tilespmem:s18+$0xFFFFF930]  }
0x637: {  	v62 =	vadd.s32 $0x1010, v41;
	v54 =	vld.idx.msk [tilespmem:v54+s3+$0x0], $0xffff;
	v0 =	vadd.f32 v1, v0  }
0x638: {  	v59 =	vadd.s32 $0x1010, v40;
	v1 =	vld.idx.msk [tilespmem:v58+s3+$0x0], $0xffff  }
0x639: {  	v8 =	vmul.f32 v8, v46;
	v46 =	vld [tilespmem:$0x1FE70];
	v5 =	vadd.f32 v5, v61;
	v61 =	vadd.s32 $0x1010, v31;
	[tilespmem:s19+$0xFFFFF920] =	vst v0  }
0x63a: {  	v2 =	vmul.f32 v2, v19;
	v58 =	vadd.s32 $0x1010, v42;
	v6 =	vmul.f32 v6, v22;
	v3 =	vld.idx.msk [tilespmem:v3+s3+$0x0], $0xffff  }
0x63b: {  	v4 =	vadd.f32 v4, v53;
	v53 =	vadd.f32 v56, v55;
	v55 =	vadd.s32 $0x1010, v39;
	v56 =	vld.idx.msk [tilespmem:v60+s3+$0x0], $0xffff  }
0x63c: {  	v9 =	vadd.s32 $0x1010, v33;
	v7 =	vmul.f32 v7, v20;
	v54 =	vadd.f32 v54, v57;
	v57 =	vld.idx.msk [tilespmem:v62+s3+$0x0], $0xffff  }
0x63d: {  	v60 =	vadd.s32 $0x1010, v37;
	v2 =	vadd.f32 v2, v6;
	v6 =	vld.idx.msk [tilespmem:v59+s3+$0x0], $0xffff;
	v1 =	vmul.f32 v1, v21  }
0x63e: {  	v5 =	vadd.f32 v54, v5;
	v59 =	vld.idx.msk [tilespmem:v61+s3+$0x0], $0xffff  }
0x63f: {  	v58 =	vld.idx.msk [tilespmem:v58+s3+$0x0], $0xffff;
	v4 =	vadd.f32 v53, v4;
	v53 =	vadd.s32 $0x1010, v29;
	v1 =	vadd.f32 v1, v7  }
0x640: {  	v7 =	vld.idx.msk [tilespmem:v55+s3+$0x0], $0xffff;
	v55 =	vadd.s32 $0x1010, v28  }
0x641: {  	v1 =	vadd.f32 v1, v2;
	v2 =	vadd.f32 v5, v4;
	v4 =	vld.idx.msk [tilespmem:v9+s3+$0x0], $0xffff;
	v9 =	vadd.s32 $0x1010, v38  }
0x642: {  	v54 =	vld.idx.msk [tilespmem:v60+s3+$0x0], $0xffff;
	v60 =	vadd.s32 $0x1010, v36  }
0x643: {  	v61 =	vadd.s32 $0x1010, v35;
	v1 =	vadd.f32 v1, v2;
	v2 =	vld [tilespmem:s18+$0xFFFFFA20]  }
0x644: {  	v62 =	vadd.s32 $0x1010, v34;
	v53 =	vld.idx.msk [tilespmem:v53+s3+$0x0], $0xffff  }
0x645: {  	v0 =	vadd.s32 $0x1010, v27;
	[tilespmem:s19+$0xFFFFF930] =	vst v1;
	v1 =	vld.idx.msk [tilespmem:v55+s3+$0x0], $0xffff  }
0x646: {  	v5 =	vld.idx.msk [tilespmem:v9+s3+$0x0], $0xffff;
	v9 =	vadd.s32 $0x1010, v30  }
0x647: {  	v55 =	vadd.s32 $0x1010, v32;
	v60 =	vld.idx.msk [tilespmem:v60+s3+$0x0], $0xffff  }
0x648: {  	v6 =	vadd.f32 v6, v57;
	v2 =	vadd.f32 v3, v2;
	v3 =	vld.idx.msk [tilespmem:v61+s3+$0x0], $0xffff;
	v61 =	vadd.s32 $0x1010, v26  }
0x649: {  	v56 =	vadd.f32 v58, v56;
	v58 =	vmul.f32 v59, v16;
	v7 =	vadd.f32 v54, v7;
	v59 =	vld.idx.msk [tilespmem:v62+s3+$0x0], $0xffff  }
0x64a: {  	v62 =	vadd.s32 $0x1010, v25;
	v0 =	vld.idx.msk [tilespmem:v0+s3+$0x0], $0xffff;
	v53 =	vmul.f32 v53, v17;
	v1 =	vmul.f32 v1, v15  }
0x64b: {  	v4 =	vmul.f32 v4, v18;
	v54 =	vld.idx.msk [tilespmem:v9+s3+$0x0], $0xffff;
	v9 =	vadd.s32 $0x1010, v24  }
0x64c: {  	v6 =	vadd.f32 v7, v6;
	v55 =	vld.idx.msk [tilespmem:v55+s3+$0x0], $0xffff;
	v1 =	vadd.f32 v1, v53;
	v53 =	vadd.s32 $0x1010, v23  }
0x64d: {  	v11 =	vadd.s32 $0x7070, v11;
	v4 =	vadd.f32 v58, v4;
	v2 =	vadd.f32 v56, v2;
	v7 =	vld.idx.msk [tilespmem:v61+s3+$0x0], $0xffff  }
0x64e: {  	v58 =	vadd.s32 $0x7070, v10;
	v61 =	vld [tilespmem:s18+$0xFFFFFA30]  }
0x64f: {  	v2 =	vadd.f32 v6, v2;
	v6 =	vadd.s32 $0x1818, v44;
	v1 =	vadd.f32 v1, v4;
	v4 =	vld.idx.msk [tilespmem:v62+s3+$0x0], $0xffff  }
0x650: {  	v57 =	vld.idx.msk [tilespmem:v9+s3+$0x0], $0xffff  }
0x651: {  	v9 =	vadd.s32 $0x1818, v43;
	v1 =	vadd.f32 v1, v2;
	v10 =	vld.idx.msk [tilespmem:v53+s3+$0x0], $0xffff  }
0x652: {  	v53 =	vld.idx.msk [tilespmem:v11+s3+$0x0], $0xffff  }
0x653: {  	v11 =	vadd.s32 $0x1818, v42;
	[tilespmem:s19+$0xFFFFFA20] =	vst v1;
	v1 =	vadd.f32 v5, v61;
	v5 =	vld.idx.msk [tilespmem:v58+s3+$0x0], $0xffff  }
0x654: {  	v58 =	vadd.s32 $0x1818, v41;
	v6 =	vld.idx.msk [tilespmem:v6+s3+$0x0], $0xffff  }
0x655: {  	v0 =	vmul.f32 v0, v22;
	v3 =	vadd.f32 v3, v60;
	v60 =	vadd.s32 $0x1818, v40;
	v56 =	vld [tilespmem:s18+$0xFFFFFB20]  }
0x656: {  	v62 =	vadd.s32 $0x1818, v39;
	v55 =	vadd.f32 v55, v59;
	v7 =	vmul.f32 v7, v19;
	v61 =	vld.idx.msk [tilespmem:v9+s3+$0x0], $0xffff  }
0x657: {  	v4 =	vmul.f32 v4, v20;
	v57 =	vmul.f32 v57, v21;
	v9 =	vld [tilespmem:s18+$0x610];
	v2 =	vadd.f32 v10, v54  }
0x658: {  	v0 =	vadd.f32 v7, v0;
	v1 =	vadd.f32 v3, v1;
	v10 =	vadd.s32 $0x1818, v33;
	v7 =	vld.idx.msk [tilespmem:v11+s3+$0x0], $0xffff  }
0x659: {  	v11 =	vadd.s32 $0x1818, v31;
	v4 =	vadd.f32 v57, v4;
	v3 =	vld.idx.msk [tilespmem:v58+s3+$0x0], $0xffff;
	v2 =	vadd.f32 v2, v55  }
0x65a: {  	v57 =	vadd.s32 $0x1818, v29;
	v55 =	vld.idx.msk [tilespmem:v60+s3+$0x0], $0xffff  }
0x65b: {  	v0 =	vadd.f32 v4, v0;
	v4 =	vadd.s32 $0x1818, v28;
	v1 =	vadd.f32 v2, v1;
	v2 =	vld.idx.msk [tilespmem:v62+s3+$0x0], $0xffff  }
0x65c: {  	v58 =	vadd.s32 $0x1818, v37;
	v62 =	vld [tilespmem:$0x1FE40]  }
0x65d: {  	v49 =	vadd.f32 v51, v49;
	v51 =	vadd.s32 $0x1818, v38;
	v45 =	vadd.f32 v46, v45;
	v54 =	vld.idx.msk [tilespmem:v10+s3+$0x0], $0xffff  }
0x65e: {  	v46 =	vadd.f32 v48, v47;
	v59 =	vadd.s32 $0x1818, v36;
	v0 =	vadd.f32 v0, v1;
	v1 =	vld.idx.msk [tilespmem:v11+s3+$0x0], $0xffff  }
0x65f: {  	v47 =	vadd.s32 $0x1818, v34;
	v57 =	vld.idx.msk [tilespmem:v57+s3+$0x0], $0xffff  }
0x660: {  	v8 =	vadd.f32 v8, v52;
	v48 =	vadd.s32 $0x1818, v32;
	v45 =	vadd.f32 v46, v45;
	v4 =	vld.idx.msk [tilespmem:v4+s3+$0x0], $0xffff  }
0x661: {  	v6 =	vadd.f32 v6, v56;
	v56 =	vadd.s32 $0x1818, v23;
	v50 =	vadd.f32 v50, v9;
	[tilespmem:s19+$0xFFFFFA30] =	vst v0;
	v0 =	vld.idx.msk [tilespmem:v58+s3+$0x0], $0xffff  }
0x662: {  	v5 =	vmul.f32 v5, v63;
	v60 =	vadd.s32 $0x1818, v35;
	v7 =	vadd.f32 v7, v61;
	v46 =	vld.idx.msk [tilespmem:v51+s3+$0x0], $0xffff  }
0x663: {  	v9 =	vadd.s32 $0x1818, v30;
	v61 =	vadd.s32 $0x1818, v24;
	v49 =	vadd.f32 v49, v50;
	v50 =	vld.idx.msk [tilespmem:v59+s3+$0x0], $0xffff  }
0x664: {  	v3 =	vadd.f32 v55, v3;
	v6 =	vadd.f32 v7, v6;
	v53 =	vmul.f32 v53, v62;
	v47 =	vld.idx.msk [tilespmem:v47+s3+$0x0], $0xffff  }
0x665: {  	v52 =	vld [tilespmem:s18+$0xFFFFFB30];
	v10 =	vmul.f32 v54, v18;
	v54 =	vadd.s32 $0x1818, v27;
	v1 =	vmul.f32 v1, v16  }
0x666: {  	v7 =	vld.idx.msk [tilespmem:v56+s3+$0x0], $0xffff;
	v11 =	vmul.f32 v57, v17;
	v4 =	vmul.f32 v4, v15;
	v0 =	vadd.f32 v0, v2  }
0x667: {  	v5 =	vadd.f32 v5, v53;
	v53 =	vld.idx.msk [tilespmem:v60+s3+$0x0], $0xffff;
	v60 =	vadd.s32 $0x1818, v25;
	v1 =	vadd.f32 v1, v10  }
0x668: {  	v57 =	vadd.s32 $0x1818, v26;
	v2 =	vld.idx.msk [tilespmem:v48+s3+$0x0], $0xffff;
	v4 =	vadd.f32 v4, v11;
	v0 =	vadd.f32 v0, v3  }
0x669: {  	v48 =	vld.idx.msk [tilespmem:v61+s3+$0x0], $0xffff  }
0x66a: {  	v3 =	vld.idx.msk [tilespmem:v9+s3+$0x0], $0xffff;
	v1 =	vadd.f32 v4, v1;
	v0 =	vadd.f32 v0, v6  }
0x66b: {  	v58 =	vadd.f32 v45, v49;
	v49 =	vld.idx.msk [tilespmem:v54+s3+$0x0], $0xffff;
	v6 =	vadd.s32 $0x2020, v44  }
0x66c: {  	v59 =	vadd.s32 $0x2020, v43;
	v5 =	vadd.f32 v5, v8;
	v8 =	vld.idx.msk [tilespmem:v60+s3+$0x0], $0xffff;
	v0 =	vadd.f32 v1, v0  }
0x66d: {  	v60 =	vadd.s32 $0x2020, v42;
	v4 =	vld.idx.msk [tilespmem:v57+s3+$0x0], $0xffff  }
0x66e: {  	v56 =	vadd.s32 $0x2020, v28;
	v61 =	vadd.s32 $0x2020, v41;
	[tilespmem:s19+$0xFFFFFB20] =	vst v0  }
0x66f: {  	v46 =	vadd.f32 v46, v52;
	v5 =	vadd.f32 v5, v58;
	v58 =	vadd.s32 $0x2020, v39;
	v51 =	vld [tilespmem:s18+$0xFFFFFC20]  }
0x670: {  	v50 =	vadd.f32 v53, v50;
	v57 =	vadd.s32 $0x2020, v40;
	v48 =	vmul.f32 v48, v21;
	v6 =	vld.idx.msk [tilespmem:v6+s3+$0x0], $0xffff  }
0x671: {  	v2 =	vadd.f32 v2, v47;
	v49 =	vmul.f32 v49, v22;
	v3 =	vadd.f32 v7, v3;
	v1 =	vld.idx.msk [tilespmem:v59+s3+$0x0], $0xffff  }
0x672: {  	[tilespmem:s19+$0x610] =	vst v5;
	v8 =	vmul.f32 v8, v20;
	v4 =	vmul.f32 v4, v19;
	v59 =	vadd.s32 $0x2020, v33;
	v5 =	vld.idx.msk [tilespmem:v60+s3+$0x0], $0xffff  }
0x673: {  	v46 =	vadd.f32 v50, v46;
	v60 =	vadd.s32 $0x2020, v31;
	v0 =	vld.idx.msk [tilespmem:v61+s3+$0x0], $0xffff;
	v2 =	vadd.f32 v3, v2  }
0x674: {  	v61 =	vadd.s32 $0x2020, v29;
	v3 =	vld.idx.msk [tilespmem:v58+s3+$0x0], $0xffff;
	v8 =	vadd.f32 v48, v8;
	v4 =	vadd.f32 v4, v49  }
0x675: {  	v48 =	vld.idx.msk [tilespmem:v57+s3+$0x0], $0xffff;
	v57 =	vadd.s32 $0x2020, v37  }
0x676: {  	v47 =	vld.idx.msk [tilespmem:v56+s3+$0x0], $0xffff;
	v2 =	vadd.f32 v2, v46;
	v4 =	vadd.f32 v8, v4  }
0x677: {  	v58 =	vadd.s32 $0x2020, v38;
	v52 =	vld.idx.msk [tilespmem:v59+s3+$0x0], $0xffff  }
0x678: {  	v56 =	vadd.s32 $0x2020, v23;
	v8 =	vld.idx.msk [tilespmem:v60+s3+$0x0], $0xffff;
	v2 =	vadd.f32 v4, v2  }
0x679: {  	v7 =	vld.idx.msk [tilespmem:v61+s3+$0x0], $0xffff;
	v59 =	vadd.s32 $0x2020, v36  }
0x67a: {  	v60 =	vadd.s32 $0x2020, v35;
	v50 =	vld.idx.msk [tilespmem:v57+s3+$0x0], $0xffff;
	[tilespmem:s19+$0xFFFFFB30] =	vst v2  }
0x67b: {  	v61 =	vadd.s32 $0x2020, v34;
	v6 =	vadd.f32 v6, v51;
	v1 =	vadd.f32 v5, v1;
	v53 =	vld [tilespmem:s18+$0xFFFFFC30]  }
0x67c: {  	v54 =	vadd.s32 $0x2020, v24;
	v47 =	vmul.f32 v47, v15;
	v46 =	vld.idx.msk [tilespmem:v58+s3+$0x0], $0xffff  }
0x67d: {  	v57 =	vadd.s32 $0x2020, v32;
	v0 =	vadd.f32 v48, v0;
	v1 =	vadd.f32 v1, v6;
	v6 =	vld.idx.msk [tilespmem:v56+s3+$0x0], $0xffff  }
0x67e: {  	v58 =	vadd.s32 $0x2020, v30;
	v52 =	vmul.f32 v52, v18;
	v8 =	vmul.f32 v8, v16;
	v4 =	vld.idx.msk [tilespmem:v59+s3+$0x0], $0xffff  }
0x67f: {  	v59 =	vadd.s32 $0x2020, v27;
	v7 =	vmul.f32 v7, v17;
	v49 =	vld.idx.msk [tilespmem:v60+s3+$0x0], $0xffff;
	v3 =	vadd.f32 v50, v3  }
0x680: {  	v60 =	vadd.s32 $0x2020, v26;
	v2 =	vld.idx.msk [tilespmem:v61+s3+$0x0], $0xffff;
	v8 =	vadd.f32 v8, v52  }
0x681: {  	v61 =	vadd.s32 $0x2020, v25;
	v50 =	vld.idx.msk [tilespmem:v54+s3+$0x0], $0xffff;
	v7 =	vadd.f32 v47, v7;
	v0 =	vadd.f32 v3, v0  }
0x682: {  	v47 =	vld.idx.msk [tilespmem:v57+s3+$0x0], $0xffff  }
0x683: {  	v3 =	vld.idx.msk [tilespmem:v58+s3+$0x0], $0xffff;
	v7 =	vadd.f32 v7, v8;
	v0 =	vadd.f32 v0, v1  }
0x684: {  	v8 =	vadd.s32 $0x2828, v44;
	v5 =	vld.idx.msk [tilespmem:v59+s3+$0x0], $0xffff  }
0x685: {  	v57 =	vadd.s32 $0x2828, v43;
	v1 =	vld.idx.msk [tilespmem:v60+s3+$0x0], $0xffff;
	v0 =	vadd.f32 v7, v0  }
0x686: {  	v58 =	vadd.s32 $0x2828, v42;
	v48 =	vld.idx.msk [tilespmem:v61+s3+$0x0], $0xffff  }
0x687: {  	v59 =	vadd.s32 $0x2828, v41;
	[tilespmem:s19+$0xFFFFFC20] =	vst v0  }
0x688: {  	v55 =	vadd.s32 $0x2828, v29;
	v10 =	vadd.s32 $0x2828, v33;
	v46 =	vadd.f32 v46, v53;
	v52 =	vld [tilespmem:s18+$0xFFFFFD20]  }
0x689: {  	v61 =	vadd.s32 $0x2828, v39;
	v4 =	vadd.f32 v49, v4;
	v50 =	vmul.f32 v50, v21;
	v8 =	vld.idx.msk [tilespmem:v8+s3+$0x0], $0xffff  }
0x68a: {  	v2 =	vadd.f32 v47, v2;
	v3 =	vadd.f32 v6, v3;
	v5 =	vmul.f32 v5, v22;
	v7 =	vld.idx.msk [tilespmem:v57+s3+$0x0], $0xffff  }
0x68b: {  	v60 =	vadd.s32 $0x2828, v40;
	v1 =	vmul.f32 v1, v19;
	v48 =	vmul.f32 v48, v20;
	v51 =	vld.idx.msk [tilespmem:v58+s3+$0x0], $0xffff  }
0x68c: {  	v11 =	vadd.s32 $0x2828, v31;
	v4 =	vadd.f32 v4, v46;
	v0 =	vld.idx.msk [tilespmem:v59+s3+$0x0], $0xffff;
	v2 =	vadd.f32 v3, v2  }
0x68d: {  	v57 =	vadd.s32 $0x2828, v28;
	v49 =	vld.idx.msk [tilespmem:v10+s3+$0x0], $0xffff;
	v1 =	vadd.f32 v1, v5;
	v56 =	vadd.f32 v50, v48  }
0x68e: {  	v58 =	vadd.s32 $0x2828, v37;
	v6 =	vld.idx.msk [tilespmem:v55+s3+$0x0], $0xffff  }
0x68f: {  	v3 =	vld.idx.msk [tilespmem:v61+s3+$0x0], $0xffff;
	v2 =	vadd.f32 v2, v4;
	v1 =	vadd.f32 v56, v1  }
0x690: {  	v59 =	vadd.s32 $0x2828, v38;
	v48 =	vld.idx.msk [tilespmem:v60+s3+$0x0], $0xffff  }
0x691: {  	v60 =	vadd.s32 $0x2828, v36;
	v4 =	vld.idx.msk [tilespmem:v11+s3+$0x0], $0xffff;
	v1 =	vadd.f32 v1, v2  }
0x692: {  	v61 =	vadd.s32 $0x2828, v35;
	v47 =	vld.idx.msk [tilespmem:v57+s3+$0x0], $0xffff  }
0x693: {  	v46 =	vld.idx.msk [tilespmem:v58+s3+$0x0], $0xffff;
	v57 =	vadd.s32 $0x2828, v34;
	[tilespmem:s19+$0xFFFFFC30] =	vst v1  }
0x694: {  	v58 =	vadd.s32 $0x2828, v32;
	v53 =	vld [tilespmem:s18+$0xFFFFFD30]  }
0x695: {  	v49 =	vmul.f32 v49, v18;
	v8 =	vadd.f32 v8, v52;
	v5 =	vld.idx.msk [tilespmem:v59+s3+$0x0], $0xffff;
	v59 =	vadd.s32 $0x2828, v30  }
0x696: {  	v7 =	vadd.f32 v51, v7;
	v6 =	vmul.f32 v6, v17;
	v2 =	vld.idx.msk [tilespmem:v60+s3+$0x0], $0xffff;
	v60 =	vadd.s32 $0x2828, v27  }
0x697: {  	v0 =	vadd.f32 v48, v0;
	v50 =	vld.idx.msk [tilespmem:v61+s3+$0x0], $0xffff;
	v61 =	vadd.s32 $0x2828, v26;
	v47 =	vmul.f32 v47, v15  }
0x698: {  	v4 =	vmul.f32 v4, v16;
	v3 =	vadd.f32 v46, v3;
	v1 =	vld.idx.msk [tilespmem:v57+s3+$0x0], $0xffff;
	v57 =	vadd.s32 $0x2828, v25  }
0x699: {  	v7 =	vadd.f32 v7, v8;
	v6 =	vadd.f32 v47, v6;
	v47 =	vld.idx.msk [tilespmem:v58+s3+$0x0], $0xffff;
	v58 =	vadd.s32 $0x2828, v24  }
0x69a: {  	v4 =	vadd.f32 v4, v49;
	v0 =	vadd.f32 v3, v0;
	v3 =	vld.idx.msk [tilespmem:v59+s3+$0x0], $0xffff;
	v59 =	vadd.s32 $0x2828, v23  }
0x69b: {  	v49 =	vld.idx.msk [tilespmem:v60+s3+$0x0], $0xffff  }
0x69c: {  	v4 =	vadd.f32 v6, v4;
	v0 =	vadd.f32 v0, v7;
	v6 =	vld.idx.msk [tilespmem:v61+s3+$0x0], $0xffff  }
0x69d: {  	v7 =	vadd.s32 $0x3030, v44;
	v46 =	vld.idx.msk [tilespmem:v57+s3+$0x0], $0xffff  }
0x69e: {  	v60 =	vadd.s32 $0x3030, v43;
	v0 =	vadd.f32 v4, v0;
	v48 =	vld.idx.msk [tilespmem:v58+s3+$0x0], $0xffff  }
0x69f: {  	v61 =	vadd.s32 $0x3030, v42;
	v8 =	vld.idx.msk [tilespmem:v59+s3+$0x0], $0xffff  }
0x6a0: {  	v45 =	vld [tilespmem:s18+$0x710];
	v56 =	vadd.s32 $0x3030, v28;
	[tilespmem:s19+$0xFFFFFD20] =	vst v0  }
0x6a1: {  	v55 =	vadd.s32 $0x3030, v29;
	v5 =	vadd.f32 v5, v53;
	v57 =	vadd.s32 $0x3030, v41;
	v52 =	vld [tilespmem:s18+$0xFFFFFE20]  }
0x6a2: {  	v2 =	vadd.f32 v50, v2;
	v58 =	vadd.s32 $0x3030, v40;
	v1 =	vadd.f32 v47, v1;
	v7 =	vld.idx.msk [tilespmem:v7+s3+$0x0], $0xffff  }
0x6a3: {  	v49 =	vmul.f32 v49, v22;
	v6 =	vmul.f32 v6, v19;
	v4 =	vld.idx.msk [tilespmem:v60+s3+$0x0], $0xffff;
	v60 =	vadd.s32 $0x3030, v33  }
0x6a4: {  	v51 =	vld.idx.msk [tilespmem:v61+s3+$0x0], $0xffff;
	v46 =	vmul.f32 v46, v20;
	v48 =	vmul.f32 v48, v21;
	v3 =	vadd.f32 v8, v3  }
0x6a5: {  	v2 =	vadd.f32 v2, v5;
	v59 =	vadd.s32 $0x3030, v39;
	v47 =	vld.idx.msk [tilespmem:v56+s3+$0x0], $0xffff;
	v6 =	vadd.f32 v6, v49  }
0x6a6: {  	v0 =	vld.idx.msk [tilespmem:v57+s3+$0x0], $0xffff;
	v57 =	vadd.s32 $0x3030, v37;
	v46 =	vadd.f32 v48, v46;
	v1 =	vadd.f32 v3, v1  }
0x6a7: {  	v61 =	vadd.s32 $0x3030, v31;
	v48 =	vld.idx.msk [tilespmem:v58+s3+$0x0], $0xffff  }
0x6a8: {  	v50 =	vld.idx.msk [tilespmem:v60+s3+$0x0], $0xffff;
	v6 =	vadd.f32 v46, v6;
	v1 =	vadd.f32 v1, v2  }
0x6a9: {  	v58 =	vadd.s32 $0x3030, v38;
	v8 =	vld.idx.msk [tilespmem:v55+s3+$0x0], $0xffff  }
0x6aa: {  	v3 =	vld.idx.msk [tilespmem:v59+s3+$0x0], $0xffff;
	v59 =	vadd.s32 $0x3030, v36;
	v1 =	vadd.f32 v6, v1  }
0x6ab: {  	v60 =	vadd.s32 $0x3030, v35;
	v5 =	vld.idx.msk [tilespmem:v57+s3+$0x0], $0xffff  }
0x6ac: {  	v2 =	vld.idx.msk [tilespmem:v61+s3+$0x0], $0xffff;
	v61 =	vadd.s32 $0x3030, v34;
	[tilespmem:s19+$0xFFFFFD30] =	vst v1  }
0x6ad: {  	v57 =	vadd.s32 $0x3030, v32;
	v53 =	vld [tilespmem:s18+$0xFFFFFE30]  }
0x6ae: {  	v54 =	vadd.s32 $0x3030, v24;
	v56 =	vadd.s32 $0x3030, v23;
	v7 =	vadd.f32 v7, v52;
	v46 =	vld.idx.msk [tilespmem:v58+s3+$0x0], $0xffff  }
0x6af: {  	v4 =	vadd.f32 v51, v4;
	v47 =	vmul.f32 v47, v15;
	v50 =	vmul.f32 v50, v18;
	v6 =	vld.idx.msk [tilespmem:v59+s3+$0x0], $0xffff  }
0x6b0: {  	v8 =	vmul.f32 v8, v17;
	v0 =	vadd.f32 v48, v0;
	v58 =	vadd.s32 $0x3030, v30;
	v49 =	vld.idx.msk [tilespmem:v60+s3+$0x0], $0xffff  }
0x6b1: {  	v3 =	vadd.f32 v5, v3;
	v2 =	vmul.f32 v2, v16;
	v59 =	vadd.s32 $0x3030, v27;
	v1 =	vld.idx.msk [tilespmem:v61+s3+$0x0], $0xffff  }
0x6b2: {  	v4 =	vadd.f32 v4, v7;
	v8 =	vadd.f32 v47, v8;
	v60 =	vadd.s32 $0x3030, v26;
	v47 =	vld.idx.msk [tilespmem:v57+s3+$0x0], $0xffff  }
0x6b3: {  	v61 =	vadd.s32 $0x3030, v25;
	v0 =	vadd.f32 v3, v0;
	v48 =	vld.idx.msk [tilespmem:v54+s3+$0x0], $0xffff;
	v2 =	vadd.f32 v2, v50  }
0x6b4: {  	v14 =	vadd.s32 $0x7878, v14;
	v7 =	vld.idx.msk [tilespmem:v56+s3+$0x0], $0xffff  }
0x6b5: {  	v0 =	vadd.f32 v0, v4;
	v2 =	vadd.f32 v8, v2;
	v3 =	vld.idx.msk [tilespmem:v58+s3+$0x0], $0xffff  }
0x6b6: {  	v8 =	vadd.s32 $0x3838, v44;
	v50 =	vld.idx.msk [tilespmem:v59+s3+$0x0], $0xffff  }
0x6b7: {  	v57 =	vadd.s32 $0x3838, v43;
	v4 =	vld.idx.msk [tilespmem:v60+s3+$0x0], $0xffff;
	v0 =	vadd.f32 v2, v0  }
0x6b8: {  	v55 =	vadd.s32 $0x3838, v33;
	v5 =	vld.idx.msk [tilespmem:v61+s3+$0x0], $0xffff  }
0x6b9: {  	v14 =	vld.idx.msk [tilespmem:v14+s3+$0x0], $0xffff;
	v58 =	vadd.s32 $0x3838, v42;
	[tilespmem:s19+$0xFFFFFE20] =	vst v0  }
0x6ba: {  	v56 =	vadd.s32 $0x3838, v31;
	v59 =	vadd.s32 $0x3838, v41;
	v60 =	vadd.s32 $0x3838, v40;
	v52 =	vld [tilespmem:s18+$0xFFFFFF20]  }
0x6bb: {  	v46 =	vadd.f32 v46, v53;
	v61 =	vadd.s32 $0x3838, v39;
	v48 =	vmul.f32 v48, v21;
	v8 =	vld.idx.msk [tilespmem:v8+s3+$0x0], $0xffff  }
0x6bc: {  	v6 =	vadd.f32 v49, v6;
	v2 =	vld.idx.msk [tilespmem:v57+s3+$0x0], $0xffff;
	v50 =	vmul.f32 v50, v22;
	v4 =	vmul.f32 v4, v19  }
0x6bd: {  	v1 =	vadd.f32 v47, v1;
	v49 =	vld.idx.msk [tilespmem:v55+s3+$0x0], $0xffff;
	v5 =	vmul.f32 v5, v20;
	v3 =	vadd.f32 v7, v3  }
0x6be: {  	v6 =	vadd.f32 v6, v46;
	v57 =	vadd.s32 $0x3838, v29;
	v51 =	vld.idx.msk [tilespmem:v58+s3+$0x0], $0xffff;
	v4 =	vadd.f32 v4, v50  }
0x6bf: {  	v0 =	vld.idx.msk [tilespmem:v59+s3+$0x0], $0xffff;
	v58 =	vadd.s32 $0x3838, v28;
	v5 =	vadd.f32 v48, v5;
	v1 =	vadd.f32 v3, v1  }
0x6c0: {  	v59 =	vadd.s32 $0x3838, v37;
	v48 =	vld.idx.msk [tilespmem:v60+s3+$0x0], $0xffff  }
0x6c1: {  	v3 =	vld.idx.msk [tilespmem:v61+s3+$0x0], $0xffff;
	v4 =	vadd.f32 v5, v4;
	v1 =	vadd.f32 v1, v6  }
0x6c2: {  	v60 =	vadd.s32 $0x3838, v38;
	v5 =	vld.idx.msk [tilespmem:v56+s3+$0x0], $0xffff  }
0x6c3: {  	v7 =	vld.idx.msk [tilespmem:v57+s3+$0x0], $0xffff;
	v57 =	vadd.s32 $0x3838, v35;
	v1 =	vadd.f32 v4, v1  }
0x6c4: {  	v61 =	vld.idx.msk [tilespmem:v58+s3+$0x0], $0xffff;
	v58 =	vadd.s32 $0x3838, v34  }
0x6c5: {  	v56 =	vadd.s32 $0x3838, v25;
	v46 =	vld.idx.msk [tilespmem:v59+s3+$0x0], $0xffff;
	[tilespmem:s19+$0xFFFFFE30] =	vst v1  }
0x6c6: {  	v4 =	vadd.s32 $0x3838, v36;
	v53 =	vld [tilespmem:s18+$0xFFFFFF30]  }
0x6c7: {  	v2 =	vadd.f32 v51, v2;
	v51 =	vadd.s32 $0x3838, v27;
	v6 =	vld.idx.msk [tilespmem:v60+s3+$0x0], $0xffff  }
0x6c8: {  	v49 =	vmul.f32 v49, v18;
	v8 =	vadd.f32 v8, v52;
	v59 =	vadd.s32 $0x3838, v32;
	v50 =	vld.idx.msk [tilespmem:v57+s3+$0x0], $0xffff  }
0x6c9: {  	v0 =	vadd.f32 v48, v0;
	v60 =	vadd.s32 $0x3838, v30;
	v5 =	vmul.f32 v5, v16;
	v1 =	vld.idx.msk [tilespmem:v58+s3+$0x0], $0xffff  }
0x6ca: {  	v7 =	vmul.f32 v7, v17;
	v47 =	vmul.f32 v61, v15;
	v3 =	vadd.f32 v46, v3;
	v46 =	vld.idx.msk [tilespmem:v56+s3+$0x0], $0xffff  }
0x6cb: {  	v2 =	vadd.f32 v2, v8;
	v57 =	vadd.s32 $0x3838, v24;
	v4 =	vld.idx.msk [tilespmem:v4+s3+$0x0], $0xffff;
	v5 =	vadd.f32 v5, v49  }
0x6cc: {  	v61 =	vadd.s32 $0x3838, v26;
	v49 =	vld.idx.msk [tilespmem:v51+s3+$0x0], $0xffff;
	v7 =	vadd.f32 v47, v7;
	v0 =	vadd.f32 v3, v0  }
0x6cd: {  	v58 =	vadd.s32 $0x3838, v23;
	v47 =	vld.idx.msk [tilespmem:v59+s3+$0x0], $0xffff  }
0x6ce: {  	v59 =	vld [tilespmem:$0x1FE80];
	v5 =	vadd.f32 v7, v5;
	v0 =	vadd.f32 v0, v2  }
0x6cf: {  	v3 =	vld.idx.msk [tilespmem:v60+s3+$0x0], $0xffff;
	v7 =	vadd.s32 $0x4040, v44  }
0x6d0: {  	v48 =	vld.idx.msk [tilespmem:v57+s3+$0x0], $0xffff;
	v57 =	vadd.s32 $0x4040, v42;
	v0 =	vadd.f32 v5, v0  }
0x6d1: {  	v2 =	vld.idx.msk [tilespmem:v61+s3+$0x0], $0xffff;
	v61 =	vadd.s32 $0x4040, v43  }
0x6d2: {  	v8 =	vld.idx.msk [tilespmem:v58+s3+$0x0], $0xffff;
	v58 =	vadd.s32 $0x4040, v41;
	[tilespmem:s19+$0xFFFFFF20] =	vst v0  }
0x6d3: {  	v56 =	vadd.s32 $0x4040, v29;
	v52 =	vld [tilespmem:s18+$0x20]  }
0x6d4: {  	v55 =	vadd.s32 $0x4040, v31;
	v6 =	vadd.f32 v6, v53;
	v60 =	vadd.s32 $0x7878, v59;
	v7 =	vld.idx.msk [tilespmem:v7+s3+$0x0], $0xffff  }
0x6d5: {  	v46 =	vmul.f32 v46, v20;
	v49 =	vmul.f32 v49, v22;
	v59 =	vadd.s32 $0x4040, v40;
	v51 =	vld.idx.msk [tilespmem:v57+s3+$0x0], $0xffff  }
0x6d6: {  	v4 =	vadd.f32 v50, v4;
	v1 =	vadd.f32 v47, v1;
	v48 =	vmul.f32 v48, v21;
	v5 =	vld.idx.msk [tilespmem:v61+s3+$0x0], $0xffff  }
0x6d7: {  	v2 =	vmul.f32 v2, v19;
	v61 =	vadd.s32 $0x4040, v33;
	v3 =	vadd.f32 v8, v3;
	v0 =	vld.idx.msk [tilespmem:v58+s3+$0x0], $0xffff  }
0x6d8: {  	v4 =	vadd.f32 v4, v6;
	v58 =	vadd.s32 $0x4040, v37;
	v8 =	vld.idx.msk [tilespmem:v56+s3+$0x0], $0xffff;
	v46 =	vadd.f32 v48, v46  }
0x6d9: {  	v11 =	vld.idx.msk [tilespmem:v60+s3+$0x0], $0xffff;
	v60 =	vadd.s32 $0x4040, v39;
	v2 =	vadd.f32 v2, v49;
	v1 =	vadd.f32 v3, v1  }
0x6da: {  	v57 =	vadd.s32 $0x4040, v28;
	v48 =	vld.idx.msk [tilespmem:v59+s3+$0x0], $0xffff  }
0x6db: {  	v2 =	vadd.f32 v46, v2;
	v1 =	vadd.f32 v1, v4;
	v4 =	vld.idx.msk [tilespmem:v55+s3+$0x0], $0xffff  }
0x6dc: {  	v59 =	vadd.s32 $0x4040, v38;
	v50 =	vld.idx.msk [tilespmem:v61+s3+$0x0], $0xffff  }
0x6dd: {  	v10 =	vadd.s32 $0x4040, v36;
	v6 =	vld.idx.msk [tilespmem:v58+s3+$0x0], $0xffff;
	v1 =	vadd.f32 v2, v1  }
0x6de: {  	v56 =	vadd.s32 $0x4040, v24;
	v3 =	vld.idx.msk [tilespmem:v60+s3+$0x0], $0xffff  }
0x6df: {  	v61 =	vadd.s32 $0x4040, v35;
	v60 =	vld.idx.msk [tilespmem:v57+s3+$0x0], $0xffff;
	[tilespmem:s19+$0xFFFFFF30] =	vst v1  }
0x6e0: {  	v57 =	vadd.s32 $0x4040, v34;
	v53 =	vld [tilespmem:s18+$0x30]  }
0x6e1: {  	v5 =	vadd.f32 v51, v5;
	v51 =	vadd.s32 $0x4040, v27;
	v46 =	vld.idx.msk [tilespmem:v59+s3+$0x0], $0xffff  }
0x6e2: {  	v7 =	vadd.f32 v7, v52;
	v58 =	vadd.s32 $0x4040, v32;
	v0 =	vadd.f32 v48, v0;
	v2 =	vld.idx.msk [tilespmem:v10+s3+$0x0], $0xffff  }
0x6e3: {  	v59 =	vadd.s32 $0x4040, v30;
	v4 =	vmul.f32 v4, v16;
	v48 =	vld.idx.msk [tilespmem:v56+s3+$0x0], $0xffff;
	v50 =	vmul.f32 v50, v18  }
0x6e4: {  	v8 =	vmul.f32 v8, v17;
	v49 =	vld.idx.msk [tilespmem:v61+s3+$0x0], $0xffff;
	v47 =	vmul.f32 v60, v15;
	v3 =	vadd.f32 v6, v3  }
0x6e5: {  	v5 =	vadd.f32 v5, v7;
	v61 =	vadd.s32 $0x4040, v25;
	v1 =	vld.idx.msk [tilespmem:v57+s3+$0x0], $0xffff;
	v4 =	vadd.f32 v4, v50  }
0x6e6: {  	v60 =	vadd.s32 $0x4040, v26;
	v50 =	vld.idx.msk [tilespmem:v51+s3+$0x0], $0xffff;
	v8 =	vadd.f32 v47, v8;
	v0 =	vadd.f32 v3, v0  }
0x6e7: {  	v57 =	vadd.s32 $0x4040, v23;
	v47 =	vld.idx.msk [tilespmem:v58+s3+$0x0], $0xffff  }
0x6e8: {  	v3 =	vld.idx.msk [tilespmem:v59+s3+$0x0], $0xffff;
	v4 =	vadd.f32 v8, v4;
	v0 =	vadd.f32 v0, v5  }
0x6e9: {  	v58 =	vld [tilespmem:$0x1FE90];
	v8 =	vadd.s32 $0x4848, v44  }
0x6ea: {  	v6 =	vld.idx.msk [tilespmem:v61+s3+$0x0], $0xffff;
	v61 =	vadd.s32 $0x4848, v42;
	v0 =	vadd.f32 v4, v0  }
0x6eb: {  	v55 =	vadd.s32 $0x4848, v28;
	v5 =	vld.idx.msk [tilespmem:v60+s3+$0x0], $0xffff  }
0x6ec: {  	v56 =	vadd.s32 $0x4848, v37;
	v7 =	vld.idx.msk [tilespmem:v57+s3+$0x0], $0xffff;
	[tilespmem:s19+$0x20] =	vst v0  }
0x6ed: {  	v52 =	vld [tilespmem:s18+$0x120]  }
0x6ee: {  	v9 =	vadd.s32 $0x4848, v29;
	v60 =	vadd.s32 $0x4848, v43;
	v8 =	vld.idx.msk [tilespmem:v8+s3+$0x0], $0xffff  }
0x6ef: {  	v46 =	vadd.f32 v46, v53;
	v2 =	vadd.f32 v49, v2;
	v57 =	vadd.s32 $0x4848, v41;
	v51 =	vld.idx.msk [tilespmem:v61+s3+$0x0], $0xffff  }
0x6f0: {  	v48 =	vmul.f32 v48, v21;
	v59 =	vadd.s32 $0x7878, v58;
	v1 =	vadd.f32 v47, v1;
	v47 =	vld.idx.msk [tilespmem:v55+s3+$0x0], $0xffff  }
0x6f1: {  	v50 =	vmul.f32 v50, v22;
	v2 =	vadd.f32 v2, v46;
	v6 =	vmul.f32 v6, v20;
	v46 =	vld.idx.msk [tilespmem:v56+s3+$0x0], $0xffff  }
0x6f2: {  	v58 =	vadd.s32 $0x4848, v40;
	v56 =	vld [tilespmem:$0x1FEA0];
	v5 =	vmul.f32 v5, v19;
	v3 =	vadd.f32 v7, v3  }
0x6f3: {  	v61 =	vadd.s32 $0x4848, v31;
	v4 =	vld.idx.msk [tilespmem:v60+s3+$0x0], $0xffff;
	v6 =	vadd.f32 v48, v6  }
0x6f4: {  	v60 =	vadd.s32 $0x4848, v33;
	v0 =	vld.idx.msk [tilespmem:v57+s3+$0x0], $0xffff;
	v5 =	vadd.f32 v5, v50;
	v1 =	vadd.f32 v3, v1  }
0x6f5: {  	v10 =	vld.idx.msk [tilespmem:v59+s3+$0x0], $0xffff;
	v59 =	vadd.s32 $0x4848, v39  }
0x6f6: {  	v7 =	vld.idx.msk [tilespmem:v9+s3+$0x0], $0xffff;
	v5 =	vadd.f32 v6, v5;
	v1 =	vadd.f32 v1, v2  }
0x6f7: {  	v57 =	vadd.s32 $0x4848, v38;
	v48 =	vld.idx.msk [tilespmem:v58+s3+$0x0], $0xffff  }
0x6f8: {  	v58 =	vadd.s32 $0x4848, v36;
	v2 =	vld.idx.msk [tilespmem:v61+s3+$0x0], $0xffff;
	v1 =	vadd.f32 v5, v1  }
0x6f9: {  	v61 =	vadd.s32 $0x4848, v32;
	v49 =	vld.idx.msk [tilespmem:v60+s3+$0x0], $0xffff  }
0x6fa: {  	v54 =	vadd.s32 $0x4848, v23;
	v3 =	vld.idx.msk [tilespmem:v59+s3+$0x0], $0xffff;
	[tilespmem:s19+$0x30] =	vst v1  }
0x6fb: {  	v47 =	vmul.f32 v47, v15;
	v60 =	vadd.s32 $0x4848, v34;
	v7 =	vmul.f32 v7, v17;
	v53 =	vld [tilespmem:s18+$0x130]  }
0x6fc: {  	v8 =	vadd.f32 v8, v52;
	v4 =	vadd.f32 v51, v4;
	v59 =	vadd.s32 $0x4848, v35;
	v6 =	vld.idx.msk [tilespmem:v57+s3+$0x0], $0xffff  }
0x6fd: {  	v0 =	vadd.f32 v48, v0;
	v7 =	vadd.f32 v47, v7;
	v57 =	vadd.s32 $0x4848, v30;
	v5 =	vld.idx.msk [tilespmem:v58+s3+$0x0], $0xffff  }
0x6fe: {  	v4 =	vadd.f32 v4, v8;
	v2 =	vmul.f32 v2, v16;
	v58 =	vadd.s32 $0x4848, v27;
	v47 =	vld.idx.msk [tilespmem:v61+s3+$0x0], $0xffff  }
0x6ff: {  	v61 =	vadd.s32 $0x4848, v24;
	v8 =	vld.idx.msk [tilespmem:v54+s3+$0x0], $0xffff;
	v49 =	vmul.f32 v49, v18;
	v3 =	vadd.f32 v46, v3  }
0x700: {  	v1 =	vld.idx.msk [tilespmem:v60+s3+$0x0], $0xffff;
	v60 =	vadd.s32 $0x4848, v25  }
0x701: {  	v50 =	vld.idx.msk [tilespmem:v59+s3+$0x0], $0xffff;
	v59 =	vadd.s32 $0x4848, v26;
	v2 =	vadd.f32 v2, v49;
	v0 =	vadd.f32 v3, v0  }
0x702: {  	v13 =	vadd.s32 $0x7878, v13;
	v3 =	vld.idx.msk [tilespmem:v57+s3+$0x0], $0xffff  }
0x703: {  	v49 =	vld.idx.msk [tilespmem:v58+s3+$0x0], $0xffff;
	v2 =	vadd.f32 v7, v2;
	v0 =	vadd.f32 v0, v4  }
0x704: {  	v7 =	vadd.s32 $0x5050, v44;
	v48 =	vld.idx.msk [tilespmem:v61+s3+$0x0], $0xffff  }
0x705: {  	v57 =	vadd.s32 $0x5050, v43;
	v46 =	vld.idx.msk [tilespmem:v60+s3+$0x0], $0xffff;
	v0 =	vadd.f32 v2, v0  }
0x706: {  	v58 =	vadd.s32 $0x5050, v42;
	v4 =	vld.idx.msk [tilespmem:v59+s3+$0x0], $0xffff  }
0x707: {  	v13 =	vld.idx.msk [tilespmem:v13+s3+$0x0], $0xffff;
	v55 =	vadd.s32 $0x5050, v33;
	v61 =	vadd.s32 $0x5050, v39;
	[tilespmem:s19+$0x120] =	vst v0  }
0x708: {  	v9 =	vadd.s32 $0x7878, v56;
	v6 =	vadd.f32 v6, v53;
	v60 =	vadd.s32 $0x5050, v40;
	v52 =	vld [tilespmem:s18+$0x220]  }
0x709: {  	v1 =	vadd.f32 v47, v1;
	v59 =	vadd.s32 $0x5050, v41;
	v5 =	vadd.f32 v50, v5;
	v7 =	vld.idx.msk [tilespmem:v7+s3+$0x0], $0xffff  }
0x70a: {  	v49 =	vmul.f32 v49, v22;
	v48 =	vmul.f32 v48, v21;
	v3 =	vadd.f32 v8, v3;
	v2 =	vld.idx.msk [tilespmem:v57+s3+$0x0], $0xffff  }
0x70b: {  	v56 =	vadd.s32 $0x5050, v31;
	v46 =	vmul.f32 v46, v20;
	v51 =	vld.idx.msk [tilespmem:v58+s3+$0x0], $0xffff;
	v4 =	vmul.f32 v4, v19  }
0x70c: {  	v5 =	vadd.f32 v5, v6;
	v57 =	vadd.s32 $0x5050, v29;
	v1 =	vadd.f32 v3, v1;
	v3 =	vld.idx.msk [tilespmem:v61+s3+$0x0], $0xffff  }
0x70d: {  	v58 =	vadd.s32 $0x5050, v28;
	v50 =	vld.idx.msk [tilespmem:v55+s3+$0x0], $0xffff;
	v46 =	vadd.f32 v48, v46;
	v4 =	vadd.f32 v4, v49  }
0x70e: {  	v0 =	vld.idx.msk [tilespmem:v59+s3+$0x0], $0xffff;
	v59 =	vadd.s32 $0x5050, v37  }
0x70f: {  	v48 =	vld.idx.msk [tilespmem:v60+s3+$0x0], $0xffff;
	v1 =	vadd.f32 v1, v5;
	v4 =	vadd.f32 v46, v4  }
0x710: {  	v60 =	vadd.s32 $0x5050, v38;
	v5 =	vld.idx.msk [tilespmem:v56+s3+$0x0], $0xffff  }
0x711: {  	v8 =	vld.idx.msk [tilespmem:v57+s3+$0x0], $0xffff;
	v57 =	vadd.s32 $0x5050, v35;
	v1 =	vadd.f32 v4, v1  }
0x712: {  	v61 =	vld.idx.msk [tilespmem:v58+s3+$0x0], $0xffff;
	v58 =	vadd.s32 $0x5050, v34  }
0x713: {  	v2 =	vadd.f32 v51, v2;
	v51 =	vadd.s32 $0x5050, v27;
	v6 =	vld.idx.msk [tilespmem:v59+s3+$0x0], $0xffff;
	[tilespmem:s19+$0x130] =	vst v1  }
0x714: {  	v4 =	vadd.s32 $0x5050, v36;
	v53 =	vld [tilespmem:s18+$0x230]  }
0x715: {  	v59 =	vadd.s32 $0x5050, v32;
	v46 =	vld.idx.msk [tilespmem:v60+s3+$0x0], $0xffff  }
0x716: {  	v60 =	vadd.s32 $0x5050, v30;
	v49 =	vld.idx.msk [tilespmem:v57+s3+$0x0], $0xffff  }
0x717: {  	v50 =	vmul.f32 v50, v18;
	v7 =	vadd.f32 v7, v52;
	v0 =	vadd.f32 v48, v0;
	v1 =	vld.idx.msk [tilespmem:v58+s3+$0x0], $0xffff  }
0x718: {  	v8 =	vmul.f32 v8, v17;
	v47 =	vmul.f32 v61, v15;
	v61 =	vadd.s32 $0x5050, v26;
	v51 =	vld.idx.msk [tilespmem:v51+s3+$0x0], $0xffff  }
0x719: {  	v5 =	vmul.f32 v5, v16;
	v57 =	vadd.s32 $0x5050, v25;
	v3 =	vadd.f32 v6, v3;
	v4 =	vld.idx.msk [tilespmem:v4+s3+$0x0], $0xffff  }
0x71a: {  	v2 =	vadd.f32 v2, v7;
	v58 =	vadd.s32 $0x5050, v24;
	v8 =	vadd.f32 v47, v8;
	v47 =	vld.idx.msk [tilespmem:v59+s3+$0x0], $0xffff  }
0x71b: {  	v12 =	vadd.s32 $0x7878, v12;
	v5 =	vadd.f32 v5, v50;
	v0 =	vadd.f32 v3, v0;
	v3 =	vld.idx.msk [tilespmem:v60+s3+$0x0], $0xffff  }
0x71c: {  	v59 =	vadd.s32 $0x5050, v23;
	v60 =	vld [tilespmem:$0x1FEB0]  }
0x71d: {  	v52 =	vadd.s32 $0x5858, v44;
	v5 =	vadd.f32 v8, v5;
	v0 =	vadd.f32 v0, v2;
	v2 =	vld.idx.msk [tilespmem:v61+s3+$0x0], $0xffff  }
0x71e: {  	v6 =	vld.idx.msk [tilespmem:v57+s3+$0x0], $0xffff;
	v61 =	vadd.s32 $0x5858, v43  }
0x71f: {  	v48 =	vld.idx.msk [tilespmem:v58+s3+$0x0], $0xffff;
	v57 =	vadd.s32 $0x5858, v42;
	v0 =	vadd.f32 v5, v0  }
0x720: {  	v12 =	vld.idx.msk [tilespmem:v12+s3+$0x0], $0xffff;
	v58 =	vadd.s32 $0x5858, v41  }
0x721: {  	v7 =	vld.idx.msk [tilespmem:v59+s3+$0x0], $0xffff;
	v59 =	vadd.s32 $0x5858, v40;
	[tilespmem:s19+$0x220] =	vst v0  }
0x722: {  	v50 =	vadd.s32 $0x7878, v60;
	v52 =	vld.idx.msk [tilespmem:v52+s3+$0x0], $0xffff  }
0x723: {  	v46 =	vadd.f32 v46, v53;
	v51 =	vmul.f32 v51, v22;
	v4 =	vadd.f32 v49, v4;
	v5 =	vld.idx.msk [tilespmem:v61+s3+$0x0], $0xffff  }
0x724: {  	v60 =	vadd.s32 $0x5858, v39;
	v6 =	vmul.f32 v6, v20;
	v48 =	vmul.f32 v48, v21;
	v54 =	vld.idx.msk [tilespmem:v57+s3+$0x0], $0xffff  }
0x725: {  	v1 =	vadd.f32 v47, v1;
	v2 =	vmul.f32 v2, v19;
	v61 =	vadd.s32 $0x5858, v33;
	v0 =	vld.idx.msk [tilespmem:v58+s3+$0x0], $0xffff  }
0x726: {  	v58 =	vadd.s32 $0x5858, v29;
	v3 =	vadd.f32 v7, v3;
	v6 =	vadd.f32 v48, v6;
	v48 =	vld.idx.msk [tilespmem:v59+s3+$0x0], $0xffff  }
0x727: {  	v4 =	vadd.f32 v4, v46;
	v57 =	vadd.s32 $0x5858, v31;
	v8 =	vld.idx.msk [tilespmem:v50+s3+$0x0], $0xffff  }
0x728: {  	v2 =	vadd.f32 v2, v51;
	v59 =	vadd.s32 $0x5858, v28;
	v1 =	vadd.f32 v3, v1;
	v50 =	vld [tilespmem:s18+$0x320]  }
0x729: {  	v3 =	vld.idx.msk [tilespmem:v60+s3+$0x0], $0xffff;
	v60 =	vadd.s32 $0x5858, v37  }
0x72a: {  	v2 =	vadd.f32 v6, v2;
	v49 =	vld.idx.msk [tilespmem:v61+s3+$0x0], $0xffff;
	v1 =	vadd.f32 v1, v4  }
0x72b: {  	v61 =	vadd.s32 $0x5858, v38;
	v7 =	vld.idx.msk [tilespmem:v58+s3+$0x0], $0xffff  }
0x72c: {  	v4 =	vld.idx.msk [tilespmem:v57+s3+$0x0], $0xffff;
	v57 =	vadd.s32 $0x5858, v36;
	v1 =	vadd.f32 v2, v1  }
0x72d: {  	v5 =	vadd.f32 v54, v5;
	v54 =	vadd.s32 $0x5858, v27;
	v58 =	vld.idx.msk [tilespmem:v59+s3+$0x0], $0xffff  }
0x72e: {  	v59 =	vadd.s32 $0x5858, v35;
	v46 =	vld.idx.msk [tilespmem:v60+s3+$0x0], $0xffff;
	[tilespmem:s19+$0x230] =	vst v1  }
0x72f: {  	v55 =	vadd.s32 $0x5858, v32;
	v53 =	vld [tilespmem:s18+$0x330]  }
0x730: {  	v1 =	vadd.s32 $0x5858, v34;
	v6 =	vld.idx.msk [tilespmem:v61+s3+$0x0], $0xffff  }
0x731: {  	v0 =	vadd.f32 v48, v0;
	v50 =	vadd.f32 v52, v50;
	v2 =	vld.idx.msk [tilespmem:v57+s3+$0x0], $0xffff;
	v57 =	vadd.s32 $0x5858, v25  }
0x732: {  	v60 =	vadd.s32 $0x5858, v30;
	v7 =	vmul.f32 v7, v17;
	v52 =	vld.idx.msk [tilespmem:v54+s3+$0x0], $0xffff;
	v47 =	vmul.f32 v58, v15  }
0x733: {  	v49 =	vmul.f32 v49, v18;
	v4 =	vmul.f32 v4, v16;
	v51 =	vld.idx.msk [tilespmem:v59+s3+$0x0], $0xffff;
	v58 =	vadd.s32 $0x5858, v24  }
0x734: {  	v61 =	vadd.s32 $0x5858, v26;
	v7 =	vadd.f32 v47, v7;
	v47 =	vld.idx.msk [tilespmem:v55+s3+$0x0], $0xffff;
	v3 =	vadd.f32 v46, v3  }
0x735: {  	v5 =	vadd.f32 v5, v50;
	v1 =	vld.idx.msk [tilespmem:v1+s3+$0x0], $0xffff  }
0x736: {  	v59 =	vadd.s32 $0x5858, v23;
	v4 =	vadd.f32 v4, v49;
	v46 =	vld.idx.msk [tilespmem:v57+s3+$0x0], $0xffff;
	v0 =	vadd.f32 v3, v0  }
0x737: {  	v3 =	vld.idx.msk [tilespmem:v60+s3+$0x0], $0xffff  }
0x738: {  	v54 =	vadd.s32 $0x6060, v44;
	v4 =	vadd.f32 v7, v4;
	v48 =	vld.idx.msk [tilespmem:v58+s3+$0x0], $0xffff;
	v0 =	vadd.f32 v0, v5  }
0x739: {  	v5 =	vld.idx.msk [tilespmem:v61+s3+$0x0], $0xffff;
	v61 =	vadd.s32 $0x6060, v43  }
0x73a: {  	v55 =	vadd.s32 $0x6060, v42;
	v60 =	vld [tilespmem:$0x1FEC0];
	v0 =	vadd.f32 v4, v0  }
0x73b: {  	v56 =	vadd.s32 $0x6060, v40;
	v49 =	vld.idx.msk [tilespmem:v59+s3+$0x0], $0xffff  }
0x73c: {  	v9 =	vld.idx.msk [tilespmem:v9+s3+$0x0], $0xffff;
	v58 =	vadd.s32 $0x6060, v29;
	[tilespmem:s19+$0x320] =	vst v0  }
0x73d: {  	v6 =	vadd.f32 v6, v53;
	v59 =	vadd.s32 $0x6060, v28;
	v54 =	vld.idx.msk [tilespmem:v54+s3+$0x0], $0xffff  }
0x73e: {  	v57 =	vadd.s32 $0x6060, v31;
	v46 =	vmul.f32 v46, v20;
	v48 =	vmul.f32 v48, v21;
	v4 =	vld.idx.msk [tilespmem:v61+s3+$0x0], $0xffff  }
0x73f: {  	v2 =	vadd.f32 v51, v2;
	v1 =	vadd.f32 v47, v1;
	v50 =	vadd.s32 $0x7878, v60;
	v55 =	vld.idx.msk [tilespmem:v55+s3+$0x0], $0xffff  }
0x740: {  	v60 =	vadd.s32 $0x6060, v39;
	v3 =	vadd.f32 v49, v3;
	v46 =	vadd.f32 v48, v46;
	v48 =	vld.idx.msk [tilespmem:v56+s3+$0x0], $0xffff  }
0x741: {  	v52 =	vmul.f32 v52, v22;
	v2 =	vadd.f32 v2, v6;
	v47 =	vld.idx.msk [tilespmem:v58+s3+$0x0], $0xffff  }
0x742: {  	v5 =	vmul.f32 v5, v19;
	v61 =	vadd.s32 $0x6060, v33;
	v1 =	vadd.f32 v3, v1;
	v49 =	vld.idx.msk [tilespmem:v59+s3+$0x0], $0xffff  }
0x743: {  	v59 =	vld [tilespmem:$0x1FED0]  }
0x744: {  	v0 =	vadd.s32 $0x6060, v41;
	v5 =	vadd.f32 v5, v52;
	v1 =	vadd.f32 v1, v2;
	v2 =	vld.idx.msk [tilespmem:v57+s3+$0x0], $0xffff  }
0x745: {  	v3 =	vld.idx.msk [tilespmem:v60+s3+$0x0], $0xffff;
	v60 =	vadd.s32 $0x6060, v37  }
0x746: {  	v7 =	vld.idx.msk [tilespmem:v50+s3+$0x0], $0xffff;
	v5 =	vadd.f32 v46, v5  }
0x747: {  	v51 =	vld.idx.msk [tilespmem:v61+s3+$0x0], $0xffff;
	v61 =	vadd.s32 $0x6060, v38  }
0x748: {  	v52 =	vadd.s32 $0x6060, v35;
	v50 =	vld [tilespmem:s18+$0x420];
	v1 =	vadd.f32 v5, v1  }
0x749: {  	v0 =	vld.idx.msk [tilespmem:v0+s3+$0x0], $0xffff;
	v4 =	vadd.f32 v55, v4;
	v55 =	vadd.s32 $0x6060, v27  }
0x74a: {  	v5 =	vadd.s32 $0x6060, v36;
	v6 =	vld.idx.msk [tilespmem:v60+s3+$0x0], $0xffff;
	[tilespmem:s19+$0x330] =	vst v1  }
0x74b: {  	v60 =	vadd.s32 $0x6060, v32;
	v53 =	vld [tilespmem:s18+$0x430]  }
0x74c: {  	v58 =	vadd.s32 $0x6060, v25;
	v46 =	vld.idx.msk [tilespmem:v61+s3+$0x0], $0xffff;
	v61 =	vadd.s32 $0x6060, v30  }
0x74d: {  	v57 =	vadd.s32 $0x6060, v26;
	v47 =	vmul.f32 v47, v17;
	v49 =	vmul.f32 v49, v15;
	v52 =	vld.idx.msk [tilespmem:v52+s3+$0x0], $0xffff  }
0x74e: {  	v2 =	vmul.f32 v2, v16;
	v1 =	vadd.s32 $0x6060, v34;
	v50 =	vadd.f32 v54, v50;
	v54 =	vld.idx.msk [tilespmem:v55+s3+$0x0], $0xffff  }
0x74f: {  	v0 =	vadd.f32 v48, v0;
	v51 =	vmul.f32 v51, v18;
	v5 =	vld.idx.msk [tilespmem:v5+s3+$0x0], $0xffff;
	v3 =	vadd.f32 v6, v3  }
0x750: {  	v47 =	vadd.f32 v49, v47;
	v4 =	vadd.f32 v4, v50;
	v48 =	vld.idx.msk [tilespmem:v60+s3+$0x0], $0xffff;
	v60 =	vadd.s32 $0x6060, v24  }
0x751: {  	v2 =	vadd.f32 v2, v51;
	v0 =	vadd.f32 v3, v0;
	v3 =	vld.idx.msk [tilespmem:v61+s3+$0x0], $0xffff;
	v61 =	vadd.s32 $0x6060, v23  }
0x752: {  	v55 =	vld.idx.msk [tilespmem:v58+s3+$0x0], $0xffff;
	v51 =	vadd.s32 $0x7878, v59  }
0x753: {  	v1 =	vld.idx.msk [tilespmem:v1+s3+$0x0], $0xffff;
	v2 =	vadd.f32 v47, v2;
	v0 =	vadd.f32 v0, v4  }
0x754: {  	v47 =	vadd.s32 $0x6868, v44;
	v4 =	vld.idx.msk [tilespmem:v57+s3+$0x0], $0xffff  }
0x755: {  	v5 =	vadd.f32 v52, v5;
	v52 =	vadd.s32 $0x6868, v33;
	v49 =	vld.idx.msk [tilespmem:v60+s3+$0x0], $0xffff;
	v0 =	vadd.f32 v2, v0  }
0x756: {  	v60 =	vadd.s32 $0x6868, v42;
	v50 =	vld.idx.msk [tilespmem:v61+s3+$0x0], $0xffff  }
0x757: {  	v59 =	vadd.s32 $0x6868, v37;
	v6 =	vld.idx.msk [tilespmem:v51+s3+$0x0], $0xffff;
	[tilespmem:s19+$0x420] =	vst v0  }
0x758: {  	v46 =	vadd.f32 v46, v53;
	v2 =	vadd.s32 $0x6868, v43;
	v51 =	vld [tilespmem:s18+$0x520]  }
0x759: {  	v54 =	vmul.f32 v54, v22;
	v55 =	vmul.f32 v55, v20;
	v61 =	vadd.s32 $0x6868, v41;
	v47 =	vld.idx.msk [tilespmem:v47+s3+$0x0], $0xffff  }
0x75a: {  	v57 =	vadd.s32 $0x6868, v40;
	v1 =	vadd.f32 v48, v1;
	v4 =	vmul.f32 v4, v19;
	v52 =	vld.idx.msk [tilespmem:v52+s3+$0x0], $0xffff  }
0x75b: {  	v49 =	vmul.f32 v49, v21;
	v56 =	vld.idx.msk [tilespmem:v60+s3+$0x0], $0xffff;
	v60 =	vadd.s32 $0x6868, v31;
	v3 =	vadd.f32 v50, v3  }
0x75c: {  	v53 =	vadd.s32 $0x6868, v39;
	v5 =	vadd.f32 v5, v46;
	v46 =	vld.idx.msk [tilespmem:v59+s3+$0x0], $0xffff;
	v4 =	vadd.f32 v4, v54  }
0x75d: {  	v58 =	vadd.s32 $0x6868, v28;
	v2 =	vld.idx.msk [tilespmem:v2+s3+$0x0], $0xffff;
	v49 =	vadd.f32 v49, v55;
	v1 =	vadd.f32 v3, v1  }
0x75e: {  	v0 =	vld.idx.msk [tilespmem:v61+s3+$0x0], $0xffff;
	v61 =	vadd.s32 $0x6868, v29  }
0x75f: {  	v54 =	vld.idx.msk [tilespmem:v57+s3+$0x0], $0xffff;
	v4 =	vadd.f32 v49, v4;
	v1 =	vadd.f32 v1, v5  }
0x760: {  	v5 =	vld.idx.msk [tilespmem:v60+s3+$0x0], $0xffff;
	v60 =	vadd.s32 $0x6868, v38  }
0x761: {  	v3 =	vld.idx.msk [tilespmem:v53+s3+$0x0], $0xffff;
	v53 =	vadd.s32 $0x6868, v35;
	v1 =	vadd.f32 v4, v1  }
0x762: {  	v50 =	vld.idx.msk [tilespmem:v58+s3+$0x0], $0xffff;
	v2 =	vadd.f32 v56, v2;
	v56 =	vadd.s32 $0x6868, v27  }
0x763: {  	v49 =	vld.idx.msk [tilespmem:v61+s3+$0x0], $0xffff;
	v61 =	vadd.s32 $0x6868, v34;
	[tilespmem:s19+$0x430] =	vst v1  }
0x764: {  	v59 =	vadd.s32 $0x6868, v24;
	v4 =	vadd.s32 $0x6868, v36;
	v55 =	vld [tilespmem:s18+$0x530]  }
0x765: {  	v57 =	vadd.s32 $0x6868, v32;
	v58 =	vadd.s32 $0x6868, v26;
	v47 =	vadd.f32 v47, v51;
	v48 =	vld.idx.msk [tilespmem:v60+s3+$0x0], $0xffff  }
0x766: {  	v52 =	vmul.f32 v52, v18;
	v0 =	vadd.f32 v54, v0;
	v3 =	vadd.f32 v46, v3;
	v53 =	vld.idx.msk [tilespmem:v53+s3+$0x0], $0xffff  }
0x767: {  	v50 =	vmul.f32 v50, v15;
	v2 =	vadd.f32 v2, v47;
	v5 =	vmul.f32 v5, v16;
	v54 =	vld.idx.msk [tilespmem:v56+s3+$0x0], $0xffff  }
0x768: {  	v60 =	vadd.s32 $0x6868, v30;
	v0 =	vadd.f32 v3, v0;
	v49 =	vmul.f32 v49, v17;
	v1 =	vld.idx.msk [tilespmem:v61+s3+$0x0], $0xffff  }
0x769: {  	v4 =	vld.idx.msk [tilespmem:v4+s3+$0x0], $0xffff;
	v5 =	vadd.f32 v5, v52  }
0x76a: {  	v61 =	vadd.s32 $0x6868, v25;
	v0 =	vadd.f32 v0, v2;
	v2 =	vld.idx.msk [tilespmem:v58+s3+$0x0], $0xffff;
	v49 =	vadd.f32 v50, v49  }
0x76b: {  	v47 =	vadd.s32 $0x6868, v23;
	v52 =	vld.idx.msk [tilespmem:v59+s3+$0x0], $0xffff  }
0x76c: {  	v50 =	vld.idx.msk [tilespmem:v57+s3+$0x0], $0xffff;
	v5 =	vadd.f32 v49, v5  }
0x76d: {  	v3 =	vld.idx.msk [tilespmem:v60+s3+$0x0], $0xffff;
	v49 =	vadd.s32 $0x7070, v44  }
0x76e: {  	v59 =	vadd.s32 $0x7070, v28;
	v60 =	vld [tilespmem:$0x1FEE0];
	v0 =	vadd.f32 v5, v0  }
0x76f: {  	v46 =	vld.idx.msk [tilespmem:v61+s3+$0x0], $0xffff;
	v61 =	vadd.s32 $0x7070, v42  }
0x770: {  	v47 =	vld.idx.msk [tilespmem:v47+s3+$0x0], $0xffff;
	v5 =	vadd.s32 $0x7070, v43;
	[tilespmem:s19+$0x520] =	vst v0  }
0x771: {  	v4 =	vadd.f32 v53, v4;
	v53 =	vadd.s32 $0x7070, v33;
	v57 =	vld [tilespmem:s18+$0x620]  }
0x772: {  	v58 =	vadd.s32 $0x7070, v40;
	v48 =	vadd.f32 v48, v55;
	v49 =	vld.idx.msk [tilespmem:v49+s3+$0x0], $0xffff  }
0x773: {  	v1 =	vadd.f32 v50, v1;
	v51 =	vadd.s32 $0x7878, v60;
	v60 =	vadd.s32 $0x7070, v39;
	v50 =	vld.idx.msk [tilespmem:v59+s3+$0x0], $0xffff  }
0x774: {  	v54 =	vmul.f32 v54, v22;
	v2 =	vmul.f32 v2, v19;
	v0 =	vadd.s32 $0x7070, v41;
	v56 =	vld.idx.msk [tilespmem:v61+s3+$0x0], $0xffff  }
0x775: {  	v52 =	vmul.f32 v52, v21;
	v3 =	vadd.f32 v47, v3;
	v46 =	vmul.f32 v46, v20;
	v5 =	vld.idx.msk [tilespmem:v5+s3+$0x0], $0xffff  }
0x776: {  	v2 =	vadd.f32 v2, v54;
	v4 =	vadd.f32 v4, v48;
	v61 =	vadd.s32 $0x7070, v31;
	v53 =	vld.idx.msk [tilespmem:v53+s3+$0x0], $0xffff  }
0x777: {  	v47 =	vadd.s32 $0x7070, v29;
	v1 =	vadd.f32 v3, v1;
	v46 =	vadd.f32 v52, v46;
	v52 =	vld.idx.msk [tilespmem:v58+s3+$0x0], $0xffff  }
0x778: {  	v3 =	vld.idx.msk [tilespmem:v60+s3+$0x0], $0xffff;
	v60 =	vadd.s32 $0x7070, v37  }
0x779: {  	v0 =	vld.idx.msk [tilespmem:v0+s3+$0x0], $0xffff;
	v1 =	vadd.f32 v1, v4;
	v2 =	vadd.f32 v46, v2  }
0x77a: {  	v54 =	vadd.s32 $0x7070, v35;
	v51 =	vld.idx.msk [tilespmem:v51+s3+$0x0], $0xffff  }
0x77b: {  	v4 =	vld.idx.msk [tilespmem:v61+s3+$0x0], $0xffff;
	v61 =	vadd.s32 $0x7070, v38;
	v1 =	vadd.f32 v2, v1  }
0x77c: {  	v47 =	vld.idx.msk [tilespmem:v47+s3+$0x0], $0xffff;
	v2 =	vadd.s32 $0x7070, v36  }
0x77d: {  	v5 =	vadd.f32 v56, v5;
	v56 =	vadd.s32 $0x7070, v27;
	[tilespmem:s19+$0x530] =	vst v1;
	v48 =	vld.idx.msk [tilespmem:v60+s3+$0x0], $0xffff  }
0x77e: {  	v1 =	vadd.s32 $0x7070, v34;
	v55 =	vld [tilespmem:s18+$0x630]  }
0x77f: {  	v60 =	vadd.s32 $0x7070, v32;
	v54 =	vld.idx.msk [tilespmem:v54+s3+$0x0], $0xffff  }
0x780: {  	v59 =	vadd.s32 $0x7070, v26;
	v50 =	vmul.f32 v50, v15;
	v46 =	vld.idx.msk [tilespmem:v61+s3+$0x0], $0xffff;
	v61 =	vadd.s32 $0x7070, v30  }
0x781: {  	v49 =	vadd.f32 v49, v57;
	v53 =	vmul.f32 v53, v18;
	v47 =	vmul.f32 v47, v17;
	v2 =	vld.idx.msk [tilespmem:v2+s3+$0x0], $0xffff  }
0x782: {  	v0 =	vadd.f32 v52, v0;
	v4 =	vmul.f32 v4, v16;
	v56 =	vld.idx.msk [tilespmem:v56+s3+$0x0], $0xffff;
	v3 =	vadd.f32 v48, v3  }
0x783: {  	v52 =	vadd.s32 $0x7070, v24;
	v5 =	vadd.f32 v5, v49;
	v47 =	vadd.f32 v50, v47;
	v1 =	vld.idx.msk [tilespmem:v1+s3+$0x0], $0xffff  }
0x784: {  	v4 =	vadd.f32 v4, v53;
	v48 =	vadd.s32 $0x7070, v25;
	v50 =	vld.idx.msk [tilespmem:v60+s3+$0x0], $0xffff;
	v0 =	vadd.f32 v3, v0  }
0x785: {  	v60 =	vadd.s32 $0x7070, v23;
	v3 =	vld.idx.msk [tilespmem:v61+s3+$0x0], $0xffff  }
0x786: {  	v4 =	vadd.f32 v47, v4;
	v61 =	vld [tilespmem:$0x1FEF0];
	v0 =	vadd.f32 v0, v5  }
0x787: {  	v44 =	vadd.s32 $0x7878, v44;
	v5 =	vld.idx.msk [tilespmem:v59+s3+$0x0], $0xffff  }
0x788: {  	v58 =	vadd.s32 $0x7878, v43;
	v59 =	vld.idx.msk [tilespmem:v52+s3+$0x0], $0xffff;
	v0 =	vadd.f32 v4, v0  }
0x789: {  	v42 =	vadd.s32 $0x7878, v42;
	v57 =	vld.idx.msk [tilespmem:v48+s3+$0x0], $0xffff  }
0x78a: {  	v41 =	vadd.s32 $0x7878, v41;
	v60 =	vld.idx.msk [tilespmem:v60+s3+$0x0], $0xffff;
	[tilespmem:s19+$0x620] =	vst v0  }
0x78b: {  	v39 =	vadd.s32 $0x7878, v39;
	v49 =	vld [tilespmem:s18+$0x720]  }
0x78c: {  	v33 =	vadd.s32 $0x7878, v33;
	v44 =	vld.idx.msk [tilespmem:v44+s3+$0x0], $0xffff  }
0x78d: {  	v31 =	vadd.s32 $0x7878, v31;
	v4 =	vld.idx.msk [tilespmem:v58+s3+$0x0], $0xffff  }
0x78e: {  	v29 =	vadd.s32 $0x7878, v29;
	v46 =	vadd.f32 v46, v55;
	v42 =	vld.idx.msk [tilespmem:v42+s3+$0x0], $0xffff  }
0x78f: {  	v28 =	vadd.s32 $0x7878, v28;
	v2 =	vadd.f32 v54, v2;
	v1 =	vadd.f32 v50, v1;
	v41 =	vld.idx.msk [tilespmem:v41+s3+$0x0], $0xffff  }
0x790: {  	v53 =	vadd.s32 $0x7878, v61;
	v61 =	vmul.f32 v56, v22;
	v5 =	vmul.f32 v5, v19;
	v39 =	vld.idx.msk [tilespmem:v39+s3+$0x0], $0xffff  }
0x791: {  	v43 =	vmul.f32 v59, v21;
	v33 =	vld.idx.msk [tilespmem:v33+s3+$0x0], $0xffff;
	v47 =	vmul.f32 v57, v20;
	v3 =	vadd.f32 v60, v3  }
0x792: {  	v2 =	vadd.f32 v2, v46;
	v55 =	vld.idx.msk [tilespmem:v31+s3+$0x0], $0xffff;
	v5 =	vadd.f32 v5, v61  }
0x793: {  	v40 =	vadd.s32 $0x7878, v40;
	v29 =	vld.idx.msk [tilespmem:v29+s3+$0x0], $0xffff;
	v43 =	vadd.f32 v43, v47;
	v1 =	vadd.f32 v3, v1  }
0x794: {  	v37 =	vadd.s32 $0x7878, v37;
	v59 =	vld [tilespmem:$0x1FF00]  }
0x795: {  	v57 =	vld.idx.msk [tilespmem:v28+s3+$0x0], $0xffff;
	v5 =	vadd.f32 v43, v5;
	v1 =	vadd.f32 v1, v2  }
0x796: {  	v54 =	vadd.s32 $0x7878, v38;
	v60 =	vld [tilespmem:$0x1FF10]  }
0x797: {  	v56 =	vadd.s32 $0x7878, v36;
	v0 =	vld.idx.msk [tilespmem:v53+s3+$0x0], $0xffff;
	v1 =	vadd.f32 v5, v1  }
0x798: {  	v35 =	vadd.s32 $0x7878, v35;
	v53 =	vld.idx.msk [tilespmem:v40+s3+$0x0], $0xffff  }
0x799: {  	v58 =	vadd.s32 $0x7878, v34;
	v2 =	vld.idx.msk [tilespmem:v37+s3+$0x0], $0xffff;
	[tilespmem:s19+$0x630] =	vst v1  }
0x79a: {  	v32 =	vadd.s32 $0x7878, v32;
	v61 =	vld [tilespmem:s18+$0x730]  }
0x79b: {  	v30 =	vadd.s32 $0x7878, v30;
	v37 =	vld.idx.msk [tilespmem:v54+s3+$0x0], $0xffff  }
0x79c: {  	v27 =	vadd.s32 $0x7878, v27;
	v0 =	vmul.f32 v0, v63;
	v63 =	vld.idx.msk [tilespmem:v56+s3+$0x0], $0xffff  }
0x79d: {  	v14 =	vadd.f32 v14, v45;
	v12 =	vadd.f32 v12, v13;
	v25 =	vadd.s32 $0x7878, v25;
	v31 =	vld.idx.msk [tilespmem:v35+s3+$0x0], $0xffff  }
0x79e: {  	v10 =	vadd.f32 v10, v11;
	v8 =	vadd.f32 v8, v9;
	v43 =	vadd.s32 $0x7878, v24;
	v38 =	vld.idx.msk [tilespmem:v58+s3+$0x0], $0xffff  }
0x79f: {  	v12 =	vadd.f32 v12, v14;
	v23 =	vadd.s32 $0x7878, v23;
	v40 =	vld.idx.msk [tilespmem:v32+s3+$0x0], $0xffff  }
0x7a0: {  	v8 =	vadd.f32 v8, v10;
	v62 =	vmul.f32 v51, v62;
	v35 =	vadd.s32 $0x7878, v26;
	v45 =	vld.idx.msk [tilespmem:v30+s3+$0x0], $0xffff  }
0x7a1: {  	v7 =	vmul.f32 v7, v59;
	v52 =	vadd.f32 v44, v49;
	v4 =	vadd.f32 v42, v4;
	v47 =	vld.idx.msk [tilespmem:v27+s3+$0x0], $0xffff  }
0x7a2: {  	v46 =	vadd.f32 v8, v12;
	v48 =	vmul.f32 v33, v18;
	v6 =	vmul.f32 v6, v60;
	v50 =	vld.idx.msk [tilespmem:v25+s3+$0x0], $0xffff  }
0x7a3: {  	v51 =	vmul.f32 v29, v17;
	v5 =	vmul.f32 v55, v16;
	v4 =	vadd.f32 v4, v52;
	v14 =	vld.idx.msk [tilespmem:v43+s3+$0x0], $0xffff  }
0x7a4: {  	v6 =	vadd.f32 v6, v7;
	v3 =	vadd.f32 v53, v41;
	v1 =	vmul.f32 v57, v15;
	v53 =	vld.idx.msk [tilespmem:v23+s3+$0x0], $0xffff  }
0x7a5: {  	v0 =	vadd.f32 v0, v62;
	v2 =	vadd.f32 v2, v39;
	v11 =	vld.idx.msk [tilespmem:v35+s3+$0x0], $0xffff  }
0x7a6: {  	v5 =	vadd.f32 v5, v48;
	v1 =	vadd.f32 v1, v51  }
0x7a7: {  	v0 =	vadd.f32 v0, v6;
	v2 =	vadd.f32 v2, v3  }
0x7a8: {  	v1 =	vadd.f32 v1, v5;
	v54 =	vmul.f32 v47, v22;
	v56 =	vmul.f32 v50, v20  }
0x7a9: {  	v57 =	vmul.f32 v14, v21;
	v58 =	vadd.f32 v37, v61;
	v9 =	vadd.f32 v31, v63  }
0x7aa: {  	v7 =	vadd.f32 v40, v38;
	v59 =	vadd.f32 v53, v45;
	v55 =	vmul.f32 v11, v19  }
0x7ab: {  	v60 =	vadd.f32 v57, v56;
	v61 =	vadd.f32 v9, v58  }
0x7ac: {  	s15 =	sadd.s32 $0x4, s15;
	v7 =	vadd.f32 v59, v7;
	v3 =	vadd.f32 v55, v54  }
0x7ad: {  	p0 =	slt.u32 s15, $0xC;
	v0 =	vadd.f32 v0, v46;
	v2 =	vadd.f32 v2, v4  }
.Ltmp1:
0x7ae: {  	v62 =	vadd.f32 v7, v61;
	v3 =	vadd.f32 v60, v3;
	(pc) =	sbr.rel @p0 .LBB2_5-.Ltmp1, $4  }
0x7af: {  	v1 =	vadd.f32 v1, v2  }
0x7b0: {  	[tilespmem:s19+$0x710] =	vst v0;
	v63 =	vadd.f32 v3, v62  }
0x7b1: {  	s10 =	sadd.s32 $0x40, s10;
	[tilespmem:s19+$0x720] =	vst v1  }
0x7b2: {  	s11 =	sadd.s32 $0x40, s11;
	s18 =	sadd.s32 $0x40, s18;
	[tilespmem:s19+$0x730] =	vst v63;
	s19 =	sadd.s32 $0x40, s19  }
0x7b3: {  	s10 =	sadd.s32 s14, s2  }
0x7b4: {  	s18 =	smin.u32 s13, $0x1C;
	s10 =	sadd.s32 $0x20, s10  }
0x7b5: {  	[hbm4b:s10+s20] =	stream.strided.scatter [tilespmem:s23], [sflag:$0x4], $0x1000, s21, s20, $0x38;
	[tilespmem:$0xF080] =	vst v63  }
0x7b6: {  	s10 =	sshll.u32 s18, $0x8  }
0x7b7: {  	s10 =	sadd.s32 s10, s17  }
0x7b8: {  	s12 =	sadd.s32 $0x1, s12;
	s11 =	sshrl.u32 s10, $0x3  }
0x7b9: {  	p0 =	sne.s32 s12, $0x10;
	s19 =	sadd.s32 s4, s11  }
0x7ba: {  	[tilespmem:s28], [sflag:$0x2] =	stream.strided.gather [hbm4b:s19+s20], $0x1000, s21, s20, $0x38;
	[tilespmem:$0xF080] =	vst v63  }
.Ltmp2:
0x7bb: {  	s10 =	sor.u32 s6, s10;
	(pc) =	sbr.rel @p0 .LBB2_2-.Ltmp2, $4  }
0x7bc: {  	s11 =	sadd.s32 s5, s11;
	s10 =	sshrl.u32 s10, $0x3  }
0x7bd: {  	[tilespmem:s29], [sflag:$0x2] =	stream.strided.gather [hbm4b:s11+s20], $0x800, s21, s20, $0x38;
	[tilespmem:$0xF080] =	vst v63  }
0x7be: {  	s10 =	sadd.s32 s7, s10  }
0x7bf: {  	[tilespmem:s30], [sflag:$0x2] =	stream.strided.gather [hbm4b:s10+s20], $0x1000, s21, s20, $0x38;
	[tilespmem:$0xF080] =	vst v63  }
0x7c0: {  	_ =	swait.ge [sflag:s31], $0x1000  }
0x7c1: {  	[sflag:s31] =	ssyncset.done $0x0  }
0x7c2: {  	[sflag:s31] =	ssyncadd.s32 $0xFFFFF000  }
0x7c3: {  	_ =	swait.ge [sflag:s31], $0x800  }
0x7c4: {  	[sflag:s31] =	ssyncset.done $0x0  }
0x7c5: {  	[sflag:s31] =	ssyncadd.s32 $0xFFFFF800  }
0x7c6: {  	_ =	swait.ge [sflag:s31], $0x1000  }
0x7c7: {  	[sflag:s31] =	ssyncset.done $0x0  }
0x7c8: {  	[sflag:s31] =	ssyncadd.s32 $0xFFFFF000  }
0x7c9: {  	_ =	swait.ge [sflag:s0], $0x1000  }
0x7ca: {  	[sflag:s0] =	ssyncset.done $0x0  }
0x7cb: {  	[sflag:s0] =	ssyncadd.s32 $0xFFFFF000  }
0x7cc: {  	_ =	swait.ge [sflag:s0], $0x800  }
0x7cd: {  	[sflag:s0] =	ssyncset.done $0x0  }
0x7ce: {  	[sflag:s0] =	ssyncadd.s32 $0xFFFFF800  }
0x7cf: {  	_ =	swait.ge [sflag:s0], $0x1000  }
0x7d0: {  	[sflag:s0] =	ssyncset.done $0x0  }
0x7d1: {  	[sflag:s0] =	ssyncadd.s32 $0xFFFFF000  }
0x7d2: {  	_ =	swait.ge [sflag:s1], $0x1000  }
0x7d3: {  	[sflag:s1] =	ssyncset.done $0x0  }
0x7d4: {  	[sflag:s1] =	ssyncadd.s32 $0xFFFFF000  }
0x7d5: {  	_ =	swait.ge [sflag:s9], $0x1000  }
0x7d6: {  	s11 =	rddreg [dreg:$0xb]  }
0x7d7: {  	s10 =	rddreg [dreg:$0xa];
	s11 =	sadd.s32 $0x1, s11  }
0x7d8: {  	p0 =	sne.s32 s11, s10  }
.Ltmp3:
0x7d9: {  	_ = 	snop;
	(pc) =	sbr.rel @p0 .LBB2_1-.Ltmp3, $3  }
0x7da: {  	_ =	sdelay $0x1  }
0x7db: {  	[sflag:s9] =	ssyncset.done $0x0  }
0x7dc: {  	[sflag:s9] =	ssyncadd.s32 $0xFFFFF000  }
0x7dd: {  	_ =	sfence.sel $0x180000  }
0x7de: {  	[bflag:$0x0] =	sbarrier.arrive $0xFFFF  }
0x7df: {  	_ =	strace $0x90000047  }
0x7e0: {  	s0 =	stileid.u32;
	[bflag:$0x2] =	sbarrier.arrive $0xFFFF  }
0x7e1: {  	p0 =	sne.s32 s0, $0x0;
	s0 =	rddreg [dreg:$0x2]  }
0x7e2: {  	s0 =	sadd.s32 @!p0 $0x100000, s0  }
0x7e3: {  	[sflag:s0] =	ssyncadd.tile.s32 @!p0 $0x1;
	_ =	shalt  }
.Lfunc_end2:
_tile_overlayer_lowered:
.L_overlay_start_2:
0x7e4: {  	(tag) =	ssettag $0x2  }
0x7e5: {  	s0 =	rddreg [dreg:$0x0];
	s2 =	stileid.u32  }
0x7e6: {  	s1 =	rddreg [dreg:$0x1];
	p0 =	sne.s32 s2, $0x0  }
0x7e7: {  	s3 =	rddreg [dreg:$0x2];
	[bflag:$0x3] =	sbarrier.arrive $0xFFFF;
	s2 =	simm.s32 @!p0 $0x1C05  }
0x7e8: {  	[timem:s3], [sflag:s2] =	dma.local @!p0 [hbm:s0], s1  }
0x7e9: {  	s0 =	simm.s32 @!p0 $0x5  }
0x7ea: {  	_ =	swait.ge @!p0 [sflag:s0], s1  }
0x7eb: {  	s1 =	ssub.s32 @!p0 $0x0, s1;
	[sflag:s0] =	ssyncset.done @!p0 $0x0  }
0x7ec: {  	[sflag:s0] =	ssyncadd.s32 @!p0 s1  }
0x7ed: {  	[bflag:$0x3] =	sbarrier.arrive $0xFFFF  }
0x7ee: {  	_ =	shalt  }

</sc_bundles>
